<compile_context>
chip_gen: v7x
topology: tpu7x:2x2x1
jax: 0.10.2.dev20260603
libtpu: 0.0.44.dev20260713+nightly
codegen_flags: <defaults>
</compile_context>

<pallas_src>
import functools

import jax
import jax.numpy as jnp
from jax import lax
from jax.experimental import pallas as pl
from jax.experimental.pallas import tpu as pltpu
from jax.experimental.pallas import tpu_sc as plsc

_N, _C, _D, _H, _W = 4, 128, 2, 200, 176
_NNZ = 60000
_NHW = _N * _H * _W
_NWORK = 32
_CH = 128
_NGRP = 469
_NPAD = _NGRP * _CH
_NCH = 15
_RING = 5
_LEAD = 3
_SPARE = 5120
_GROWS = 2 * _NHW + _SPARE
_MASKLEN = 2 * _GROWS
_MZ_PER_TILE = _GROWS // 16
_ZB = 2240
_CB = 2560


def _sc_body(features_hbm, idx4_hbm, g_hbm, mask_hbm,
             bz_v, fbuf, lin_v, mlin_v, ones_v, zbuf,
             zsem, msem, gsems, ssems):
    core = lax.axis_index("c")
    sub = lax.axis_index("s")
    wid = sub * 2 + core
    g0 = wid * 15 - jnp.maximum(wid - 21, 0)
    nch_w = jnp.where(wid < 21, 15, 14)
    v0 = g0 * _CH
    sb = jnp.minimum(g0, _NGRP - _NCH) * _CH

    zeros16 = jnp.zeros((16,), jnp.float32)

    def fill(i, _):
        zbuf[pl.ds(i * 16, 16)] = zeros16
        return 0
    lax.fori_loop(0, _ZB // 16, fill, 0)

    def fill1(i, _):
        ones_v[pl.ds(i * 16, 16)] = zeros16 + 1.0
        return 0
    lax.fori_loop(0, _CH // 16, fill1, 0)

    zd = []
    mbase = core * _GROWS + sub * _MZ_PER_TILE
    for k in range(_MZ_PER_TILE // _ZB):
        zd.append(pltpu.async_copy(
            zbuf, mask_hbm.at[pl.ds(mbase + k * _ZB, _ZB)], zsem))

    nst = _NCH * _CH
    for comp in range(4):
        pltpu.sync_copy(idx4_hbm.at[comp, pl.ds(sb, nst)],
                        bz_v.at[comp, pl.ds(0, nst)])

    def chunk_start(j):
        return jnp.minimum(v0 + jnp.minimum(j, nch_w - 1) * _CH,
                           _NNZ - _CH)

    def chunk(j, _):
        off = chunk_start(j) - sb
        for s in range(_CH // 16):
            o = off + s * 16
            bv = bz_v[0, pl.ds(o, 16)]
            zv = bz_v[1, pl.ds(o, 16)]
            yv = bz_v[2, pl.ds(o, 16)]
            xv = bz_v[3, pl.ds(o, 16)]
            lin = zv * _NHW + (bv * _H + yv) * _W + xv
            lin_v[j, pl.ds(s * 16, 16)] = lin
            mlin_v[j, pl.ds(s * 16, 16)] = core * _GROWS + lin
        return 0

    lax.fori_loop(0, _NCH, chunk, 0)

    for d in zd:
        d.wait()
    plsc.subcore_barrier()

    md = [pltpu.async_copy(ones_v, mask_hbm.at[mlin_v.at[j]], msem)
          for j in range(_NCH)]

    gd = [None] * _NCH
    sd = [None] * _NCH

    def fire_gather(j):
        return pltpu.async_copy(
            features_hbm.at[pl.ds(chunk_start(j), _CH)], fbuf.at[j % _RING],
            gsems[j % _RING])

    def fire_scatter(j):
        return pltpu.async_copy(fbuf.at[j % _RING], g_hbm.at[lin_v.at[j]],
                                ssems[j % _RING])

    for j in range(_NCH + _LEAD):
        if j < _NCH:
            if j >= _RING:
                sd[j - _RING].wait()
            gd[j] = fire_gather(j)
        if j >= _LEAD:
            gd[j - _LEAD].wait()
            sd[j - _LEAD] = fire_scatter(j - _LEAD)
    for j in range(_NCH - _RING, _NCH):
        sd[j].wait()
    for d in md:
        d.wait()


@functools.partial(
    pl.kernel,
    out_type=(
        jax.ShapeDtypeStruct((_GROWS, _C), jnp.float32),
        jax.ShapeDtypeStruct((_MASKLEN,), jnp.float32),
    ),
    mesh=plsc.VectorSubcoreMesh(core_axis_name="c", subcore_axis_name="s"),
    compiler_params=pltpu.CompilerParams(needs_layout_passes=False),
    scratch_types=[
        pltpu.VMEM((4, _NCH * _CH), jnp.int32),
        pltpu.VMEM((_RING, _CH, _C), jnp.float32),
        pltpu.VMEM((_NCH, _CH), jnp.int32),
        pltpu.VMEM((_NCH, _CH), jnp.int32),
        pltpu.VMEM((_CH,), jnp.float32),
        pltpu.VMEM((_ZB,), jnp.float32),
        pltpu.SemaphoreType.DMA,
        pltpu.SemaphoreType.DMA,
        [pltpu.SemaphoreType.DMA] * _RING,
        [pltpu.SemaphoreType.DMA] * _RING,
    ],
)
def _sc_scatter(features_hbm, idx4_hbm, g_hbm, mask_hbm, *scratch):
    _sc_body(features_hbm, idx4_hbm, g_hbm, mask_hbm, *scratch)


def _tc_body(se_ref, so_ref, m0a_ref, m0b_ref, m1a_ref, m1b_ref,
             e_ref, o_ref, o_out_ref):
    se = se_ref[0]
    so = so_ref[0]
    for s in range(_CB // _C):
        m0 = m0a_ref[0, s] + m0b_ref[0, s]
        m1 = m1a_ref[0, s] + m1b_ref[0, s]
        em = e_ref[pl.ds(s * _C, _C), :] * m0[:, None]
        om = o_ref[pl.ds(s * _C, _C), :] * m1[:, None]
        o_out_ref[pl.ds(s * _C, _C), :] = (
            jax.lax.dot(em, se, preferred_element_type=jnp.float32)
            + jax.lax.dot(om, so, preferred_element_type=jnp.float32)
        )


def kernel(features, indices):
    idx4 = jnp.pad(indices, ((0, _NPAD - _NNZ), (0, 0))).T
    g, mask = _sc_scatter(features, idx4)
    row = jnp.arange(_C)[None, :, None]
    col = jnp.arange(2 * _C)[None, None, :]
    par = jnp.arange(2)[:, None, None]
    sel = (col == 2 * row + par).astype(jnp.float32)
    nblk = _NHW // _CB
    mb = _CB // _C
    zoff = _NHW // _C
    coff = _GROWS // _C
    mask3 = mask.reshape(_MASKLEN // _CB, mb, _C)
    out_p = pl.pallas_call(
        _tc_body,
        grid=(nblk,),
        in_specs=[
            pl.BlockSpec((1, _C, 2 * _C), lambda j: (0, 0, 0)),
            pl.BlockSpec((1, _C, 2 * _C), lambda j: (1, 0, 0)),
            pl.BlockSpec((1, mb, _C), lambda j: (j, 0, 0)),
            pl.BlockSpec((1, mb, _C),
                         lambda j: (coff // mb + j, 0, 0)),
            pl.BlockSpec((1, mb, _C),
                         lambda j: (zoff // mb + j, 0, 0)),
            pl.BlockSpec((1, mb, _C),
                         lambda j: ((coff + zoff) // mb + j, 0, 0)),
            pl.BlockSpec((_CB, _C), lambda j: (j, 0)),
            pl.BlockSpec((_CB, _C), lambda j: (_NHW // _CB + j, 0)),
        ],
        out_specs=pl.BlockSpec((_CB, 2 * _C), lambda j: (j, 0)),
        out_shape=jax.ShapeDtypeStruct((_NHW, 2 * _C), jnp.float32),
    )(sel, sel, mask3, mask3, mask3, mask3, g, g)
    return out_p.reshape(_N, _H, _W, _C * _D).transpose(0, 3, 1, 2)

# --- scband reference (transcript-rebuilt; emitter-appended) ---
"""Pipeline reference for scband-height-compression-29695403884790 (READ-ONLY COPY).

The authoritative reference and input builder live on the scoring server;
editing this copy changes nothing except your own understanding.
"""

import jax, jax.numpy as jnp
import numpy as np

N, C, D, H, W = 4, 128, 2, 200, 176
NNZ = 60000

def setup_inputs(seed: int = 0) -> dict:
    key = jax.random.key(seed)
    k1, k2 = jax.random.split(key)
    features = jax.random.normal(k1, (NNZ, C), dtype=jnp.float32)
    # unique linear voxel indices (spconv indices are unique), decomposed to (b, z, y, x)
    lin = jax.random.permutation(k2, N * D * H * W)[:NNZ]
    b = lin // (D * H * W)
    rem = lin % (D * H * W)
    z = rem // (H * W)
    rem2 = rem % (H * W)
    y = rem2 // W
    x = rem2 % W
    indices = jnp.stack([b, z, y, x], axis=1).astype(jnp.int32)
    return {"features": features, "indices": indices}

def reference(features, indices):
    # sort voxels by batch index (as the torch module does)
    sorted_idx = jnp.argsort(indices[:, 0])
    new_indices = indices[sorted_idx]
    new_features = features[sorted_idx]
    # SparseConvTensor.dense(): scatter features into dense [N, C, D, H, W]
    dense = jnp.zeros((N, C, D, H, W), dtype=new_features.dtype)
    dense = dense.at[new_indices[:, 0], :, new_indices[:, 1], new_indices[:, 2], new_indices[:, 3]].set(new_features)
    # height compression: [N, C, D, H, W] -> [N, C*D, H, W]
    spatial_features = dense.reshape(N, C * D, H, W)
    return spatial_features

if __name__ == "__main__":
    import jax
    _d = setup_inputs()
    print(jax.jit(kernel)(*tuple(_d.values())))

</pallas_src>

<mosaic_0001>
#map = affine_map<(d0, d1) -> (0, 0)>
#map1 = affine_map<(d0, d1) -> (0)>
module attributes {stable_mosaic.version = 14 : i64} {
  func.func @_sc_scatter(%arg0: i32, %arg1: i32, %arg2: memref<60000x128xf32, #tpu.memory_space<hbm>>, %arg3: memref<4x60032xi32, #tpu.memory_space<hbm>>, %arg4: memref<286720x128xf32, #tpu.memory_space<hbm>>, %arg5: memref<573440xf32, #tpu.memory_space<hbm>>, %arg6: memref<4x1920xi32, #tpu.memory_space<vmem>>, %arg7: memref<5x128x128xf32, #tpu.memory_space<vmem>>, %arg8: memref<15x128xi32, #tpu.memory_space<vmem>>, %arg9: memref<15x128xi32, #tpu.memory_space<vmem>>, %arg10: memref<128xf32, #tpu.memory_space<vmem>>, %arg11: memref<2240xf32, #tpu.memory_space<vmem>>, %arg12: memref<!tpu.dma_semaphore, #tpu.memory_space<semaphore_mem>>, %arg13: memref<!tpu.dma_semaphore, #tpu.memory_space<semaphore_mem>>, %arg14: memref<!tpu.dma_semaphore, #tpu.memory_space<semaphore_mem>>, %arg15: memref<!tpu.dma_semaphore, #tpu.memory_space<semaphore_mem>>, %arg16: memref<!tpu.dma_semaphore, #tpu.memory_space<semaphore_mem>>, %arg17: memref<!tpu.dma_semaphore, #tpu.memory_space<semaphore_mem>>, %arg18: memref<!tpu.dma_semaphore, #tpu.memory_space<semaphore_mem>>, %arg19: memref<!tpu.dma_semaphore, #tpu.memory_space<semaphore_mem>>, %arg20: memref<!tpu.dma_semaphore, #tpu.memory_space<semaphore_mem>>, %arg21: memref<!tpu.dma_semaphore, #tpu.memory_space<semaphore_mem>>, %arg22: memref<!tpu.dma_semaphore, #tpu.memory_space<semaphore_mem>>, %arg23: memref<!tpu.dma_semaphore, #tpu.memory_space<semaphore_mem>>) attributes {dimension_semantics = [#tpu.dimension_semantics<core_parallel>, #tpu.dimension_semantics<subcore_parallel>], iteration_bounds = array<i64: 2, 16>, scalar_prefetch = 0 : i64, scratch_operands = 18 : i64, tpu.core_type = #tpu.core_type<sc_vector_subcore>, window_params = [{transform_indices = #map}, {transform_indices = #map}, {transform_indices = #map}, {transform_indices = #map1}]} {
    %mul3A = arith.constant 2 : i32
    %mul3A_0 = arith.muli %arg1, %mul3A : i32
    %add3A = arith.addi %mul3A_0, %arg0 : i32
    %mul3A_1 = arith.constant 15 : i32
    %mul3A_2 = arith.muli %add3A, %mul3A_1 : i32
    %sub3A = arith.constant 21 : i32
    %sub3A_3 = arith.subi %add3A, %sub3A : i32
    %max3A = arith.constant 0 : i32
    %max3A_4 = arith.maxsi %sub3A_3, %max3A : i32
    %sub3A_5 = arith.subi %mul3A_2, %max3A_4 : i32
    %lt3A = arith.constant 21 : i32
    %lt3A_6 = arith.cmpi slt, %add3A, %lt3A : i32
    %jit3A = arith.constant 15 : i32
    %jit3A_7 = arith.constant 14 : i32
    %select_n3A = arith.select %lt3A_6, %jit3A, %jit3A_7 : i32
    %mul3A_8 = arith.constant 128 : i32
    %mul3A_9 = arith.muli %sub3A_5, %mul3A_8 : i32
    %min3A = arith.constant 454 : i32
    %min3A_10 = arith.minsi %sub3A_5, %min3A : i32
    %mul3A_11 = arith.constant 128 : i32
    %mul3A_12 = arith.muli %min3A_10, %mul3A_11 : i32
    %broadcast_in_dim3A = arith.constant 0.000000e+00 : f32
    %broadcast_in_dim3A_13 = vector.broadcast %broadcast_in_dim3A : f32 to vector<16xf32>
    %scan3A = arith.constant 0 : i32
    %scan3A_14 = arith.constant 0 : i32
    %scan3A_15 = arith.constant 140 : i32
    %scan3A_16 = arith.addi %scan3A_14, %scan3A_15 : i32
    %scan3A_17 = arith.constant 1 : i32
    %scan3A_18 = scf.for %scan3A_1157 = %scan3A_14 to %scan3A_16 step %scan3A_17 iter_args(%scan3A_1158 = %scan3A) -> (i32)  : i32 {
      %mul3A_1159 = arith.constant 16 : i32
      %mul3A_1160 = arith.muli %scan3A_1157, %mul3A_1159 : i32
      %swap3A = arith.index_cast %mul3A_1160 : i32 to index
      %swap3A_1161 = tpu.vector_load %arg11[%swap3A] {strides = array<i32>} : memref<2240xf32, #tpu.memory_space<vmem>>, vector<16xf32>,
      tpu.vector_store %arg11[%swap3A], %broadcast_in_dim3A_13 {strides = array<i32>} : memref<2240xf32, #tpu.memory_space<vmem>>, vector<16xf32>,
      %scan3A_1162 = arith.constant 0 : i32
      scf.yield %scan3A_1162 : i32
    }
    %scan3A_19 = arith.constant 140 : i32
    %scan3A_20 = arith.constant 0 : i32
    %scan3A_21 = arith.constant 0 : i32
    %scan3A_22 = arith.constant 8 : i32
    %scan3A_23 = arith.addi %scan3A_21, %scan3A_22 : i32
    %scan3A_24 = arith.constant 1 : i32
    %scan3A_25 = scf.for %scan3A_1157 = %scan3A_21 to %scan3A_23 step %scan3A_24 iter_args(%scan3A_1158 = %scan3A_20) -> (i32)  : i32 {
      %add3A_1159 = arith.constant 1.000000e+00 : f32
      %add3A_1160 = vector.broadcast %add3A_1159 : f32 to vector<16xf32>
      %add3A_1161 = arith.addf %broadcast_in_dim3A_13, %add3A_1160 : vector<16xf32>
      %mul3A_1162 = arith.constant 16 : i32
      %mul3A_1163 = arith.muli %scan3A_1157, %mul3A_1162 : i32
      %swap3A = arith.index_cast %mul3A_1163 : i32 to index
      %swap3A_1164 = tpu.vector_load %arg10[%swap3A] {strides = array<i32>} : memref<128xf32, #tpu.memory_space<vmem>>, vector<16xf32>,
      tpu.vector_store %arg10[%swap3A], %add3A_1161 {strides = array<i32>} : memref<128xf32, #tpu.memory_space<vmem>>, vector<16xf32>,
      %scan3A_1165 = arith.constant 0 : i32
      scf.yield %scan3A_1165 : i32
    }
    %scan3A_26 = arith.constant 8 : i32
    %mul3A_27 = arith.constant 286720 : i32
    %mul3A_28 = arith.muli %arg0, %mul3A_27 : i32
    %mul3A_29 = arith.constant 17920 : i32
    %mul3A_30 = arith.muli %arg1, %mul3A_29 : i32
    %add3A_31 = arith.addi %mul3A_28, %mul3A_30 : i32
    %add3A_32 = arith.constant 0 : i32
    %add3A_33 = arith.addi %add3A_31, %add3A_32 : i32
    %dma_start3A = tpu.memref_slice %arg5[%add3A_33] : memref<573440xf32, #tpu.memory_space<hbm>> -> memref<2240xf32, #tpu.memory_space<hbm>>
    %dma_start3A_34 = tpu.memref_slice %arg5[%add3A_33] : memref<573440xf32, #tpu.memory_space<hbm>> -> memref<2240xf32, #tpu.memory_space<hbm>>
    tpu.enqueue_dma source(%arg11 : memref<2240xf32, #tpu.memory_space<vmem>>) target(%dma_start3A_34 : memref<2240xf32, #tpu.memory_space<hbm>>) target_semaphore(%arg12 : memref<!tpu.dma_semaphore, #tpu.memory_space<semaphore_mem>>)
    %add3A_35 = arith.constant 2240 : i32
    %add3A_36 = arith.addi %add3A_31, %add3A_35 : i32
    %dma_start3A_37 = tpu.memref_slice %arg5[%add3A_36] : memref<573440xf32, #tpu.memory_space<hbm>> -> memref<2240xf32, #tpu.memory_space<hbm>>
    %dma_start3A_38 = tpu.memref_slice %arg5[%add3A_36] : memref<573440xf32, #tpu.memory_space<hbm>> -> memref<2240xf32, #tpu.memory_space<hbm>>
    tpu.enqueue_dma source(%arg11 : memref<2240xf32, #tpu.memory_space<vmem>>) target(%dma_start3A_38 : memref<2240xf32, #tpu.memory_space<hbm>>) target_semaphore(%arg12 : memref<!tpu.dma_semaphore, #tpu.memory_space<semaphore_mem>>)
    %add3A_39 = arith.constant 4480 : i32
    %add3A_40 = arith.addi %add3A_31, %add3A_39 : i32
    %dma_start3A_41 = tpu.memref_slice %arg5[%add3A_40] : memref<573440xf32, #tpu.memory_space<hbm>> -> memref<2240xf32, #tpu.memory_space<hbm>>
    %dma_start3A_42 = tpu.memref_slice %arg5[%add3A_40] : memref<573440xf32, #tpu.memory_space<hbm>> -> memref<2240xf32, #tpu.memory_space<hbm>>
    tpu.enqueue_dma source(%arg11 : memref<2240xf32, #tpu.memory_space<vmem>>) target(%dma_start3A_42 : memref<2240xf32, #tpu.memory_space<hbm>>) target_semaphore(%arg12 : memref<!tpu.dma_semaphore, #tpu.memory_space<semaphore_mem>>)
    %add3A_43 = arith.constant 6720 : i32
    %add3A_44 = arith.addi %add3A_31, %add3A_43 : i32
    %dma_start3A_45 = tpu.memref_slice %arg5[%add3A_44] : memref<573440xf32, #tpu.memory_space<hbm>> -> memref<2240xf32, #tpu.memory_space<hbm>>
    %dma_start3A_46 = tpu.memref_slice %arg5[%add3A_44] : memref<573440xf32, #tpu.memory_space<hbm>> -> memref<2240xf32, #tpu.memory_space<hbm>>
    tpu.enqueue_dma source(%arg11 : memref<2240xf32, #tpu.memory_space<vmem>>) target(%dma_start3A_46 : memref<2240xf32, #tpu.memory_space<hbm>>) target_semaphore(%arg12 : memref<!tpu.dma_semaphore, #tpu.memory_space<semaphore_mem>>)
    %add3A_47 = arith.constant 8960 : i32
    %add3A_48 = arith.addi %add3A_31, %add3A_47 : i32
    %dma_start3A_49 = tpu.memref_slice %arg5[%add3A_48] : memref<573440xf32, #tpu.memory_space<hbm>> -> memref<2240xf32, #tpu.memory_space<hbm>>
    %dma_start3A_50 = tpu.memref_slice %arg5[%add3A_48] : memref<573440xf32, #tpu.memory_space<hbm>> -> memref<2240xf32, #tpu.memory_space<hbm>>
    tpu.enqueue_dma source(%arg11 : memref<2240xf32, #tpu.memory_space<vmem>>) target(%dma_start3A_50 : memref<2240xf32, #tpu.memory_space<hbm>>) target_semaphore(%arg12 : memref<!tpu.dma_semaphore, #tpu.memory_space<semaphore_mem>>)
    %add3A_51 = arith.constant 11200 : i32
    %add3A_52 = arith.addi %add3A_31, %add3A_51 : i32
    %dma_start3A_53 = tpu.memref_slice %arg5[%add3A_52] : memref<573440xf32, #tpu.memory_space<hbm>> -> memref<2240xf32, #tpu.memory_space<hbm>>
    %dma_start3A_54 = tpu.memref_slice %arg5[%add3A_52] : memref<573440xf32, #tpu.memory_space<hbm>> -> memref<2240xf32, #tpu.memory_space<hbm>>
    tpu.enqueue_dma source(%arg11 : memref<2240xf32, #tpu.memory_space<vmem>>) target(%dma_start3A_54 : memref<2240xf32, #tpu.memory_space<hbm>>) target_semaphore(%arg12 : memref<!tpu.dma_semaphore, #tpu.memory_space<semaphore_mem>>)
    %add3A_55 = arith.constant 13440 : i32
    %add3A_56 = arith.addi %add3A_31, %add3A_55 : i32
    %dma_start3A_57 = tpu.memref_slice %arg5[%add3A_56] : memref<573440xf32, #tpu.memory_space<hbm>> -> memref<2240xf32, #tpu.memory_space<hbm>>
    %dma_start3A_58 = tpu.memref_slice %arg5[%add3A_56] : memref<573440xf32, #tpu.memory_space<hbm>> -> memref<2240xf32, #tpu.memory_space<hbm>>
    tpu.enqueue_dma source(%arg11 : memref<2240xf32, #tpu.memory_space<vmem>>) target(%dma_start3A_58 : memref<2240xf32, #tpu.memory_space<hbm>>) target_semaphore(%arg12 : memref<!tpu.dma_semaphore, #tpu.memory_space<semaphore_mem>>)
    %add3A_59 = arith.constant 15680 : i32
    %add3A_60 = arith.addi %add3A_31, %add3A_59 : i32
    %dma_start3A_61 = tpu.memref_slice %arg5[%add3A_60] : memref<573440xf32, #tpu.memory_space<hbm>> -> memref<2240xf32, #tpu.memory_space<hbm>>
    %dma_start3A_62 = tpu.memref_slice %arg5[%add3A_60] : memref<573440xf32, #tpu.memory_space<hbm>> -> memref<2240xf32, #tpu.memory_space<hbm>>
    tpu.enqueue_dma source(%arg11 : memref<2240xf32, #tpu.memory_space<vmem>>) target(%dma_start3A_62 : memref<2240xf32, #tpu.memory_space<hbm>>) target_semaphore(%arg12 : memref<!tpu.dma_semaphore, #tpu.memory_space<semaphore_mem>>)
    %run_scoped3A = arith.constant 0 : i32
    %run_scoped3A_63 = arith.constant 0 : i32
    "tpu.region"() ({
      %run_scoped3A_1157 = tpu.sem_alloc : memref<!tpu.dma_semaphore, #tpu.memory_space<semaphore_mem>>
      %dma_start3A_1158 = arith.constant 0 : i32
      %dma_start3A_1159 = tpu.memref_slice %arg6[%run_scoped3A_63, %dma_start3A_1158] : memref<4x1920xi32, #tpu.memory_space<vmem>> -> memref<1x1920xi32, #tpu.memory_space<vmem>>
      %dma_start3A_1160 = tpu.memref_squeeze %dma_start3A_1159 : memref<1x1920xi32, #tpu.memory_space<vmem>> -> memref<1920xi32, #tpu.memory_space<vmem>>
      %dma_start3A_1161 = tpu.memref_slice %arg3[%run_scoped3A, %mul3A_12] : memref<4x60032xi32, #tpu.memory_space<hbm>> -> memref<1x1920xi32, #tpu.memory_space<hbm>>
      %dma_start3A_1162 = tpu.memref_squeeze %dma_start3A_1161 : memref<1x1920xi32, #tpu.memory_space<hbm>> -> memref<1920xi32, #tpu.memory_space<hbm>>
      %dma_start3A_1163 = arith.constant 0 : i32
      %dma_start3A_1164 = tpu.memref_slice %arg6[%run_scoped3A_63, %dma_start3A_1163] : memref<4x1920xi32, #tpu.memory_space<vmem>> -> memref<1x1920xi32, #tpu.memory_space<vmem>>
      %dma_start3A_1165 = tpu.memref_squeeze %dma_start3A_1164 : memref<1x1920xi32, #tpu.memory_space<vmem>> -> memref<1920xi32, #tpu.memory_space<vmem>>
      %dma_start3A_1166 = tpu.memref_slice %arg3[%run_scoped3A, %mul3A_12] : memref<4x60032xi32, #tpu.memory_space<hbm>> -> memref<1x1920xi32, #tpu.memory_space<hbm>>
      %dma_start3A_1167 = tpu.memref_squeeze %dma_start3A_1166 : memref<1x1920xi32, #tpu.memory_space<hbm>> -> memref<1920xi32, #tpu.memory_space<hbm>>
      tpu.enqueue_dma source(%dma_start3A_1167 : memref<1920xi32, #tpu.memory_space<hbm>>) target(%dma_start3A_1165 : memref<1920xi32, #tpu.memory_space<vmem>>) target_semaphore(%run_scoped3A_1157 : memref<!tpu.dma_semaphore, #tpu.memory_space<semaphore_mem>>)
      %dma_wait3A_1168 = arith.constant 0 : i32
      %dma_wait3A_1169 = tpu.memref_slice %arg6[%run_scoped3A_63, %dma_wait3A_1168] : memref<4x1920xi32, #tpu.memory_space<vmem>> -> memref<1x1920xi32, #tpu.memory_space<vmem>>
      %dma_wait3A_1170 = tpu.memref_squeeze %dma_wait3A_1169 : memref<1x1920xi32, #tpu.memory_space<vmem>> -> memref<1920xi32, #tpu.memory_space<vmem>>
      %dma_wait3A_1171 = tpu.memref_slice %arg3[%run_scoped3A, %mul3A_12] : memref<4x60032xi32, #tpu.memory_space<hbm>> -> memref<1x1920xi32, #tpu.memory_space<hbm>>
      %dma_wait3A_1172 = tpu.memref_squeeze %dma_wait3A_1171 : memref<1x1920xi32, #tpu.memory_space<hbm>> -> memref<1920xi32, #tpu.memory_space<hbm>>
      %dma_wait3A_1173 = arith.constant 0 : i32
      %dma_wait3A_1174 = tpu.memref_slice %arg6[%run_scoped3A_63, %dma_wait3A_1173] : memref<4x1920xi32, #tpu.memory_space<vmem>> -> memref<1x1920xi32, #tpu.memory_space<vmem>>
      %dma_wait3A_1175 = tpu.memref_squeeze %dma_wait3A_1174 : memref<1x1920xi32, #tpu.memory_space<vmem>> -> memref<1920xi32, #tpu.memory_space<vmem>>
      %dma_wait3A_1176 = tpu.memref_slice %arg3[%run_scoped3A, %mul3A_12] : memref<4x60032xi32, #tpu.memory_space<hbm>> -> memref<1x1920xi32, #tpu.memory_space<hbm>>
      %dma_wait3A_1177 = tpu.memref_squeeze %dma_wait3A_1176 : memref<1x1920xi32, #tpu.memory_space<hbm>> -> memref<1920xi32, #tpu.memory_space<hbm>>
      tpu.wait_dma2 semaphore(%run_scoped3A_1157 : memref<!tpu.dma_semaphore, #tpu.memory_space<semaphore_mem>>) src(%dma_wait3A_1177 : memref<1920xi32, #tpu.memory_space<hbm>>) dst(%dma_wait3A_1175 : memref<1920xi32, #tpu.memory_space<vmem>>)
      tpu.yield
    }) : () -> ()
    %run_scoped3A_64 = arith.constant 1 : i32
    %run_scoped3A_65 = arith.constant 1 : i32
    "tpu.region"() ({
      %run_scoped3A_1157 = tpu.sem_alloc : memref<!tpu.dma_semaphore, #tpu.memory_space<semaphore_mem>>
      %dma_start3A_1158 = arith.constant 0 : i32
      %dma_start3A_1159 = tpu.memref_slice %arg6[%run_scoped3A_65, %dma_start3A_1158] : memref<4x1920xi32, #tpu.memory_space<vmem>> -> memref<1x1920xi32, #tpu.memory_space<vmem>>
      %dma_start3A_1160 = tpu.memref_squeeze %dma_start3A_1159 : memref<1x1920xi32, #tpu.memory_space<vmem>> -> memref<1920xi32, #tpu.memory_space<vmem>>
      %dma_start3A_1161 = tpu.memref_slice %arg3[%run_scoped3A_64, %mul3A_12] : memref<4x60032xi32, #tpu.memory_space<hbm>> -> memref<1x1920xi32, #tpu.memory_space<hbm>>
      %dma_start3A_1162 = tpu.memref_squeeze %dma_start3A_1161 : memref<1x1920xi32, #tpu.memory_space<hbm>> -> memref<1920xi32, #tpu.memory_space<hbm>>
      %dma_start3A_1163 = arith.constant 0 : i32
      %dma_start3A_1164 = tpu.memref_slice %arg6[%run_scoped3A_65, %dma_start3A_1163] : memref<4x1920xi32, #tpu.memory_space<vmem>> -> memref<1x1920xi32, #tpu.memory_space<vmem>>
      %dma_start3A_1165 = tpu.memref_squeeze %dma_start3A_1164 : memref<1x1920xi32, #tpu.memory_space<vmem>> -> memref<1920xi32, #tpu.memory_space<vmem>>
      %dma_start3A_1166 = tpu.memref_slice %arg3[%run_scoped3A_64, %mul3A_12] : memref<4x60032xi32, #tpu.memory_space<hbm>> -> memref<1x1920xi32, #tpu.memory_space<hbm>>
      %dma_start3A_1167 = tpu.memref_squeeze %dma_start3A_1166 : memref<1x1920xi32, #tpu.memory_space<hbm>> -> memref<1920xi32, #tpu.memory_space<hbm>>
      tpu.enqueue_dma source(%dma_start3A_1167 : memref<1920xi32, #tpu.memory_space<hbm>>) target(%dma_start3A_1165 : memref<1920xi32, #tpu.memory_space<vmem>>) target_semaphore(%run_scoped3A_1157 : memref<!tpu.dma_semaphore, #tpu.memory_space<semaphore_mem>>)
      %dma_wait3A_1168 = arith.constant 0 : i32
      %dma_wait3A_1169 = tpu.memref_slice %arg6[%run_scoped3A_65, %dma_wait3A_1168] : memref<4x1920xi32, #tpu.memory_space<vmem>> -> memref<1x1920xi32, #tpu.memory_space<vmem>>
      %dma_wait3A_1170 = tpu.memref_squeeze %dma_wait3A_1169 : memref<1x1920xi32, #tpu.memory_space<vmem>> -> memref<1920xi32, #tpu.memory_space<vmem>>
      %dma_wait3A_1171 = tpu.memref_slice %arg3[%run_scoped3A_64, %mul3A_12] : memref<4x60032xi32, #tpu.memory_space<hbm>> -> memref<1x1920xi32, #tpu.memory_space<hbm>>
      %dma_wait3A_1172 = tpu.memref_squeeze %dma_wait3A_1171 : memref<1x1920xi32, #tpu.memory_space<hbm>> -> memref<1920xi32, #tpu.memory_space<hbm>>
      %dma_wait3A_1173 = arith.constant 0 : i32
      %dma_wait3A_1174 = tpu.memref_slice %arg6[%run_scoped3A_65, %dma_wait3A_1173] : memref<4x1920xi32, #tpu.memory_space<vmem>> -> memref<1x1920xi32, #tpu.memory_space<vmem>>
      %dma_wait3A_1175 = tpu.memref_squeeze %dma_wait3A_1174 : memref<1x1920xi32, #tpu.memory_space<vmem>> -> memref<1920xi32, #tpu.memory_space<vmem>>
      %dma_wait3A_1176 = tpu.memref_slice %arg3[%run_scoped3A_64, %mul3A_12] : memref<4x60032xi32, #tpu.memory_space<hbm>> -> memref<1x1920xi32, #tpu.memory_space<hbm>>
      %dma_wait3A_1177 = tpu.memref_squeeze %dma_wait3A_1176 : memref<1x1920xi32, #tpu.memory_space<hbm>> -> memref<1920xi32, #tpu.memory_space<hbm>>
      tpu.wait_dma2 semaphore(%run_scoped3A_1157 : memref<!tpu.dma_semaphore, #tpu.memory_space<semaphore_mem>>) src(%dma_wait3A_1177 : memref<1920xi32, #tpu.memory_space<hbm>>) dst(%dma_wait3A_1175 : memref<1920xi32, #tpu.memory_space<vmem>>)
      tpu.yield
    }) : () -> ()
    %run_scoped3A_66 = arith.constant 2 : i32
    %run_scoped3A_67 = arith.constant 2 : i32
    "tpu.region"() ({
      %run_scoped3A_1157 = tpu.sem_alloc : memref<!tpu.dma_semaphore, #tpu.memory_space<semaphore_mem>>
      %dma_start3A_1158 = arith.constant 0 : i32
      %dma_start3A_1159 = tpu.memref_slice %arg6[%run_scoped3A_67, %dma_start3A_1158] : memref<4x1920xi32, #tpu.memory_space<vmem>> -> memref<1x1920xi32, #tpu.memory_space<vmem>>
      %dma_start3A_1160 = tpu.memref_squeeze %dma_start3A_1159 : memref<1x1920xi32, #tpu.memory_space<vmem>> -> memref<1920xi32, #tpu.memory_space<vmem>>
      %dma_start3A_1161 = tpu.memref_slice %arg3[%run_scoped3A_66, %mul3A_12] : memref<4x60032xi32, #tpu.memory_space<hbm>> -> memref<1x1920xi32, #tpu.memory_space<hbm>>
      %dma_start3A_1162 = tpu.memref_squeeze %dma_start3A_1161 : memref<1x1920xi32, #tpu.memory_space<hbm>> -> memref<1920xi32, #tpu.memory_space<hbm>>
      %dma_start3A_1163 = arith.constant 0 : i32
      %dma_start3A_1164 = tpu.memref_slice %arg6[%run_scoped3A_67, %dma_start3A_1163] : memref<4x1920xi32, #tpu.memory_space<vmem>> -> memref<1x1920xi32, #tpu.memory_space<vmem>>
      %dma_start3A_1165 = tpu.memref_squeeze %dma_start3A_1164 : memref<1x1920xi32, #tpu.memory_space<vmem>> -> memref<1920xi32, #tpu.memory_space<vmem>>
      %dma_start3A_1166 = tpu.memref_slice %arg3[%run_scoped3A_66, %mul3A_12] : memref<4x60032xi32, #tpu.memory_space<hbm>> -> memref<1x1920xi32, #tpu.memory_space<hbm>>
      %dma_start3A_1167 = tpu.memref_squeeze %dma_start3A_1166 : memref<1x1920xi32, #tpu.memory_space<hbm>> -> memref<1920xi32, #tpu.memory_space<hbm>>
      tpu.enqueue_dma source(%dma_start3A_1167 : memref<1920xi32, #tpu.memory_space<hbm>>) target(%dma_start3A_1165 : memref<1920xi32, #tpu.memory_space<vmem>>) target_semaphore(%run_scoped3A_1157 : memref<!tpu.dma_semaphore, #tpu.memory_space<semaphore_mem>>)
      %dma_wait3A_1168 = arith.constant 0 : i32
      %dma_wait3A_1169 = tpu.memref_slice %arg6[%run_scoped3A_67, %dma_wait3A_1168] : memref<4x1920xi32, #tpu.memory_space<vmem>> -> memref<1x1920xi32, #tpu.memory_space<vmem>>
      %dma_wait3A_1170 = tpu.memref_squeeze %dma_wait3A_1169 : memref<1x1920xi32, #tpu.memory_space<vmem>> -> memref<1920xi32, #tpu.memory_space<vmem>>
      %dma_wait3A_1171 = tpu.memref_slice %arg3[%run_scoped3A_66, %mul3A_12] : memref<4x60032xi32, #tpu.memory_space<hbm>> -> memref<1x1920xi32, #tpu.memory_space<hbm>>
      %dma_wait3A_1172 = tpu.memref_squeeze %dma_wait3A_1171 : memref<1x1920xi32, #tpu.memory_space<hbm>> -> memref<1920xi32, #tpu.memory_space<hbm>>
      %dma_wait3A_1173 = arith.constant 0 : i32
      %dma_wait3A_1174 = tpu.memref_slice %arg6[%run_scoped3A_67, %dma_wait3A_1173] : memref<4x1920xi32, #tpu.memory_space<vmem>> -> memref<1x1920xi32, #tpu.memory_space<vmem>>
      %dma_wait3A_1175 = tpu.memref_squeeze %dma_wait3A_1174 : memref<1x1920xi32, #tpu.memory_space<vmem>> -> memref<1920xi32, #tpu.memory_space<vmem>>
      %dma_wait3A_1176 = tpu.memref_slice %arg3[%run_scoped3A_66, %mul3A_12] : memref<4x60032xi32, #tpu.memory_space<hbm>> -> memref<1x1920xi32, #tpu.memory_space<hbm>>
      %dma_wait3A_1177 = tpu.memref_squeeze %dma_wait3A_1176 : memref<1x1920xi32, #tpu.memory_space<hbm>> -> memref<1920xi32, #tpu.memory_space<hbm>>
      tpu.wait_dma2 semaphore(%run_scoped3A_1157 : memref<!tpu.dma_semaphore, #tpu.memory_space<semaphore_mem>>) src(%dma_wait3A_1177 : memref<1920xi32, #tpu.memory_space<hbm>>) dst(%dma_wait3A_1175 : memref<1920xi32, #tpu.memory_space<vmem>>)
      tpu.yield
    }) : () -> ()
    %run_scoped3A_68 = arith.constant 3 : i32
    %run_scoped3A_69 = arith.constant 3 : i32
    "tpu.region"() ({
      %run_scoped3A_1157 = tpu.sem_alloc : memref<!tpu.dma_semaphore, #tpu.memory_space<semaphore_mem>>
      %dma_start3A_1158 = arith.constant 0 : i32
      %dma_start3A_1159 = tpu.memref_slice %arg6[%run_scoped3A_69, %dma_start3A_1158] : memref<4x1920xi32, #tpu.memory_space<vmem>> -> memref<1x1920xi32, #tpu.memory_space<vmem>>
      %dma_start3A_1160 = tpu.memref_squeeze %dma_start3A_1159 : memref<1x1920xi32, #tpu.memory_space<vmem>> -> memref<1920xi32, #tpu.memory_space<vmem>>
      %dma_start3A_1161 = tpu.memref_slice %arg3[%run_scoped3A_68, %mul3A_12] : memref<4x60032xi32, #tpu.memory_space<hbm>> -> memref<1x1920xi32, #tpu.memory_space<hbm>>
      %dma_start3A_1162 = tpu.memref_squeeze %dma_start3A_1161 : memref<1x1920xi32, #tpu.memory_space<hbm>> -> memref<1920xi32, #tpu.memory_space<hbm>>
      %dma_start3A_1163 = arith.constant 0 : i32
      %dma_start3A_1164 = tpu.memref_slice %arg6[%run_scoped3A_69, %dma_start3A_1163] : memref<4x1920xi32, #tpu.memory_space<vmem>> -> memref<1x1920xi32, #tpu.memory_space<vmem>>
      %dma_start3A_1165 = tpu.memref_squeeze %dma_start3A_1164 : memref<1x1920xi32, #tpu.memory_space<vmem>> -> memref<1920xi32, #tpu.memory_space<vmem>>
      %dma_start3A_1166 = tpu.memref_slice %arg3[%run_scoped3A_68, %mul3A_12] : memref<4x60032xi32, #tpu.memory_space<hbm>> -> memref<1x1920xi32, #tpu.memory_space<hbm>>
      %dma_start3A_1167 = tpu.memref_squeeze %dma_start3A_1166 : memref<1x1920xi32, #tpu.memory_space<hbm>> -> memref<1920xi32, #tpu.memory_space<hbm>>
      tpu.enqueue_dma source(%dma_start3A_1167 : memref<1920xi32, #tpu.memory_space<hbm>>) target(%dma_start3A_1165 : memref<1920xi32, #tpu.memory_space<vmem>>) target_semaphore(%run_scoped3A_1157 : memref<!tpu.dma_semaphore, #tpu.memory_space<semaphore_mem>>)
      %dma_wait3A_1168 = arith.constant 0 : i32
      %dma_wait3A_1169 = tpu.memref_slice %arg6[%run_scoped3A_69, %dma_wait3A_1168] : memref<4x1920xi32, #tpu.memory_space<vmem>> -> memref<1x1920xi32, #tpu.memory_space<vmem>>
      %dma_wait3A_1170 = tpu.memref_squeeze %dma_wait3A_1169 : memref<1x1920xi32, #tpu.memory_space<vmem>> -> memref<1920xi32, #tpu.memory_space<vmem>>
      %dma_wait3A_1171 = tpu.memref_slice %arg3[%run_scoped3A_68, %mul3A_12] : memref<4x60032xi32, #tpu.memory_space<hbm>> -> memref<1x1920xi32, #tpu.memory_space<hbm>>
      %dma_wait3A_1172 = tpu.memref_squeeze %dma_wait3A_1171 : memref<1x1920xi32, #tpu.memory_space<hbm>> -> memref<1920xi32, #tpu.memory_space<hbm>>
      %dma_wait3A_1173 = arith.constant 0 : i32
      %dma_wait3A_1174 = tpu.memref_slice %arg6[%run_scoped3A_69, %dma_wait3A_1173] : memref<4x1920xi32, #tpu.memory_space<vmem>> -> memref<1x1920xi32, #tpu.memory_space<vmem>>
      %dma_wait3A_1175 = tpu.memref_squeeze %dma_wait3A_1174 : memref<1x1920xi32, #tpu.memory_space<vmem>> -> memref<1920xi32, #tpu.memory_space<vmem>>
      %dma_wait3A_1176 = tpu.memref_slice %arg3[%run_scoped3A_68, %mul3A_12] : memref<4x60032xi32, #tpu.memory_space<hbm>> -> memref<1x1920xi32, #tpu.memory_space<hbm>>
      %dma_wait3A_1177 = tpu.memref_squeeze %dma_wait3A_1176 : memref<1x1920xi32, #tpu.memory_space<hbm>> -> memref<1920xi32, #tpu.memory_space<hbm>>
      tpu.wait_dma2 semaphore(%run_scoped3A_1157 : memref<!tpu.dma_semaphore, #tpu.memory_space<semaphore_mem>>) src(%dma_wait3A_1177 : memref<1920xi32, #tpu.memory_space<hbm>>) dst(%dma_wait3A_1175 : memref<1920xi32, #tpu.memory_space<vmem>>)
      tpu.yield
    }) : () -> ()
    %scan3A_70 = arith.constant 0 : i32
    %scan3A_71 = arith.constant 0 : i32
    %scan3A_72 = arith.constant 15 : i32
    %scan3A_73 = arith.addi %scan3A_71, %scan3A_72 : i32
    %scan3A_74 = arith.constant 1 : i32
    %scan3A_75 = scf.for %scan3A_1157 = %scan3A_71 to %scan3A_73 step %scan3A_74 iter_args(%scan3A_1158 = %scan3A_70) -> (i32)  : i32 {
      %sub3A_1159 = arith.constant 1 : i32
      %sub3A_1160 = arith.subi %select_n3A, %sub3A_1159 : i32
      %min3A_1161 = arith.minsi %scan3A_1157, %sub3A_1160 : i32
      %mul3A_1162 = arith.constant 128 : i32
      %mul3A_1163 = arith.muli %min3A_1161, %mul3A_1162 : i32
      %add3A_1164 = arith.addi %mul3A_9, %mul3A_1163 : i32
      %min3A_1165 = arith.constant 59872 : i32
      %min3A_1166 = arith.minsi %add3A_1164, %min3A_1165 : i32
      %sub3A_1167 = arith.subi %min3A_1166, %mul3A_12 : i32
      %add3A_1168 = arith.constant 0 : i32
      %add3A_1169 = arith.addi %sub3A_1167, %add3A_1168 : i32
      %get3A = arith.constant 0 : i32
      %get3A_1170 = arith.index_cast %get3A : i32 to index
      %get3A_1171 = arith.index_cast %add3A_1169 : i32 to index
      %get3A_1172 = tpu.vector_load %arg6[%get3A_1170, %get3A_1171] {strides = array<i32>} : memref<4x1920xi32, #tpu.memory_space<vmem>>, vector<16xi32>,
      %get3A_1173 = arith.constant 1 : i32
      %get3A_1174 = arith.index_cast %get3A_1173 : i32 to index
      %get3A_1175 = arith.index_cast %add3A_1169 : i32 to index
      %get3A_1176 = tpu.vector_load %arg6[%get3A_1174, %get3A_1175] {strides = array<i32>} : memref<4x1920xi32, #tpu.memory_space<vmem>>, vector<16xi32>,
      %get3A_1177 = arith.constant 2 : i32
      %get3A_1178 = arith.index_cast %get3A_1177 : i32 to index
      %get3A_1179 = arith.index_cast %add3A_1169 : i32 to index
      %get3A_1180 = tpu.vector_load %arg6[%get3A_1178, %get3A_1179] {strides = array<i32>} : memref<4x1920xi32, #tpu.memory_space<vmem>>, vector<16xi32>,
      %get3A_1181 = arith.constant 3 : i32
      %get3A_1182 = arith.index_cast %get3A_1181 : i32 to index
      %get3A_1183 = arith.index_cast %add3A_1169 : i32 to index
      %get3A_1184 = tpu.vector_load %arg6[%get3A_1182, %get3A_1183] {strides = array<i32>} : memref<4x1920xi32, #tpu.memory_space<vmem>>, vector<16xi32>,
      %mul3A_1185 = arith.constant 140800 : i32
      %mul3A_1186 = vector.broadcast %mul3A_1185 : i32 to vector<16xi32>
      %mul3A_1187 = arith.muli %get3A_1176, %mul3A_1186 : vector<16xi32>
      %mul3A_1188 = arith.constant 200 : i32
      %mul3A_1189 = vector.broadcast %mul3A_1188 : i32 to vector<16xi32>
      %mul3A_1190 = arith.muli %get3A_1172, %mul3A_1189 : vector<16xi32>
      %add3A_1191 = arith.addi %mul3A_1190, %get3A_1180 : vector<16xi32>
      %mul3A_1192 = arith.constant 176 : i32
      %mul3A_1193 = vector.broadcast %mul3A_1192 : i32 to vector<16xi32>
      %mul3A_1194 = arith.muli %add3A_1191, %mul3A_1193 : vector<16xi32>
      %add3A_1195 = arith.addi %mul3A_1187, %mul3A_1194 : vector<16xi32>
      %add3A_1196 = arith.addi %add3A_1195, %get3A_1184 : vector<16xi32>
      %swap3A = arith.index_cast %scan3A_1157 : i32 to index
      %swap3A_1197 = arith.constant 0 : index
      %swap3A_1198 = tpu.vector_load %arg8[%swap3A, %swap3A_1197] {strides = array<i32>} : memref<15x128xi32, #tpu.memory_space<vmem>>, vector<16xi32>,
      tpu.vector_store %arg8[%swap3A, %swap3A_1197], %add3A_1196 {strides = array<i32>} : memref<15x128xi32, #tpu.memory_space<vmem>>, vector<16xi32>,
      %mul3A_1199 = arith.constant 286720 : i32
      %mul3A_1200 = arith.muli %arg0, %mul3A_1199 : i32
      %add3A_1201 = vector.broadcast %mul3A_1200 : i32 to vector<16xi32>
      %add3A_1202 = arith.addi %add3A_1201, %add3A_1196 : vector<16xi32>
      %swap3A_1203 = arith.index_cast %scan3A_1157 : i32 to index
      %swap3A_1204 = arith.constant 0 : index
      %swap3A_1205 = tpu.vector_load %arg9[%swap3A_1203, %swap3A_1204] {strides = array<i32>} : memref<15x128xi32, #tpu.memory_space<vmem>>, vector<16xi32>,
      tpu.vector_store %arg9[%swap3A_1203, %swap3A_1204], %add3A_1202 {strides = array<i32>} : memref<15x128xi32, #tpu.memory_space<vmem>>, vector<16xi32>,
      %add3A_1206 = arith.constant 16 : i32
      %add3A_1207 = arith.addi %sub3A_1167, %add3A_1206 : i32
      %get3A_1208 = arith.constant 0 : i32
      %get3A_1209 = arith.index_cast %get3A_1208 : i32 to index
      %get3A_1210 = arith.index_cast %add3A_1207 : i32 to index
      %get3A_1211 = tpu.vector_load %arg6[%get3A_1209, %get3A_1210] {strides = array<i32>} : memref<4x1920xi32, #tpu.memory_space<vmem>>, vector<16xi32>,
      %get3A_1212 = arith.constant 1 : i32
      %get3A_1213 = arith.index_cast %get3A_1212 : i32 to index
      %get3A_1214 = arith.index_cast %add3A_1207 : i32 to index
      %get3A_1215 = tpu.vector_load %arg6[%get3A_1213, %get3A_1214] {strides = array<i32>} : memref<4x1920xi32, #tpu.memory_space<vmem>>, vector<16xi32>,
      %get3A_1216 = arith.constant 2 : i32
      %get3A_1217 = arith.index_cast %get3A_1216 : i32 to index
      %get3A_1218 = arith.index_cast %add3A_1207 : i32 to index
      %get3A_1219 = tpu.vector_load %arg6[%get3A_1217, %get3A_1218] {strides = array<i32>} : memref<4x1920xi32, #tpu.memory_space<vmem>>, vector<16xi32>,
      %get3A_1220 = arith.constant 3 : i32
      %get3A_1221 = arith.index_cast %get3A_1220 : i32 to index
      %get3A_1222 = arith.index_cast %add3A_1207 : i32 to index
      %get3A_1223 = tpu.vector_load %arg6[%get3A_1221, %get3A_1222] {strides = array<i32>} : memref<4x1920xi32, #tpu.memory_space<vmem>>, vector<16xi32>,
      %mul3A_1224 = arith.constant 140800 : i32
      %mul3A_1225 = vector.broadcast %mul3A_1224 : i32 to vector<16xi32>
      %mul3A_1226 = arith.muli %get3A_1215, %mul3A_1225 : vector<16xi32>
      %mul3A_1227 = arith.constant 200 : i32
      %mul3A_1228 = vector.broadcast %mul3A_1227 : i32 to vector<16xi32>
      %mul3A_1229 = arith.muli %get3A_1211, %mul3A_1228 : vector<16xi32>
      %add3A_1230 = arith.addi %mul3A_1229, %get3A_1219 : vector<16xi32>
      %mul3A_1231 = arith.constant 176 : i32
      %mul3A_1232 = vector.broadcast %mul3A_1231 : i32 to vector<16xi32>
      %mul3A_1233 = arith.muli %add3A_1230, %mul3A_1232 : vector<16xi32>
      %add3A_1234 = arith.addi %mul3A_1226, %mul3A_1233 : vector<16xi32>
      %add3A_1235 = arith.addi %add3A_1234, %get3A_1223 : vector<16xi32>
      %swap3A_1236 = arith.index_cast %scan3A_1157 : i32 to index
      %swap3A_1237 = arith.constant 16 : index
      %swap3A_1238 = tpu.vector_load %arg8[%swap3A_1236, %swap3A_1237] {strides = array<i32>} : memref<15x128xi32, #tpu.memory_space<vmem>>, vector<16xi32>,
      tpu.vector_store %arg8[%swap3A_1236, %swap3A_1237], %add3A_1235 {strides = array<i32>} : memref<15x128xi32, #tpu.memory_space<vmem>>, vector<16xi32>,
      %mul3A_1239 = arith.constant 286720 : i32
      %mul3A_1240 = arith.muli %arg0, %mul3A_1239 : i32
      %add3A_1241 = vector.broadcast %mul3A_1240 : i32 to vector<16xi32>
      %add3A_1242 = arith.addi %add3A_1241, %add3A_1235 : vector<16xi32>
      %swap3A_1243 = arith.index_cast %scan3A_1157 : i32 to index
      %swap3A_1244 = arith.constant 16 : index
      %swap3A_1245 = tpu.vector_load %arg9[%swap3A_1243, %swap3A_1244] {strides = array<i32>} : memref<15x128xi32, #tpu.memory_space<vmem>>, vector<16xi32>,
      tpu.vector_store %arg9[%swap3A_1243, %swap3A_1244], %add3A_1242 {strides = array<i32>} : memref<15x128xi32, #tpu.memory_space<vmem>>, vector<16xi32>,
      %add3A_1246 = arith.constant 32 : i32
      %add3A_1247 = arith.addi %sub3A_1167, %add3A_1246 : i32
      %get3A_1248 = arith.constant 0 : i32
      %get3A_1249 = arith.index_cast %get3A_1248 : i32 to index
      %get3A_1250 = arith.index_cast %add3A_1247 : i32 to index
      %get3A_1251 = tpu.vector_load %arg6[%get3A_1249, %get3A_1250] {strides = array<i32>} : memref<4x1920xi32, #tpu.memory_space<vmem>>, vector<16xi32>,
      %get3A_1252 = arith.constant 1 : i32
      %get3A_1253 = arith.index_cast %get3A_1252 : i32 to index
      %get3A_1254 = arith.index_cast %add3A_1247 : i32 to index
      %get3A_1255 = tpu.vector_load %arg6[%get3A_1253, %get3A_1254] {strides = array<i32>} : memref<4x1920xi32, #tpu.memory_space<vmem>>, vector<16xi32>,
      %get3A_1256 = arith.constant 2 : i32
      %get3A_1257 = arith.index_cast %get3A_1256 : i32 to index
      %get3A_1258 = arith.index_cast %add3A_1247 : i32 to index
      %get3A_1259 = tpu.vector_load %arg6[%get3A_1257, %get3A_1258] {strides = array<i32>} : memref<4x1920xi32, #tpu.memory_space<vmem>>, vector<16xi32>,
      %get3A_1260 = arith.constant 3 : i32
      %get3A_1261 = arith.index_cast %get3A_1260 : i32 to index
      %get3A_1262 = arith.index_cast %add3A_1247 : i32 to index
      %get3A_1263 = tpu.vector_load %arg6[%get3A_1261, %get3A_1262] {strides = array<i32>} : memref<4x1920xi32, #tpu.memory_space<vmem>>, vector<16xi32>,
      %mul3A_1264 = arith.constant 140800 : i32
      %mul3A_1265 = vector.broadcast %mul3A_1264 : i32 to vector<16xi32>
      %mul3A_1266 = arith.muli %get3A_1255, %mul3A_1265 : vector<16xi32>
      %mul3A_1267 = arith.constant 200 : i32
      %mul3A_1268 = vector.broadcast %mul3A_1267 : i32 to vector<16xi32>
      %mul3A_1269 = arith.muli %get3A_1251, %mul3A_1268 : vector<16xi32>
      %add3A_1270 = arith.addi %mul3A_1269, %get3A_1259 : vector<16xi32>
      %mul3A_1271 = arith.constant 176 : i32
      %mul3A_1272 = vector.broadcast %mul3A_1271 : i32 to vector<16xi32>
      %mul3A_1273 = arith.muli %add3A_1270, %mul3A_1272 : vector<16xi32>
      %add3A_1274 = arith.addi %mul3A_1266, %mul3A_1273 : vector<16xi32>
      %add3A_1275 = arith.addi %add3A_1274, %get3A_1263 : vector<16xi32>
      %swap3A_1276 = arith.index_cast %scan3A_1157 : i32 to index
      %swap3A_1277 = arith.constant 32 : index
      %swap3A_1278 = tpu.vector_load %arg8[%swap3A_1276, %swap3A_1277] {strides = array<i32>} : memref<15x128xi32, #tpu.memory_space<vmem>>, vector<16xi32>,
      tpu.vector_store %arg8[%swap3A_1276, %swap3A_1277], %add3A_1275 {strides = array<i32>} : memref<15x128xi32, #tpu.memory_space<vmem>>, vector<16xi32>,
      %mul3A_1279 = arith.constant 286720 : i32
      %mul3A_1280 = arith.muli %arg0, %mul3A_1279 : i32
      %add3A_1281 = vector.broadcast %mul3A_1280 : i32 to vector<16xi32>
      %add3A_1282 = arith.addi %add3A_1281, %add3A_1275 : vector<16xi32>
      %swap3A_1283 = arith.index_cast %scan3A_1157 : i32 to index
      %swap3A_1284 = arith.constant 32 : index
      %swap3A_1285 = tpu.vector_load %arg9[%swap3A_1283, %swap3A_1284] {strides = array<i32>} : memref<15x128xi32, #tpu.memory_space<vmem>>, vector<16xi32>,
      tpu.vector_store %arg9[%swap3A_1283, %swap3A_1284], %add3A_1282 {strides = array<i32>} : memref<15x128xi32, #tpu.memory_space<vmem>>, vector<16xi32>,
      %add3A_1286 = arith.constant 48 : i32
      %add3A_1287 = arith.addi %sub3A_1167, %add3A_1286 : i32
      %get3A_1288 = arith.constant 0 : i32
      %get3A_1289 = arith.index_cast %get3A_1288 : i32 to index
      %get3A_1290 = arith.index_cast %add3A_1287 : i32 to index
      %get3A_1291 = tpu.vector_load %arg6[%get3A_1289, %get3A_1290] {strides = array<i32>} : memref<4x1920xi32, #tpu.memory_space<vmem>>, vector<16xi32>,
      %get3A_1292 = arith.constant 1 : i32
      %get3A_1293 = arith.index_cast %get3A_1292 : i32 to index
      %get3A_1294 = arith.index_cast %add3A_1287 : i32 to index
      %get3A_1295 = tpu.vector_load %arg6[%get3A_1293, %get3A_1294] {strides = array<i32>} : memref<4x1920xi32, #tpu.memory_space<vmem>>, vector<16xi32>,
      %get3A_1296 = arith.constant 2 : i32
      %get3A_1297 = arith.index_cast %get3A_1296 : i32 to index
      %get3A_1298 = arith.index_cast %add3A_1287 : i32 to index
      %get3A_1299 = tpu.vector_load %arg6[%get3A_1297, %get3A_1298] {strides = array<i32>} : memref<4x1920xi32, #tpu.memory_space<vmem>>, vector<16xi32>,
      %get3A_1300 = arith.constant 3 : i32
      %get3A_1301 = arith.index_cast %get3A_1300 : i32 to index
      %get3A_1302 = arith.index_cast %add3A_1287 : i32 to index
      %get3A_1303 = tpu.vector_load %arg6[%get3A_1301, %get3A_1302] {strides = array<i32>} : memref<4x1920xi32, #tpu.memory_space<vmem>>, vector<16xi32>,
      %mul3A_1304 = arith.constant 140800 : i32
      %mul3A_1305 = vector.broadcast %mul3A_1304 : i32 to vector<16xi32>
      %mul3A_1306 = arith.muli %get3A_1295, %mul3A_1305 : vector<16xi32>
      %mul3A_1307 = arith.constant 200 : i32
      %mul3A_1308 = vector.broadcast %mul3A_1307 : i32 to vector<16xi32>
      %mul3A_1309 = arith.muli %get3A_1291, %mul3A_1308 : vector<16xi32>
      %add3A_1310 = arith.addi %mul3A_1309, %get3A_1299 : vector<16xi32>
      %mul3A_1311 = arith.constant 176 : i32
      %mul3A_1312 = vector.broadcast %mul3A_1311 : i32 to vector<16xi32>
      %mul3A_1313 = arith.muli %add3A_1310, %mul3A_1312 : vector<16xi32>
      %add3A_1314 = arith.addi %mul3A_1306, %mul3A_1313 : vector<16xi32>
      %add3A_1315 = arith.addi %add3A_1314, %get3A_1303 : vector<16xi32>
      %swap3A_1316 = arith.index_cast %scan3A_1157 : i32 to index
      %swap3A_1317 = arith.constant 48 : index
      %swap3A_1318 = tpu.vector_load %arg8[%swap3A_1316, %swap3A_1317] {strides = array<i32>} : memref<15x128xi32, #tpu.memory_space<vmem>>, vector<16xi32>,
      tpu.vector_store %arg8[%swap3A_1316, %swap3A_1317], %add3A_1315 {strides = array<i32>} : memref<15x128xi32, #tpu.memory_space<vmem>>, vector<16xi32>,
      %mul3A_1319 = arith.constant 286720 : i32
      %mul3A_1320 = arith.muli %arg0, %mul3A_1319 : i32
      %add3A_1321 = vector.broadcast %mul3A_1320 : i32 to vector<16xi32>
      %add3A_1322 = arith.addi %add3A_1321, %add3A_1315 : vector<16xi32>
      %swap3A_1323 = arith.index_cast %scan3A_1157 : i32 to index
      %swap3A_1324 = arith.constant 48 : index
      %swap3A_1325 = tpu.vector_load %arg9[%swap3A_1323, %swap3A_1324] {strides = array<i32>} : memref<15x128xi32, #tpu.memory_space<vmem>>, vector<16xi32>,
      tpu.vector_store %arg9[%swap3A_1323, %swap3A_1324], %add3A_1322 {strides = array<i32>} : memref<15x128xi32, #tpu.memory_space<vmem>>, vector<16xi32>,
      %add3A_1326 = arith.constant 64 : i32
      %add3A_1327 = arith.addi %sub3A_1167, %add3A_1326 : i32
      %get3A_1328 = arith.constant 0 : i32
      %get3A_1329 = arith.index_cast %get3A_1328 : i32 to index
      %get3A_1330 = arith.index_cast %add3A_1327 : i32 to index
      %get3A_1331 = tpu.vector_load %arg6[%get3A_1329, %get3A_1330] {strides = array<i32>} : memref<4x1920xi32, #tpu.memory_space<vmem>>, vector<16xi32>,
      %get3A_1332 = arith.constant 1 : i32
      %get3A_1333 = arith.index_cast %get3A_1332 : i32 to index
      %get3A_1334 = arith.index_cast %add3A_1327 : i32 to index
      %get3A_1335 = tpu.vector_load %arg6[%get3A_1333, %get3A_1334] {strides = array<i32>} : memref<4x1920xi32, #tpu.memory_space<vmem>>, vector<16xi32>,
      %get3A_1336 = arith.constant 2 : i32
      %get3A_1337 = arith.index_cast %get3A_1336 : i32 to index
      %get3A_1338 = arith.index_cast %add3A_1327 : i32 to index
      %get3A_1339 = tpu.vector_load %arg6[%get3A_1337, %get3A_1338] {strides = array<i32>} : memref<4x1920xi32, #tpu.memory_space<vmem>>, vector<16xi32>,
      %get3A_1340 = arith.constant 3 : i32
      %get3A_1341 = arith.index_cast %get3A_1340 : i32 to index
      %get3A_1342 = arith.index_cast %add3A_1327 : i32 to index
      %get3A_1343 = tpu.vector_load %arg6[%get3A_1341, %get3A_1342] {strides = array<i32>} : memref<4x1920xi32, #tpu.memory_space<vmem>>, vector<16xi32>,
      %mul3A_1344 = arith.constant 140800 : i32
      %mul3A_1345 = vector.broadcast %mul3A_1344 : i32 to vector<16xi32>
      %mul3A_1346 = arith.muli %get3A_1335, %mul3A_1345 : vector<16xi32>
      %mul3A_1347 = arith.constant 200 : i32
      %mul3A_1348 = vector.broadcast %mul3A_1347 : i32 to vector<16xi32>
      %mul3A_1349 = arith.muli %get3A_1331, %mul3A_1348 : vector<16xi32>
      %add3A_1350 = arith.addi %mul3A_1349, %get3A_1339 : vector<16xi32>
      %mul3A_1351 = arith.constant 176 : i32
      %mul3A_1352 = vector.broadcast %mul3A_1351 : i32 to vector<16xi32>
      %mul3A_1353 = arith.muli %add3A_1350, %mul3A_1352 : vector<16xi32>
      %add3A_1354 = arith.addi %mul3A_1346, %mul3A_1353 : vector<16xi32>
      %add3A_1355 = arith.addi %add3A_1354, %get3A_1343 : vector<16xi32>
      %swap3A_1356 = arith.index_cast %scan3A_1157 : i32 to index
      %swap3A_1357 = arith.constant 64 : index
      %swap3A_1358 = tpu.vector_load %arg8[%swap3A_1356, %swap3A_1357] {strides = array<i32>} : memref<15x128xi32, #tpu.memory_space<vmem>>, vector<16xi32>,
      tpu.vector_store %arg8[%swap3A_1356, %swap3A_1357], %add3A_1355 {strides = array<i32>} : memref<15x128xi32, #tpu.memory_space<vmem>>, vector<16xi32>,
      %mul3A_1359 = arith.constant 286720 : i32
      %mul3A_1360 = arith.muli %arg0, %mul3A_1359 : i32
      %add3A_1361 = vector.broadcast %mul3A_1360 : i32 to vector<16xi32>
      %add3A_1362 = arith.addi %add3A_1361, %add3A_1355 : vector<16xi32>
      %swap3A_1363 = arith.index_cast %scan3A_1157 : i32 to index
      %swap3A_1364 = arith.constant 64 : index
      %swap3A_1365 = tpu.vector_load %arg9[%swap3A_1363, %swap3A_1364] {strides = array<i32>} : memref<15x128xi32, #tpu.memory_space<vmem>>, vector<16xi32>,
      tpu.vector_store %arg9[%swap3A_1363, %swap3A_1364], %add3A_1362 {strides = array<i32>} : memref<15x128xi32, #tpu.memory_space<vmem>>, vector<16xi32>,
      %add3A_1366 = arith.constant 80 : i32
      %add3A_1367 = arith.addi %sub3A_1167, %add3A_1366 : i32
      %get3A_1368 = arith.constant 0 : i32
      %get3A_1369 = arith.index_cast %get3A_1368 : i32 to index
      %get3A_1370 = arith.index_cast %add3A_1367 : i32 to index
      %get3A_1371 = tpu.vector_load %arg6[%get3A_1369, %get3A_1370] {strides = array<i32>} : memref<4x1920xi32, #tpu.memory_space<vmem>>, vector<16xi32>,
      %get3A_1372 = arith.constant 1 : i32
      %get3A_1373 = arith.index_cast %get3A_1372 : i32 to index
      %get3A_1374 = arith.index_cast %add3A_1367 : i32 to index
      %get3A_1375 = tpu.vector_load %arg6[%get3A_1373, %get3A_1374] {strides = array<i32>} : memref<4x1920xi32, #tpu.memory_space<vmem>>, vector<16xi32>,
      %get3A_1376 = arith.constant 2 : i32
      %get3A_1377 = arith.index_cast %get3A_1376 : i32 to index
      %get3A_1378 = arith.index_cast %add3A_1367 : i32 to index
      %get3A_1379 = tpu.vector_load %arg6[%get3A_1377, %get3A_1378] {strides = array<i32>} : memref<4x1920xi32, #tpu.memory_space<vmem>>, vector<16xi32>,
      %get3A_1380 = arith.constant 3 : i32
      %get3A_1381 = arith.index_cast %get3A_1380 : i32 to index
      %get3A_1382 = arith.index_cast %add3A_1367 : i32 to index
      %get3A_1383 = tpu.vector_load %arg6[%get3A_1381, %get3A_1382] {strides = array<i32>} : memref<4x1920xi32, #tpu.memory_space<vmem>>, vector<16xi32>,
      %mul3A_1384 = arith.constant 140800 : i32
      %mul3A_1385 = vector.broadcast %mul3A_1384 : i32 to vector<16xi32>
      %mul3A_1386 = arith.muli %get3A_1375, %mul3A_1385 : vector<16xi32>
      %mul3A_1387 = arith.constant 200 : i32
      %mul3A_1388 = vector.broadcast %mul3A_1387 : i32 to vector<16xi32>
      %mul3A_1389 = arith.muli %get3A_1371, %mul3A_1388 : vector<16xi32>
      %add3A_1390 = arith.addi %mul3A_1389, %get3A_1379 : vector<16xi32>
      %mul3A_1391 = arith.constant 176 : i32
      %mul3A_1392 = vector.broadcast %mul3A_1391 : i32 to vector<16xi32>
      %mul3A_1393 = arith.muli %add3A_1390, %mul3A_1392 : vector<16xi32>
      %add3A_1394 = arith.addi %mul3A_1386, %mul3A_1393 : vector<16xi32>
      %add3A_1395 = arith.addi %add3A_1394, %get3A_1383 : vector<16xi32>
      %swap3A_1396 = arith.index_cast %scan3A_1157 : i32 to index
      %swap3A_1397 = arith.constant 80 : index
      %swap3A_1398 = tpu.vector_load %arg8[%swap3A_1396, %swap3A_1397] {strides = array<i32>} : memref<15x128xi32, #tpu.memory_space<vmem>>, vector<16xi32>,
      tpu.vector_store %arg8[%swap3A_1396, %swap3A_1397], %add3A_1395 {strides = array<i32>} : memref<15x128xi32, #tpu.memory_space<vmem>>, vector<16xi32>,
      %mul3A_1399 = arith.constant 286720 : i32
      %mul3A_1400 = arith.muli %arg0, %mul3A_1399 : i32
      %add3A_1401 = vector.broadcast %mul3A_1400 : i32 to vector<16xi32>
      %add3A_1402 = arith.addi %add3A_1401, %add3A_1395 : vector<16xi32>
      %swap3A_1403 = arith.index_cast %scan3A_1157 : i32 to index
      %swap3A_1404 = arith.constant 80 : index
      %swap3A_1405 = tpu.vector_load %arg9[%swap3A_1403, %swap3A_1404] {strides = array<i32>} : memref<15x128xi32, #tpu.memory_space<vmem>>, vector<16xi32>,
      tpu.vector_store %arg9[%swap3A_1403, %swap3A_1404], %add3A_1402 {strides = array<i32>} : memref<15x128xi32, #tpu.memory_space<vmem>>, vector<16xi32>,
      %add3A_1406 = arith.constant 96 : i32
      %add3A_1407 = arith.addi %sub3A_1167, %add3A_1406 : i32
      %get3A_1408 = arith.constant 0 : i32
      %get3A_1409 = arith.index_cast %get3A_1408 : i32 to index
      %get3A_1410 = arith.index_cast %add3A_1407 : i32 to index
      %get3A_1411 = tpu.vector_load %arg6[%get3A_1409, %get3A_1410] {strides = array<i32>} : memref<4x1920xi32, #tpu.memory_space<vmem>>, vector<16xi32>,
      %get3A_1412 = arith.constant 1 : i32
      %get3A_1413 = arith.index_cast %get3A_1412 : i32 to index
      %get3A_1414 = arith.index_cast %add3A_1407 : i32 to index
      %get3A_1415 = tpu.vector_load %arg6[%get3A_1413, %get3A_1414] {strides = array<i32>} : memref<4x1920xi32, #tpu.memory_space<vmem>>, vector<16xi32>,
      %get3A_1416 = arith.constant 2 : i32
      %get3A_1417 = arith.index_cast %get3A_1416 : i32 to index
      %get3A_1418 = arith.index_cast %add3A_1407 : i32 to index
      %get3A_1419 = tpu.vector_load %arg6[%get3A_1417, %get3A_1418] {strides = array<i32>} : memref<4x1920xi32, #tpu.memory_space<vmem>>, vector<16xi32>,
      %get3A_1420 = arith.constant 3 : i32
      %get3A_1421 = arith.index_cast %get3A_1420 : i32 to index
      %get3A_1422 = arith.index_cast %add3A_1407 : i32 to index
      %get3A_1423 = tpu.vector_load %arg6[%get3A_1421, %get3A_1422] {strides = array<i32>} : memref<4x1920xi32, #tpu.memory_space<vmem>>, vector<16xi32>,
      %mul3A_1424 = arith.constant 140800 : i32
      %mul3A_1425 = vector.broadcast %mul3A_1424 : i32 to vector<16xi32>
      %mul3A_1426 = arith.muli %get3A_1415, %mul3A_1425 : vector<16xi32>
      %mul3A_1427 = arith.constant 200 : i32
      %mul3A_1428 = vector.broadcast %mul3A_1427 : i32 to vector<16xi32>
      %mul3A_1429 = arith.muli %get3A_1411, %mul3A_1428 : vector<16xi32>
      %add3A_1430 = arith.addi %mul3A_1429, %get3A_1419 : vector<16xi32>
      %mul3A_1431 = arith.constant 176 : i32
      %mul3A_1432 = vector.broadcast %mul3A_1431 : i32 to vector<16xi32>
      %mul3A_1433 = arith.muli %add3A_1430, %mul3A_1432 : vector<16xi32>
      %add3A_1434 = arith.addi %mul3A_1426, %mul3A_1433 : vector<16xi32>
      %add3A_1435 = arith.addi %add3A_1434, %get3A_1423 : vector<16xi32>
      %swap3A_1436 = arith.index_cast %scan3A_1157 : i32 to index
      %swap3A_1437 = arith.constant 96 : index
      %swap3A_1438 = tpu.vector_load %arg8[%swap3A_1436, %swap3A_1437] {strides = array<i32>} : memref<15x128xi32, #tpu.memory_space<vmem>>, vector<16xi32>,
      tpu.vector_store %arg8[%swap3A_1436, %swap3A_1437], %add3A_1435 {strides = array<i32>} : memref<15x128xi32, #tpu.memory_space<vmem>>, vector<16xi32>,
      %mul3A_1439 = arith.constant 286720 : i32
      %mul3A_1440 = arith.muli %arg0, %mul3A_1439 : i32
      %add3A_1441 = vector.broadcast %mul3A_1440 : i32 to vector<16xi32>
      %add3A_1442 = arith.addi %add3A_1441, %add3A_1435 : vector<16xi32>
      %swap3A_1443 = arith.index_cast %scan3A_1157 : i32 to index
      %swap3A_1444 = arith.constant 96 : index
      %swap3A_1445 = tpu.vector_load %arg9[%swap3A_1443, %swap3A_1444] {strides = array<i32>} : memref<15x128xi32, #tpu.memory_space<vmem>>, vector<16xi32>,
      tpu.vector_store %arg9[%swap3A_1443, %swap3A_1444], %add3A_1442 {strides = array<i32>} : memref<15x128xi32, #tpu.memory_space<vmem>>, vector<16xi32>,
      %add3A_1446 = arith.constant 112 : i32
      %add3A_1447 = arith.addi %sub3A_1167, %add3A_1446 : i32
      %get3A_1448 = arith.constant 0 : i32
      %get3A_1449 = arith.index_cast %get3A_1448 : i32 to index
      %get3A_1450 = arith.index_cast %add3A_1447 : i32 to index
      %get3A_1451 = tpu.vector_load %arg6[%get3A_1449, %get3A_1450] {strides = array<i32>} : memref<4x1920xi32, #tpu.memory_space<vmem>>, vector<16xi32>,
      %get3A_1452 = arith.constant 1 : i32
      %get3A_1453 = arith.index_cast %get3A_1452 : i32 to index
      %get3A_1454 = arith.index_cast %add3A_1447 : i32 to index
      %get3A_1455 = tpu.vector_load %arg6[%get3A_1453, %get3A_1454] {strides = array<i32>} : memref<4x1920xi32, #tpu.memory_space<vmem>>, vector<16xi32>,
      %get3A_1456 = arith.constant 2 : i32
      %get3A_1457 = arith.index_cast %get3A_1456 : i32 to index
      %get3A_1458 = arith.index_cast %add3A_1447 : i32 to index
      %get3A_1459 = tpu.vector_load %arg6[%get3A_1457, %get3A_1458] {strides = array<i32>} : memref<4x1920xi32, #tpu.memory_space<vmem>>, vector<16xi32>,
      %get3A_1460 = arith.constant 3 : i32
      %get3A_1461 = arith.index_cast %get3A_1460 : i32 to index
      %get3A_1462 = arith.index_cast %add3A_1447 : i32 to index
      %get3A_1463 = tpu.vector_load %arg6[%get3A_1461, %get3A_1462] {strides = array<i32>} : memref<4x1920xi32, #tpu.memory_space<vmem>>, vector<16xi32>,
      %mul3A_1464 = arith.constant 140800 : i32
      %mul3A_1465 = vector.broadcast %mul3A_1464 : i32 to vector<16xi32>
      %mul3A_1466 = arith.muli %get3A_1455, %mul3A_1465 : vector<16xi32>
      %mul3A_1467 = arith.constant 200 : i32
      %mul3A_1468 = vector.broadcast %mul3A_1467 : i32 to vector<16xi32>
      %mul3A_1469 = arith.muli %get3A_1451, %mul3A_1468 : vector<16xi32>
      %add3A_1470 = arith.addi %mul3A_1469, %get3A_1459 : vector<16xi32>
      %mul3A_1471 = arith.constant 176 : i32
      %mul3A_1472 = vector.broadcast %mul3A_1471 : i32 to vector<16xi32>
      %mul3A_1473 = arith.muli %add3A_1470, %mul3A_1472 : vector<16xi32>
      %add3A_1474 = arith.addi %mul3A_1466, %mul3A_1473 : vector<16xi32>
      %add3A_1475 = arith.addi %add3A_1474, %get3A_1463 : vector<16xi32>
      %swap3A_1476 = arith.index_cast %scan3A_1157 : i32 to index
      %swap3A_1477 = arith.constant 112 : index
      %swap3A_1478 = tpu.vector_load %arg8[%swap3A_1476, %swap3A_1477] {strides = array<i32>} : memref<15x128xi32, #tpu.memory_space<vmem>>, vector<16xi32>,
      tpu.vector_store %arg8[%swap3A_1476, %swap3A_1477], %add3A_1475 {strides = array<i32>} : memref<15x128xi32, #tpu.memory_space<vmem>>, vector<16xi32>,
      %mul3A_1479 = arith.constant 286720 : i32
      %mul3A_1480 = arith.muli %arg0, %mul3A_1479 : i32
      %add3A_1481 = vector.broadcast %mul3A_1480 : i32 to vector<16xi32>
      %add3A_1482 = arith.addi %add3A_1481, %add3A_1475 : vector<16xi32>
      %swap3A_1483 = arith.index_cast %scan3A_1157 : i32 to index
      %swap3A_1484 = arith.constant 112 : index
      %swap3A_1485 = tpu.vector_load %arg9[%swap3A_1483, %swap3A_1484] {strides = array<i32>} : memref<15x128xi32, #tpu.memory_space<vmem>>, vector<16xi32>,
      tpu.vector_store %arg9[%swap3A_1483, %swap3A_1484], %add3A_1482 {strides = array<i32>} : memref<15x128xi32, #tpu.memory_space<vmem>>, vector<16xi32>,
      %scan3A_1486 = arith.constant 0 : i32
      scf.yield %scan3A_1486 : i32
    }
    %scan3A_76 = arith.constant 15 : i32
    %dma_wait3A = tpu.memref_slice %arg5[%add3A_33] : memref<573440xf32, #tpu.memory_space<hbm>> -> memref<2240xf32, #tpu.memory_space<hbm>>
    %dma_wait3A_77 = tpu.memref_slice %arg5[%add3A_33] : memref<573440xf32, #tpu.memory_space<hbm>> -> memref<2240xf32, #tpu.memory_space<hbm>>
    tpu.wait_dma2 semaphore(%arg12 : memref<!tpu.dma_semaphore, #tpu.memory_space<semaphore_mem>>) src(%arg11 : memref<2240xf32, #tpu.memory_space<vmem>>) dst(%dma_wait3A_77 : memref<2240xf32, #tpu.memory_space<hbm>>)
    %dma_wait3A_78 = tpu.memref_slice %arg5[%add3A_36] : memref<573440xf32, #tpu.memory_space<hbm>> -> memref<2240xf32, #tpu.memory_space<hbm>>
    %dma_wait3A_79 = tpu.memref_slice %arg5[%add3A_36] : memref<573440xf32, #tpu.memory_space<hbm>> -> memref<2240xf32, #tpu.memory_space<hbm>>
    tpu.wait_dma2 semaphore(%arg12 : memref<!tpu.dma_semaphore, #tpu.memory_space<semaphore_mem>>) src(%arg11 : memref<2240xf32, #tpu.memory_space<vmem>>) dst(%dma_wait3A_79 : memref<2240xf32, #tpu.memory_space<hbm>>)
    %dma_wait3A_80 = tpu.memref_slice %arg5[%add3A_40] : memref<573440xf32, #tpu.memory_space<hbm>> -> memref<2240xf32, #tpu.memory_space<hbm>>
    %dma_wait3A_81 = tpu.memref_slice %arg5[%add3A_40] : memref<573440xf32, #tpu.memory_space<hbm>> -> memref<2240xf32, #tpu.memory_space<hbm>>
    tpu.wait_dma2 semaphore(%arg12 : memref<!tpu.dma_semaphore, #tpu.memory_space<semaphore_mem>>) src(%arg11 : memref<2240xf32, #tpu.memory_space<vmem>>) dst(%dma_wait3A_81 : memref<2240xf32, #tpu.memory_space<hbm>>)
    %dma_wait3A_82 = tpu.memref_slice %arg5[%add3A_44] : memref<573440xf32, #tpu.memory_space<hbm>> -> memref<2240xf32, #tpu.memory_space<hbm>>
    %dma_wait3A_83 = tpu.memref_slice %arg5[%add3A_44] : memref<573440xf32, #tpu.memory_space<hbm>> -> memref<2240xf32, #tpu.memory_space<hbm>>
    tpu.wait_dma2 semaphore(%arg12 : memref<!tpu.dma_semaphore, #tpu.memory_space<semaphore_mem>>) src(%arg11 : memref<2240xf32, #tpu.memory_space<vmem>>) dst(%dma_wait3A_83 : memref<2240xf32, #tpu.memory_space<hbm>>)
    %dma_wait3A_84 = tpu.memref_slice %arg5[%add3A_48] : memref<573440xf32, #tpu.memory_space<hbm>> -> memref<2240xf32, #tpu.memory_space<hbm>>
    %dma_wait3A_85 = tpu.memref_slice %arg5[%add3A_48] : memref<573440xf32, #tpu.memory_space<hbm>> -> memref<2240xf32, #tpu.memory_space<hbm>>
    tpu.wait_dma2 semaphore(%arg12 : memref<!tpu.dma_semaphore, #tpu.memory_space<semaphore_mem>>) src(%arg11 : memref<2240xf32, #tpu.memory_space<vmem>>) dst(%dma_wait3A_85 : memref<2240xf32, #tpu.memory_space<hbm>>)
    %dma_wait3A_86 = tpu.memref_slice %arg5[%add3A_52] : memref<573440xf32, #tpu.memory_space<hbm>> -> memref<2240xf32, #tpu.memory_space<hbm>>
    %dma_wait3A_87 = tpu.memref_slice %arg5[%add3A_52] : memref<573440xf32, #tpu.memory_space<hbm>> -> memref<2240xf32, #tpu.memory_space<hbm>>
    tpu.wait_dma2 semaphore(%arg12 : memref<!tpu.dma_semaphore, #tpu.memory_space<semaphore_mem>>) src(%arg11 : memref<2240xf32, #tpu.memory_space<vmem>>) dst(%dma_wait3A_87 : memref<2240xf32, #tpu.memory_space<hbm>>)
    %dma_wait3A_88 = tpu.memref_slice %arg5[%add3A_56] : memref<573440xf32, #tpu.memory_space<hbm>> -> memref<2240xf32, #tpu.memory_space<hbm>>
    %dma_wait3A_89 = tpu.memref_slice %arg5[%add3A_56] : memref<573440xf32, #tpu.memory_space<hbm>> -> memref<2240xf32, #tpu.memory_space<hbm>>
    tpu.wait_dma2 semaphore(%arg12 : memref<!tpu.dma_semaphore, #tpu.memory_space<semaphore_mem>>) src(%arg11 : memref<2240xf32, #tpu.memory_space<vmem>>) dst(%dma_wait3A_89 : memref<2240xf32, #tpu.memory_space<hbm>>)
    %dma_wait3A_90 = tpu.memref_slice %arg5[%add3A_60] : memref<573440xf32, #tpu.memory_space<hbm>> -> memref<2240xf32, #tpu.memory_space<hbm>>
    %dma_wait3A_91 = tpu.memref_slice %arg5[%add3A_60] : memref<573440xf32, #tpu.memory_space<hbm>> -> memref<2240xf32, #tpu.memory_space<hbm>>
    tpu.wait_dma2 semaphore(%arg12 : memref<!tpu.dma_semaphore, #tpu.memory_space<semaphore_mem>>) src(%arg11 : memref<2240xf32, #tpu.memory_space<vmem>>) dst(%dma_wait3A_91 : memref<2240xf32, #tpu.memory_space<hbm>>)
    %barrier3A = arith.constant 0 : index
    tpu.barrier barrier_id(%barrier3A)
    %dma_start3A_92 = arith.constant 0 : i32
    %dma_start3A_93 = arith.constant 0 : i32
    %dma_start3A_94 = tpu.memref_slice %arg9[%dma_start3A_92, %dma_start3A_93] : memref<15x128xi32, #tpu.memory_space<vmem>> -> memref<1x128xi32, #tpu.memory_space<vmem>>
    %dma_start3A_95 = tpu.memref_squeeze %dma_start3A_94 : memref<1x128xi32, #tpu.memory_space<vmem>> -> memref<128xi32, #tpu.memory_space<vmem>>
    %dma_start3A_96 = arith.constant 0 : i32
    %dma_start3A_97 = tpu.memref_slice %arg5[%dma_start3A_96] : memref<573440xf32, #tpu.memory_space<hbm>> -> memref<573440xf32, #tpu.memory_space<hbm>>
    tpu.enqueue_indirect_dma source(%arg10 : memref<128xf32, #tpu.memory_space<vmem>>) target(%dma_start3A_97 : memref<573440xf32, #tpu.memory_space<hbm>>) offsets(%dma_start3A_95 : memref<128xi32, #tpu.memory_space<vmem>>) semaphore(%arg13 : memref<!tpu.dma_semaphore, #tpu.memory_space<semaphore_mem>>)
    %dma_start3A_98 = arith.constant 1 : i32
    %dma_start3A_99 = arith.constant 0 : i32
    %dma_start3A_100 = tpu.memref_slice %arg9[%dma_start3A_98, %dma_start3A_99] : memref<15x128xi32, #tpu.memory_space<vmem>> -> memref<1x128xi32, #tpu.memory_space<vmem>>
    %dma_start3A_101 = tpu.memref_squeeze %dma_start3A_100 : memref<1x128xi32, #tpu.memory_space<vmem>> -> memref<128xi32, #tpu.memory_space<vmem>>
    %dma_start3A_102 = arith.constant 0 : i32
    %dma_start3A_103 = tpu.memref_slice %arg5[%dma_start3A_102] : memref<573440xf32, #tpu.memory_space<hbm>> -> memref<573440xf32, #tpu.memory_space<hbm>>
    tpu.enqueue_indirect_dma source(%arg10 : memref<128xf32, #tpu.memory_space<vmem>>) target(%dma_start3A_103 : memref<573440xf32, #tpu.memory_space<hbm>>) offsets(%dma_start3A_101 : memref<128xi32, #tpu.memory_space<vmem>>) semaphore(%arg13 : memref<!tpu.dma_semaphore, #tpu.memory_space<semaphore_mem>>)
    %dma_start3A_104 = arith.constant 2 : i32
    %dma_start3A_105 = arith.constant 0 : i32
    %dma_start3A_106 = tpu.memref_slice %arg9[%dma_start3A_104, %dma_start3A_105] : memref<15x128xi32, #tpu.memory_space<vmem>> -> memref<1x128xi32, #tpu.memory_space<vmem>>
    %dma_start3A_107 = tpu.memref_squeeze %dma_start3A_106 : memref<1x128xi32, #tpu.memory_space<vmem>> -> memref<128xi32, #tpu.memory_space<vmem>>
    %dma_start3A_108 = arith.constant 0 : i32
    %dma_start3A_109 = tpu.memref_slice %arg5[%dma_start3A_108] : memref<573440xf32, #tpu.memory_space<hbm>> -> memref<573440xf32, #tpu.memory_space<hbm>>
    tpu.enqueue_indirect_dma source(%arg10 : memref<128xf32, #tpu.memory_space<vmem>>) target(%dma_start3A_109 : memref<573440xf32, #tpu.memory_space<hbm>>) offsets(%dma_start3A_107 : memref<128xi32, #tpu.memory_space<vmem>>) semaphore(%arg13 : memref<!tpu.dma_semaphore, #tpu.memory_space<semaphore_mem>>)
    %dma_start3A_110 = arith.constant 3 : i32
    %dma_start3A_111 = arith.constant 0 : i32
    %dma_start3A_112 = tpu.memref_slice %arg9[%dma_start3A_110, %dma_start3A_111] : memref<15x128xi32, #tpu.memory_space<vmem>> -> memref<1x128xi32, #tpu.memory_space<vmem>>
    %dma_start3A_113 = tpu.memref_squeeze %dma_start3A_112 : memref<1x128xi32, #tpu.memory_space<vmem>> -> memref<128xi32, #tpu.memory_space<vmem>>
    %dma_start3A_114 = arith.constant 0 : i32
    %dma_start3A_115 = tpu.memref_slice %arg5[%dma_start3A_114] : memref<573440xf32, #tpu.memory_space<hbm>> -> memref<573440xf32, #tpu.memory_space<hbm>>
    tpu.enqueue_indirect_dma source(%arg10 : memref<128xf32, #tpu.memory_space<vmem>>) target(%dma_start3A_115 : memref<573440xf32, #tpu.memory_space<hbm>>) offsets(%dma_start3A_113 : memref<128xi32, #tpu.memory_space<vmem>>) semaphore(%arg13 : memref<!tpu.dma_semaphore, #tpu.memory_space<semaphore_mem>>)
    %dma_start3A_116 = arith.constant 4 : i32
    %dma_start3A_117 = arith.constant 0 : i32
    %dma_start3A_118 = tpu.memref_slice %arg9[%dma_start3A_116, %dma_start3A_117] : memref<15x128xi32, #tpu.memory_space<vmem>> -> memref<1x128xi32, #tpu.memory_space<vmem>>
    %dma_start3A_119 = tpu.memref_squeeze %dma_start3A_118 : memref<1x128xi32, #tpu.memory_space<vmem>> -> memref<128xi32, #tpu.memory_space<vmem>>
    %dma_start3A_120 = arith.constant 0 : i32
    %dma_start3A_121 = tpu.memref_slice %arg5[%dma_start3A_120] : memref<573440xf32, #tpu.memory_space<hbm>> -> memref<573440xf32, #tpu.memory_space<hbm>>
    tpu.enqueue_indirect_dma source(%arg10 : memref<128xf32, #tpu.memory_space<vmem>>) target(%dma_start3A_121 : memref<573440xf32, #tpu.memory_space<hbm>>) offsets(%dma_start3A_119 : memref<128xi32, #tpu.memory_space<vmem>>) semaphore(%arg13 : memref<!tpu.dma_semaphore, #tpu.memory_space<semaphore_mem>>)
    %dma_start3A_122 = arith.constant 5 : i32
    %dma_start3A_123 = arith.constant 0 : i32
    %dma_start3A_124 = tpu.memref_slice %arg9[%dma_start3A_122, %dma_start3A_123] : memref<15x128xi32, #tpu.memory_space<vmem>> -> memref<1x128xi32, #tpu.memory_space<vmem>>
    %dma_start3A_125 = tpu.memref_squeeze %dma_start3A_124 : memref<1x128xi32, #tpu.memory_space<vmem>> -> memref<128xi32, #tpu.memory_space<vmem>>
    %dma_start3A_126 = arith.constant 0 : i32
    %dma_start3A_127 = tpu.memref_slice %arg5[%dma_start3A_126] : memref<573440xf32, #tpu.memory_space<hbm>> -> memref<573440xf32, #tpu.memory_space<hbm>>
    tpu.enqueue_indirect_dma source(%arg10 : memref<128xf32, #tpu.memory_space<vmem>>) target(%dma_start3A_127 : memref<573440xf32, #tpu.memory_space<hbm>>) offsets(%dma_start3A_125 : memref<128xi32, #tpu.memory_space<vmem>>) semaphore(%arg13 : memref<!tpu.dma_semaphore, #tpu.memory_space<semaphore_mem>>)
    %dma_start3A_128 = arith.constant 6 : i32
    %dma_start3A_129 = arith.constant 0 : i32
    %dma_start3A_130 = tpu.memref_slice %arg9[%dma_start3A_128, %dma_start3A_129] : memref<15x128xi32, #tpu.memory_space<vmem>> -> memref<1x128xi32, #tpu.memory_space<vmem>>
    %dma_start3A_131 = tpu.memref_squeeze %dma_start3A_130 : memref<1x128xi32, #tpu.memory_space<vmem>> -> memref<128xi32, #tpu.memory_space<vmem>>
    %dma_start3A_132 = arith.constant 0 : i32
    %dma_start3A_133 = tpu.memref_slice %arg5[%dma_start3A_132] : memref<573440xf32, #tpu.memory_space<hbm>> -> memref<573440xf32, #tpu.memory_space<hbm>>
    tpu.enqueue_indirect_dma source(%arg10 : memref<128xf32, #tpu.memory_space<vmem>>) target(%dma_start3A_133 : memref<573440xf32, #tpu.memory_space<hbm>>) offsets(%dma_start3A_131 : memref<128xi32, #tpu.memory_space<vmem>>) semaphore(%arg13 : memref<!tpu.dma_semaphore, #tpu.memory_space<semaphore_mem>>)
    %dma_start3A_134 = arith.constant 7 : i32
    %dma_start3A_135 = arith.constant 0 : i32
    %dma_start3A_136 = tpu.memref_slice %arg9[%dma_start3A_134, %dma_start3A_135] : memref<15x128xi32, #tpu.memory_space<vmem>> -> memref<1x128xi32, #tpu.memory_space<vmem>>
    %dma_start3A_137 = tpu.memref_squeeze %dma_start3A_136 : memref<1x128xi32, #tpu.memory_space<vmem>> -> memref<128xi32, #tpu.memory_space<vmem>>
    %dma_start3A_138 = arith.constant 0 : i32
    %dma_start3A_139 = tpu.memref_slice %arg5[%dma_start3A_138] : memref<573440xf32, #tpu.memory_space<hbm>> -> memref<573440xf32, #tpu.memory_space<hbm>>
    tpu.enqueue_indirect_dma source(%arg10 : memref<128xf32, #tpu.memory_space<vmem>>) target(%dma_start3A_139 : memref<573440xf32, #tpu.memory_space<hbm>>) offsets(%dma_start3A_137 : memref<128xi32, #tpu.memory_space<vmem>>) semaphore(%arg13 : memref<!tpu.dma_semaphore, #tpu.memory_space<semaphore_mem>>)
    %dma_start3A_140 = arith.constant 8 : i32
    %dma_start3A_141 = arith.constant 0 : i32
    %dma_start3A_142 = tpu.memref_slice %arg9[%dma_start3A_140, %dma_start3A_141] : memref<15x128xi32, #tpu.memory_space<vmem>> -> memref<1x128xi32, #tpu.memory_space<vmem>>
    %dma_start3A_143 = tpu.memref_squeeze %dma_start3A_142 : memref<1x128xi32, #tpu.memory_space<vmem>> -> memref<128xi32, #tpu.memory_space<vmem>>
    %dma_start3A_144 = arith.constant 0 : i32
    %dma_start3A_145 = tpu.memref_slice %arg5[%dma_start3A_144] : memref<573440xf32, #tpu.memory_space<hbm>> -> memref<573440xf32, #tpu.memory_space<hbm>>
    tpu.enqueue_indirect_dma source(%arg10 : memref<128xf32, #tpu.memory_space<vmem>>) target(%dma_start3A_145 : memref<573440xf32, #tpu.memory_space<hbm>>) offsets(%dma_start3A_143 : memref<128xi32, #tpu.memory_space<vmem>>) semaphore(%arg13 : memref<!tpu.dma_semaphore, #tpu.memory_space<semaphore_mem>>)
    %dma_start3A_146 = arith.constant 9 : i32
    %dma_start3A_147 = arith.constant 0 : i32
    %dma_start3A_148 = tpu.memref_slice %arg9[%dma_start3A_146, %dma_start3A_147] : memref<15x128xi32, #tpu.memory_space<vmem>> -> memref<1x128xi32, #tpu.memory_space<vmem>>
    %dma_start3A_149 = tpu.memref_squeeze %dma_start3A_148 : memref<1x128xi32, #tpu.memory_space<vmem>> -> memref<128xi32, #tpu.memory_space<vmem>>
    %dma_start3A_150 = arith.constant 0 : i32
    %dma_start3A_151 = tpu.memref_slice %arg5[%dma_start3A_150] : memref<573440xf32, #tpu.memory_space<hbm>> -> memref<573440xf32, #tpu.memory_space<hbm>>
    tpu.enqueue_indirect_dma source(%arg10 : memref<128xf32, #tpu.memory_space<vmem>>) target(%dma_start3A_151 : memref<573440xf32, #tpu.memory_space<hbm>>) offsets(%dma_start3A_149 : memref<128xi32, #tpu.memory_space<vmem>>) semaphore(%arg13 : memref<!tpu.dma_semaphore, #tpu.memory_space<semaphore_mem>>)
    %dma_start3A_152 = arith.constant 10 : i32
    %dma_start3A_153 = arith.constant 0 : i32
    %dma_start3A_154 = tpu.memref_slice %arg9[%dma_start3A_152, %dma_start3A_153] : memref<15x128xi32, #tpu.memory_space<vmem>> -> memref<1x128xi32, #tpu.memory_space<vmem>>
    %dma_start3A_155 = tpu.memref_squeeze %dma_start3A_154 : memref<1x128xi32, #tpu.memory_space<vmem>> -> memref<128xi32, #tpu.memory_space<vmem>>
    %dma_start3A_156 = arith.constant 0 : i32
    %dma_start3A_157 = tpu.memref_slice %arg5[%dma_start3A_156] : memref<573440xf32, #tpu.memory_space<hbm>> -> memref<573440xf32, #tpu.memory_space<hbm>>
    tpu.enqueue_indirect_dma source(%arg10 : memref<128xf32, #tpu.memory_space<vmem>>) target(%dma_start3A_157 : memref<573440xf32, #tpu.memory_space<hbm>>) offsets(%dma_start3A_155 : memref<128xi32, #tpu.memory_space<vmem>>) semaphore(%arg13 : memref<!tpu.dma_semaphore, #tpu.memory_space<semaphore_mem>>)
    %dma_start3A_158 = arith.constant 11 : i32
    %dma_start3A_159 = arith.constant 0 : i32
    %dma_start3A_160 = tpu.memref_slice %arg9[%dma_start3A_158, %dma_start3A_159] : memref<15x128xi32, #tpu.memory_space<vmem>> -> memref<1x128xi32, #tpu.memory_space<vmem>>
    %dma_start3A_161 = tpu.memref_squeeze %dma_start3A_160 : memref<1x128xi32, #tpu.memory_space<vmem>> -> memref<128xi32, #tpu.memory_space<vmem>>
    %dma_start3A_162 = arith.constant 0 : i32
    %dma_start3A_163 = tpu.memref_slice %arg5[%dma_start3A_162] : memref<573440xf32, #tpu.memory_space<hbm>> -> memref<573440xf32, #tpu.memory_space<hbm>>
    tpu.enqueue_indirect_dma source(%arg10 : memref<128xf32, #tpu.memory_space<vmem>>) target(%dma_start3A_163 : memref<573440xf32, #tpu.memory_space<hbm>>) offsets(%dma_start3A_161 : memref<128xi32, #tpu.memory_space<vmem>>) semaphore(%arg13 : memref<!tpu.dma_semaphore, #tpu.memory_space<semaphore_mem>>)
    %dma_start3A_164 = arith.constant 12 : i32
    %dma_start3A_165 = arith.constant 0 : i32
    %dma_start3A_166 = tpu.memref_slice %arg9[%dma_start3A_164, %dma_start3A_165] : memref<15x128xi32, #tpu.memory_space<vmem>> -> memref<1x128xi32, #tpu.memory_space<vmem>>
    %dma_start3A_167 = tpu.memref_squeeze %dma_start3A_166 : memref<1x128xi32, #tpu.memory_space<vmem>> -> memref<128xi32, #tpu.memory_space<vmem>>
    %dma_start3A_168 = arith.constant 0 : i32
    %dma_start3A_169 = tpu.memref_slice %arg5[%dma_start3A_168] : memref<573440xf32, #tpu.memory_space<hbm>> -> memref<573440xf32, #tpu.memory_space<hbm>>
    tpu.enqueue_indirect_dma source(%arg10 : memref<128xf32, #tpu.memory_space<vmem>>) target(%dma_start3A_169 : memref<573440xf32, #tpu.memory_space<hbm>>) offsets(%dma_start3A_167 : memref<128xi32, #tpu.memory_space<vmem>>) semaphore(%arg13 : memref<!tpu.dma_semaphore, #tpu.memory_space<semaphore_mem>>)
    %dma_start3A_170 = arith.constant 13 : i32
    %dma_start3A_171 = arith.constant 0 : i32
    %dma_start3A_172 = tpu.memref_slice %arg9[%dma_start3A_170, %dma_start3A_171] : memref<15x128xi32, #tpu.memory_space<vmem>> -> memref<1x128xi32, #tpu.memory_space<vmem>>
    %dma_start3A_173 = tpu.memref_squeeze %dma_start3A_172 : memref<1x128xi32, #tpu.memory_space<vmem>> -> memref<128xi32, #tpu.memory_space<vmem>>
    %dma_start3A_174 = arith.constant 0 : i32
    %dma_start3A_175 = tpu.memref_slice %arg5[%dma_start3A_174] : memref<573440xf32, #tpu.memory_space<hbm>> -> memref<573440xf32, #tpu.memory_space<hbm>>
    tpu.enqueue_indirect_dma source(%arg10 : memref<128xf32, #tpu.memory_space<vmem>>) target(%dma_start3A_175 : memref<573440xf32, #tpu.memory_space<hbm>>) offsets(%dma_start3A_173 : memref<128xi32, #tpu.memory_space<vmem>>) semaphore(%arg13 : memref<!tpu.dma_semaphore, #tpu.memory_space<semaphore_mem>>)
    %dma_start3A_176 = arith.constant 14 : i32
    %dma_start3A_177 = arith.constant 0 : i32
    %dma_start3A_178 = tpu.memref_slice %arg9[%dma_start3A_176, %dma_start3A_177] : memref<15x128xi32, #tpu.memory_space<vmem>> -> memref<1x128xi32, #tpu.memory_space<vmem>>
    %dma_start3A_179 = tpu.memref_squeeze %dma_start3A_178 : memref<1x128xi32, #tpu.memory_space<vmem>> -> memref<128xi32, #tpu.memory_space<vmem>>
    %dma_start3A_180 = arith.constant 0 : i32
    %dma_start3A_181 = tpu.memref_slice %arg5[%dma_start3A_180] : memref<573440xf32, #tpu.memory_space<hbm>> -> memref<573440xf32, #tpu.memory_space<hbm>>
    tpu.enqueue_indirect_dma source(%arg10 : memref<128xf32, #tpu.memory_space<vmem>>) target(%dma_start3A_181 : memref<573440xf32, #tpu.memory_space<hbm>>) offsets(%dma_start3A_179 : memref<128xi32, #tpu.memory_space<vmem>>) semaphore(%arg13 : memref<!tpu.dma_semaphore, #tpu.memory_space<semaphore_mem>>)
    %sub3A_182 = arith.constant 1 : i32
    %sub3A_183 = arith.subi %select_n3A, %sub3A_182 : i32
    %min3A_184 = arith.constant 0 : i32
    %min3A_185 = arith.minsi %min3A_184, %sub3A_183 : i32
    %mul3A_186 = arith.constant 128 : i32
    %mul3A_187 = arith.muli %min3A_185, %mul3A_186 : i32
    %add3A_188 = arith.addi %mul3A_9, %mul3A_187 : i32
    %min3A_189 = arith.constant 59872 : i32
    %min3A_190 = arith.minsi %add3A_188, %min3A_189 : i32
    %dma_start3A_191 = arith.constant 0 : i32
    %dma_start3A_192 = arith.constant 0 : i32
    %dma_start3A_193 = arith.constant 0 : i32
    %dma_start3A_194 = tpu.memref_slice %arg7[%dma_start3A_191, %dma_start3A_192, %dma_start3A_193] : memref<5x128x128xf32, #tpu.memory_space<vmem>> -> memref<1x128x128xf32, #tpu.memory_space<vmem>>
    %dma_start3A_195 = tpu.memref_squeeze %dma_start3A_194 : memref<1x128x128xf32, #tpu.memory_space<vmem>> -> memref<128x128xf32, #tpu.memory_space<vmem>>
    %dma_start3A_196 = arith.constant 0 : i32
    %dma_start3A_197 = tpu.memref_slice %arg2[%min3A_190, %dma_start3A_196] : memref<60000x128xf32, #tpu.memory_space<hbm>> -> memref<128x128xf32, #tpu.memory_space<hbm>>
    %dma_start3A_198 = arith.constant 0 : i32
    %dma_start3A_199 = arith.constant 0 : i32
    %dma_start3A_200 = tpu.memref_slice %arg7[%dma_start3A_191, %dma_start3A_198, %dma_start3A_199] : memref<5x128x128xf32, #tpu.memory_space<vmem>> -> memref<1x128x128xf32, #tpu.memory_space<vmem>>
    %dma_start3A_201 = tpu.memref_squeeze %dma_start3A_200 : memref<1x128x128xf32, #tpu.memory_space<vmem>> -> memref<128x128xf32, #tpu.memory_space<vmem>>
    %dma_start3A_202 = arith.constant 0 : i32
    %dma_start3A_203 = tpu.memref_slice %arg2[%min3A_190, %dma_start3A_202] : memref<60000x128xf32, #tpu.memory_space<hbm>> -> memref<128x128xf32, #tpu.memory_space<hbm>>
    tpu.enqueue_dma source(%dma_start3A_203 : memref<128x128xf32, #tpu.memory_space<hbm>>) target(%dma_start3A_201 : memref<128x128xf32, #tpu.memory_space<vmem>>) target_semaphore(%arg14 : memref<!tpu.dma_semaphore, #tpu.memory_space<semaphore_mem>>)
    %sub3A_204 = arith.constant 1 : i32
    %sub3A_205 = arith.subi %select_n3A, %sub3A_204 : i32
    %min3A_206 = arith.constant 1 : i32
    %min3A_207 = arith.minsi %min3A_206, %sub3A_205 : i32
    %mul3A_208 = arith.constant 128 : i32
    %mul3A_209 = arith.muli %min3A_207, %mul3A_208 : i32
    %add3A_210 = arith.addi %mul3A_9, %mul3A_209 : i32
    %min3A_211 = arith.constant 59872 : i32
    %min3A_212 = arith.minsi %add3A_210, %min3A_211 : i32
    %dma_start3A_213 = arith.constant 1 : i32
    %dma_start3A_214 = arith.constant 0 : i32
    %dma_start3A_215 = arith.constant 0 : i32
    %dma_start3A_216 = tpu.memref_slice %arg7[%dma_start3A_213, %dma_start3A_214, %dma_start3A_215] : memref<5x128x128xf32, #tpu.memory_space<vmem>> -> memref<1x128x128xf32, #tpu.memory_space<vmem>>
    %dma_start3A_217 = tpu.memref_squeeze %dma_start3A_216 : memref<1x128x128xf32, #tpu.memory_space<vmem>> -> memref<128x128xf32, #tpu.memory_space<vmem>>
    %dma_start3A_218 = arith.constant 0 : i32
    %dma_start3A_219 = tpu.memref_slice %arg2[%min3A_212, %dma_start3A_218] : memref<60000x128xf32, #tpu.memory_space<hbm>> -> memref<128x128xf32, #tpu.memory_space<hbm>>
    %dma_start3A_220 = arith.constant 0 : i32
    %dma_start3A_221 = arith.constant 0 : i32
    %dma_start3A_222 = tpu.memref_slice %arg7[%dma_start3A_213, %dma_start3A_220, %dma_start3A_221] : memref<5x128x128xf32, #tpu.memory_space<vmem>> -> memref<1x128x128xf32, #tpu.memory_space<vmem>>
    %dma_start3A_223 = tpu.memref_squeeze %dma_start3A_222 : memref<1x128x128xf32, #tpu.memory_space<vmem>> -> memref<128x128xf32, #tpu.memory_space<vmem>>
    %dma_start3A_224 = arith.constant 0 : i32
    %dma_start3A_225 = tpu.memref_slice %arg2[%min3A_212, %dma_start3A_224] : memref<60000x128xf32, #tpu.memory_space<hbm>> -> memref<128x128xf32, #tpu.memory_space<hbm>>
    tpu.enqueue_dma source(%dma_start3A_225 : memref<128x128xf32, #tpu.memory_space<hbm>>) target(%dma_start3A_223 : memref<128x128xf32, #tpu.memory_space<vmem>>) target_semaphore(%arg15 : memref<!tpu.dma_semaphore, #tpu.memory_space<semaphore_mem>>)
    %sub3A_226 = arith.constant 1 : i32
    %sub3A_227 = arith.subi %select_n3A, %sub3A_226 : i32
    %min3A_228 = arith.constant 2 : i32
    %min3A_229 = arith.minsi %min3A_228, %sub3A_227 : i32
    %mul3A_230 = arith.constant 128 : i32
    %mul3A_231 = arith.muli %min3A_229, %mul3A_230 : i32
    %add3A_232 = arith.addi %mul3A_9, %mul3A_231 : i32
    %min3A_233 = arith.constant 59872 : i32
    %min3A_234 = arith.minsi %add3A_232, %min3A_233 : i32
    %dma_start3A_235 = arith.constant 2 : i32
    %dma_start3A_236 = arith.constant 0 : i32
    %dma_start3A_237 = arith.constant 0 : i32
    %dma_start3A_238 = tpu.memref_slice %arg7[%dma_start3A_235, %dma_start3A_236, %dma_start3A_237] : memref<5x128x128xf32, #tpu.memory_space<vmem>> -> memref<1x128x128xf32, #tpu.memory_space<vmem>>
    %dma_start3A_239 = tpu.memref_squeeze %dma_start3A_238 : memref<1x128x128xf32, #tpu.memory_space<vmem>> -> memref<128x128xf32, #tpu.memory_space<vmem>>
    %dma_start3A_240 = arith.constant 0 : i32
    %dma_start3A_241 = tpu.memref_slice %arg2[%min3A_234, %dma_start3A_240] : memref<60000x128xf32, #tpu.memory_space<hbm>> -> memref<128x128xf32, #tpu.memory_space<hbm>>
    %dma_start3A_242 = arith.constant 0 : i32
    %dma_start3A_243 = arith.constant 0 : i32
    %dma_start3A_244 = tpu.memref_slice %arg7[%dma_start3A_235, %dma_start3A_242, %dma_start3A_243] : memref<5x128x128xf32, #tpu.memory_space<vmem>> -> memref<1x128x128xf32, #tpu.memory_space<vmem>>
    %dma_start3A_245 = tpu.memref_squeeze %dma_start3A_244 : memref<1x128x128xf32, #tpu.memory_space<vmem>> -> memref<128x128xf32, #tpu.memory_space<vmem>>
    %dma_start3A_246 = arith.constant 0 : i32
    %dma_start3A_247 = tpu.memref_slice %arg2[%min3A_234, %dma_start3A_246] : memref<60000x128xf32, #tpu.memory_space<hbm>> -> memref<128x128xf32, #tpu.memory_space<hbm>>
    tpu.enqueue_dma source(%dma_start3A_247 : memref<128x128xf32, #tpu.memory_space<hbm>>) target(%dma_start3A_245 : memref<128x128xf32, #tpu.memory_space<vmem>>) target_semaphore(%arg16 : memref<!tpu.dma_semaphore, #tpu.memory_space<semaphore_mem>>)
    %sub3A_248 = arith.constant 1 : i32
    %sub3A_249 = arith.subi %select_n3A, %sub3A_248 : i32
    %min3A_250 = arith.constant 3 : i32
    %min3A_251 = arith.minsi %min3A_250, %sub3A_249 : i32
    %mul3A_252 = arith.constant 128 : i32
    %mul3A_253 = arith.muli %min3A_251, %mul3A_252 : i32
    %add3A_254 = arith.addi %mul3A_9, %mul3A_253 : i32
    %min3A_255 = arith.constant 59872 : i32
    %min3A_256 = arith.minsi %add3A_254, %min3A_255 : i32
    %dma_start3A_257 = arith.constant 3 : i32
    %dma_start3A_258 = arith.constant 0 : i32
    %dma_start3A_259 = arith.constant 0 : i32
    %dma_start3A_260 = tpu.memref_slice %arg7[%dma_start3A_257, %dma_start3A_258, %dma_start3A_259] : memref<5x128x128xf32, #tpu.memory_space<vmem>> -> memref<1x128x128xf32, #tpu.memory_space<vmem>>
    %dma_start3A_261 = tpu.memref_squeeze %dma_start3A_260 : memref<1x128x128xf32, #tpu.memory_space<vmem>> -> memref<128x128xf32, #tpu.memory_space<vmem>>
    %dma_start3A_262 = arith.constant 0 : i32
    %dma_start3A_263 = tpu.memref_slice %arg2[%min3A_256, %dma_start3A_262] : memref<60000x128xf32, #tpu.memory_space<hbm>> -> memref<128x128xf32, #tpu.memory_space<hbm>>
    %dma_start3A_264 = arith.constant 0 : i32
    %dma_start3A_265 = arith.constant 0 : i32
    %dma_start3A_266 = tpu.memref_slice %arg7[%dma_start3A_257, %dma_start3A_264, %dma_start3A_265] : memref<5x128x128xf32, #tpu.memory_space<vmem>> -> memref<1x128x128xf32, #tpu.memory_space<vmem>>
    %dma_start3A_267 = tpu.memref_squeeze %dma_start3A_266 : memref<1x128x128xf32, #tpu.memory_space<vmem>> -> memref<128x128xf32, #tpu.memory_space<vmem>>
    %dma_start3A_268 = arith.constant 0 : i32
    %dma_start3A_269 = tpu.memref_slice %arg2[%min3A_256, %dma_start3A_268] : memref<60000x128xf32, #tpu.memory_space<hbm>> -> memref<128x128xf32, #tpu.memory_space<hbm>>
    tpu.enqueue_dma source(%dma_start3A_269 : memref<128x128xf32, #tpu.memory_space<hbm>>) target(%dma_start3A_267 : memref<128x128xf32, #tpu.memory_space<vmem>>) target_semaphore(%arg17 : memref<!tpu.dma_semaphore, #tpu.memory_space<semaphore_mem>>)
    %dma_wait3A_270 = arith.constant 0 : i32
    %dma_wait3A_271 = arith.constant 0 : i32
    %dma_wait3A_272 = arith.constant 0 : i32
    %dma_wait3A_273 = tpu.memref_slice %arg7[%dma_wait3A_270, %dma_wait3A_271, %dma_wait3A_272] : memref<5x128x128xf32, #tpu.memory_space<vmem>> -> memref<1x128x128xf32, #tpu.memory_space<vmem>>
    %dma_wait3A_274 = tpu.memref_squeeze %dma_wait3A_273 : memref<1x128x128xf32, #tpu.memory_space<vmem>> -> memref<128x128xf32, #tpu.memory_space<vmem>>
    %dma_wait3A_275 = arith.constant 0 : i32
    %dma_wait3A_276 = tpu.memref_slice %arg2[%min3A_190, %dma_wait3A_275] : memref<60000x128xf32, #tpu.memory_space<hbm>> -> memref<128x128xf32, #tpu.memory_space<hbm>>
    %dma_wait3A_277 = arith.constant 0 : i32
    %dma_wait3A_278 = arith.constant 0 : i32
    %dma_wait3A_279 = tpu.memref_slice %arg7[%dma_wait3A_270, %dma_wait3A_277, %dma_wait3A_278] : memref<5x128x128xf32, #tpu.memory_space<vmem>> -> memref<1x128x128xf32, #tpu.memory_space<vmem>>
    %dma_wait3A_280 = tpu.memref_squeeze %dma_wait3A_279 : memref<1x128x128xf32, #tpu.memory_space<vmem>> -> memref<128x128xf32, #tpu.memory_space<vmem>>
    %dma_wait3A_281 = arith.constant 0 : i32
    %dma_wait3A_282 = tpu.memref_slice %arg2[%min3A_190, %dma_wait3A_281] : memref<60000x128xf32, #tpu.memory_space<hbm>> -> memref<128x128xf32, #tpu.memory_space<hbm>>
    tpu.wait_dma2 semaphore(%arg14 : memref<!tpu.dma_semaphore, #tpu.memory_space<semaphore_mem>>) src(%dma_wait3A_282 : memref<128x128xf32, #tpu.memory_space<hbm>>) dst(%dma_wait3A_280 : memref<128x128xf32, #tpu.memory_space<vmem>>)
    %dma_start3A_283 = arith.constant 0 : i32
    %dma_start3A_284 = arith.constant 0 : i32
    %dma_start3A_285 = arith.constant 0 : i32
    %dma_start3A_286 = arith.constant 0 : i32
    %dma_start3A_287 = tpu.memref_slice %arg7[%dma_start3A_283, %dma_start3A_285, %dma_start3A_286] : memref<5x128x128xf32, #tpu.memory_space<vmem>> -> memref<1x128x128xf32, #tpu.memory_space<vmem>>
    %dma_start3A_288 = tpu.memref_squeeze %dma_start3A_287 : memref<1x128x128xf32, #tpu.memory_space<vmem>> -> memref<128x128xf32, #tpu.memory_space<vmem>>
    %dma_start3A_289 = arith.constant 0 : i32
    %dma_start3A_290 = tpu.memref_slice %arg8[%dma_start3A_284, %dma_start3A_289] : memref<15x128xi32, #tpu.memory_space<vmem>> -> memref<1x128xi32, #tpu.memory_space<vmem>>
    %dma_start3A_291 = tpu.memref_squeeze %dma_start3A_290 : memref<1x128xi32, #tpu.memory_space<vmem>> -> memref<128xi32, #tpu.memory_space<vmem>>
    %dma_start3A_292 = arith.constant 0 : i32
    %dma_start3A_293 = arith.constant 0 : i32
    %dma_start3A_294 = tpu.memref_slice %arg4[%dma_start3A_292, %dma_start3A_293] : memref<286720x128xf32, #tpu.memory_space<hbm>> -> memref<286720x128xf32, #tpu.memory_space<hbm>>
    tpu.enqueue_indirect_dma source(%dma_start3A_288 : memref<128x128xf32, #tpu.memory_space<vmem>>) target(%dma_start3A_294 : memref<286720x128xf32, #tpu.memory_space<hbm>>) offsets(%dma_start3A_291 : memref<128xi32, #tpu.memory_space<vmem>>) semaphore(%arg19 : memref<!tpu.dma_semaphore, #tpu.memory_space<semaphore_mem>>)
    %sub3A_295 = arith.constant 1 : i32
    %sub3A_296 = arith.subi %select_n3A, %sub3A_295 : i32
    %min3A_297 = arith.constant 4 : i32
    %min3A_298 = arith.minsi %min3A_297, %sub3A_296 : i32
    %mul3A_299 = arith.constant 128 : i32
    %mul3A_300 = arith.muli %min3A_298, %mul3A_299 : i32
    %add3A_301 = arith.addi %mul3A_9, %mul3A_300 : i32
    %min3A_302 = arith.constant 59872 : i32
    %min3A_303 = arith.minsi %add3A_301, %min3A_302 : i32
    %dma_start3A_304 = arith.constant 4 : i32
    %dma_start3A_305 = arith.constant 0 : i32
    %dma_start3A_306 = arith.constant 0 : i32
    %dma_start3A_307 = tpu.memref_slice %arg7[%dma_start3A_304, %dma_start3A_305, %dma_start3A_306] : memref<5x128x128xf32, #tpu.memory_space<vmem>> -> memref<1x128x128xf32, #tpu.memory_space<vmem>>
    %dma_start3A_308 = tpu.memref_squeeze %dma_start3A_307 : memref<1x128x128xf32, #tpu.memory_space<vmem>> -> memref<128x128xf32, #tpu.memory_space<vmem>>
    %dma_start3A_309 = arith.constant 0 : i32
    %dma_start3A_310 = tpu.memref_slice %arg2[%min3A_303, %dma_start3A_309] : memref<60000x128xf32, #tpu.memory_space<hbm>> -> memref<128x128xf32, #tpu.memory_space<hbm>>
    %dma_start3A_311 = arith.constant 0 : i32
    %dma_start3A_312 = arith.constant 0 : i32
    %dma_start3A_313 = tpu.memref_slice %arg7[%dma_start3A_304, %dma_start3A_311, %dma_start3A_312] : memref<5x128x128xf32, #tpu.memory_space<vmem>> -> memref<1x128x128xf32, #tpu.memory_space<vmem>>
    %dma_start3A_314 = tpu.memref_squeeze %dma_start3A_313 : memref<1x128x128xf32, #tpu.memory_space<vmem>> -> memref<128x128xf32, #tpu.memory_space<vmem>>
    %dma_start3A_315 = arith.constant 0 : i32
    %dma_start3A_316 = tpu.memref_slice %arg2[%min3A_303, %dma_start3A_315] : memref<60000x128xf32, #tpu.memory_space<hbm>> -> memref<128x128xf32, #tpu.memory_space<hbm>>
    tpu.enqueue_dma source(%dma_start3A_316 : memref<128x128xf32, #tpu.memory_space<hbm>>) target(%dma_start3A_314 : memref<128x128xf32, #tpu.memory_space<vmem>>) target_semaphore(%arg18 : memref<!tpu.dma_semaphore, #tpu.memory_space<semaphore_mem>>)
    %dma_wait3A_317 = arith.constant 1 : i32
    %dma_wait3A_318 = arith.constant 0 : i32
    %dma_wait3A_319 = arith.constant 0 : i32
    %dma_wait3A_320 = tpu.memref_slice %arg7[%dma_wait3A_317, %dma_wait3A_318, %dma_wait3A_319] : memref<5x128x128xf32, #tpu.memory_space<vmem>> -> memref<1x128x128xf32, #tpu.memory_space<vmem>>
    %dma_wait3A_321 = tpu.memref_squeeze %dma_wait3A_320 : memref<1x128x128xf32, #tpu.memory_space<vmem>> -> memref<128x128xf32, #tpu.memory_space<vmem>>
    %dma_wait3A_322 = arith.constant 0 : i32
    %dma_wait3A_323 = tpu.memref_slice %arg2[%min3A_212, %dma_wait3A_322] : memref<60000x128xf32, #tpu.memory_space<hbm>> -> memref<128x128xf32, #tpu.memory_space<hbm>>
    %dma_wait3A_324 = arith.constant 0 : i32
    %dma_wait3A_325 = arith.constant 0 : i32
    %dma_wait3A_326 = tpu.memref_slice %arg7[%dma_wait3A_317, %dma_wait3A_324, %dma_wait3A_325] : memref<5x128x128xf32, #tpu.memory_space<vmem>> -> memref<1x128x128xf32, #tpu.memory_space<vmem>>
    %dma_wait3A_327 = tpu.memref_squeeze %dma_wait3A_326 : memref<1x128x128xf32, #tpu.memory_space<vmem>> -> memref<128x128xf32, #tpu.memory_space<vmem>>
    %dma_wait3A_328 = arith.constant 0 : i32
    %dma_wait3A_329 = tpu.memref_slice %arg2[%min3A_212, %dma_wait3A_328] : memref<60000x128xf32, #tpu.memory_space<hbm>> -> memref<128x128xf32, #tpu.memory_space<hbm>>
    tpu.wait_dma2 semaphore(%arg15 : memref<!tpu.dma_semaphore, #tpu.memory_space<semaphore_mem>>) src(%dma_wait3A_329 : memref<128x128xf32, #tpu.memory_space<hbm>>) dst(%dma_wait3A_327 : memref<128x128xf32, #tpu.memory_space<vmem>>)
    %dma_start3A_330 = arith.constant 1 : i32
    %dma_start3A_331 = arith.constant 1 : i32
    %dma_start3A_332 = arith.constant 0 : i32
    %dma_start3A_333 = arith.constant 0 : i32
    %dma_start3A_334 = tpu.memref_slice %arg7[%dma_start3A_330, %dma_start3A_332, %dma_start3A_333] : memref<5x128x128xf32, #tpu.memory_space<vmem>> -> memref<1x128x128xf32, #tpu.memory_space<vmem>>
    %dma_start3A_335 = tpu.memref_squeeze %dma_start3A_334 : memref<1x128x128xf32, #tpu.memory_space<vmem>> -> memref<128x128xf32, #tpu.memory_space<vmem>>
    %dma_start3A_336 = arith.constant 0 : i32
    %dma_start3A_337 = tpu.memref_slice %arg8[%dma_start3A_331, %dma_start3A_336] : memref<15x128xi32, #tpu.memory_space<vmem>> -> memref<1x128xi32, #tpu.memory_space<vmem>>
    %dma_start3A_338 = tpu.memref_squeeze %dma_start3A_337 : memref<1x128xi32, #tpu.memory_space<vmem>> -> memref<128xi32, #tpu.memory_space<vmem>>
    %dma_start3A_339 = arith.constant 0 : i32
    %dma_start3A_340 = arith.constant 0 : i32
    %dma_start3A_341 = tpu.memref_slice %arg4[%dma_start3A_339, %dma_start3A_340] : memref<286720x128xf32, #tpu.memory_space<hbm>> -> memref<286720x128xf32, #tpu.memory_space<hbm>>
    tpu.enqueue_indirect_dma source(%dma_start3A_335 : memref<128x128xf32, #tpu.memory_space<vmem>>) target(%dma_start3A_341 : memref<286720x128xf32, #tpu.memory_space<hbm>>) offsets(%dma_start3A_338 : memref<128xi32, #tpu.memory_space<vmem>>) semaphore(%arg20 : memref<!tpu.dma_semaphore, #tpu.memory_space<semaphore_mem>>)
    %dma_wait3A_342 = arith.constant 0 : i32
    %dma_wait3A_343 = arith.constant 0 : i32
    %dma_wait3A_344 = arith.constant 0 : i32
    %dma_wait3A_345 = arith.constant 0 : i32
    %dma_wait3A_346 = tpu.memref_slice %arg7[%dma_wait3A_342, %dma_wait3A_344, %dma_wait3A_345] : memref<5x128x128xf32, #tpu.memory_space<vmem>> -> memref<1x128x128xf32, #tpu.memory_space<vmem>>
    %dma_wait3A_347 = tpu.memref_squeeze %dma_wait3A_346 : memref<1x128x128xf32, #tpu.memory_space<vmem>> -> memref<128x128xf32, #tpu.memory_space<vmem>>
    %dma_wait3A_348 = arith.constant 0 : i32
    %dma_wait3A_349 = tpu.memref_slice %arg8[%dma_wait3A_343, %dma_wait3A_348] : memref<15x128xi32, #tpu.memory_space<vmem>> -> memref<1x128xi32, #tpu.memory_space<vmem>>
    %dma_wait3A_350 = tpu.memref_squeeze %dma_wait3A_349 : memref<1x128xi32, #tpu.memory_space<vmem>> -> memref<128xi32, #tpu.memory_space<vmem>>
    %dma_wait3A_351 = arith.constant 0 : i32
    %dma_wait3A_352 = arith.constant 0 : i32
    %dma_wait3A_353 = tpu.memref_slice %arg4[%dma_wait3A_351, %dma_wait3A_352] : memref<286720x128xf32, #tpu.memory_space<hbm>> -> memref<286720x128xf32, #tpu.memory_space<hbm>>
    tpu.wait_indirect_dma semaphore(%arg19 : memref<!tpu.dma_semaphore, #tpu.memory_space<semaphore_mem>>) src(%dma_wait3A_347 : memref<128x128xf32, #tpu.memory_space<vmem>>) dst(%dma_wait3A_353 : memref<286720x128xf32, #tpu.memory_space<hbm>>)
    %sub3A_354 = arith.constant 1 : i32
    %sub3A_355 = arith.subi %select_n3A, %sub3A_354 : i32
    %min3A_356 = arith.constant 5 : i32
    %min3A_357 = arith.minsi %min3A_356, %sub3A_355 : i32
    %mul3A_358 = arith.constant 128 : i32
    %mul3A_359 = arith.muli %min3A_357, %mul3A_358 : i32
    %add3A_360 = arith.addi %mul3A_9, %mul3A_359 : i32
    %min3A_361 = arith.constant 59872 : i32
    %min3A_362 = arith.minsi %add3A_360, %min3A_361 : i32
    %dma_start3A_363 = arith.constant 0 : i32
    %dma_start3A_364 = arith.constant 0 : i32
    %dma_start3A_365 = arith.constant 0 : i32
    %dma_start3A_366 = tpu.memref_slice %arg7[%dma_start3A_363, %dma_start3A_364, %dma_start3A_365] : memref<5x128x128xf32, #tpu.memory_space<vmem>> -> memref<1x128x128xf32, #tpu.memory_space<vmem>>
    %dma_start3A_367 = tpu.memref_squeeze %dma_start3A_366 : memref<1x128x128xf32, #tpu.memory_space<vmem>> -> memref<128x128xf32, #tpu.memory_space<vmem>>
    %dma_start3A_368 = arith.constant 0 : i32
    %dma_start3A_369 = tpu.memref_slice %arg2[%min3A_362, %dma_start3A_368] : memref<60000x128xf32, #tpu.memory_space<hbm>> -> memref<128x128xf32, #tpu.memory_space<hbm>>
    %dma_start3A_370 = arith.constant 0 : i32
    %dma_start3A_371 = arith.constant 0 : i32
    %dma_start3A_372 = tpu.memref_slice %arg7[%dma_start3A_363, %dma_start3A_370, %dma_start3A_371] : memref<5x128x128xf32, #tpu.memory_space<vmem>> -> memref<1x128x128xf32, #tpu.memory_space<vmem>>
    %dma_start3A_373 = tpu.memref_squeeze %dma_start3A_372 : memref<1x128x128xf32, #tpu.memory_space<vmem>> -> memref<128x128xf32, #tpu.memory_space<vmem>>
    %dma_start3A_374 = arith.constant 0 : i32
    %dma_start3A_375 = tpu.memref_slice %arg2[%min3A_362, %dma_start3A_374] : memref<60000x128xf32, #tpu.memory_space<hbm>> -> memref<128x128xf32, #tpu.memory_space<hbm>>
    tpu.enqueue_dma source(%dma_start3A_375 : memref<128x128xf32, #tpu.memory_space<hbm>>) target(%dma_start3A_373 : memref<128x128xf32, #tpu.memory_space<vmem>>) target_semaphore(%arg14 : memref<!tpu.dma_semaphore, #tpu.memory_space<semaphore_mem>>)
    %dma_wait3A_376 = arith.constant 2 : i32
    %dma_wait3A_377 = arith.constant 0 : i32
    %dma_wait3A_378 = arith.constant 0 : i32
    %dma_wait3A_379 = tpu.memref_slice %arg7[%dma_wait3A_376, %dma_wait3A_377, %dma_wait3A_378] : memref<5x128x128xf32, #tpu.memory_space<vmem>> -> memref<1x128x128xf32, #tpu.memory_space<vmem>>
    %dma_wait3A_380 = tpu.memref_squeeze %dma_wait3A_379 : memref<1x128x128xf32, #tpu.memory_space<vmem>> -> memref<128x128xf32, #tpu.memory_space<vmem>>
    %dma_wait3A_381 = arith.constant 0 : i32
    %dma_wait3A_382 = tpu.memref_slice %arg2[%min3A_234, %dma_wait3A_381] : memref<60000x128xf32, #tpu.memory_space<hbm>> -> memref<128x128xf32, #tpu.memory_space<hbm>>
    %dma_wait3A_383 = arith.constant 0 : i32
    %dma_wait3A_384 = arith.constant 0 : i32
    %dma_wait3A_385 = tpu.memref_slice %arg7[%dma_wait3A_376, %dma_wait3A_383, %dma_wait3A_384] : memref<5x128x128xf32, #tpu.memory_space<vmem>> -> memref<1x128x128xf32, #tpu.memory_space<vmem>>
    %dma_wait3A_386 = tpu.memref_squeeze %dma_wait3A_385 : memref<1x128x128xf32, #tpu.memory_space<vmem>> -> memref<128x128xf32, #tpu.memory_space<vmem>>
    %dma_wait3A_387 = arith.constant 0 : i32
    %dma_wait3A_388 = tpu.memref_slice %arg2[%min3A_234, %dma_wait3A_387] : memref<60000x128xf32, #tpu.memory_space<hbm>> -> memref<128x128xf32, #tpu.memory_space<hbm>>
    tpu.wait_dma2 semaphore(%arg16 : memref<!tpu.dma_semaphore, #tpu.memory_space<semaphore_mem>>) src(%dma_wait3A_388 : memref<128x128xf32, #tpu.memory_space<hbm>>) dst(%dma_wait3A_386 : memref<128x128xf32, #tpu.memory_space<vmem>>)
    %dma_start3A_389 = arith.constant 2 : i32
    %dma_start3A_390 = arith.constant 2 : i32
    %dma_start3A_391 = arith.constant 0 : i32
    %dma_start3A_392 = arith.constant 0 : i32
    %dma_start3A_393 = tpu.memref_slice %arg7[%dma_start3A_389, %dma_start3A_391, %dma_start3A_392] : memref<5x128x128xf32, #tpu.memory_space<vmem>> -> memref<1x128x128xf32, #tpu.memory_space<vmem>>
    %dma_start3A_394 = tpu.memref_squeeze %dma_start3A_393 : memref<1x128x128xf32, #tpu.memory_space<vmem>> -> memref<128x128xf32, #tpu.memory_space<vmem>>
    %dma_start3A_395 = arith.constant 0 : i32
    %dma_start3A_396 = tpu.memref_slice %arg8[%dma_start3A_390, %dma_start3A_395] : memref<15x128xi32, #tpu.memory_space<vmem>> -> memref<1x128xi32, #tpu.memory_space<vmem>>
    %dma_start3A_397 = tpu.memref_squeeze %dma_start3A_396 : memref<1x128xi32, #tpu.memory_space<vmem>> -> memref<128xi32, #tpu.memory_space<vmem>>
    %dma_start3A_398 = arith.constant 0 : i32
    %dma_start3A_399 = arith.constant 0 : i32
    %dma_start3A_400 = tpu.memref_slice %arg4[%dma_start3A_398, %dma_start3A_399] : memref<286720x128xf32, #tpu.memory_space<hbm>> -> memref<286720x128xf32, #tpu.memory_space<hbm>>
    tpu.enqueue_indirect_dma source(%dma_start3A_394 : memref<128x128xf32, #tpu.memory_space<vmem>>) target(%dma_start3A_400 : memref<286720x128xf32, #tpu.memory_space<hbm>>) offsets(%dma_start3A_397 : memref<128xi32, #tpu.memory_space<vmem>>) semaphore(%arg21 : memref<!tpu.dma_semaphore, #tpu.memory_space<semaphore_mem>>)
    %dma_wait3A_401 = arith.constant 1 : i32
    %dma_wait3A_402 = arith.constant 1 : i32
    %dma_wait3A_403 = arith.constant 0 : i32
    %dma_wait3A_404 = arith.constant 0 : i32
    %dma_wait3A_405 = tpu.memref_slice %arg7[%dma_wait3A_401, %dma_wait3A_403, %dma_wait3A_404] : memref<5x128x128xf32, #tpu.memory_space<vmem>> -> memref<1x128x128xf32, #tpu.memory_space<vmem>>
    %dma_wait3A_406 = tpu.memref_squeeze %dma_wait3A_405 : memref<1x128x128xf32, #tpu.memory_space<vmem>> -> memref<128x128xf32, #tpu.memory_space<vmem>>
    %dma_wait3A_407 = arith.constant 0 : i32
    %dma_wait3A_408 = tpu.memref_slice %arg8[%dma_wait3A_402, %dma_wait3A_407] : memref<15x128xi32, #tpu.memory_space<vmem>> -> memref<1x128xi32, #tpu.memory_space<vmem>>
    %dma_wait3A_409 = tpu.memref_squeeze %dma_wait3A_408 : memref<1x128xi32, #tpu.memory_space<vmem>> -> memref<128xi32, #tpu.memory_space<vmem>>
    %dma_wait3A_410 = arith.constant 0 : i32
    %dma_wait3A_411 = arith.constant 0 : i32
    %dma_wait3A_412 = tpu.memref_slice %arg4[%dma_wait3A_410, %dma_wait3A_411] : memref<286720x128xf32, #tpu.memory_space<hbm>> -> memref<286720x128xf32, #tpu.memory_space<hbm>>
    tpu.wait_indirect_dma semaphore(%arg20 : memref<!tpu.dma_semaphore, #tpu.memory_space<semaphore_mem>>) src(%dma_wait3A_406 : memref<128x128xf32, #tpu.memory_space<vmem>>) dst(%dma_wait3A_412 : memref<286720x128xf32, #tpu.memory_space<hbm>>)
    %sub3A_413 = arith.constant 1 : i32
    %sub3A_414 = arith.subi %select_n3A, %sub3A_413 : i32
    %min3A_415 = arith.constant 6 : i32
    %min3A_416 = arith.minsi %min3A_415, %sub3A_414 : i32
    %mul3A_417 = arith.constant 128 : i32
    %mul3A_418 = arith.muli %min3A_416, %mul3A_417 : i32
    %add3A_419 = arith.addi %mul3A_9, %mul3A_418 : i32
    %min3A_420 = arith.constant 59872 : i32
    %min3A_421 = arith.minsi %add3A_419, %min3A_420 : i32
    %dma_start3A_422 = arith.constant 1 : i32
    %dma_start3A_423 = arith.constant 0 : i32
    %dma_start3A_424 = arith.constant 0 : i32
    %dma_start3A_425 = tpu.memref_slice %arg7[%dma_start3A_422, %dma_start3A_423, %dma_start3A_424] : memref<5x128x128xf32, #tpu.memory_space<vmem>> -> memref<1x128x128xf32, #tpu.memory_space<vmem>>
    %dma_start3A_426 = tpu.memref_squeeze %dma_start3A_425 : memref<1x128x128xf32, #tpu.memory_space<vmem>> -> memref<128x128xf32, #tpu.memory_space<vmem>>
    %dma_start3A_427 = arith.constant 0 : i32
    %dma_start3A_428 = tpu.memref_slice %arg2[%min3A_421, %dma_start3A_427] : memref<60000x128xf32, #tpu.memory_space<hbm>> -> memref<128x128xf32, #tpu.memory_space<hbm>>
    %dma_start3A_429 = arith.constant 0 : i32
    %dma_start3A_430 = arith.constant 0 : i32
    %dma_start3A_431 = tpu.memref_slice %arg7[%dma_start3A_422, %dma_start3A_429, %dma_start3A_430] : memref<5x128x128xf32, #tpu.memory_space<vmem>> -> memref<1x128x128xf32, #tpu.memory_space<vmem>>
    %dma_start3A_432 = tpu.memref_squeeze %dma_start3A_431 : memref<1x128x128xf32, #tpu.memory_space<vmem>> -> memref<128x128xf32, #tpu.memory_space<vmem>>
    %dma_start3A_433 = arith.constant 0 : i32
    %dma_start3A_434 = tpu.memref_slice %arg2[%min3A_421, %dma_start3A_433] : memref<60000x128xf32, #tpu.memory_space<hbm>> -> memref<128x128xf32, #tpu.memory_space<hbm>>
    tpu.enqueue_dma source(%dma_start3A_434 : memref<128x128xf32, #tpu.memory_space<hbm>>) target(%dma_start3A_432 : memref<128x128xf32, #tpu.memory_space<vmem>>) target_semaphore(%arg15 : memref<!tpu.dma_semaphore, #tpu.memory_space<semaphore_mem>>)
    %dma_wait3A_435 = arith.constant 3 : i32
    %dma_wait3A_436 = arith.constant 0 : i32
    %dma_wait3A_437 = arith.constant 0 : i32
    %dma_wait3A_438 = tpu.memref_slice %arg7[%dma_wait3A_435, %dma_wait3A_436, %dma_wait3A_437] : memref<5x128x128xf32, #tpu.memory_space<vmem>> -> memref<1x128x128xf32, #tpu.memory_space<vmem>>
    %dma_wait3A_439 = tpu.memref_squeeze %dma_wait3A_438 : memref<1x128x128xf32, #tpu.memory_space<vmem>> -> memref<128x128xf32, #tpu.memory_space<vmem>>
    %dma_wait3A_440 = arith.constant 0 : i32
    %dma_wait3A_441 = tpu.memref_slice %arg2[%min3A_256, %dma_wait3A_440] : memref<60000x128xf32, #tpu.memory_space<hbm>> -> memref<128x128xf32, #tpu.memory_space<hbm>>
    %dma_wait3A_442 = arith.constant 0 : i32
    %dma_wait3A_443 = arith.constant 0 : i32
    %dma_wait3A_444 = tpu.memref_slice %arg7[%dma_wait3A_435, %dma_wait3A_442, %dma_wait3A_443] : memref<5x128x128xf32, #tpu.memory_space<vmem>> -> memref<1x128x128xf32, #tpu.memory_space<vmem>>
    %dma_wait3A_445 = tpu.memref_squeeze %dma_wait3A_444 : memref<1x128x128xf32, #tpu.memory_space<vmem>> -> memref<128x128xf32, #tpu.memory_space<vmem>>
    %dma_wait3A_446 = arith.constant 0 : i32
    %dma_wait3A_447 = tpu.memref_slice %arg2[%min3A_256, %dma_wait3A_446] : memref<60000x128xf32, #tpu.memory_space<hbm>> -> memref<128x128xf32, #tpu.memory_space<hbm>>
    tpu.wait_dma2 semaphore(%arg17 : memref<!tpu.dma_semaphore, #tpu.memory_space<semaphore_mem>>) src(%dma_wait3A_447 : memref<128x128xf32, #tpu.memory_space<hbm>>) dst(%dma_wait3A_445 : memref<128x128xf32, #tpu.memory_space<vmem>>)
    %dma_start3A_448 = arith.constant 3 : i32
    %dma_start3A_449 = arith.constant 3 : i32
    %dma_start3A_450 = arith.constant 0 : i32
    %dma_start3A_451 = arith.constant 0 : i32
    %dma_start3A_452 = tpu.memref_slice %arg7[%dma_start3A_448, %dma_start3A_450, %dma_start3A_451] : memref<5x128x128xf32, #tpu.memory_space<vmem>> -> memref<1x128x128xf32, #tpu.memory_space<vmem>>
    %dma_start3A_453 = tpu.memref_squeeze %dma_start3A_452 : memref<1x128x128xf32, #tpu.memory_space<vmem>> -> memref<128x128xf32, #tpu.memory_space<vmem>>
    %dma_start3A_454 = arith.constant 0 : i32
    %dma_start3A_455 = tpu.memref_slice %arg8[%dma_start3A_449, %dma_start3A_454] : memref<15x128xi32, #tpu.memory_space<vmem>> -> memref<1x128xi32, #tpu.memory_space<vmem>>
    %dma_start3A_456 = tpu.memref_squeeze %dma_start3A_455 : memref<1x128xi32, #tpu.memory_space<vmem>> -> memref<128xi32, #tpu.memory_space<vmem>>
    %dma_start3A_457 = arith.constant 0 : i32
    %dma_start3A_458 = arith.constant 0 : i32
    %dma_start3A_459 = tpu.memref_slice %arg4[%dma_start3A_457, %dma_start3A_458] : memref<286720x128xf32, #tpu.memory_space<hbm>> -> memref<286720x128xf32, #tpu.memory_space<hbm>>
    tpu.enqueue_indirect_dma source(%dma_start3A_453 : memref<128x128xf32, #tpu.memory_space<vmem>>) target(%dma_start3A_459 : memref<286720x128xf32, #tpu.memory_space<hbm>>) offsets(%dma_start3A_456 : memref<128xi32, #tpu.memory_space<vmem>>) semaphore(%arg22 : memref<!tpu.dma_semaphore, #tpu.memory_space<semaphore_mem>>)
    %dma_wait3A_460 = arith.constant 2 : i32
    %dma_wait3A_461 = arith.constant 2 : i32
    %dma_wait3A_462 = arith.constant 0 : i32
    %dma_wait3A_463 = arith.constant 0 : i32
    %dma_wait3A_464 = tpu.memref_slice %arg7[%dma_wait3A_460, %dma_wait3A_462, %dma_wait3A_463] : memref<5x128x128xf32, #tpu.memory_space<vmem>> -> memref<1x128x128xf32, #tpu.memory_space<vmem>>
    %dma_wait3A_465 = tpu.memref_squeeze %dma_wait3A_464 : memref<1x128x128xf32, #tpu.memory_space<vmem>> -> memref<128x128xf32, #tpu.memory_space<vmem>>
    %dma_wait3A_466 = arith.constant 0 : i32
    %dma_wait3A_467 = tpu.memref_slice %arg8[%dma_wait3A_461, %dma_wait3A_466] : memref<15x128xi32, #tpu.memory_space<vmem>> -> memref<1x128xi32, #tpu.memory_space<vmem>>
    %dma_wait3A_468 = tpu.memref_squeeze %dma_wait3A_467 : memref<1x128xi32, #tpu.memory_space<vmem>> -> memref<128xi32, #tpu.memory_space<vmem>>
    %dma_wait3A_469 = arith.constant 0 : i32
    %dma_wait3A_470 = arith.constant 0 : i32
    %dma_wait3A_471 = tpu.memref_slice %arg4[%dma_wait3A_469, %dma_wait3A_470] : memref<286720x128xf32, #tpu.memory_space<hbm>> -> memref<286720x128xf32, #tpu.memory_space<hbm>>
    tpu.wait_indirect_dma semaphore(%arg21 : memref<!tpu.dma_semaphore, #tpu.memory_space<semaphore_mem>>) src(%dma_wait3A_465 : memref<128x128xf32, #tpu.memory_space<vmem>>) dst(%dma_wait3A_471 : memref<286720x128xf32, #tpu.memory_space<hbm>>)
    %sub3A_472 = arith.constant 1 : i32
    %sub3A_473 = arith.subi %select_n3A, %sub3A_472 : i32
    %min3A_474 = arith.constant 7 : i32
    %min3A_475 = arith.minsi %min3A_474, %sub3A_473 : i32
    %mul3A_476 = arith.constant 128 : i32
    %mul3A_477 = arith.muli %min3A_475, %mul3A_476 : i32
    %add3A_478 = arith.addi %mul3A_9, %mul3A_477 : i32
    %min3A_479 = arith.constant 59872 : i32
    %min3A_480 = arith.minsi %add3A_478, %min3A_479 : i32
    %dma_start3A_481 = arith.constant 2 : i32
    %dma_start3A_482 = arith.constant 0 : i32
    %dma_start3A_483 = arith.constant 0 : i32
    %dma_start3A_484 = tpu.memref_slice %arg7[%dma_start3A_481, %dma_start3A_482, %dma_start3A_483] : memref<5x128x128xf32, #tpu.memory_space<vmem>> -> memref<1x128x128xf32, #tpu.memory_space<vmem>>
    %dma_start3A_485 = tpu.memref_squeeze %dma_start3A_484 : memref<1x128x128xf32, #tpu.memory_space<vmem>> -> memref<128x128xf32, #tpu.memory_space<vmem>>
    %dma_start3A_486 = arith.constant 0 : i32
    %dma_start3A_487 = tpu.memref_slice %arg2[%min3A_480, %dma_start3A_486] : memref<60000x128xf32, #tpu.memory_space<hbm>> -> memref<128x128xf32, #tpu.memory_space<hbm>>
    %dma_start3A_488 = arith.constant 0 : i32
    %dma_start3A_489 = arith.constant 0 : i32
    %dma_start3A_490 = tpu.memref_slice %arg7[%dma_start3A_481, %dma_start3A_488, %dma_start3A_489] : memref<5x128x128xf32, #tpu.memory_space<vmem>> -> memref<1x128x128xf32, #tpu.memory_space<vmem>>
    %dma_start3A_491 = tpu.memref_squeeze %dma_start3A_490 : memref<1x128x128xf32, #tpu.memory_space<vmem>> -> memref<128x128xf32, #tpu.memory_space<vmem>>
    %dma_start3A_492 = arith.constant 0 : i32
    %dma_start3A_493 = tpu.memref_slice %arg2[%min3A_480, %dma_start3A_492] : memref<60000x128xf32, #tpu.memory_space<hbm>> -> memref<128x128xf32, #tpu.memory_space<hbm>>
    tpu.enqueue_dma source(%dma_start3A_493 : memref<128x128xf32, #tpu.memory_space<hbm>>) target(%dma_start3A_491 : memref<128x128xf32, #tpu.memory_space<vmem>>) target_semaphore(%arg16 : memref<!tpu.dma_semaphore, #tpu.memory_space<semaphore_mem>>)
    %dma_wait3A_494 = arith.constant 4 : i32
    %dma_wait3A_495 = arith.constant 0 : i32
    %dma_wait3A_496 = arith.constant 0 : i32
    %dma_wait3A_497 = tpu.memref_slice %arg7[%dma_wait3A_494, %dma_wait3A_495, %dma_wait3A_496] : memref<5x128x128xf32, #tpu.memory_space<vmem>> -> memref<1x128x128xf32, #tpu.memory_space<vmem>>
    %dma_wait3A_498 = tpu.memref_squeeze %dma_wait3A_497 : memref<1x128x128xf32, #tpu.memory_space<vmem>> -> memref<128x128xf32, #tpu.memory_space<vmem>>
    %dma_wait3A_499 = arith.constant 0 : i32
    %dma_wait3A_500 = tpu.memref_slice %arg2[%min3A_303, %dma_wait3A_499] : memref<60000x128xf32, #tpu.memory_space<hbm>> -> memref<128x128xf32, #tpu.memory_space<hbm>>
    %dma_wait3A_501 = arith.constant 0 : i32
    %dma_wait3A_502 = arith.constant 0 : i32
    %dma_wait3A_503 = tpu.memref_slice %arg7[%dma_wait3A_494, %dma_wait3A_501, %dma_wait3A_502] : memref<5x128x128xf32, #tpu.memory_space<vmem>> -> memref<1x128x128xf32, #tpu.memory_space<vmem>>
    %dma_wait3A_504 = tpu.memref_squeeze %dma_wait3A_503 : memref<1x128x128xf32, #tpu.memory_space<vmem>> -> memref<128x128xf32, #tpu.memory_space<vmem>>
    %dma_wait3A_505 = arith.constant 0 : i32
    %dma_wait3A_506 = tpu.memref_slice %arg2[%min3A_303, %dma_wait3A_505] : memref<60000x128xf32, #tpu.memory_space<hbm>> -> memref<128x128xf32, #tpu.memory_space<hbm>>
    tpu.wait_dma2 semaphore(%arg18 : memref<!tpu.dma_semaphore, #tpu.memory_space<semaphore_mem>>) src(%dma_wait3A_506 : memref<128x128xf32, #tpu.memory_space<hbm>>) dst(%dma_wait3A_504 : memref<128x128xf32, #tpu.memory_space<vmem>>)
    %dma_start3A_507 = arith.constant 4 : i32
    %dma_start3A_508 = arith.constant 4 : i32
    %dma_start3A_509 = arith.constant 0 : i32
    %dma_start3A_510 = arith.constant 0 : i32
    %dma_start3A_511 = tpu.memref_slice %arg7[%dma_start3A_507, %dma_start3A_509, %dma_start3A_510] : memref<5x128x128xf32, #tpu.memory_space<vmem>> -> memref<1x128x128xf32, #tpu.memory_space<vmem>>
    %dma_start3A_512 = tpu.memref_squeeze %dma_start3A_511 : memref<1x128x128xf32, #tpu.memory_space<vmem>> -> memref<128x128xf32, #tpu.memory_space<vmem>>
    %dma_start3A_513 = arith.constant 0 : i32
    %dma_start3A_514 = tpu.memref_slice %arg8[%dma_start3A_508, %dma_start3A_513] : memref<15x128xi32, #tpu.memory_space<vmem>> -> memref<1x128xi32, #tpu.memory_space<vmem>>
    %dma_start3A_515 = tpu.memref_squeeze %dma_start3A_514 : memref<1x128xi32, #tpu.memory_space<vmem>> -> memref<128xi32, #tpu.memory_space<vmem>>
    %dma_start3A_516 = arith.constant 0 : i32
    %dma_start3A_517 = arith.constant 0 : i32
    %dma_start3A_518 = tpu.memref_slice %arg4[%dma_start3A_516, %dma_start3A_517] : memref<286720x128xf32, #tpu.memory_space<hbm>> -> memref<286720x128xf32, #tpu.memory_space<hbm>>
    tpu.enqueue_indirect_dma source(%dma_start3A_512 : memref<128x128xf32, #tpu.memory_space<vmem>>) target(%dma_start3A_518 : memref<286720x128xf32, #tpu.memory_space<hbm>>) offsets(%dma_start3A_515 : memref<128xi32, #tpu.memory_space<vmem>>) semaphore(%arg23 : memref<!tpu.dma_semaphore, #tpu.memory_space<semaphore_mem>>)
    %dma_wait3A_519 = arith.constant 3 : i32
    %dma_wait3A_520 = arith.constant 3 : i32
    %dma_wait3A_521 = arith.constant 0 : i32
    %dma_wait3A_522 = arith.constant 0 : i32
    %dma_wait3A_523 = tpu.memref_slice %arg7[%dma_wait3A_519, %dma_wait3A_521, %dma_wait3A_522] : memref<5x128x128xf32, #tpu.memory_space<vmem>> -> memref<1x128x128xf32, #tpu.memory_space<vmem>>
    %dma_wait3A_524 = tpu.memref_squeeze %dma_wait3A_523 : memref<1x128x128xf32, #tpu.memory_space<vmem>> -> memref<128x128xf32, #tpu.memory_space<vmem>>
    %dma_wait3A_525 = arith.constant 0 : i32
    %dma_wait3A_526 = tpu.memref_slice %arg8[%dma_wait3A_520, %dma_wait3A_525] : memref<15x128xi32, #tpu.memory_space<vmem>> -> memref<1x128xi32, #tpu.memory_space<vmem>>
    %dma_wait3A_527 = tpu.memref_squeeze %dma_wait3A_526 : memref<1x128xi32, #tpu.memory_space<vmem>> -> memref<128xi32, #tpu.memory_space<vmem>>
    %dma_wait3A_528 = arith.constant 0 : i32
    %dma_wait3A_529 = arith.constant 0 : i32
    %dma_wait3A_530 = tpu.memref_slice %arg4[%dma_wait3A_528, %dma_wait3A_529] : memref<286720x128xf32, #tpu.memory_space<hbm>> -> memref<286720x128xf32, #tpu.memory_space<hbm>>
    tpu.wait_indirect_dma semaphore(%arg22 : memref<!tpu.dma_semaphore, #tpu.memory_space<semaphore_mem>>) src(%dma_wait3A_524 : memref<128x128xf32, #tpu.memory_space<vmem>>) dst(%dma_wait3A_530 : memref<286720x128xf32, #tpu.memory_space<hbm>>)
    %sub3A_531 = arith.constant 1 : i32
    %sub3A_532 = arith.subi %select_n3A, %sub3A_531 : i32
    %min3A_533 = arith.constant 8 : i32
    %min3A_534 = arith.minsi %min3A_533, %sub3A_532 : i32
    %mul3A_535 = arith.constant 128 : i32
    %mul3A_536 = arith.muli %min3A_534, %mul3A_535 : i32
    %add3A_537 = arith.addi %mul3A_9, %mul3A_536 : i32
    %min3A_538 = arith.constant 59872 : i32
    %min3A_539 = arith.minsi %add3A_537, %min3A_538 : i32
    %dma_start3A_540 = arith.constant 3 : i32
    %dma_start3A_541 = arith.constant 0 : i32
    %dma_start3A_542 = arith.constant 0 : i32
    %dma_start3A_543 = tpu.memref_slice %arg7[%dma_start3A_540, %dma_start3A_541, %dma_start3A_542] : memref<5x128x128xf32, #tpu.memory_space<vmem>> -> memref<1x128x128xf32, #tpu.memory_space<vmem>>
    %dma_start3A_544 = tpu.memref_squeeze %dma_start3A_543 : memref<1x128x128xf32, #tpu.memory_space<vmem>> -> memref<128x128xf32, #tpu.memory_space<vmem>>
    %dma_start3A_545 = arith.constant 0 : i32
    %dma_start3A_546 = tpu.memref_slice %arg2[%min3A_539, %dma_start3A_545] : memref<60000x128xf32, #tpu.memory_space<hbm>> -> memref<128x128xf32, #tpu.memory_space<hbm>>
    %dma_start3A_547 = arith.constant 0 : i32
    %dma_start3A_548 = arith.constant 0 : i32
    %dma_start3A_549 = tpu.memref_slice %arg7[%dma_start3A_540, %dma_start3A_547, %dma_start3A_548] : memref<5x128x128xf32, #tpu.memory_space<vmem>> -> memref<1x128x128xf32, #tpu.memory_space<vmem>>
    %dma_start3A_550 = tpu.memref_squeeze %dma_start3A_549 : memref<1x128x128xf32, #tpu.memory_space<vmem>> -> memref<128x128xf32, #tpu.memory_space<vmem>>
    %dma_start3A_551 = arith.constant 0 : i32
    %dma_start3A_552 = tpu.memref_slice %arg2[%min3A_539, %dma_start3A_551] : memref<60000x128xf32, #tpu.memory_space<hbm>> -> memref<128x128xf32, #tpu.memory_space<hbm>>
    tpu.enqueue_dma source(%dma_start3A_552 : memref<128x128xf32, #tpu.memory_space<hbm>>) target(%dma_start3A_550 : memref<128x128xf32, #tpu.memory_space<vmem>>) target_semaphore(%arg17 : memref<!tpu.dma_semaphore, #tpu.memory_space<semaphore_mem>>)
    %dma_wait3A_553 = arith.constant 0 : i32
    %dma_wait3A_554 = arith.constant 0 : i32
    %dma_wait3A_555 = arith.constant 0 : i32
    %dma_wait3A_556 = tpu.memref_slice %arg7[%dma_wait3A_553, %dma_wait3A_554, %dma_wait3A_555] : memref<5x128x128xf32, #tpu.memory_space<vmem>> -> memref<1x128x128xf32, #tpu.memory_space<vmem>>
    %dma_wait3A_557 = tpu.memref_squeeze %dma_wait3A_556 : memref<1x128x128xf32, #tpu.memory_space<vmem>> -> memref<128x128xf32, #tpu.memory_space<vmem>>
    %dma_wait3A_558 = arith.constant 0 : i32
    %dma_wait3A_559 = tpu.memref_slice %arg2[%min3A_362, %dma_wait3A_558] : memref<60000x128xf32, #tpu.memory_space<hbm>> -> memref<128x128xf32, #tpu.memory_space<hbm>>
    %dma_wait3A_560 = arith.constant 0 : i32
    %dma_wait3A_561 = arith.constant 0 : i32
    %dma_wait3A_562 = tpu.memref_slice %arg7[%dma_wait3A_553, %dma_wait3A_560, %dma_wait3A_561] : memref<5x128x128xf32, #tpu.memory_space<vmem>> -> memref<1x128x128xf32, #tpu.memory_space<vmem>>
    %dma_wait3A_563 = tpu.memref_squeeze %dma_wait3A_562 : memref<1x128x128xf32, #tpu.memory_space<vmem>> -> memref<128x128xf32, #tpu.memory_space<vmem>>
    %dma_wait3A_564 = arith.constant 0 : i32
    %dma_wait3A_565 = tpu.memref_slice %arg2[%min3A_362, %dma_wait3A_564] : memref<60000x128xf32, #tpu.memory_space<hbm>> -> memref<128x128xf32, #tpu.memory_space<hbm>>
    tpu.wait_dma2 semaphore(%arg14 : memref<!tpu.dma_semaphore, #tpu.memory_space<semaphore_mem>>) src(%dma_wait3A_565 : memref<128x128xf32, #tpu.memory_space<hbm>>) dst(%dma_wait3A_563 : memref<128x128xf32, #tpu.memory_space<vmem>>)
    %dma_start3A_566 = arith.constant 0 : i32
    %dma_start3A_567 = arith.constant 5 : i32
    %dma_start3A_568 = arith.constant 0 : i32
    %dma_start3A_569 = arith.constant 0 : i32
    %dma_start3A_570 = tpu.memref_slice %arg7[%dma_start3A_566, %dma_start3A_568, %dma_start3A_569] : memref<5x128x128xf32, #tpu.memory_space<vmem>> -> memref<1x128x128xf32, #tpu.memory_space<vmem>>
    %dma_start3A_571 = tpu.memref_squeeze %dma_start3A_570 : memref<1x128x128xf32, #tpu.memory_space<vmem>> -> memref<128x128xf32, #tpu.memory_space<vmem>>
    %dma_start3A_572 = arith.constant 0 : i32
    %dma_start3A_573 = tpu.memref_slice %arg8[%dma_start3A_567, %dma_start3A_572] : memref<15x128xi32, #tpu.memory_space<vmem>> -> memref<1x128xi32, #tpu.memory_space<vmem>>
    %dma_start3A_574 = tpu.memref_squeeze %dma_start3A_573 : memref<1x128xi32, #tpu.memory_space<vmem>> -> memref<128xi32, #tpu.memory_space<vmem>>
    %dma_start3A_575 = arith.constant 0 : i32
    %dma_start3A_576 = arith.constant 0 : i32
    %dma_start3A_577 = tpu.memref_slice %arg4[%dma_start3A_575, %dma_start3A_576] : memref<286720x128xf32, #tpu.memory_space<hbm>> -> memref<286720x128xf32, #tpu.memory_space<hbm>>
    tpu.enqueue_indirect_dma source(%dma_start3A_571 : memref<128x128xf32, #tpu.memory_space<vmem>>) target(%dma_start3A_577 : memref<286720x128xf32, #tpu.memory_space<hbm>>) offsets(%dma_start3A_574 : memref<128xi32, #tpu.memory_space<vmem>>) semaphore(%arg19 : memref<!tpu.dma_semaphore, #tpu.memory_space<semaphore_mem>>)
    %dma_wait3A_578 = arith.constant 4 : i32
    %dma_wait3A_579 = arith.constant 4 : i32
    %dma_wait3A_580 = arith.constant 0 : i32
    %dma_wait3A_581 = arith.constant 0 : i32
    %dma_wait3A_582 = tpu.memref_slice %arg7[%dma_wait3A_578, %dma_wait3A_580, %dma_wait3A_581] : memref<5x128x128xf32, #tpu.memory_space<vmem>> -> memref<1x128x128xf32, #tpu.memory_space<vmem>>
    %dma_wait3A_583 = tpu.memref_squeeze %dma_wait3A_582 : memref<1x128x128xf32, #tpu.memory_space<vmem>> -> memref<128x128xf32, #tpu.memory_space<vmem>>
    %dma_wait3A_584 = arith.constant 0 : i32
    %dma_wait3A_585 = tpu.memref_slice %arg8[%dma_wait3A_579, %dma_wait3A_584] : memref<15x128xi32, #tpu.memory_space<vmem>> -> memref<1x128xi32, #tpu.memory_space<vmem>>
    %dma_wait3A_586 = tpu.memref_squeeze %dma_wait3A_585 : memref<1x128xi32, #tpu.memory_space<vmem>> -> memref<128xi32, #tpu.memory_space<vmem>>
    %dma_wait3A_587 = arith.constant 0 : i32
    %dma_wait3A_588 = arith.constant 0 : i32
    %dma_wait3A_589 = tpu.memref_slice %arg4[%dma_wait3A_587, %dma_wait3A_588] : memref<286720x128xf32, #tpu.memory_space<hbm>> -> memref<286720x128xf32, #tpu.memory_space<hbm>>
    tpu.wait_indirect_dma semaphore(%arg23 : memref<!tpu.dma_semaphore, #tpu.memory_space<semaphore_mem>>) src(%dma_wait3A_583 : memref<128x128xf32, #tpu.memory_space<vmem>>) dst(%dma_wait3A_589 : memref<286720x128xf32, #tpu.memory_space<hbm>>)
    %sub3A_590 = arith.constant 1 : i32
    %sub3A_591 = arith.subi %select_n3A, %sub3A_590 : i32
    %min3A_592 = arith.constant 9 : i32
    %min3A_593 = arith.minsi %min3A_592, %sub3A_591 : i32
    %mul3A_594 = arith.constant 128 : i32
    %mul3A_595 = arith.muli %min3A_593, %mul3A_594 : i32
    %add3A_596 = arith.addi %mul3A_9, %mul3A_595 : i32
    %min3A_597 = arith.constant 59872 : i32
    %min3A_598 = arith.minsi %add3A_596, %min3A_597 : i32
    %dma_start3A_599 = arith.constant 4 : i32
    %dma_start3A_600 = arith.constant 0 : i32
    %dma_start3A_601 = arith.constant 0 : i32
    %dma_start3A_602 = tpu.memref_slice %arg7[%dma_start3A_599, %dma_start3A_600, %dma_start3A_601] : memref<5x128x128xf32, #tpu.memory_space<vmem>> -> memref<1x128x128xf32, #tpu.memory_space<vmem>>
    %dma_start3A_603 = tpu.memref_squeeze %dma_start3A_602 : memref<1x128x128xf32, #tpu.memory_space<vmem>> -> memref<128x128xf32, #tpu.memory_space<vmem>>
    %dma_start3A_604 = arith.constant 0 : i32
    %dma_start3A_605 = tpu.memref_slice %arg2[%min3A_598, %dma_start3A_604] : memref<60000x128xf32, #tpu.memory_space<hbm>> -> memref<128x128xf32, #tpu.memory_space<hbm>>
    %dma_start3A_606 = arith.constant 0 : i32
    %dma_start3A_607 = arith.constant 0 : i32
    %dma_start3A_608 = tpu.memref_slice %arg7[%dma_start3A_599, %dma_start3A_606, %dma_start3A_607] : memref<5x128x128xf32, #tpu.memory_space<vmem>> -> memref<1x128x128xf32, #tpu.memory_space<vmem>>
    %dma_start3A_609 = tpu.memref_squeeze %dma_start3A_608 : memref<1x128x128xf32, #tpu.memory_space<vmem>> -> memref<128x128xf32, #tpu.memory_space<vmem>>
    %dma_start3A_610 = arith.constant 0 : i32
    %dma_start3A_611 = tpu.memref_slice %arg2[%min3A_598, %dma_start3A_610] : memref<60000x128xf32, #tpu.memory_space<hbm>> -> memref<128x128xf32, #tpu.memory_space<hbm>>
    tpu.enqueue_dma source(%dma_start3A_611 : memref<128x128xf32, #tpu.memory_space<hbm>>) target(%dma_start3A_609 : memref<128x128xf32, #tpu.memory_space<vmem>>) target_semaphore(%arg18 : memref<!tpu.dma_semaphore, #tpu.memory_space<semaphore_mem>>)
    %dma_wait3A_612 = arith.constant 1 : i32
    %dma_wait3A_613 = arith.constant 0 : i32
    %dma_wait3A_614 = arith.constant 0 : i32
    %dma_wait3A_615 = tpu.memref_slice %arg7[%dma_wait3A_612, %dma_wait3A_613, %dma_wait3A_614] : memref<5x128x128xf32, #tpu.memory_space<vmem>> -> memref<1x128x128xf32, #tpu.memory_space<vmem>>
    %dma_wait3A_616 = tpu.memref_squeeze %dma_wait3A_615 : memref<1x128x128xf32, #tpu.memory_space<vmem>> -> memref<128x128xf32, #tpu.memory_space<vmem>>
    %dma_wait3A_617 = arith.constant 0 : i32
    %dma_wait3A_618 = tpu.memref_slice %arg2[%min3A_421, %dma_wait3A_617] : memref<60000x128xf32, #tpu.memory_space<hbm>> -> memref<128x128xf32, #tpu.memory_space<hbm>>
    %dma_wait3A_619 = arith.constant 0 : i32
    %dma_wait3A_620 = arith.constant 0 : i32
    %dma_wait3A_621 = tpu.memref_slice %arg7[%dma_wait3A_612, %dma_wait3A_619, %dma_wait3A_620] : memref<5x128x128xf32, #tpu.memory_space<vmem>> -> memref<1x128x128xf32, #tpu.memory_space<vmem>>
    %dma_wait3A_622 = tpu.memref_squeeze %dma_wait3A_621 : memref<1x128x128xf32, #tpu.memory_space<vmem>> -> memref<128x128xf32, #tpu.memory_space<vmem>>
    %dma_wait3A_623 = arith.constant 0 : i32
    %dma_wait3A_624 = tpu.memref_slice %arg2[%min3A_421, %dma_wait3A_623] : memref<60000x128xf32, #tpu.memory_space<hbm>> -> memref<128x128xf32, #tpu.memory_space<hbm>>
    tpu.wait_dma2 semaphore(%arg15 : memref<!tpu.dma_semaphore, #tpu.memory_space<semaphore_mem>>) src(%dma_wait3A_624 : memref<128x128xf32, #tpu.memory_space<hbm>>) dst(%dma_wait3A_622 : memref<128x128xf32, #tpu.memory_space<vmem>>)
    %dma_start3A_625 = arith.constant 1 : i32
    %dma_start3A_626 = arith.constant 6 : i32
    %dma_start3A_627 = arith.constant 0 : i32
    %dma_start3A_628 = arith.constant 0 : i32
    %dma_start3A_629 = tpu.memref_slice %arg7[%dma_start3A_625, %dma_start3A_627, %dma_start3A_628] : memref<5x128x128xf32, #tpu.memory_space<vmem>> -> memref<1x128x128xf32, #tpu.memory_space<vmem>>
    %dma_start3A_630 = tpu.memref_squeeze %dma_start3A_629 : memref<1x128x128xf32, #tpu.memory_space<vmem>> -> memref<128x128xf32, #tpu.memory_space<vmem>>
    %dma_start3A_631 = arith.constant 0 : i32
    %dma_start3A_632 = tpu.memref_slice %arg8[%dma_start3A_626, %dma_start3A_631] : memref<15x128xi32, #tpu.memory_space<vmem>> -> memref<1x128xi32, #tpu.memory_space<vmem>>
    %dma_start3A_633 = tpu.memref_squeeze %dma_start3A_632 : memref<1x128xi32, #tpu.memory_space<vmem>> -> memref<128xi32, #tpu.memory_space<vmem>>
    %dma_start3A_634 = arith.constant 0 : i32
    %dma_start3A_635 = arith.constant 0 : i32
    %dma_start3A_636 = tpu.memref_slice %arg4[%dma_start3A_634, %dma_start3A_635] : memref<286720x128xf32, #tpu.memory_space<hbm>> -> memref<286720x128xf32, #tpu.memory_space<hbm>>
    tpu.enqueue_indirect_dma source(%dma_start3A_630 : memref<128x128xf32, #tpu.memory_space<vmem>>) target(%dma_start3A_636 : memref<286720x128xf32, #tpu.memory_space<hbm>>) offsets(%dma_start3A_633 : memref<128xi32, #tpu.memory_space<vmem>>) semaphore(%arg20 : memref<!tpu.dma_semaphore, #tpu.memory_space<semaphore_mem>>)
    %dma_wait3A_637 = arith.constant 0 : i32
    %dma_wait3A_638 = arith.constant 5 : i32
    %dma_wait3A_639 = arith.constant 0 : i32
    %dma_wait3A_640 = arith.constant 0 : i32
    %dma_wait3A_641 = tpu.memref_slice %arg7[%dma_wait3A_637, %dma_wait3A_639, %dma_wait3A_640] : memref<5x128x128xf32, #tpu.memory_space<vmem>> -> memref<1x128x128xf32, #tpu.memory_space<vmem>>
    %dma_wait3A_642 = tpu.memref_squeeze %dma_wait3A_641 : memref<1x128x128xf32, #tpu.memory_space<vmem>> -> memref<128x128xf32, #tpu.memory_space<vmem>>
    %dma_wait3A_643 = arith.constant 0 : i32
    %dma_wait3A_644 = tpu.memref_slice %arg8[%dma_wait3A_638, %dma_wait3A_643] : memref<15x128xi32, #tpu.memory_space<vmem>> -> memref<1x128xi32, #tpu.memory_space<vmem>>
    %dma_wait3A_645 = tpu.memref_squeeze %dma_wait3A_644 : memref<1x128xi32, #tpu.memory_space<vmem>> -> memref<128xi32, #tpu.memory_space<vmem>>
    %dma_wait3A_646 = arith.constant 0 : i32
    %dma_wait3A_647 = arith.constant 0 : i32
    %dma_wait3A_648 = tpu.memref_slice %arg4[%dma_wait3A_646, %dma_wait3A_647] : memref<286720x128xf32, #tpu.memory_space<hbm>> -> memref<286720x128xf32, #tpu.memory_space<hbm>>
    tpu.wait_indirect_dma semaphore(%arg19 : memref<!tpu.dma_semaphore, #tpu.memory_space<semaphore_mem>>) src(%dma_wait3A_642 : memref<128x128xf32, #tpu.memory_space<vmem>>) dst(%dma_wait3A_648 : memref<286720x128xf32, #tpu.memory_space<hbm>>)
    %sub3A_649 = arith.constant 1 : i32
    %sub3A_650 = arith.subi %select_n3A, %sub3A_649 : i32
    %min3A_651 = arith.constant 10 : i32
    %min3A_652 = arith.minsi %min3A_651, %sub3A_650 : i32
    %mul3A_653 = arith.constant 128 : i32
    %mul3A_654 = arith.muli %min3A_652, %mul3A_653 : i32
    %add3A_655 = arith.addi %mul3A_9, %mul3A_654 : i32
    %min3A_656 = arith.constant 59872 : i32
    %min3A_657 = arith.minsi %add3A_655, %min3A_656 : i32
    %dma_start3A_658 = arith.constant 0 : i32
    %dma_start3A_659 = arith.constant 0 : i32
    %dma_start3A_660 = arith.constant 0 : i32
    %dma_start3A_661 = tpu.memref_slice %arg7[%dma_start3A_658, %dma_start3A_659, %dma_start3A_660] : memref<5x128x128xf32, #tpu.memory_space<vmem>> -> memref<1x128x128xf32, #tpu.memory_space<vmem>>
    %dma_start3A_662 = tpu.memref_squeeze %dma_start3A_661 : memref<1x128x128xf32, #tpu.memory_space<vmem>> -> memref<128x128xf32, #tpu.memory_space<vmem>>
    %dma_start3A_663 = arith.constant 0 : i32
    %dma_start3A_664 = tpu.memref_slice %arg2[%min3A_657, %dma_start3A_663] : memref<60000x128xf32, #tpu.memory_space<hbm>> -> memref<128x128xf32, #tpu.memory_space<hbm>>
    %dma_start3A_665 = arith.constant 0 : i32
    %dma_start3A_666 = arith.constant 0 : i32
    %dma_start3A_667 = tpu.memref_slice %arg7[%dma_start3A_658, %dma_start3A_665, %dma_start3A_666] : memref<5x128x128xf32, #tpu.memory_space<vmem>> -> memref<1x128x128xf32, #tpu.memory_space<vmem>>
    %dma_start3A_668 = tpu.memref_squeeze %dma_start3A_667 : memref<1x128x128xf32, #tpu.memory_space<vmem>> -> memref<128x128xf32, #tpu.memory_space<vmem>>
    %dma_start3A_669 = arith.constant 0 : i32
    %dma_start3A_670 = tpu.memref_slice %arg2[%min3A_657, %dma_start3A_669] : memref<60000x128xf32, #tpu.memory_space<hbm>> -> memref<128x128xf32, #tpu.memory_space<hbm>>
    tpu.enqueue_dma source(%dma_start3A_670 : memref<128x128xf32, #tpu.memory_space<hbm>>) target(%dma_start3A_668 : memref<128x128xf32, #tpu.memory_space<vmem>>) target_semaphore(%arg14 : memref<!tpu.dma_semaphore, #tpu.memory_space<semaphore_mem>>)
    %dma_wait3A_671 = arith.constant 2 : i32
    %dma_wait3A_672 = arith.constant 0 : i32
    %dma_wait3A_673 = arith.constant 0 : i32
    %dma_wait3A_674 = tpu.memref_slice %arg7[%dma_wait3A_671, %dma_wait3A_672, %dma_wait3A_673] : memref<5x128x128xf32, #tpu.memory_space<vmem>> -> memref<1x128x128xf32, #tpu.memory_space<vmem>>
    %dma_wait3A_675 = tpu.memref_squeeze %dma_wait3A_674 : memref<1x128x128xf32, #tpu.memory_space<vmem>> -> memref<128x128xf32, #tpu.memory_space<vmem>>
    %dma_wait3A_676 = arith.constant 0 : i32
    %dma_wait3A_677 = tpu.memref_slice %arg2[%min3A_480, %dma_wait3A_676] : memref<60000x128xf32, #tpu.memory_space<hbm>> -> memref<128x128xf32, #tpu.memory_space<hbm>>
    %dma_wait3A_678 = arith.constant 0 : i32
    %dma_wait3A_679 = arith.constant 0 : i32
    %dma_wait3A_680 = tpu.memref_slice %arg7[%dma_wait3A_671, %dma_wait3A_678, %dma_wait3A_679] : memref<5x128x128xf32, #tpu.memory_space<vmem>> -> memref<1x128x128xf32, #tpu.memory_space<vmem>>
    %dma_wait3A_681 = tpu.memref_squeeze %dma_wait3A_680 : memref<1x128x128xf32, #tpu.memory_space<vmem>> -> memref<128x128xf32, #tpu.memory_space<vmem>>
    %dma_wait3A_682 = arith.constant 0 : i32
    %dma_wait3A_683 = tpu.memref_slice %arg2[%min3A_480, %dma_wait3A_682] : memref<60000x128xf32, #tpu.memory_space<hbm>> -> memref<128x128xf32, #tpu.memory_space<hbm>>
    tpu.wait_dma2 semaphore(%arg16 : memref<!tpu.dma_semaphore, #tpu.memory_space<semaphore_mem>>) src(%dma_wait3A_683 : memref<128x128xf32, #tpu.memory_space<hbm>>) dst(%dma_wait3A_681 : memref<128x128xf32, #tpu.memory_space<vmem>>)
    %dma_start3A_684 = arith.constant 2 : i32
    %dma_start3A_685 = arith.constant 7 : i32
    %dma_start3A_686 = arith.constant 0 : i32
    %dma_start3A_687 = arith.constant 0 : i32
    %dma_start3A_688 = tpu.memref_slice %arg7[%dma_start3A_684, %dma_start3A_686, %dma_start3A_687] : memref<5x128x128xf32, #tpu.memory_space<vmem>> -> memref<1x128x128xf32, #tpu.memory_space<vmem>>
    %dma_start3A_689 = tpu.memref_squeeze %dma_start3A_688 : memref<1x128x128xf32, #tpu.memory_space<vmem>> -> memref<128x128xf32, #tpu.memory_space<vmem>>
    %dma_start3A_690 = arith.constant 0 : i32
    %dma_start3A_691 = tpu.memref_slice %arg8[%dma_start3A_685, %dma_start3A_690] : memref<15x128xi32, #tpu.memory_space<vmem>> -> memref<1x128xi32, #tpu.memory_space<vmem>>
    %dma_start3A_692 = tpu.memref_squeeze %dma_start3A_691 : memref<1x128xi32, #tpu.memory_space<vmem>> -> memref<128xi32, #tpu.memory_space<vmem>>
    %dma_start3A_693 = arith.constant 0 : i32
    %dma_start3A_694 = arith.constant 0 : i32
    %dma_start3A_695 = tpu.memref_slice %arg4[%dma_start3A_693, %dma_start3A_694] : memref<286720x128xf32, #tpu.memory_space<hbm>> -> memref<286720x128xf32, #tpu.memory_space<hbm>>
    tpu.enqueue_indirect_dma source(%dma_start3A_689 : memref<128x128xf32, #tpu.memory_space<vmem>>) target(%dma_start3A_695 : memref<286720x128xf32, #tpu.memory_space<hbm>>) offsets(%dma_start3A_692 : memref<128xi32, #tpu.memory_space<vmem>>) semaphore(%arg21 : memref<!tpu.dma_semaphore, #tpu.memory_space<semaphore_mem>>)
    %dma_wait3A_696 = arith.constant 1 : i32
    %dma_wait3A_697 = arith.constant 6 : i32
    %dma_wait3A_698 = arith.constant 0 : i32
    %dma_wait3A_699 = arith.constant 0 : i32
    %dma_wait3A_700 = tpu.memref_slice %arg7[%dma_wait3A_696, %dma_wait3A_698, %dma_wait3A_699] : memref<5x128x128xf32, #tpu.memory_space<vmem>> -> memref<1x128x128xf32, #tpu.memory_space<vmem>>
    %dma_wait3A_701 = tpu.memref_squeeze %dma_wait3A_700 : memref<1x128x128xf32, #tpu.memory_space<vmem>> -> memref<128x128xf32, #tpu.memory_space<vmem>>
    %dma_wait3A_702 = arith.constant 0 : i32
    %dma_wait3A_703 = tpu.memref_slice %arg8[%dma_wait3A_697, %dma_wait3A_702] : memref<15x128xi32, #tpu.memory_space<vmem>> -> memref<1x128xi32, #tpu.memory_space<vmem>>
    %dma_wait3A_704 = tpu.memref_squeeze %dma_wait3A_703 : memref<1x128xi32, #tpu.memory_space<vmem>> -> memref<128xi32, #tpu.memory_space<vmem>>
    %dma_wait3A_705 = arith.constant 0 : i32
    %dma_wait3A_706 = arith.constant 0 : i32
    %dma_wait3A_707 = tpu.memref_slice %arg4[%dma_wait3A_705, %dma_wait3A_706] : memref<286720x128xf32, #tpu.memory_space<hbm>> -> memref<286720x128xf32, #tpu.memory_space<hbm>>
    tpu.wait_indirect_dma semaphore(%arg20 : memref<!tpu.dma_semaphore, #tpu.memory_space<semaphore_mem>>) src(%dma_wait3A_701 : memref<128x128xf32, #tpu.memory_space<vmem>>) dst(%dma_wait3A_707 : memref<286720x128xf32, #tpu.memory_space<hbm>>)
    %sub3A_708 = arith.constant 1 : i32
    %sub3A_709 = arith.subi %select_n3A, %sub3A_708 : i32
    %min3A_710 = arith.constant 11 : i32
    %min3A_711 = arith.minsi %min3A_710, %sub3A_709 : i32
    %mul3A_712 = arith.constant 128 : i32
    %mul3A_713 = arith.muli %min3A_711, %mul3A_712 : i32
    %add3A_714 = arith.addi %mul3A_9, %mul3A_713 : i32
    %min3A_715 = arith.constant 59872 : i32
    %min3A_716 = arith.minsi %add3A_714, %min3A_715 : i32
    %dma_start3A_717 = arith.constant 1 : i32
    %dma_start3A_718 = arith.constant 0 : i32
    %dma_start3A_719 = arith.constant 0 : i32
    %dma_start3A_720 = tpu.memref_slice %arg7[%dma_start3A_717, %dma_start3A_718, %dma_start3A_719] : memref<5x128x128xf32, #tpu.memory_space<vmem>> -> memref<1x128x128xf32, #tpu.memory_space<vmem>>
    %dma_start3A_721 = tpu.memref_squeeze %dma_start3A_720 : memref<1x128x128xf32, #tpu.memory_space<vmem>> -> memref<128x128xf32, #tpu.memory_space<vmem>>
    %dma_start3A_722 = arith.constant 0 : i32
    %dma_start3A_723 = tpu.memref_slice %arg2[%min3A_716, %dma_start3A_722] : memref<60000x128xf32, #tpu.memory_space<hbm>> -> memref<128x128xf32, #tpu.memory_space<hbm>>
    %dma_start3A_724 = arith.constant 0 : i32
    %dma_start3A_725 = arith.constant 0 : i32
    %dma_start3A_726 = tpu.memref_slice %arg7[%dma_start3A_717, %dma_start3A_724, %dma_start3A_725] : memref<5x128x128xf32, #tpu.memory_space<vmem>> -> memref<1x128x128xf32, #tpu.memory_space<vmem>>
    %dma_start3A_727 = tpu.memref_squeeze %dma_start3A_726 : memref<1x128x128xf32, #tpu.memory_space<vmem>> -> memref<128x128xf32, #tpu.memory_space<vmem>>
    %dma_start3A_728 = arith.constant 0 : i32
    %dma_start3A_729 = tpu.memref_slice %arg2[%min3A_716, %dma_start3A_728] : memref<60000x128xf32, #tpu.memory_space<hbm>> -> memref<128x128xf32, #tpu.memory_space<hbm>>
    tpu.enqueue_dma source(%dma_start3A_729 : memref<128x128xf32, #tpu.memory_space<hbm>>) target(%dma_start3A_727 : memref<128x128xf32, #tpu.memory_space<vmem>>) target_semaphore(%arg15 : memref<!tpu.dma_semaphore, #tpu.memory_space<semaphore_mem>>)
    %dma_wait3A_730 = arith.constant 3 : i32
    %dma_wait3A_731 = arith.constant 0 : i32
    %dma_wait3A_732 = arith.constant 0 : i32
    %dma_wait3A_733 = tpu.memref_slice %arg7[%dma_wait3A_730, %dma_wait3A_731, %dma_wait3A_732] : memref<5x128x128xf32, #tpu.memory_space<vmem>> -> memref<1x128x128xf32, #tpu.memory_space<vmem>>
    %dma_wait3A_734 = tpu.memref_squeeze %dma_wait3A_733 : memref<1x128x128xf32, #tpu.memory_space<vmem>> -> memref<128x128xf32, #tpu.memory_space<vmem>>
    %dma_wait3A_735 = arith.constant 0 : i32
    %dma_wait3A_736 = tpu.memref_slice %arg2[%min3A_539, %dma_wait3A_735] : memref<60000x128xf32, #tpu.memory_space<hbm>> -> memref<128x128xf32, #tpu.memory_space<hbm>>
    %dma_wait3A_737 = arith.constant 0 : i32
    %dma_wait3A_738 = arith.constant 0 : i32
    %dma_wait3A_739 = tpu.memref_slice %arg7[%dma_wait3A_730, %dma_wait3A_737, %dma_wait3A_738] : memref<5x128x128xf32, #tpu.memory_space<vmem>> -> memref<1x128x128xf32, #tpu.memory_space<vmem>>
    %dma_wait3A_740 = tpu.memref_squeeze %dma_wait3A_739 : memref<1x128x128xf32, #tpu.memory_space<vmem>> -> memref<128x128xf32, #tpu.memory_space<vmem>>
    %dma_wait3A_741 = arith.constant 0 : i32
    %dma_wait3A_742 = tpu.memref_slice %arg2[%min3A_539, %dma_wait3A_741] : memref<60000x128xf32, #tpu.memory_space<hbm>> -> memref<128x128xf32, #tpu.memory_space<hbm>>
    tpu.wait_dma2 semaphore(%arg17 : memref<!tpu.dma_semaphore, #tpu.memory_space<semaphore_mem>>) src(%dma_wait3A_742 : memref<128x128xf32, #tpu.memory_space<hbm>>) dst(%dma_wait3A_740 : memref<128x128xf32, #tpu.memory_space<vmem>>)
    %dma_start3A_743 = arith.constant 3 : i32
    %dma_start3A_744 = arith.constant 8 : i32
    %dma_start3A_745 = arith.constant 0 : i32
    %dma_start3A_746 = arith.constant 0 : i32
    %dma_start3A_747 = tpu.memref_slice %arg7[%dma_start3A_743, %dma_start3A_745, %dma_start3A_746] : memref<5x128x128xf32, #tpu.memory_space<vmem>> -> memref<1x128x128xf32, #tpu.memory_space<vmem>>
    %dma_start3A_748 = tpu.memref_squeeze %dma_start3A_747 : memref<1x128x128xf32, #tpu.memory_space<vmem>> -> memref<128x128xf32, #tpu.memory_space<vmem>>
    %dma_start3A_749 = arith.constant 0 : i32
    %dma_start3A_750 = tpu.memref_slice %arg8[%dma_start3A_744, %dma_start3A_749] : memref<15x128xi32, #tpu.memory_space<vmem>> -> memref<1x128xi32, #tpu.memory_space<vmem>>
    %dma_start3A_751 = tpu.memref_squeeze %dma_start3A_750 : memref<1x128xi32, #tpu.memory_space<vmem>> -> memref<128xi32, #tpu.memory_space<vmem>>
    %dma_start3A_752 = arith.constant 0 : i32
    %dma_start3A_753 = arith.constant 0 : i32
    %dma_start3A_754 = tpu.memref_slice %arg4[%dma_start3A_752, %dma_start3A_753] : memref<286720x128xf32, #tpu.memory_space<hbm>> -> memref<286720x128xf32, #tpu.memory_space<hbm>>
    tpu.enqueue_indirect_dma source(%dma_start3A_748 : memref<128x128xf32, #tpu.memory_space<vmem>>) target(%dma_start3A_754 : memref<286720x128xf32, #tpu.memory_space<hbm>>) offsets(%dma_start3A_751 : memref<128xi32, #tpu.memory_space<vmem>>) semaphore(%arg22 : memref<!tpu.dma_semaphore, #tpu.memory_space<semaphore_mem>>)
    %dma_wait3A_755 = arith.constant 2 : i32
    %dma_wait3A_756 = arith.constant 7 : i32
    %dma_wait3A_757 = arith.constant 0 : i32
    %dma_wait3A_758 = arith.constant 0 : i32
    %dma_wait3A_759 = tpu.memref_slice %arg7[%dma_wait3A_755, %dma_wait3A_757, %dma_wait3A_758] : memref<5x128x128xf32, #tpu.memory_space<vmem>> -> memref<1x128x128xf32, #tpu.memory_space<vmem>>
    %dma_wait3A_760 = tpu.memref_squeeze %dma_wait3A_759 : memref<1x128x128xf32, #tpu.memory_space<vmem>> -> memref<128x128xf32, #tpu.memory_space<vmem>>
    %dma_wait3A_761 = arith.constant 0 : i32
    %dma_wait3A_762 = tpu.memref_slice %arg8[%dma_wait3A_756, %dma_wait3A_761] : memref<15x128xi32, #tpu.memory_space<vmem>> -> memref<1x128xi32, #tpu.memory_space<vmem>>
    %dma_wait3A_763 = tpu.memref_squeeze %dma_wait3A_762 : memref<1x128xi32, #tpu.memory_space<vmem>> -> memref<128xi32, #tpu.memory_space<vmem>>
    %dma_wait3A_764 = arith.constant 0 : i32
    %dma_wait3A_765 = arith.constant 0 : i32
    %dma_wait3A_766 = tpu.memref_slice %arg4[%dma_wait3A_764, %dma_wait3A_765] : memref<286720x128xf32, #tpu.memory_space<hbm>> -> memref<286720x128xf32, #tpu.memory_space<hbm>>
    tpu.wait_indirect_dma semaphore(%arg21 : memref<!tpu.dma_semaphore, #tpu.memory_space<semaphore_mem>>) src(%dma_wait3A_760 : memref<128x128xf32, #tpu.memory_space<vmem>>) dst(%dma_wait3A_766 : memref<286720x128xf32, #tpu.memory_space<hbm>>)
    %sub3A_767 = arith.constant 1 : i32
    %sub3A_768 = arith.subi %select_n3A, %sub3A_767 : i32
    %min3A_769 = arith.constant 12 : i32
    %min3A_770 = arith.minsi %min3A_769, %sub3A_768 : i32
    %mul3A_771 = arith.constant 128 : i32
    %mul3A_772 = arith.muli %min3A_770, %mul3A_771 : i32
    %add3A_773 = arith.addi %mul3A_9, %mul3A_772 : i32
    %min3A_774 = arith.constant 59872 : i32
    %min3A_775 = arith.minsi %add3A_773, %min3A_774 : i32
    %dma_start3A_776 = arith.constant 2 : i32
    %dma_start3A_777 = arith.constant 0 : i32
    %dma_start3A_778 = arith.constant 0 : i32
    %dma_start3A_779 = tpu.memref_slice %arg7[%dma_start3A_776, %dma_start3A_777, %dma_start3A_778] : memref<5x128x128xf32, #tpu.memory_space<vmem>> -> memref<1x128x128xf32, #tpu.memory_space<vmem>>
    %dma_start3A_780 = tpu.memref_squeeze %dma_start3A_779 : memref<1x128x128xf32, #tpu.memory_space<vmem>> -> memref<128x128xf32, #tpu.memory_space<vmem>>
    %dma_start3A_781 = arith.constant 0 : i32
    %dma_start3A_782 = tpu.memref_slice %arg2[%min3A_775, %dma_start3A_781] : memref<60000x128xf32, #tpu.memory_space<hbm>> -> memref<128x128xf32, #tpu.memory_space<hbm>>
    %dma_start3A_783 = arith.constant 0 : i32
    %dma_start3A_784 = arith.constant 0 : i32
    %dma_start3A_785 = tpu.memref_slice %arg7[%dma_start3A_776, %dma_start3A_783, %dma_start3A_784] : memref<5x128x128xf32, #tpu.memory_space<vmem>> -> memref<1x128x128xf32, #tpu.memory_space<vmem>>
    %dma_start3A_786 = tpu.memref_squeeze %dma_start3A_785 : memref<1x128x128xf32, #tpu.memory_space<vmem>> -> memref<128x128xf32, #tpu.memory_space<vmem>>
    %dma_start3A_787 = arith.constant 0 : i32
    %dma_start3A_788 = tpu.memref_slice %arg2[%min3A_775, %dma_start3A_787] : memref<60000x128xf32, #tpu.memory_space<hbm>> -> memref<128x128xf32, #tpu.memory_space<hbm>>
    tpu.enqueue_dma source(%dma_start3A_788 : memref<128x128xf32, #tpu.memory_space<hbm>>) target(%dma_start3A_786 : memref<128x128xf32, #tpu.memory_space<vmem>>) target_semaphore(%arg16 : memref<!tpu.dma_semaphore, #tpu.memory_space<semaphore_mem>>)
    %dma_wait3A_789 = arith.constant 4 : i32
    %dma_wait3A_790 = arith.constant 0 : i32
    %dma_wait3A_791 = arith.constant 0 : i32
    %dma_wait3A_792 = tpu.memref_slice %arg7[%dma_wait3A_789, %dma_wait3A_790, %dma_wait3A_791] : memref<5x128x128xf32, #tpu.memory_space<vmem>> -> memref<1x128x128xf32, #tpu.memory_space<vmem>>
    %dma_wait3A_793 = tpu.memref_squeeze %dma_wait3A_792 : memref<1x128x128xf32, #tpu.memory_space<vmem>> -> memref<128x128xf32, #tpu.memory_space<vmem>>
    %dma_wait3A_794 = arith.constant 0 : i32
    %dma_wait3A_795 = tpu.memref_slice %arg2[%min3A_598, %dma_wait3A_794] : memref<60000x128xf32, #tpu.memory_space<hbm>> -> memref<128x128xf32, #tpu.memory_space<hbm>>
    %dma_wait3A_796 = arith.constant 0 : i32
    %dma_wait3A_797 = arith.constant 0 : i32
    %dma_wait3A_798 = tpu.memref_slice %arg7[%dma_wait3A_789, %dma_wait3A_796, %dma_wait3A_797] : memref<5x128x128xf32, #tpu.memory_space<vmem>> -> memref<1x128x128xf32, #tpu.memory_space<vmem>>
    %dma_wait3A_799 = tpu.memref_squeeze %dma_wait3A_798 : memref<1x128x128xf32, #tpu.memory_space<vmem>> -> memref<128x128xf32, #tpu.memory_space<vmem>>
    %dma_wait3A_800 = arith.constant 0 : i32
    %dma_wait3A_801 = tpu.memref_slice %arg2[%min3A_598, %dma_wait3A_800] : memref<60000x128xf32, #tpu.memory_space<hbm>> -> memref<128x128xf32, #tpu.memory_space<hbm>>
    tpu.wait_dma2 semaphore(%arg18 : memref<!tpu.dma_semaphore, #tpu.memory_space<semaphore_mem>>) src(%dma_wait3A_801 : memref<128x128xf32, #tpu.memory_space<hbm>>) dst(%dma_wait3A_799 : memref<128x128xf32, #tpu.memory_space<vmem>>)
    %dma_start3A_802 = arith.constant 4 : i32
    %dma_start3A_803 = arith.constant 9 : i32
    %dma_start3A_804 = arith.constant 0 : i32
    %dma_start3A_805 = arith.constant 0 : i32
    %dma_start3A_806 = tpu.memref_slice %arg7[%dma_start3A_802, %dma_start3A_804, %dma_start3A_805] : memref<5x128x128xf32, #tpu.memory_space<vmem>> -> memref<1x128x128xf32, #tpu.memory_space<vmem>>
    %dma_start3A_807 = tpu.memref_squeeze %dma_start3A_806 : memref<1x128x128xf32, #tpu.memory_space<vmem>> -> memref<128x128xf32, #tpu.memory_space<vmem>>
    %dma_start3A_808 = arith.constant 0 : i32
    %dma_start3A_809 = tpu.memref_slice %arg8[%dma_start3A_803, %dma_start3A_808] : memref<15x128xi32, #tpu.memory_space<vmem>> -> memref<1x128xi32, #tpu.memory_space<vmem>>
    %dma_start3A_810 = tpu.memref_squeeze %dma_start3A_809 : memref<1x128xi32, #tpu.memory_space<vmem>> -> memref<128xi32, #tpu.memory_space<vmem>>
    %dma_start3A_811 = arith.constant 0 : i32
    %dma_start3A_812 = arith.constant 0 : i32
    %dma_start3A_813 = tpu.memref_slice %arg4[%dma_start3A_811, %dma_start3A_812] : memref<286720x128xf32, #tpu.memory_space<hbm>> -> memref<286720x128xf32, #tpu.memory_space<hbm>>
    tpu.enqueue_indirect_dma source(%dma_start3A_807 : memref<128x128xf32, #tpu.memory_space<vmem>>) target(%dma_start3A_813 : memref<286720x128xf32, #tpu.memory_space<hbm>>) offsets(%dma_start3A_810 : memref<128xi32, #tpu.memory_space<vmem>>) semaphore(%arg23 : memref<!tpu.dma_semaphore, #tpu.memory_space<semaphore_mem>>)
    %dma_wait3A_814 = arith.constant 3 : i32
    %dma_wait3A_815 = arith.constant 8 : i32
    %dma_wait3A_816 = arith.constant 0 : i32
    %dma_wait3A_817 = arith.constant 0 : i32
    %dma_wait3A_818 = tpu.memref_slice %arg7[%dma_wait3A_814, %dma_wait3A_816, %dma_wait3A_817] : memref<5x128x128xf32, #tpu.memory_space<vmem>> -> memref<1x128x128xf32, #tpu.memory_space<vmem>>
    %dma_wait3A_819 = tpu.memref_squeeze %dma_wait3A_818 : memref<1x128x128xf32, #tpu.memory_space<vmem>> -> memref<128x128xf32, #tpu.memory_space<vmem>>
    %dma_wait3A_820 = arith.constant 0 : i32
    %dma_wait3A_821 = tpu.memref_slice %arg8[%dma_wait3A_815, %dma_wait3A_820] : memref<15x128xi32, #tpu.memory_space<vmem>> -> memref<1x128xi32, #tpu.memory_space<vmem>>
    %dma_wait3A_822 = tpu.memref_squeeze %dma_wait3A_821 : memref<1x128xi32, #tpu.memory_space<vmem>> -> memref<128xi32, #tpu.memory_space<vmem>>
    %dma_wait3A_823 = arith.constant 0 : i32
    %dma_wait3A_824 = arith.constant 0 : i32
    %dma_wait3A_825 = tpu.memref_slice %arg4[%dma_wait3A_823, %dma_wait3A_824] : memref<286720x128xf32, #tpu.memory_space<hbm>> -> memref<286720x128xf32, #tpu.memory_space<hbm>>
    tpu.wait_indirect_dma semaphore(%arg22 : memref<!tpu.dma_semaphore, #tpu.memory_space<semaphore_mem>>) src(%dma_wait3A_819 : memref<128x128xf32, #tpu.memory_space<vmem>>) dst(%dma_wait3A_825 : memref<286720x128xf32, #tpu.memory_space<hbm>>)
    %sub3A_826 = arith.constant 1 : i32
    %sub3A_827 = arith.subi %select_n3A, %sub3A_826 : i32
    %min3A_828 = arith.constant 13 : i32
    %min3A_829 = arith.minsi %min3A_828, %sub3A_827 : i32
    %mul3A_830 = arith.constant 128 : i32
    %mul3A_831 = arith.muli %min3A_829, %mul3A_830 : i32
    %add3A_832 = arith.addi %mul3A_9, %mul3A_831 : i32
    %min3A_833 = arith.constant 59872 : i32
    %min3A_834 = arith.minsi %add3A_832, %min3A_833 : i32
    %dma_start3A_835 = arith.constant 3 : i32
    %dma_start3A_836 = arith.constant 0 : i32
    %dma_start3A_837 = arith.constant 0 : i32
    %dma_start3A_838 = tpu.memref_slice %arg7[%dma_start3A_835, %dma_start3A_836, %dma_start3A_837] : memref<5x128x128xf32, #tpu.memory_space<vmem>> -> memref<1x128x128xf32, #tpu.memory_space<vmem>>
    %dma_start3A_839 = tpu.memref_squeeze %dma_start3A_838 : memref<1x128x128xf32, #tpu.memory_space<vmem>> -> memref<128x128xf32, #tpu.memory_space<vmem>>
    %dma_start3A_840 = arith.constant 0 : i32
    %dma_start3A_841 = tpu.memref_slice %arg2[%min3A_834, %dma_start3A_840] : memref<60000x128xf32, #tpu.memory_space<hbm>> -> memref<128x128xf32, #tpu.memory_space<hbm>>
    %dma_start3A_842 = arith.constant 0 : i32
    %dma_start3A_843 = arith.constant 0 : i32
    %dma_start3A_844 = tpu.memref_slice %arg7[%dma_start3A_835, %dma_start3A_842, %dma_start3A_843] : memref<5x128x128xf32, #tpu.memory_space<vmem>> -> memref<1x128x128xf32, #tpu.memory_space<vmem>>
    %dma_start3A_845 = tpu.memref_squeeze %dma_start3A_844 : memref<1x128x128xf32, #tpu.memory_space<vmem>> -> memref<128x128xf32, #tpu.memory_space<vmem>>
    %dma_start3A_846 = arith.constant 0 : i32
    %dma_start3A_847 = tpu.memref_slice %arg2[%min3A_834, %dma_start3A_846] : memref<60000x128xf32, #tpu.memory_space<hbm>> -> memref<128x128xf32, #tpu.memory_space<hbm>>
    tpu.enqueue_dma source(%dma_start3A_847 : memref<128x128xf32, #tpu.memory_space<hbm>>) target(%dma_start3A_845 : memref<128x128xf32, #tpu.memory_space<vmem>>) target_semaphore(%arg17 : memref<!tpu.dma_semaphore, #tpu.memory_space<semaphore_mem>>)
    %dma_wait3A_848 = arith.constant 0 : i32
    %dma_wait3A_849 = arith.constant 0 : i32
    %dma_wait3A_850 = arith.constant 0 : i32
    %dma_wait3A_851 = tpu.memref_slice %arg7[%dma_wait3A_848, %dma_wait3A_849, %dma_wait3A_850] : memref<5x128x128xf32, #tpu.memory_space<vmem>> -> memref<1x128x128xf32, #tpu.memory_space<vmem>>
    %dma_wait3A_852 = tpu.memref_squeeze %dma_wait3A_851 : memref<1x128x128xf32, #tpu.memory_space<vmem>> -> memref<128x128xf32, #tpu.memory_space<vmem>>
    %dma_wait3A_853 = arith.constant 0 : i32
    %dma_wait3A_854 = tpu.memref_slice %arg2[%min3A_657, %dma_wait3A_853] : memref<60000x128xf32, #tpu.memory_space<hbm>> -> memref<128x128xf32, #tpu.memory_space<hbm>>
    %dma_wait3A_855 = arith.constant 0 : i32
    %dma_wait3A_856 = arith.constant 0 : i32
    %dma_wait3A_857 = tpu.memref_slice %arg7[%dma_wait3A_848, %dma_wait3A_855, %dma_wait3A_856] : memref<5x128x128xf32, #tpu.memory_space<vmem>> -> memref<1x128x128xf32, #tpu.memory_space<vmem>>
    %dma_wait3A_858 = tpu.memref_squeeze %dma_wait3A_857 : memref<1x128x128xf32, #tpu.memory_space<vmem>> -> memref<128x128xf32, #tpu.memory_space<vmem>>
    %dma_wait3A_859 = arith.constant 0 : i32
    %dma_wait3A_860 = tpu.memref_slice %arg2[%min3A_657, %dma_wait3A_859] : memref<60000x128xf32, #tpu.memory_space<hbm>> -> memref<128x128xf32, #tpu.memory_space<hbm>>
    tpu.wait_dma2 semaphore(%arg14 : memref<!tpu.dma_semaphore, #tpu.memory_space<semaphore_mem>>) src(%dma_wait3A_860 : memref<128x128xf32, #tpu.memory_space<hbm>>) dst(%dma_wait3A_858 : memref<128x128xf32, #tpu.memory_space<vmem>>)
    %dma_start3A_861 = arith.constant 0 : i32
    %dma_start3A_862 = arith.constant 10 : i32
    %dma_start3A_863 = arith.constant 0 : i32
    %dma_start3A_864 = arith.constant 0 : i32
    %dma_start3A_865 = tpu.memref_slice %arg7[%dma_start3A_861, %dma_start3A_863, %dma_start3A_864] : memref<5x128x128xf32, #tpu.memory_space<vmem>> -> memref<1x128x128xf32, #tpu.memory_space<vmem>>
    %dma_start3A_866 = tpu.memref_squeeze %dma_start3A_865 : memref<1x128x128xf32, #tpu.memory_space<vmem>> -> memref<128x128xf32, #tpu.memory_space<vmem>>
    %dma_start3A_867 = arith.constant 0 : i32
    %dma_start3A_868 = tpu.memref_slice %arg8[%dma_start3A_862, %dma_start3A_867] : memref<15x128xi32, #tpu.memory_space<vmem>> -> memref<1x128xi32, #tpu.memory_space<vmem>>
    %dma_start3A_869 = tpu.memref_squeeze %dma_start3A_868 : memref<1x128xi32, #tpu.memory_space<vmem>> -> memref<128xi32, #tpu.memory_space<vmem>>
    %dma_start3A_870 = arith.constant 0 : i32
    %dma_start3A_871 = arith.constant 0 : i32
    %dma_start3A_872 = tpu.memref_slice %arg4[%dma_start3A_870, %dma_start3A_871] : memref<286720x128xf32, #tpu.memory_space<hbm>> -> memref<286720x128xf32, #tpu.memory_space<hbm>>
    tpu.enqueue_indirect_dma source(%dma_start3A_866 : memref<128x128xf32, #tpu.memory_space<vmem>>) target(%dma_start3A_872 : memref<286720x128xf32, #tpu.memory_space<hbm>>) offsets(%dma_start3A_869 : memref<128xi32, #tpu.memory_space<vmem>>) semaphore(%arg19 : memref<!tpu.dma_semaphore, #tpu.memory_space<semaphore_mem>>)
    %dma_wait3A_873 = arith.constant 4 : i32
    %dma_wait3A_874 = arith.constant 9 : i32
    %dma_wait3A_875 = arith.constant 0 : i32
    %dma_wait3A_876 = arith.constant 0 : i32
    %dma_wait3A_877 = tpu.memref_slice %arg7[%dma_wait3A_873, %dma_wait3A_875, %dma_wait3A_876] : memref<5x128x128xf32, #tpu.memory_space<vmem>> -> memref<1x128x128xf32, #tpu.memory_space<vmem>>
    %dma_wait3A_878 = tpu.memref_squeeze %dma_wait3A_877 : memref<1x128x128xf32, #tpu.memory_space<vmem>> -> memref<128x128xf32, #tpu.memory_space<vmem>>
    %dma_wait3A_879 = arith.constant 0 : i32
    %dma_wait3A_880 = tpu.memref_slice %arg8[%dma_wait3A_874, %dma_wait3A_879] : memref<15x128xi32, #tpu.memory_space<vmem>> -> memref<1x128xi32, #tpu.memory_space<vmem>>
    %dma_wait3A_881 = tpu.memref_squeeze %dma_wait3A_880 : memref<1x128xi32, #tpu.memory_space<vmem>> -> memref<128xi32, #tpu.memory_space<vmem>>
    %dma_wait3A_882 = arith.constant 0 : i32
    %dma_wait3A_883 = arith.constant 0 : i32
    %dma_wait3A_884 = tpu.memref_slice %arg4[%dma_wait3A_882, %dma_wait3A_883] : memref<286720x128xf32, #tpu.memory_space<hbm>> -> memref<286720x128xf32, #tpu.memory_space<hbm>>
    tpu.wait_indirect_dma semaphore(%arg23 : memref<!tpu.dma_semaphore, #tpu.memory_space<semaphore_mem>>) src(%dma_wait3A_878 : memref<128x128xf32, #tpu.memory_space<vmem>>) dst(%dma_wait3A_884 : memref<286720x128xf32, #tpu.memory_space<hbm>>)
    %sub3A_885 = arith.constant 1 : i32
    %sub3A_886 = arith.subi %select_n3A, %sub3A_885 : i32
    %min3A_887 = arith.constant 14 : i32
    %min3A_888 = arith.minsi %min3A_887, %sub3A_886 : i32
    %mul3A_889 = arith.constant 128 : i32
    %mul3A_890 = arith.muli %min3A_888, %mul3A_889 : i32
    %add3A_891 = arith.addi %mul3A_9, %mul3A_890 : i32
    %min3A_892 = arith.constant 59872 : i32
    %min3A_893 = arith.minsi %add3A_891, %min3A_892 : i32
    %dma_start3A_894 = arith.constant 4 : i32
    %dma_start3A_895 = arith.constant 0 : i32
    %dma_start3A_896 = arith.constant 0 : i32
    %dma_start3A_897 = tpu.memref_slice %arg7[%dma_start3A_894, %dma_start3A_895, %dma_start3A_896] : memref<5x128x128xf32, #tpu.memory_space<vmem>> -> memref<1x128x128xf32, #tpu.memory_space<vmem>>
    %dma_start3A_898 = tpu.memref_squeeze %dma_start3A_897 : memref<1x128x128xf32, #tpu.memory_space<vmem>> -> memref<128x128xf32, #tpu.memory_space<vmem>>
    %dma_start3A_899 = arith.constant 0 : i32
    %dma_start3A_900 = tpu.memref_slice %arg2[%min3A_893, %dma_start3A_899] : memref<60000x128xf32, #tpu.memory_space<hbm>> -> memref<128x128xf32, #tpu.memory_space<hbm>>
    %dma_start3A_901 = arith.constant 0 : i32
    %dma_start3A_902 = arith.constant 0 : i32
    %dma_start3A_903 = tpu.memref_slice %arg7[%dma_start3A_894, %dma_start3A_901, %dma_start3A_902] : memref<5x128x128xf32, #tpu.memory_space<vmem>> -> memref<1x128x128xf32, #tpu.memory_space<vmem>>
    %dma_start3A_904 = tpu.memref_squeeze %dma_start3A_903 : memref<1x128x128xf32, #tpu.memory_space<vmem>> -> memref<128x128xf32, #tpu.memory_space<vmem>>
    %dma_start3A_905 = arith.constant 0 : i32
    %dma_start3A_906 = tpu.memref_slice %arg2[%min3A_893, %dma_start3A_905] : memref<60000x128xf32, #tpu.memory_space<hbm>> -> memref<128x128xf32, #tpu.memory_space<hbm>>
    tpu.enqueue_dma source(%dma_start3A_906 : memref<128x128xf32, #tpu.memory_space<hbm>>) target(%dma_start3A_904 : memref<128x128xf32, #tpu.memory_space<vmem>>) target_semaphore(%arg18 : memref<!tpu.dma_semaphore, #tpu.memory_space<semaphore_mem>>)
    %dma_wait3A_907 = arith.constant 1 : i32
    %dma_wait3A_908 = arith.constant 0 : i32
    %dma_wait3A_909 = arith.constant 0 : i32
    %dma_wait3A_910 = tpu.memref_slice %arg7[%dma_wait3A_907, %dma_wait3A_908, %dma_wait3A_909] : memref<5x128x128xf32, #tpu.memory_space<vmem>> -> memref<1x128x128xf32, #tpu.memory_space<vmem>>
    %dma_wait3A_911 = tpu.memref_squeeze %dma_wait3A_910 : memref<1x128x128xf32, #tpu.memory_space<vmem>> -> memref<128x128xf32, #tpu.memory_space<vmem>>
    %dma_wait3A_912 = arith.constant 0 : i32
    %dma_wait3A_913 = tpu.memref_slice %arg2[%min3A_716, %dma_wait3A_912] : memref<60000x128xf32, #tpu.memory_space<hbm>> -> memref<128x128xf32, #tpu.memory_space<hbm>>
    %dma_wait3A_914 = arith.constant 0 : i32
    %dma_wait3A_915 = arith.constant 0 : i32
    %dma_wait3A_916 = tpu.memref_slice %arg7[%dma_wait3A_907, %dma_wait3A_914, %dma_wait3A_915] : memref<5x128x128xf32, #tpu.memory_space<vmem>> -> memref<1x128x128xf32, #tpu.memory_space<vmem>>
    %dma_wait3A_917 = tpu.memref_squeeze %dma_wait3A_916 : memref<1x128x128xf32, #tpu.memory_space<vmem>> -> memref<128x128xf32, #tpu.memory_space<vmem>>
    %dma_wait3A_918 = arith.constant 0 : i32
    %dma_wait3A_919 = tpu.memref_slice %arg2[%min3A_716, %dma_wait3A_918] : memref<60000x128xf32, #tpu.memory_space<hbm>> -> memref<128x128xf32, #tpu.memory_space<hbm>>
    tpu.wait_dma2 semaphore(%arg15 : memref<!tpu.dma_semaphore, #tpu.memory_space<semaphore_mem>>) src(%dma_wait3A_919 : memref<128x128xf32, #tpu.memory_space<hbm>>) dst(%dma_wait3A_917 : memref<128x128xf32, #tpu.memory_space<vmem>>)
    %dma_start3A_920 = arith.constant 1 : i32
    %dma_start3A_921 = arith.constant 11 : i32
    %dma_start3A_922 = arith.constant 0 : i32
    %dma_start3A_923 = arith.constant 0 : i32
    %dma_start3A_924 = tpu.memref_slice %arg7[%dma_start3A_920, %dma_start3A_922, %dma_start3A_923] : memref<5x128x128xf32, #tpu.memory_space<vmem>> -> memref<1x128x128xf32, #tpu.memory_space<vmem>>
    %dma_start3A_925 = tpu.memref_squeeze %dma_start3A_924 : memref<1x128x128xf32, #tpu.memory_space<vmem>> -> memref<128x128xf32, #tpu.memory_space<vmem>>
    %dma_start3A_926 = arith.constant 0 : i32
    %dma_start3A_927 = tpu.memref_slice %arg8[%dma_start3A_921, %dma_start3A_926] : memref<15x128xi32, #tpu.memory_space<vmem>> -> memref<1x128xi32, #tpu.memory_space<vmem>>
    %dma_start3A_928 = tpu.memref_squeeze %dma_start3A_927 : memref<1x128xi32, #tpu.memory_space<vmem>> -> memref<128xi32, #tpu.memory_space<vmem>>
    %dma_start3A_929 = arith.constant 0 : i32
    %dma_start3A_930 = arith.constant 0 : i32
    %dma_start3A_931 = tpu.memref_slice %arg4[%dma_start3A_929, %dma_start3A_930] : memref<286720x128xf32, #tpu.memory_space<hbm>> -> memref<286720x128xf32, #tpu.memory_space<hbm>>
    tpu.enqueue_indirect_dma source(%dma_start3A_925 : memref<128x128xf32, #tpu.memory_space<vmem>>) target(%dma_start3A_931 : memref<286720x128xf32, #tpu.memory_space<hbm>>) offsets(%dma_start3A_928 : memref<128xi32, #tpu.memory_space<vmem>>) semaphore(%arg20 : memref<!tpu.dma_semaphore, #tpu.memory_space<semaphore_mem>>)
    %dma_wait3A_932 = arith.constant 2 : i32
    %dma_wait3A_933 = arith.constant 0 : i32
    %dma_wait3A_934 = arith.constant 0 : i32
    %dma_wait3A_935 = tpu.memref_slice %arg7[%dma_wait3A_932, %dma_wait3A_933, %dma_wait3A_934] : memref<5x128x128xf32, #tpu.memory_space<vmem>> -> memref<1x128x128xf32, #tpu.memory_space<vmem>>
    %dma_wait3A_936 = tpu.memref_squeeze %dma_wait3A_935 : memref<1x128x128xf32, #tpu.memory_space<vmem>> -> memref<128x128xf32, #tpu.memory_space<vmem>>
    %dma_wait3A_937 = arith.constant 0 : i32
    %dma_wait3A_938 = tpu.memref_slice %arg2[%min3A_775, %dma_wait3A_937] : memref<60000x128xf32, #tpu.memory_space<hbm>> -> memref<128x128xf32, #tpu.memory_space<hbm>>
    %dma_wait3A_939 = arith.constant 0 : i32
    %dma_wait3A_940 = arith.constant 0 : i32
    %dma_wait3A_941 = tpu.memref_slice %arg7[%dma_wait3A_932, %dma_wait3A_939, %dma_wait3A_940] : memref<5x128x128xf32, #tpu.memory_space<vmem>> -> memref<1x128x128xf32, #tpu.memory_space<vmem>>
    %dma_wait3A_942 = tpu.memref_squeeze %dma_wait3A_941 : memref<1x128x128xf32, #tpu.memory_space<vmem>> -> memref<128x128xf32, #tpu.memory_space<vmem>>
    %dma_wait3A_943 = arith.constant 0 : i32
    %dma_wait3A_944 = tpu.memref_slice %arg2[%min3A_775, %dma_wait3A_943] : memref<60000x128xf32, #tpu.memory_space<hbm>> -> memref<128x128xf32, #tpu.memory_space<hbm>>
    tpu.wait_dma2 semaphore(%arg16 : memref<!tpu.dma_semaphore, #tpu.memory_space<semaphore_mem>>) src(%dma_wait3A_944 : memref<128x128xf32, #tpu.memory_space<hbm>>) dst(%dma_wait3A_942 : memref<128x128xf32, #tpu.memory_space<vmem>>)
    %dma_start3A_945 = arith.constant 2 : i32
    %dma_start3A_946 = arith.constant 12 : i32
    %dma_start3A_947 = arith.constant 0 : i32
    %dma_start3A_948 = arith.constant 0 : i32
    %dma_start3A_949 = tpu.memref_slice %arg7[%dma_start3A_945, %dma_start3A_947, %dma_start3A_948] : memref<5x128x128xf32, #tpu.memory_space<vmem>> -> memref<1x128x128xf32, #tpu.memory_space<vmem>>
    %dma_start3A_950 = tpu.memref_squeeze %dma_start3A_949 : memref<1x128x128xf32, #tpu.memory_space<vmem>> -> memref<128x128xf32, #tpu.memory_space<vmem>>
    %dma_start3A_951 = arith.constant 0 : i32
    %dma_start3A_952 = tpu.memref_slice %arg8[%dma_start3A_946, %dma_start3A_951] : memref<15x128xi32, #tpu.memory_space<vmem>> -> memref<1x128xi32, #tpu.memory_space<vmem>>
    %dma_start3A_953 = tpu.memref_squeeze %dma_start3A_952 : memref<1x128xi32, #tpu.memory_space<vmem>> -> memref<128xi32, #tpu.memory_space<vmem>>
    %dma_start3A_954 = arith.constant 0 : i32
    %dma_start3A_955 = arith.constant 0 : i32
    %dma_start3A_956 = tpu.memref_slice %arg4[%dma_start3A_954, %dma_start3A_955] : memref<286720x128xf32, #tpu.memory_space<hbm>> -> memref<286720x128xf32, #tpu.memory_space<hbm>>
    tpu.enqueue_indirect_dma source(%dma_start3A_950 : memref<128x128xf32, #tpu.memory_space<vmem>>) target(%dma_start3A_956 : memref<286720x128xf32, #tpu.memory_space<hbm>>) offsets(%dma_start3A_953 : memref<128xi32, #tpu.memory_space<vmem>>) semaphore(%arg21 : memref<!tpu.dma_semaphore, #tpu.memory_space<semaphore_mem>>)
    %dma_wait3A_957 = arith.constant 3 : i32
    %dma_wait3A_958 = arith.constant 0 : i32
    %dma_wait3A_959 = arith.constant 0 : i32
    %dma_wait3A_960 = tpu.memref_slice %arg7[%dma_wait3A_957, %dma_wait3A_958, %dma_wait3A_959] : memref<5x128x128xf32, #tpu.memory_space<vmem>> -> memref<1x128x128xf32, #tpu.memory_space<vmem>>
    %dma_wait3A_961 = tpu.memref_squeeze %dma_wait3A_960 : memref<1x128x128xf32, #tpu.memory_space<vmem>> -> memref<128x128xf32, #tpu.memory_space<vmem>>
    %dma_wait3A_962 = arith.constant 0 : i32
    %dma_wait3A_963 = tpu.memref_slice %arg2[%min3A_834, %dma_wait3A_962] : memref<60000x128xf32, #tpu.memory_space<hbm>> -> memref<128x128xf32, #tpu.memory_space<hbm>>
    %dma_wait3A_964 = arith.constant 0 : i32
    %dma_wait3A_965 = arith.constant 0 : i32
    %dma_wait3A_966 = tpu.memref_slice %arg7[%dma_wait3A_957, %dma_wait3A_964, %dma_wait3A_965] : memref<5x128x128xf32, #tpu.memory_space<vmem>> -> memref<1x128x128xf32, #tpu.memory_space<vmem>>
    %dma_wait3A_967 = tpu.memref_squeeze %dma_wait3A_966 : memref<1x128x128xf32, #tpu.memory_space<vmem>> -> memref<128x128xf32, #tpu.memory_space<vmem>>
    %dma_wait3A_968 = arith.constant 0 : i32
    %dma_wait3A_969 = tpu.memref_slice %arg2[%min3A_834, %dma_wait3A_968] : memref<60000x128xf32, #tpu.memory_space<hbm>> -> memref<128x128xf32, #tpu.memory_space<hbm>>
    tpu.wait_dma2 semaphore(%arg17 : memref<!tpu.dma_semaphore, #tpu.memory_space<semaphore_mem>>) src(%dma_wait3A_969 : memref<128x128xf32, #tpu.memory_space<hbm>>) dst(%dma_wait3A_967 : memref<128x128xf32, #tpu.memory_space<vmem>>)
    %dma_start3A_970 = arith.constant 3 : i32
    %dma_start3A_971 = arith.constant 13 : i32
    %dma_start3A_972 = arith.constant 0 : i32
    %dma_start3A_973 = arith.constant 0 : i32
    %dma_start3A_974 = tpu.memref_slice %arg7[%dma_start3A_970, %dma_start3A_972, %dma_start3A_973] : memref<5x128x128xf32, #tpu.memory_space<vmem>> -> memref<1x128x128xf32, #tpu.memory_space<vmem>>
    %dma_start3A_975 = tpu.memref_squeeze %dma_start3A_974 : memref<1x128x128xf32, #tpu.memory_space<vmem>> -> memref<128x128xf32, #tpu.memory_space<vmem>>
    %dma_start3A_976 = arith.constant 0 : i32
    %dma_start3A_977 = tpu.memref_slice %arg8[%dma_start3A_971, %dma_start3A_976] : memref<15x128xi32, #tpu.memory_space<vmem>> -> memref<1x128xi32, #tpu.memory_space<vmem>>
    %dma_start3A_978 = tpu.memref_squeeze %dma_start3A_977 : memref<1x128xi32, #tpu.memory_space<vmem>> -> memref<128xi32, #tpu.memory_space<vmem>>
    %dma_start3A_979 = arith.constant 0 : i32
    %dma_start3A_980 = arith.constant 0 : i32
    %dma_start3A_981 = tpu.memref_slice %arg4[%dma_start3A_979, %dma_start3A_980] : memref<286720x128xf32, #tpu.memory_space<hbm>> -> memref<286720x128xf32, #tpu.memory_space<hbm>>
    tpu.enqueue_indirect_dma source(%dma_start3A_975 : memref<128x128xf32, #tpu.memory_space<vmem>>) target(%dma_start3A_981 : memref<286720x128xf32, #tpu.memory_space<hbm>>) offsets(%dma_start3A_978 : memref<128xi32, #tpu.memory_space<vmem>>) semaphore(%arg22 : memref<!tpu.dma_semaphore, #tpu.memory_space<semaphore_mem>>)
    %dma_wait3A_982 = arith.constant 4 : i32
    %dma_wait3A_983 = arith.constant 0 : i32
    %dma_wait3A_984 = arith.constant 0 : i32
    %dma_wait3A_985 = tpu.memref_slice %arg7[%dma_wait3A_982, %dma_wait3A_983, %dma_wait3A_984] : memref<5x128x128xf32, #tpu.memory_space<vmem>> -> memref<1x128x128xf32, #tpu.memory_space<vmem>>
    %dma_wait3A_986 = tpu.memref_squeeze %dma_wait3A_985 : memref<1x128x128xf32, #tpu.memory_space<vmem>> -> memref<128x128xf32, #tpu.memory_space<vmem>>
    %dma_wait3A_987 = arith.constant 0 : i32
    %dma_wait3A_988 = tpu.memref_slice %arg2[%min3A_893, %dma_wait3A_987] : memref<60000x128xf32, #tpu.memory_space<hbm>> -> memref<128x128xf32, #tpu.memory_space<hbm>>
    %dma_wait3A_989 = arith.constant 0 : i32
    %dma_wait3A_990 = arith.constant 0 : i32
    %dma_wait3A_991 = tpu.memref_slice %arg7[%dma_wait3A_982, %dma_wait3A_989, %dma_wait3A_990] : memref<5x128x128xf32, #tpu.memory_space<vmem>> -> memref<1x128x128xf32, #tpu.memory_space<vmem>>
    %dma_wait3A_992 = tpu.memref_squeeze %dma_wait3A_991 : memref<1x128x128xf32, #tpu.memory_space<vmem>> -> memref<128x128xf32, #tpu.memory_space<vmem>>
    %dma_wait3A_993 = arith.constant 0 : i32
    %dma_wait3A_994 = tpu.memref_slice %arg2[%min3A_893, %dma_wait3A_993] : memref<60000x128xf32, #tpu.memory_space<hbm>> -> memref<128x128xf32, #tpu.memory_space<hbm>>
    tpu.wait_dma2 semaphore(%arg18 : memref<!tpu.dma_semaphore, #tpu.memory_space<semaphore_mem>>) src(%dma_wait3A_994 : memref<128x128xf32, #tpu.memory_space<hbm>>) dst(%dma_wait3A_992 : memref<128x128xf32, #tpu.memory_space<vmem>>)
    %dma_start3A_995 = arith.constant 4 : i32
    %dma_start3A_996 = arith.constant 14 : i32
    %dma_start3A_997 = arith.constant 0 : i32
    %dma_start3A_998 = arith.constant 0 : i32
    %dma_start3A_999 = tpu.memref_slice %arg7[%dma_start3A_995, %dma_start3A_997, %dma_start3A_998] : memref<5x128x128xf32, #tpu.memory_space<vmem>> -> memref<1x128x128xf32, #tpu.memory_space<vmem>>
    %dma_start3A_1000 = tpu.memref_squeeze %dma_start3A_999 : memref<1x128x128xf32, #tpu.memory_space<vmem>> -> memref<128x128xf32, #tpu.memory_space<vmem>>
    %dma_start3A_1001 = arith.constant 0 : i32
    %dma_start3A_1002 = tpu.memref_slice %arg8[%dma_start3A_996, %dma_start3A_1001] : memref<15x128xi32, #tpu.memory_space<vmem>> -> memref<1x128xi32, #tpu.memory_space<vmem>>
    %dma_start3A_1003 = tpu.memref_squeeze %dma_start3A_1002 : memref<1x128xi32, #tpu.memory_space<vmem>> -> memref<128xi32, #tpu.memory_space<vmem>>
    %dma_start3A_1004 = arith.constant 0 : i32
    %dma_start3A_1005 = arith.constant 0 : i32
    %dma_start3A_1006 = tpu.memref_slice %arg4[%dma_start3A_1004, %dma_start3A_1005] : memref<286720x128xf32, #tpu.memory_space<hbm>> -> memref<286720x128xf32, #tpu.memory_space<hbm>>
    tpu.enqueue_indirect_dma source(%dma_start3A_1000 : memref<128x128xf32, #tpu.memory_space<vmem>>) target(%dma_start3A_1006 : memref<286720x128xf32, #tpu.memory_space<hbm>>) offsets(%dma_start3A_1003 : memref<128xi32, #tpu.memory_space<vmem>>) semaphore(%arg23 : memref<!tpu.dma_semaphore, #tpu.memory_space<semaphore_mem>>)
    %dma_wait3A_1007 = arith.constant 0 : i32
    %dma_wait3A_1008 = arith.constant 10 : i32
    %dma_wait3A_1009 = arith.constant 0 : i32
    %dma_wait3A_1010 = arith.constant 0 : i32
    %dma_wait3A_1011 = tpu.memref_slice %arg7[%dma_wait3A_1007, %dma_wait3A_1009, %dma_wait3A_1010] : memref<5x128x128xf32, #tpu.memory_space<vmem>> -> memref<1x128x128xf32, #tpu.memory_space<vmem>>
    %dma_wait3A_1012 = tpu.memref_squeeze %dma_wait3A_1011 : memref<1x128x128xf32, #tpu.memory_space<vmem>> -> memref<128x128xf32, #tpu.memory_space<vmem>>
    %dma_wait3A_1013 = arith.constant 0 : i32
    %dma_wait3A_1014 = tpu.memref_slice %arg8[%dma_wait3A_1008, %dma_wait3A_1013] : memref<15x128xi32, #tpu.memory_space<vmem>> -> memref<1x128xi32, #tpu.memory_space<vmem>>
    %dma_wait3A_1015 = tpu.memref_squeeze %dma_wait3A_1014 : memref<1x128xi32, #tpu.memory_space<vmem>> -> memref<128xi32, #tpu.memory_space<vmem>>
    %dma_wait3A_1016 = arith.constant 0 : i32
    %dma_wait3A_1017 = arith.constant 0 : i32
    %dma_wait3A_1018 = tpu.memref_slice %arg4[%dma_wait3A_1016, %dma_wait3A_1017] : memref<286720x128xf32, #tpu.memory_space<hbm>> -> memref<286720x128xf32, #tpu.memory_space<hbm>>
    tpu.wait_indirect_dma semaphore(%arg19 : memref<!tpu.dma_semaphore, #tpu.memory_space<semaphore_mem>>) src(%dma_wait3A_1012 : memref<128x128xf32, #tpu.memory_space<vmem>>) dst(%dma_wait3A_1018 : memref<286720x128xf32, #tpu.memory_space<hbm>>)
    %dma_wait3A_1019 = arith.constant 1 : i32
    %dma_wait3A_1020 = arith.constant 11 : i32
    %dma_wait3A_1021 = arith.constant 0 : i32
    %dma_wait3A_1022 = arith.constant 0 : i32
    %dma_wait3A_1023 = tpu.memref_slice %arg7[%dma_wait3A_1019, %dma_wait3A_1021, %dma_wait3A_1022] : memref<5x128x128xf32, #tpu.memory_space<vmem>> -> memref<1x128x128xf32, #tpu.memory_space<vmem>>
    %dma_wait3A_1024 = tpu.memref_squeeze %dma_wait3A_1023 : memref<1x128x128xf32, #tpu.memory_space<vmem>> -> memref<128x128xf32, #tpu.memory_space<vmem>>
    %dma_wait3A_1025 = arith.constant 0 : i32
    %dma_wait3A_1026 = tpu.memref_slice %arg8[%dma_wait3A_1020, %dma_wait3A_1025] : memref<15x128xi32, #tpu.memory_space<vmem>> -> memref<1x128xi32, #tpu.memory_space<vmem>>
    %dma_wait3A_1027 = tpu.memref_squeeze %dma_wait3A_1026 : memref<1x128xi32, #tpu.memory_space<vmem>> -> memref<128xi32, #tpu.memory_space<vmem>>
    %dma_wait3A_1028 = arith.constant 0 : i32
    %dma_wait3A_1029 = arith.constant 0 : i32
    %dma_wait3A_1030 = tpu.memref_slice %arg4[%dma_wait3A_1028, %dma_wait3A_1029] : memref<286720x128xf32, #tpu.memory_space<hbm>> -> memref<286720x128xf32, #tpu.memory_space<hbm>>
    tpu.wait_indirect_dma semaphore(%arg20 : memref<!tpu.dma_semaphore, #tpu.memory_space<semaphore_mem>>) src(%dma_wait3A_1024 : memref<128x128xf32, #tpu.memory_space<vmem>>) dst(%dma_wait3A_1030 : memref<286720x128xf32, #tpu.memory_space<hbm>>)
    %dma_wait3A_1031 = arith.constant 2 : i32
    %dma_wait3A_1032 = arith.constant 12 : i32
    %dma_wait3A_1033 = arith.constant 0 : i32
    %dma_wait3A_1034 = arith.constant 0 : i32
    %dma_wait3A_1035 = tpu.memref_slice %arg7[%dma_wait3A_1031, %dma_wait3A_1033, %dma_wait3A_1034] : memref<5x128x128xf32, #tpu.memory_space<vmem>> -> memref<1x128x128xf32, #tpu.memory_space<vmem>>
    %dma_wait3A_1036 = tpu.memref_squeeze %dma_wait3A_1035 : memref<1x128x128xf32, #tpu.memory_space<vmem>> -> memref<128x128xf32, #tpu.memory_space<vmem>>
    %dma_wait3A_1037 = arith.constant 0 : i32
    %dma_wait3A_1038 = tpu.memref_slice %arg8[%dma_wait3A_1032, %dma_wait3A_1037] : memref<15x128xi32, #tpu.memory_space<vmem>> -> memref<1x128xi32, #tpu.memory_space<vmem>>
    %dma_wait3A_1039 = tpu.memref_squeeze %dma_wait3A_1038 : memref<1x128xi32, #tpu.memory_space<vmem>> -> memref<128xi32, #tpu.memory_space<vmem>>
    %dma_wait3A_1040 = arith.constant 0 : i32
    %dma_wait3A_1041 = arith.constant 0 : i32
    %dma_wait3A_1042 = tpu.memref_slice %arg4[%dma_wait3A_1040, %dma_wait3A_1041] : memref<286720x128xf32, #tpu.memory_space<hbm>> -> memref<286720x128xf32, #tpu.memory_space<hbm>>
    tpu.wait_indirect_dma semaphore(%arg21 : memref<!tpu.dma_semaphore, #tpu.memory_space<semaphore_mem>>) src(%dma_wait3A_1036 : memref<128x128xf32, #tpu.memory_space<vmem>>) dst(%dma_wait3A_1042 : memref<286720x128xf32, #tpu.memory_space<hbm>>)
    %dma_wait3A_1043 = arith.constant 3 : i32
    %dma_wait3A_1044 = arith.constant 13 : i32
    %dma_wait3A_1045 = arith.constant 0 : i32
    %dma_wait3A_1046 = arith.constant 0 : i32
    %dma_wait3A_1047 = tpu.memref_slice %arg7[%dma_wait3A_1043, %dma_wait3A_1045, %dma_wait3A_1046] : memref<5x128x128xf32, #tpu.memory_space<vmem>> -> memref<1x128x128xf32, #tpu.memory_space<vmem>>
    %dma_wait3A_1048 = tpu.memref_squeeze %dma_wait3A_1047 : memref<1x128x128xf32, #tpu.memory_space<vmem>> -> memref<128x128xf32, #tpu.memory_space<vmem>>
    %dma_wait3A_1049 = arith.constant 0 : i32
    %dma_wait3A_1050 = tpu.memref_slice %arg8[%dma_wait3A_1044, %dma_wait3A_1049] : memref<15x128xi32, #tpu.memory_space<vmem>> -> memref<1x128xi32, #tpu.memory_space<vmem>>
    %dma_wait3A_1051 = tpu.memref_squeeze %dma_wait3A_1050 : memref<1x128xi32, #tpu.memory_space<vmem>> -> memref<128xi32, #tpu.memory_space<vmem>>
    %dma_wait3A_1052 = arith.constant 0 : i32
    %dma_wait3A_1053 = arith.constant 0 : i32
    %dma_wait3A_1054 = tpu.memref_slice %arg4[%dma_wait3A_1052, %dma_wait3A_1053] : memref<286720x128xf32, #tpu.memory_space<hbm>> -> memref<286720x128xf32, #tpu.memory_space<hbm>>
    tpu.wait_indirect_dma semaphore(%arg22 : memref<!tpu.dma_semaphore, #tpu.memory_space<semaphore_mem>>) src(%dma_wait3A_1048 : memref<128x128xf32, #tpu.memory_space<vmem>>) dst(%dma_wait3A_1054 : memref<286720x128xf32, #tpu.memory_space<hbm>>)
    %dma_wait3A_1055 = arith.constant 4 : i32
    %dma_wait3A_1056 = arith.constant 14 : i32
    %dma_wait3A_1057 = arith.constant 0 : i32
    %dma_wait3A_1058 = arith.constant 0 : i32
    %dma_wait3A_1059 = tpu.memref_slice %arg7[%dma_wait3A_1055, %dma_wait3A_1057, %dma_wait3A_1058] : memref<5x128x128xf32, #tpu.memory_space<vmem>> -> memref<1x128x128xf32, #tpu.memory_space<vmem>>
    %dma_wait3A_1060 = tpu.memref_squeeze %dma_wait3A_1059 : memref<1x128x128xf32, #tpu.memory_space<vmem>> -> memref<128x128xf32, #tpu.memory_space<vmem>>
    %dma_wait3A_1061 = arith.constant 0 : i32
    %dma_wait3A_1062 = tpu.memref_slice %arg8[%dma_wait3A_1056, %dma_wait3A_1061] : memref<15x128xi32, #tpu.memory_space<vmem>> -> memref<1x128xi32, #tpu.memory_space<vmem>>
    %dma_wait3A_1063 = tpu.memref_squeeze %dma_wait3A_1062 : memref<1x128xi32, #tpu.memory_space<vmem>> -> memref<128xi32, #tpu.memory_space<vmem>>
    %dma_wait3A_1064 = arith.constant 0 : i32
    %dma_wait3A_1065 = arith.constant 0 : i32
    %dma_wait3A_1066 = tpu.memref_slice %arg4[%dma_wait3A_1064, %dma_wait3A_1065] : memref<286720x128xf32, #tpu.memory_space<hbm>> -> memref<286720x128xf32, #tpu.memory_space<hbm>>
    tpu.wait_indirect_dma semaphore(%arg23 : memref<!tpu.dma_semaphore, #tpu.memory_space<semaphore_mem>>) src(%dma_wait3A_1060 : memref<128x128xf32, #tpu.memory_space<vmem>>) dst(%dma_wait3A_1066 : memref<286720x128xf32, #tpu.memory_space<hbm>>)
    %dma_wait3A_1067 = arith.constant 0 : i32
    %dma_wait3A_1068 = arith.constant 0 : i32
    %dma_wait3A_1069 = tpu.memref_slice %arg9[%dma_wait3A_1067, %dma_wait3A_1068] : memref<15x128xi32, #tpu.memory_space<vmem>> -> memref<1x128xi32, #tpu.memory_space<vmem>>
    %dma_wait3A_1070 = tpu.memref_squeeze %dma_wait3A_1069 : memref<1x128xi32, #tpu.memory_space<vmem>> -> memref<128xi32, #tpu.memory_space<vmem>>
    %dma_wait3A_1071 = arith.constant 0 : i32
    %dma_wait3A_1072 = tpu.memref_slice %arg5[%dma_wait3A_1071] : memref<573440xf32, #tpu.memory_space<hbm>> -> memref<573440xf32, #tpu.memory_space<hbm>>
    tpu.wait_indirect_dma semaphore(%arg13 : memref<!tpu.dma_semaphore, #tpu.memory_space<semaphore_mem>>) src(%arg10 : memref<128xf32, #tpu.memory_space<vmem>>) dst(%dma_wait3A_1072 : memref<573440xf32, #tpu.memory_space<hbm>>)
    %dma_wait3A_1073 = arith.constant 1 : i32
    %dma_wait3A_1074 = arith.constant 0 : i32
    %dma_wait3A_1075 = tpu.memref_slice %arg9[%dma_wait3A_1073, %dma_wait3A_1074] : memref<15x128xi32, #tpu.memory_space<vmem>> -> memref<1x128xi32, #tpu.memory_space<vmem>>
    %dma_wait3A_1076 = tpu.memref_squeeze %dma_wait3A_1075 : memref<1x128xi32, #tpu.memory_space<vmem>> -> memref<128xi32, #tpu.memory_space<vmem>>
    %dma_wait3A_1077 = arith.constant 0 : i32
    %dma_wait3A_1078 = tpu.memref_slice %arg5[%dma_wait3A_1077] : memref<573440xf32, #tpu.memory_space<hbm>> -> memref<573440xf32, #tpu.memory_space<hbm>>
    tpu.wait_indirect_dma semaphore(%arg13 : memref<!tpu.dma_semaphore, #tpu.memory_space<semaphore_mem>>) src(%arg10 : memref<128xf32, #tpu.memory_space<vmem>>) dst(%dma_wait3A_1078 : memref<573440xf32, #tpu.memory_space<hbm>>)
    %dma_wait3A_1079 = arith.constant 2 : i32
    %dma_wait3A_1080 = arith.constant 0 : i32
    %dma_wait3A_1081 = tpu.memref_slice %arg9[%dma_wait3A_1079, %dma_wait3A_1080] : memref<15x128xi32, #tpu.memory_space<vmem>> -> memref<1x128xi32, #tpu.memory_space<vmem>>
    %dma_wait3A_1082 = tpu.memref_squeeze %dma_wait3A_1081 : memref<1x128xi32, #tpu.memory_space<vmem>> -> memref<128xi32, #tpu.memory_space<vmem>>
    %dma_wait3A_1083 = arith.constant 0 : i32
    %dma_wait3A_1084 = tpu.memref_slice %arg5[%dma_wait3A_1083] : memref<573440xf32, #tpu.memory_space<hbm>> -> memref<573440xf32, #tpu.memory_space<hbm>>
    tpu.wait_indirect_dma semaphore(%arg13 : memref<!tpu.dma_semaphore, #tpu.memory_space<semaphore_mem>>) src(%arg10 : memref<128xf32, #tpu.memory_space<vmem>>) dst(%dma_wait3A_1084 : memref<573440xf32, #tpu.memory_space<hbm>>)
    %dma_wait3A_1085 = arith.constant 3 : i32
    %dma_wait3A_1086 = arith.constant 0 : i32
    %dma_wait3A_1087 = tpu.memref_slice %arg9[%dma_wait3A_1085, %dma_wait3A_1086] : memref<15x128xi32, #tpu.memory_space<vmem>> -> memref<1x128xi32, #tpu.memory_space<vmem>>
    %dma_wait3A_1088 = tpu.memref_squeeze %dma_wait3A_1087 : memref<1x128xi32, #tpu.memory_space<vmem>> -> memref<128xi32, #tpu.memory_space<vmem>>
    %dma_wait3A_1089 = arith.constant 0 : i32
    %dma_wait3A_1090 = tpu.memref_slice %arg5[%dma_wait3A_1089] : memref<573440xf32, #tpu.memory_space<hbm>> -> memref<573440xf32, #tpu.memory_space<hbm>>
    tpu.wait_indirect_dma semaphore(%arg13 : memref<!tpu.dma_semaphore, #tpu.memory_space<semaphore_mem>>) src(%arg10 : memref<128xf32, #tpu.memory_space<vmem>>) dst(%dma_wait3A_1090 : memref<573440xf32, #tpu.memory_space<hbm>>)
    %dma_wait3A_1091 = arith.constant 4 : i32
    %dma_wait3A_1092 = arith.constant 0 : i32
    %dma_wait3A_1093 = tpu.memref_slice %arg9[%dma_wait3A_1091, %dma_wait3A_1092] : memref<15x128xi32, #tpu.memory_space<vmem>> -> memref<1x128xi32, #tpu.memory_space<vmem>>
    %dma_wait3A_1094 = tpu.memref_squeeze %dma_wait3A_1093 : memref<1x128xi32, #tpu.memory_space<vmem>> -> memref<128xi32, #tpu.memory_space<vmem>>
    %dma_wait3A_1095 = arith.constant 0 : i32
    %dma_wait3A_1096 = tpu.memref_slice %arg5[%dma_wait3A_1095] : memref<573440xf32, #tpu.memory_space<hbm>> -> memref<573440xf32, #tpu.memory_space<hbm>>
    tpu.wait_indirect_dma semaphore(%arg13 : memref<!tpu.dma_semaphore, #tpu.memory_space<semaphore_mem>>) src(%arg10 : memref<128xf32, #tpu.memory_space<vmem>>) dst(%dma_wait3A_1096 : memref<573440xf32, #tpu.memory_space<hbm>>)
    %dma_wait3A_1097 = arith.constant 5 : i32
    %dma_wait3A_1098 = arith.constant 0 : i32
    %dma_wait3A_1099 = tpu.memref_slice %arg9[%dma_wait3A_1097, %dma_wait3A_1098] : memref<15x128xi32, #tpu.memory_space<vmem>> -> memref<1x128xi32, #tpu.memory_space<vmem>>
    %dma_wait3A_1100 = tpu.memref_squeeze %dma_wait3A_1099 : memref<1x128xi32, #tpu.memory_space<vmem>> -> memref<128xi32, #tpu.memory_space<vmem>>
    %dma_wait3A_1101 = arith.constant 0 : i32
    %dma_wait3A_1102 = tpu.memref_slice %arg5[%dma_wait3A_1101] : memref<573440xf32, #tpu.memory_space<hbm>> -> memref<573440xf32, #tpu.memory_space<hbm>>
    tpu.wait_indirect_dma semaphore(%arg13 : memref<!tpu.dma_semaphore, #tpu.memory_space<semaphore_mem>>) src(%arg10 : memref<128xf32, #tpu.memory_space<vmem>>) dst(%dma_wait3A_1102 : memref<573440xf32, #tpu.memory_space<hbm>>)
    %dma_wait3A_1103 = arith.constant 6 : i32
    %dma_wait3A_1104 = arith.constant 0 : i32
    %dma_wait3A_1105 = tpu.memref_slice %arg9[%dma_wait3A_1103, %dma_wait3A_1104] : memref<15x128xi32, #tpu.memory_space<vmem>> -> memref<1x128xi32, #tpu.memory_space<vmem>>
    %dma_wait3A_1106 = tpu.memref_squeeze %dma_wait3A_1105 : memref<1x128xi32, #tpu.memory_space<vmem>> -> memref<128xi32, #tpu.memory_space<vmem>>
    %dma_wait3A_1107 = arith.constant 0 : i32
    %dma_wait3A_1108 = tpu.memref_slice %arg5[%dma_wait3A_1107] : memref<573440xf32, #tpu.memory_space<hbm>> -> memref<573440xf32, #tpu.memory_space<hbm>>
    tpu.wait_indirect_dma semaphore(%arg13 : memref<!tpu.dma_semaphore, #tpu.memory_space<semaphore_mem>>) src(%arg10 : memref<128xf32, #tpu.memory_space<vmem>>) dst(%dma_wait3A_1108 : memref<573440xf32, #tpu.memory_space<hbm>>)
    %dma_wait3A_1109 = arith.constant 7 : i32
    %dma_wait3A_1110 = arith.constant 0 : i32
    %dma_wait3A_1111 = tpu.memref_slice %arg9[%dma_wait3A_1109, %dma_wait3A_1110] : memref<15x128xi32, #tpu.memory_space<vmem>> -> memref<1x128xi32, #tpu.memory_space<vmem>>
    %dma_wait3A_1112 = tpu.memref_squeeze %dma_wait3A_1111 : memref<1x128xi32, #tpu.memory_space<vmem>> -> memref<128xi32, #tpu.memory_space<vmem>>
    %dma_wait3A_1113 = arith.constant 0 : i32
    %dma_wait3A_1114 = tpu.memref_slice %arg5[%dma_wait3A_1113] : memref<573440xf32, #tpu.memory_space<hbm>> -> memref<573440xf32, #tpu.memory_space<hbm>>
    tpu.wait_indirect_dma semaphore(%arg13 : memref<!tpu.dma_semaphore, #tpu.memory_space<semaphore_mem>>) src(%arg10 : memref<128xf32, #tpu.memory_space<vmem>>) dst(%dma_wait3A_1114 : memref<573440xf32, #tpu.memory_space<hbm>>)
    %dma_wait3A_1115 = arith.constant 8 : i32
    %dma_wait3A_1116 = arith.constant 0 : i32
    %dma_wait3A_1117 = tpu.memref_slice %arg9[%dma_wait3A_1115, %dma_wait3A_1116] : memref<15x128xi32, #tpu.memory_space<vmem>> -> memref<1x128xi32, #tpu.memory_space<vmem>>
    %dma_wait3A_1118 = tpu.memref_squeeze %dma_wait3A_1117 : memref<1x128xi32, #tpu.memory_space<vmem>> -> memref<128xi32, #tpu.memory_space<vmem>>
    %dma_wait3A_1119 = arith.constant 0 : i32
    %dma_wait3A_1120 = tpu.memref_slice %arg5[%dma_wait3A_1119] : memref<573440xf32, #tpu.memory_space<hbm>> -> memref<573440xf32, #tpu.memory_space<hbm>>
    tpu.wait_indirect_dma semaphore(%arg13 : memref<!tpu.dma_semaphore, #tpu.memory_space<semaphore_mem>>) src(%arg10 : memref<128xf32, #tpu.memory_space<vmem>>) dst(%dma_wait3A_1120 : memref<573440xf32, #tpu.memory_space<hbm>>)
    %dma_wait3A_1121 = arith.constant 9 : i32
    %dma_wait3A_1122 = arith.constant 0 : i32
    %dma_wait3A_1123 = tpu.memref_slice %arg9[%dma_wait3A_1121, %dma_wait3A_1122] : memref<15x128xi32, #tpu.memory_space<vmem>> -> memref<1x128xi32, #tpu.memory_space<vmem>>
    %dma_wait3A_1124 = tpu.memref_squeeze %dma_wait3A_1123 : memref<1x128xi32, #tpu.memory_space<vmem>> -> memref<128xi32, #tpu.memory_space<vmem>>
    %dma_wait3A_1125 = arith.constant 0 : i32
    %dma_wait3A_1126 = tpu.memref_slice %arg5[%dma_wait3A_1125] : memref<573440xf32, #tpu.memory_space<hbm>> -> memref<573440xf32, #tpu.memory_space<hbm>>
    tpu.wait_indirect_dma semaphore(%arg13 : memref<!tpu.dma_semaphore, #tpu.memory_space<semaphore_mem>>) src(%arg10 : memref<128xf32, #tpu.memory_space<vmem>>) dst(%dma_wait3A_1126 : memref<573440xf32, #tpu.memory_space<hbm>>)
    %dma_wait3A_1127 = arith.constant 10 : i32
    %dma_wait3A_1128 = arith.constant 0 : i32
    %dma_wait3A_1129 = tpu.memref_slice %arg9[%dma_wait3A_1127, %dma_wait3A_1128] : memref<15x128xi32, #tpu.memory_space<vmem>> -> memref<1x128xi32, #tpu.memory_space<vmem>>
    %dma_wait3A_1130 = tpu.memref_squeeze %dma_wait3A_1129 : memref<1x128xi32, #tpu.memory_space<vmem>> -> memref<128xi32, #tpu.memory_space<vmem>>
    %dma_wait3A_1131 = arith.constant 0 : i32
    %dma_wait3A_1132 = tpu.memref_slice %arg5[%dma_wait3A_1131] : memref<573440xf32, #tpu.memory_space<hbm>> -> memref<573440xf32, #tpu.memory_space<hbm>>
    tpu.wait_indirect_dma semaphore(%arg13 : memref<!tpu.dma_semaphore, #tpu.memory_space<semaphore_mem>>) src(%arg10 : memref<128xf32, #tpu.memory_space<vmem>>) dst(%dma_wait3A_1132 : memref<573440xf32, #tpu.memory_space<hbm>>)
    %dma_wait3A_1133 = arith.constant 11 : i32
    %dma_wait3A_1134 = arith.constant 0 : i32
    %dma_wait3A_1135 = tpu.memref_slice %arg9[%dma_wait3A_1133, %dma_wait3A_1134] : memref<15x128xi32, #tpu.memory_space<vmem>> -> memref<1x128xi32, #tpu.memory_space<vmem>>
    %dma_wait3A_1136 = tpu.memref_squeeze %dma_wait3A_1135 : memref<1x128xi32, #tpu.memory_space<vmem>> -> memref<128xi32, #tpu.memory_space<vmem>>
    %dma_wait3A_1137 = arith.constant 0 : i32
    %dma_wait3A_1138 = tpu.memref_slice %arg5[%dma_wait3A_1137] : memref<573440xf32, #tpu.memory_space<hbm>> -> memref<573440xf32, #tpu.memory_space<hbm>>
    tpu.wait_indirect_dma semaphore(%arg13 : memref<!tpu.dma_semaphore, #tpu.memory_space<semaphore_mem>>) src(%arg10 : memref<128xf32, #tpu.memory_space<vmem>>) dst(%dma_wait3A_1138 : memref<573440xf32, #tpu.memory_space<hbm>>)
    %dma_wait3A_1139 = arith.constant 12 : i32
    %dma_wait3A_1140 = arith.constant 0 : i32
    %dma_wait3A_1141 = tpu.memref_slice %arg9[%dma_wait3A_1139, %dma_wait3A_1140] : memref<15x128xi32, #tpu.memory_space<vmem>> -> memref<1x128xi32, #tpu.memory_space<vmem>>
    %dma_wait3A_1142 = tpu.memref_squeeze %dma_wait3A_1141 : memref<1x128xi32, #tpu.memory_space<vmem>> -> memref<128xi32, #tpu.memory_space<vmem>>
    %dma_wait3A_1143 = arith.constant 0 : i32
    %dma_wait3A_1144 = tpu.memref_slice %arg5[%dma_wait3A_1143] : memref<573440xf32, #tpu.memory_space<hbm>> -> memref<573440xf32, #tpu.memory_space<hbm>>
    tpu.wait_indirect_dma semaphore(%arg13 : memref<!tpu.dma_semaphore, #tpu.memory_space<semaphore_mem>>) src(%arg10 : memref<128xf32, #tpu.memory_space<vmem>>) dst(%dma_wait3A_1144 : memref<573440xf32, #tpu.memory_space<hbm>>)
    %dma_wait3A_1145 = arith.constant 13 : i32
    %dma_wait3A_1146 = arith.constant 0 : i32
    %dma_wait3A_1147 = tpu.memref_slice %arg9[%dma_wait3A_1145, %dma_wait3A_1146] : memref<15x128xi32, #tpu.memory_space<vmem>> -> memref<1x128xi32, #tpu.memory_space<vmem>>
    %dma_wait3A_1148 = tpu.memref_squeeze %dma_wait3A_1147 : memref<1x128xi32, #tpu.memory_space<vmem>> -> memref<128xi32, #tpu.memory_space<vmem>>
    %dma_wait3A_1149 = arith.constant 0 : i32
    %dma_wait3A_1150 = tpu.memref_slice %arg5[%dma_wait3A_1149] : memref<573440xf32, #tpu.memory_space<hbm>> -> memref<573440xf32, #tpu.memory_space<hbm>>
    tpu.wait_indirect_dma semaphore(%arg13 : memref<!tpu.dma_semaphore, #tpu.memory_space<semaphore_mem>>) src(%arg10 : memref<128xf32, #tpu.memory_space<vmem>>) dst(%dma_wait3A_1150 : memref<573440xf32, #tpu.memory_space<hbm>>)
    %dma_wait3A_1151 = arith.constant 14 : i32
    %dma_wait3A_1152 = arith.constant 0 : i32
    %dma_wait3A_1153 = tpu.memref_slice %arg9[%dma_wait3A_1151, %dma_wait3A_1152] : memref<15x128xi32, #tpu.memory_space<vmem>> -> memref<1x128xi32, #tpu.memory_space<vmem>>
    %dma_wait3A_1154 = tpu.memref_squeeze %dma_wait3A_1153 : memref<1x128xi32, #tpu.memory_space<vmem>> -> memref<128xi32, #tpu.memory_space<vmem>>
    %dma_wait3A_1155 = arith.constant 0 : i32
    %dma_wait3A_1156 = tpu.memref_slice %arg5[%dma_wait3A_1155] : memref<573440xf32, #tpu.memory_space<hbm>> -> memref<573440xf32, #tpu.memory_space<hbm>>
    tpu.wait_indirect_dma semaphore(%arg13 : memref<!tpu.dma_semaphore, #tpu.memory_space<semaphore_mem>>) src(%arg10 : memref<128xf32, #tpu.memory_space<vmem>>) dst(%dma_wait3A_1156 : memref<573440xf32, #tpu.memory_space<hbm>>)
    return
  }
}

module attributes {stable_mosaic.version = 14 : i64} {
  func.func @_tc_body(%arg0: i32, %arg1: memref<1x128x256xf32, #tpu.memory_space<vmem>>, %arg2: memref<1x128x256xf32, #tpu.memory_space<vmem>>, %arg3: memref<1x20x128xf32, #tpu.memory_space<vmem>>, %arg4: memref<1x20x128xf32, #tpu.memory_space<vmem>>, %arg5: memref<1x20x128xf32, #tpu.memory_space<vmem>>, %arg6: memref<1x20x128xf32, #tpu.memory_space<vmem>>, %arg7: memref<2560x128xf32, #tpu.memory_space<vmem>>, %arg8: memref<2560x128xf32, #tpu.memory_space<vmem>>, %arg9: memref<2560x256xf32, #tpu.memory_space<vmem>>) attributes {dimension_semantics = [#tpu.dimension_semantics<arbitrary>], iteration_bounds = array<i64: 55>, scalar_prefetch = 0 : i64, scratch_operands = 0 : i64, tpu.core_type = #tpu.core_type<tc>, window_params = [{transform_indices = @transform_0, window_bounds = array<i64: 1, 128, 256>}, {transform_indices = @transform_1, window_bounds = array<i64: 1, 128, 256>}, {transform_indices = @transform_2, window_bounds = array<i64: 1, 20, 128>}, {transform_indices = @transform_3, window_bounds = array<i64: 1, 20, 128>}, {transform_indices = @transform_4, window_bounds = array<i64: 1, 20, 128>}, {transform_indices = @transform_5, window_bounds = array<i64: 1, 20, 128>}, {transform_indices = @transform_6, window_bounds = array<i64: 2560, 128>}, {transform_indices = @transform_7, window_bounds = array<i64: 2560, 128>}, {transform_indices = @transform_8, window_bounds = array<i64: 2560, 256>}]} {
    %get3A = arith.constant 0 : index
    %get3A_0 = arith.constant 0 : index
    %get3A_1 = arith.constant 0 : index
    %get3A_2 = vector.load %arg1[%get3A, %get3A_0, %get3A_1] : memref<1x128x256xf32, #tpu.memory_space<vmem>>, vector<1x128x256xf32>
    %get3A_3 = vector.shape_cast %get3A_2 : vector<1x128x256xf32> to vector<128x256xf32>
    %get3A_4 = arith.constant 0 : index
    %get3A_5 = arith.constant 0 : index
    %get3A_6 = arith.constant 0 : index
    %get3A_7 = vector.load %arg2[%get3A_4, %get3A_5, %get3A_6] : memref<1x128x256xf32, #tpu.memory_space<vmem>>, vector<1x128x256xf32>
    %get3A_8 = vector.shape_cast %get3A_7 : vector<1x128x256xf32> to vector<128x256xf32>
    %get3A_9 = arith.constant 0 : index
    %get3A_10 = arith.constant 0 : index
    %get3A_11 = arith.constant 0 : index
    %get3A_12 = vector.load %arg3[%get3A_9, %get3A_10, %get3A_11] : memref<1x20x128xf32, #tpu.memory_space<vmem>>, vector<1x1x128xf32>
    %get3A_13 = vector.shape_cast %get3A_12 : vector<1x1x128xf32> to vector<128xf32>
    %get3A_14 = arith.constant 0 : index
    %get3A_15 = arith.constant 0 : index
    %get3A_16 = arith.constant 0 : index
    %get3A_17 = vector.load %arg4[%get3A_14, %get3A_15, %get3A_16] : memref<1x20x128xf32, #tpu.memory_space<vmem>>, vector<1x1x128xf32>
    %get3A_18 = vector.shape_cast %get3A_17 : vector<1x1x128xf32> to vector<128xf32>
    %add3A = arith.addf %get3A_13, %get3A_18 : vector<128xf32>
    %get3A_19 = arith.constant 0 : index
    %get3A_20 = arith.constant 0 : index
    %get3A_21 = arith.constant 0 : index
    %get3A_22 = vector.load %arg5[%get3A_19, %get3A_20, %get3A_21] : memref<1x20x128xf32, #tpu.memory_space<vmem>>, vector<1x1x128xf32>
    %get3A_23 = vector.shape_cast %get3A_22 : vector<1x1x128xf32> to vector<128xf32>
    %get3A_24 = arith.constant 0 : index
    %get3A_25 = arith.constant 0 : index
    %get3A_26 = arith.constant 0 : index
    %get3A_27 = vector.load %arg6[%get3A_24, %get3A_25, %get3A_26] : memref<1x20x128xf32, #tpu.memory_space<vmem>>, vector<1x1x128xf32>
    %get3A_28 = vector.shape_cast %get3A_27 : vector<1x1x128xf32> to vector<128xf32>
    %add3A_29 = arith.addf %get3A_23, %get3A_28 : vector<128xf32>
    %get3A_30 = arith.constant 0 : index
    %get3A_31 = arith.constant 0 : index
    %get3A_32 = vector.load %arg7[%get3A_30, %get3A_31] : memref<2560x128xf32, #tpu.memory_space<vmem>>, vector<128x128xf32>
    %broadcast_in_dim3A = vector.shape_cast %add3A : vector<128xf32> to vector<128x1xf32>
    %mul3A = vector.broadcast %broadcast_in_dim3A : vector<128x1xf32> to vector<128x128xf32>
    %mul3A_33 = arith.mulf %get3A_32, %mul3A : vector<128x128xf32>
    %get3A_34 = arith.constant 0 : index
    %get3A_35 = arith.constant 0 : index
    %get3A_36 = vector.load %arg8[%get3A_34, %get3A_35] : memref<2560x128xf32, #tpu.memory_space<vmem>>, vector<128x128xf32>
    %broadcast_in_dim3A_37 = vector.shape_cast %add3A_29 : vector<128xf32> to vector<128x1xf32>
    %mul3A_38 = vector.broadcast %broadcast_in_dim3A_37 : vector<128x1xf32> to vector<128x128xf32>
    %mul3A_39 = arith.mulf %get3A_36, %mul3A_38 : vector<128x128xf32>
    %dot_general3A = arith.constant dense<0.000000e+00> : vector<128x256xf32>
    %dot_general3A_40 = tpu.matmul %mul3A_33, %get3A_3, %dot_general3A {dimension_numbers = #tpu.dot_dimension_numbers<[1], [0], [0], [1], [0, 0, 1, 1], [], []>, transpose_lhs_hint = false} : vector<128x128xf32>, vector<128x256xf32>, vector<128x256xf32> -> vector<128x256xf32>
    %dot_general3A_41 = arith.constant dense<0.000000e+00> : vector<128x256xf32>
    %dot_general3A_42 = tpu.matmul %mul3A_39, %get3A_8, %dot_general3A_41 {dimension_numbers = #tpu.dot_dimension_numbers<[1], [0], [0], [1], [0, 0, 1, 1], [], []>, transpose_lhs_hint = false} : vector<128x128xf32>, vector<128x256xf32>, vector<128x256xf32> -> vector<128x256xf32>
    %add3A_43 = arith.addf %dot_general3A_40, %dot_general3A_42 : vector<128x256xf32>
    %swap3A = arith.constant 0 : index
    %swap3A_44 = arith.constant 0 : index
    %swap3A_45 = vector.load %arg9[%swap3A, %swap3A_44] : memref<2560x256xf32, #tpu.memory_space<vmem>>, vector<128x256xf32>
    tpu.vector_store %arg9[%swap3A, %swap3A_44], %add3A_43 {strides = array<i32>} : memref<2560x256xf32, #tpu.memory_space<vmem>>, vector<128x256xf32>,
    %get3A_46 = arith.constant 0 : index
    %get3A_47 = arith.constant 1 : index
    %get3A_48 = arith.constant 0 : index
    %get3A_49 = vector.load %arg3[%get3A_46, %get3A_47, %get3A_48] : memref<1x20x128xf32, #tpu.memory_space<vmem>>, vector<1x1x128xf32>
    %get3A_50 = vector.shape_cast %get3A_49 : vector<1x1x128xf32> to vector<128xf32>
    %get3A_51 = arith.constant 0 : index
    %get3A_52 = arith.constant 1 : index
    %get3A_53 = arith.constant 0 : index
    %get3A_54 = vector.load %arg4[%get3A_51, %get3A_52, %get3A_53] : memref<1x20x128xf32, #tpu.memory_space<vmem>>, vector<1x1x128xf32>
    %get3A_55 = vector.shape_cast %get3A_54 : vector<1x1x128xf32> to vector<128xf32>
    %add3A_56 = arith.addf %get3A_50, %get3A_55 : vector<128xf32>
    %get3A_57 = arith.constant 0 : index
    %get3A_58 = arith.constant 1 : index
    %get3A_59 = arith.constant 0 : index
    %get3A_60 = vector.load %arg5[%get3A_57, %get3A_58, %get3A_59] : memref<1x20x128xf32, #tpu.memory_space<vmem>>, vector<1x1x128xf32>
    %get3A_61 = vector.shape_cast %get3A_60 : vector<1x1x128xf32> to vector<128xf32>
    %get3A_62 = arith.constant 0 : index
    %get3A_63 = arith.constant 1 : index
    %get3A_64 = arith.constant 0 : index
    %get3A_65 = vector.load %arg6[%get3A_62, %get3A_63, %get3A_64] : memref<1x20x128xf32, #tpu.memory_space<vmem>>, vector<1x1x128xf32>
    %get3A_66 = vector.shape_cast %get3A_65 : vector<1x1x128xf32> to vector<128xf32>
    %add3A_67 = arith.addf %get3A_61, %get3A_66 : vector<128xf32>
    %get3A_68 = arith.constant 128 : index
    %get3A_69 = arith.constant 0 : index
    %get3A_70 = vector.load %arg7[%get3A_68, %get3A_69] : memref<2560x128xf32, #tpu.memory_space<vmem>>, vector<128x128xf32>
    %broadcast_in_dim3A_71 = vector.shape_cast %add3A_56 : vector<128xf32> to vector<128x1xf32>
    %mul3A_72 = vector.broadcast %broadcast_in_dim3A_71 : vector<128x1xf32> to vector<128x128xf32>
    %mul3A_73 = arith.mulf %get3A_70, %mul3A_72 : vector<128x128xf32>
    %get3A_74 = arith.constant 128 : index
    %get3A_75 = arith.constant 0 : index
    %get3A_76 = vector.load %arg8[%get3A_74, %get3A_75] : memref<2560x128xf32, #tpu.memory_space<vmem>>, vector<128x128xf32>
    %broadcast_in_dim3A_77 = vector.shape_cast %add3A_67 : vector<128xf32> to vector<128x1xf32>
    %mul3A_78 = vector.broadcast %broadcast_in_dim3A_77 : vector<128x1xf32> to vector<128x128xf32>
    %mul3A_79 = arith.mulf %get3A_76, %mul3A_78 : vector<128x128xf32>
    %dot_general3A_80 = arith.constant dense<0.000000e+00> : vector<128x256xf32>
    %dot_general3A_81 = tpu.matmul %mul3A_73, %get3A_3, %dot_general3A_80 {dimension_numbers = #tpu.dot_dimension_numbers<[1], [0], [0], [1], [0, 0, 1, 1], [], []>, transpose_lhs_hint = false} : vector<128x128xf32>, vector<128x256xf32>, vector<128x256xf32> -> vector<128x256xf32>
    %dot_general3A_82 = arith.constant dense<0.000000e+00> : vector<128x256xf32>
    %dot_general3A_83 = tpu.matmul %mul3A_79, %get3A_8, %dot_general3A_82 {dimension_numbers = #tpu.dot_dimension_numbers<[1], [0], [0], [1], [0, 0, 1, 1], [], []>, transpose_lhs_hint = false} : vector<128x128xf32>, vector<128x256xf32>, vector<128x256xf32> -> vector<128x256xf32>
    %add3A_84 = arith.addf %dot_general3A_81, %dot_general3A_83 : vector<128x256xf32>
    %swap3A_85 = arith.constant 128 : index
    %swap3A_86 = arith.constant 0 : index
    %swap3A_87 = vector.load %arg9[%swap3A_85, %swap3A_86] : memref<2560x256xf32, #tpu.memory_space<vmem>>, vector<128x256xf32>
    tpu.vector_store %arg9[%swap3A_85, %swap3A_86], %add3A_84 {strides = array<i32>} : memref<2560x256xf32, #tpu.memory_space<vmem>>, vector<128x256xf32>,
    %get3A_88 = arith.constant 0 : index
    %get3A_89 = arith.constant 2 : index
    %get3A_90 = arith.constant 0 : index
    %get3A_91 = vector.load %arg3[%get3A_88, %get3A_89, %get3A_90] : memref<1x20x128xf32, #tpu.memory_space<vmem>>, vector<1x1x128xf32>
    %get3A_92 = vector.shape_cast %get3A_91 : vector<1x1x128xf32> to vector<128xf32>
    %get3A_93 = arith.constant 0 : index
    %get3A_94 = arith.constant 2 : index
    %get3A_95 = arith.constant 0 : index
    %get3A_96 = vector.load %arg4[%get3A_93, %get3A_94, %get3A_95] : memref<1x20x128xf32, #tpu.memory_space<vmem>>, vector<1x1x128xf32>
    %get3A_97 = vector.shape_cast %get3A_96 : vector<1x1x128xf32> to vector<128xf32>
    %add3A_98 = arith.addf %get3A_92, %get3A_97 : vector<128xf32>
    %get3A_99 = arith.constant 0 : index
    %get3A_100 = arith.constant 2 : index
    %get3A_101 = arith.constant 0 : index
    %get3A_102 = vector.load %arg5[%get3A_99, %get3A_100, %get3A_101] : memref<1x20x128xf32, #tpu.memory_space<vmem>>, vector<1x1x128xf32>
    %get3A_103 = vector.shape_cast %get3A_102 : vector<1x1x128xf32> to vector<128xf32>
    %get3A_104 = arith.constant 0 : index
    %get3A_105 = arith.constant 2 : index
    %get3A_106 = arith.constant 0 : index
    %get3A_107 = vector.load %arg6[%get3A_104, %get3A_105, %get3A_106] : memref<1x20x128xf32, #tpu.memory_space<vmem>>, vector<1x1x128xf32>
    %get3A_108 = vector.shape_cast %get3A_107 : vector<1x1x128xf32> to vector<128xf32>
    %add3A_109 = arith.addf %get3A_103, %get3A_108 : vector<128xf32>
    %get3A_110 = arith.constant 256 : index
    %get3A_111 = arith.constant 0 : index
    %get3A_112 = vector.load %arg7[%get3A_110, %get3A_111] : memref<2560x128xf32, #tpu.memory_space<vmem>>, vector<128x128xf32>
    %broadcast_in_dim3A_113 = vector.shape_cast %add3A_98 : vector<128xf32> to vector<128x1xf32>
    %mul3A_114 = vector.broadcast %broadcast_in_dim3A_113 : vector<128x1xf32> to vector<128x128xf32>
    %mul3A_115 = arith.mulf %get3A_112, %mul3A_114 : vector<128x128xf32>
    %get3A_116 = arith.constant 256 : index
    %get3A_117 = arith.constant 0 : index
    %get3A_118 = vector.load %arg8[%get3A_116, %get3A_117] : memref<2560x128xf32, #tpu.memory_space<vmem>>, vector<128x128xf32>
    %broadcast_in_dim3A_119 = vector.shape_cast %add3A_109 : vector<128xf32> to vector<128x1xf32>
    %mul3A_120 = vector.broadcast %broadcast_in_dim3A_119 : vector<128x1xf32> to vector<128x128xf32>
    %mul3A_121 = arith.mulf %get3A_118, %mul3A_120 : vector<128x128xf32>
    %dot_general3A_122 = arith.constant dense<0.000000e+00> : vector<128x256xf32>
    %dot_general3A_123 = tpu.matmul %mul3A_115, %get3A_3, %dot_general3A_122 {dimension_numbers = #tpu.dot_dimension_numbers<[1], [0], [0], [1], [0, 0, 1, 1], [], []>, transpose_lhs_hint = false} : vector<128x128xf32>, vector<128x256xf32>, vector<128x256xf32> -> vector<128x256xf32>
    %dot_general3A_124 = arith.constant dense<0.000000e+00> : vector<128x256xf32>
    %dot_general3A_125 = tpu.matmul %mul3A_121, %get3A_8, %dot_general3A_124 {dimension_numbers = #tpu.dot_dimension_numbers<[1], [0], [0], [1], [0, 0, 1, 1], [], []>, transpose_lhs_hint = false} : vector<128x128xf32>, vector<128x256xf32>, vector<128x256xf32> -> vector<128x256xf32>
    %add3A_126 = arith.addf %dot_general3A_123, %dot_general3A_125 : vector<128x256xf32>
    %swap3A_127 = arith.constant 256 : index
    %swap3A_128 = arith.constant 0 : index
    %swap3A_129 = vector.load %arg9[%swap3A_127, %swap3A_128] : memref<2560x256xf32, #tpu.memory_space<vmem>>, vector<128x256xf32>
    tpu.vector_store %arg9[%swap3A_127, %swap3A_128], %add3A_126 {strides = array<i32>} : memref<2560x256xf32, #tpu.memory_space<vmem>>, vector<128x256xf32>,
    %get3A_130 = arith.constant 0 : index
    %get3A_131 = arith.constant 3 : index
    %get3A_132 = arith.constant 0 : index
    %get3A_133 = vector.load %arg3[%get3A_130, %get3A_131, %get3A_132] : memref<1x20x128xf32, #tpu.memory_space<vmem>>, vector<1x1x128xf32>
    %get3A_134 = vector.shape_cast %get3A_133 : vector<1x1x128xf32> to vector<128xf32>
    %get3A_135 = arith.constant 0 : index
    %get3A_136 = arith.constant 3 : index
    %get3A_137 = arith.constant 0 : index
    %get3A_138 = vector.load %arg4[%get3A_135, %get3A_136, %get3A_137] : memref<1x20x128xf32, #tpu.memory_space<vmem>>, vector<1x1x128xf32>
    %get3A_139 = vector.shape_cast %get3A_138 : vector<1x1x128xf32> to vector<128xf32>
    %add3A_140 = arith.addf %get3A_134, %get3A_139 : vector<128xf32>
    %get3A_141 = arith.constant 0 : index
    %get3A_142 = arith.constant 3 : index
    %get3A_143 = arith.constant 0 : index
    %get3A_144 = vector.load %arg5[%get3A_141, %get3A_142, %get3A_143] : memref<1x20x128xf32, #tpu.memory_space<vmem>>, vector<1x1x128xf32>
    %get3A_145 = vector.shape_cast %get3A_144 : vector<1x1x128xf32> to vector<128xf32>
    %get3A_146 = arith.constant 0 : index
    %get3A_147 = arith.constant 3 : index
    %get3A_148 = arith.constant 0 : index
    %get3A_149 = vector.load %arg6[%get3A_146, %get3A_147, %get3A_148] : memref<1x20x128xf32, #tpu.memory_space<vmem>>, vector<1x1x128xf32>
    %get3A_150 = vector.shape_cast %get3A_149 : vector<1x1x128xf32> to vector<128xf32>
    %add3A_151 = arith.addf %get3A_145, %get3A_150 : vector<128xf32>
    %get3A_152 = arith.constant 384 : index
    %get3A_153 = arith.constant 0 : index
    %get3A_154 = vector.load %arg7[%get3A_152, %get3A_153] : memref<2560x128xf32, #tpu.memory_space<vmem>>, vector<128x128xf32>
    %broadcast_in_dim3A_155 = vector.shape_cast %add3A_140 : vector<128xf32> to vector<128x1xf32>
    %mul3A_156 = vector.broadcast %broadcast_in_dim3A_155 : vector<128x1xf32> to vector<128x128xf32>
    %mul3A_157 = arith.mulf %get3A_154, %mul3A_156 : vector<128x128xf32>
    %get3A_158 = arith.constant 384 : index
    %get3A_159 = arith.constant 0 : index
    %get3A_160 = vector.load %arg8[%get3A_158, %get3A_159] : memref<2560x128xf32, #tpu.memory_space<vmem>>, vector<128x128xf32>
    %broadcast_in_dim3A_161 = vector.shape_cast %add3A_151 : vector<128xf32> to vector<128x1xf32>
    %mul3A_162 = vector.broadcast %broadcast_in_dim3A_161 : vector<128x1xf32> to vector<128x128xf32>
    %mul3A_163 = arith.mulf %get3A_160, %mul3A_162 : vector<128x128xf32>
    %dot_general3A_164 = arith.constant dense<0.000000e+00> : vector<128x256xf32>
    %dot_general3A_165 = tpu.matmul %mul3A_157, %get3A_3, %dot_general3A_164 {dimension_numbers = #tpu.dot_dimension_numbers<[1], [0], [0], [1], [0, 0, 1, 1], [], []>, transpose_lhs_hint = false} : vector<128x128xf32>, vector<128x256xf32>, vector<128x256xf32> -> vector<128x256xf32>
    %dot_general3A_166 = arith.constant dense<0.000000e+00> : vector<128x256xf32>
    %dot_general3A_167 = tpu.matmul %mul3A_163, %get3A_8, %dot_general3A_166 {dimension_numbers = #tpu.dot_dimension_numbers<[1], [0], [0], [1], [0, 0, 1, 1], [], []>, transpose_lhs_hint = false} : vector<128x128xf32>, vector<128x256xf32>, vector<128x256xf32> -> vector<128x256xf32>
    %add3A_168 = arith.addf %dot_general3A_165, %dot_general3A_167 : vector<128x256xf32>
    %swap3A_169 = arith.constant 384 : index
    %swap3A_170 = arith.constant 0 : index
    %swap3A_171 = vector.load %arg9[%swap3A_169, %swap3A_170] : memref<2560x256xf32, #tpu.memory_space<vmem>>, vector<128x256xf32>
    tpu.vector_store %arg9[%swap3A_169, %swap3A_170], %add3A_168 {strides = array<i32>} : memref<2560x256xf32, #tpu.memory_space<vmem>>, vector<128x256xf32>,
    %get3A_172 = arith.constant 0 : index
    %get3A_173 = arith.constant 4 : index
    %get3A_174 = arith.constant 0 : index
    %get3A_175 = vector.load %arg3[%get3A_172, %get3A_173, %get3A_174] : memref<1x20x128xf32, #tpu.memory_space<vmem>>, vector<1x1x128xf32>
    %get3A_176 = vector.shape_cast %get3A_175 : vector<1x1x128xf32> to vector<128xf32>
    %get3A_177 = arith.constant 0 : index
    %get3A_178 = arith.constant 4 : index
    %get3A_179 = arith.constant 0 : index
    %get3A_180 = vector.load %arg4[%get3A_177, %get3A_178, %get3A_179] : memref<1x20x128xf32, #tpu.memory_space<vmem>>, vector<1x1x128xf32>
    %get3A_181 = vector.shape_cast %get3A_180 : vector<1x1x128xf32> to vector<128xf32>
    %add3A_182 = arith.addf %get3A_176, %get3A_181 : vector<128xf32>
    %get3A_183 = arith.constant 0 : index
    %get3A_184 = arith.constant 4 : index
    %get3A_185 = arith.constant 0 : index
    %get3A_186 = vector.load %arg5[%get3A_183, %get3A_184, %get3A_185] : memref<1x20x128xf32, #tpu.memory_space<vmem>>, vector<1x1x128xf32>
    %get3A_187 = vector.shape_cast %get3A_186 : vector<1x1x128xf32> to vector<128xf32>
    %get3A_188 = arith.constant 0 : index
    %get3A_189 = arith.constant 4 : index
    %get3A_190 = arith.constant 0 : index
    %get3A_191 = vector.load %arg6[%get3A_188, %get3A_189, %get3A_190] : memref<1x20x128xf32, #tpu.memory_space<vmem>>, vector<1x1x128xf32>
    %get3A_192 = vector.shape_cast %get3A_191 : vector<1x1x128xf32> to vector<128xf32>
    %add3A_193 = arith.addf %get3A_187, %get3A_192 : vector<128xf32>
    %get3A_194 = arith.constant 512 : index
    %get3A_195 = arith.constant 0 : index
    %get3A_196 = vector.load %arg7[%get3A_194, %get3A_195] : memref<2560x128xf32, #tpu.memory_space<vmem>>, vector<128x128xf32>
    %broadcast_in_dim3A_197 = vector.shape_cast %add3A_182 : vector<128xf32> to vector<128x1xf32>
    %mul3A_198 = vector.broadcast %broadcast_in_dim3A_197 : vector<128x1xf32> to vector<128x128xf32>
    %mul3A_199 = arith.mulf %get3A_196, %mul3A_198 : vector<128x128xf32>
    %get3A_200 = arith.constant 512 : index
    %get3A_201 = arith.constant 0 : index
    %get3A_202 = vector.load %arg8[%get3A_200, %get3A_201] : memref<2560x128xf32, #tpu.memory_space<vmem>>, vector<128x128xf32>
    %broadcast_in_dim3A_203 = vector.shape_cast %add3A_193 : vector<128xf32> to vector<128x1xf32>
    %mul3A_204 = vector.broadcast %broadcast_in_dim3A_203 : vector<128x1xf32> to vector<128x128xf32>
    %mul3A_205 = arith.mulf %get3A_202, %mul3A_204 : vector<128x128xf32>
    %dot_general3A_206 = arith.constant dense<0.000000e+00> : vector<128x256xf32>
    %dot_general3A_207 = tpu.matmul %mul3A_199, %get3A_3, %dot_general3A_206 {dimension_numbers = #tpu.dot_dimension_numbers<[1], [0], [0], [1], [0, 0, 1, 1], [], []>, transpose_lhs_hint = false} : vector<128x128xf32>, vector<128x256xf32>, vector<128x256xf32> -> vector<128x256xf32>
    %dot_general3A_208 = arith.constant dense<0.000000e+00> : vector<128x256xf32>
    %dot_general3A_209 = tpu.matmul %mul3A_205, %get3A_8, %dot_general3A_208 {dimension_numbers = #tpu.dot_dimension_numbers<[1], [0], [0], [1], [0, 0, 1, 1], [], []>, transpose_lhs_hint = false} : vector<128x128xf32>, vector<128x256xf32>, vector<128x256xf32> -> vector<128x256xf32>
    %add3A_210 = arith.addf %dot_general3A_207, %dot_general3A_209 : vector<128x256xf32>
    %swap3A_211 = arith.constant 512 : index
    %swap3A_212 = arith.constant 0 : index
    %swap3A_213 = vector.load %arg9[%swap3A_211, %swap3A_212] : memref<2560x256xf32, #tpu.memory_space<vmem>>, vector<128x256xf32>
    tpu.vector_store %arg9[%swap3A_211, %swap3A_212], %add3A_210 {strides = array<i32>} : memref<2560x256xf32, #tpu.memory_space<vmem>>, vector<128x256xf32>,
    %get3A_214 = arith.constant 0 : index
    %get3A_215 = arith.constant 5 : index
    %get3A_216 = arith.constant 0 : index
    %get3A_217 = vector.load %arg3[%get3A_214, %get3A_215, %get3A_216] : memref<1x20x128xf32, #tpu.memory_space<vmem>>, vector<1x1x128xf32>
    %get3A_218 = vector.shape_cast %get3A_217 : vector<1x1x128xf32> to vector<128xf32>
    %get3A_219 = arith.constant 0 : index
    %get3A_220 = arith.constant 5 : index
    %get3A_221 = arith.constant 0 : index
    %get3A_222 = vector.load %arg4[%get3A_219, %get3A_220, %get3A_221] : memref<1x20x128xf32, #tpu.memory_space<vmem>>, vector<1x1x128xf32>
    %get3A_223 = vector.shape_cast %get3A_222 : vector<1x1x128xf32> to vector<128xf32>
    %add3A_224 = arith.addf %get3A_218, %get3A_223 : vector<128xf32>
    %get3A_225 = arith.constant 0 : index
    %get3A_226 = arith.constant 5 : index
    %get3A_227 = arith.constant 0 : index
    %get3A_228 = vector.load %arg5[%get3A_225, %get3A_226, %get3A_227] : memref<1x20x128xf32, #tpu.memory_space<vmem>>, vector<1x1x128xf32>
    %get3A_229 = vector.shape_cast %get3A_228 : vector<1x1x128xf32> to vector<128xf32>
    %get3A_230 = arith.constant 0 : index
    %get3A_231 = arith.constant 5 : index
    %get3A_232 = arith.constant 0 : index
    %get3A_233 = vector.load %arg6[%get3A_230, %get3A_231, %get3A_232] : memref<1x20x128xf32, #tpu.memory_space<vmem>>, vector<1x1x128xf32>
    %get3A_234 = vector.shape_cast %get3A_233 : vector<1x1x128xf32> to vector<128xf32>
    %add3A_235 = arith.addf %get3A_229, %get3A_234 : vector<128xf32>
    %get3A_236 = arith.constant 640 : index
    %get3A_237 = arith.constant 0 : index
    %get3A_238 = vector.load %arg7[%get3A_236, %get3A_237] : memref<2560x128xf32, #tpu.memory_space<vmem>>, vector<128x128xf32>
    %broadcast_in_dim3A_239 = vector.shape_cast %add3A_224 : vector<128xf32> to vector<128x1xf32>
    %mul3A_240 = vector.broadcast %broadcast_in_dim3A_239 : vector<128x1xf32> to vector<128x128xf32>
    %mul3A_241 = arith.mulf %get3A_238, %mul3A_240 : vector<128x128xf32>
    %get3A_242 = arith.constant 640 : index
    %get3A_243 = arith.constant 0 : index
    %get3A_244 = vector.load %arg8[%get3A_242, %get3A_243] : memref<2560x128xf32, #tpu.memory_space<vmem>>, vector<128x128xf32>
    %broadcast_in_dim3A_245 = vector.shape_cast %add3A_235 : vector<128xf32> to vector<128x1xf32>
    %mul3A_246 = vector.broadcast %broadcast_in_dim3A_245 : vector<128x1xf32> to vector<128x128xf32>
    %mul3A_247 = arith.mulf %get3A_244, %mul3A_246 : vector<128x128xf32>
    %dot_general3A_248 = arith.constant dense<0.000000e+00> : vector<128x256xf32>
    %dot_general3A_249 = tpu.matmul %mul3A_241, %get3A_3, %dot_general3A_248 {dimension_numbers = #tpu.dot_dimension_numbers<[1], [0], [0], [1], [0, 0, 1, 1], [], []>, transpose_lhs_hint = false} : vector<128x128xf32>, vector<128x256xf32>, vector<128x256xf32> -> vector<128x256xf32>
    %dot_general3A_250 = arith.constant dense<0.000000e+00> : vector<128x256xf32>
    %dot_general3A_251 = tpu.matmul %mul3A_247, %get3A_8, %dot_general3A_250 {dimension_numbers = #tpu.dot_dimension_numbers<[1], [0], [0], [1], [0, 0, 1, 1], [], []>, transpose_lhs_hint = false} : vector<128x128xf32>, vector<128x256xf32>, vector<128x256xf32> -> vector<128x256xf32>
    %add3A_252 = arith.addf %dot_general3A_249, %dot_general3A_251 : vector<128x256xf32>
    %swap3A_253 = arith.constant 640 : index
    %swap3A_254 = arith.constant 0 : index
    %swap3A_255 = vector.load %arg9[%swap3A_253, %swap3A_254] : memref<2560x256xf32, #tpu.memory_space<vmem>>, vector<128x256xf32>
    tpu.vector_store %arg9[%swap3A_253, %swap3A_254], %add3A_252 {strides = array<i32>} : memref<2560x256xf32, #tpu.memory_space<vmem>>, vector<128x256xf32>,
    %get3A_256 = arith.constant 0 : index
    %get3A_257 = arith.constant 6 : index
    %get3A_258 = arith.constant 0 : index
    %get3A_259 = vector.load %arg3[%get3A_256, %get3A_257, %get3A_258] : memref<1x20x128xf32, #tpu.memory_space<vmem>>, vector<1x1x128xf32>
    %get3A_260 = vector.shape_cast %get3A_259 : vector<1x1x128xf32> to vector<128xf32>
    %get3A_261 = arith.constant 0 : index
    %get3A_262 = arith.constant 6 : index
    %get3A_263 = arith.constant 0 : index
    %get3A_264 = vector.load %arg4[%get3A_261, %get3A_262, %get3A_263] : memref<1x20x128xf32, #tpu.memory_space<vmem>>, vector<1x1x128xf32>
    %get3A_265 = vector.shape_cast %get3A_264 : vector<1x1x128xf32> to vector<128xf32>
    %add3A_266 = arith.addf %get3A_260, %get3A_265 : vector<128xf32>
    %get3A_267 = arith.constant 0 : index
    %get3A_268 = arith.constant 6 : index
    %get3A_269 = arith.constant 0 : index
    %get3A_270 = vector.load %arg5[%get3A_267, %get3A_268, %get3A_269] : memref<1x20x128xf32, #tpu.memory_space<vmem>>, vector<1x1x128xf32>
    %get3A_271 = vector.shape_cast %get3A_270 : vector<1x1x128xf32> to vector<128xf32>
    %get3A_272 = arith.constant 0 : index
    %get3A_273 = arith.constant 6 : index
    %get3A_274 = arith.constant 0 : index
    %get3A_275 = vector.load %arg6[%get3A_272, %get3A_273, %get3A_274] : memref<1x20x128xf32, #tpu.memory_space<vmem>>, vector<1x1x128xf32>
    %get3A_276 = vector.shape_cast %get3A_275 : vector<1x1x128xf32> to vector<128xf32>
    %add3A_277 = arith.addf %get3A_271, %get3A_276 : vector<128xf32>
    %get3A_278 = arith.constant 768 : index
    %get3A_279 = arith.constant 0 : index
    %get3A_280 = vector.load %arg7[%get3A_278, %get3A_279] : memref<2560x128xf32, #tpu.memory_space<vmem>>, vector<128x128xf32>
    %broadcast_in_dim3A_281 = vector.shape_cast %add3A_266 : vector<128xf32> to vector<128x1xf32>
    %mul3A_282 = vector.broadcast %broadcast_in_dim3A_281 : vector<128x1xf32> to vector<128x128xf32>
    %mul3A_283 = arith.mulf %get3A_280, %mul3A_282 : vector<128x128xf32>
    %get3A_284 = arith.constant 768 : index
    %get3A_285 = arith.constant 0 : index
    %get3A_286 = vector.load %arg8[%get3A_284, %get3A_285] : memref<2560x128xf32, #tpu.memory_space<vmem>>, vector<128x128xf32>
    %broadcast_in_dim3A_287 = vector.shape_cast %add3A_277 : vector<128xf32> to vector<128x1xf32>
    %mul3A_288 = vector.broadcast %broadcast_in_dim3A_287 : vector<128x1xf32> to vector<128x128xf32>
    %mul3A_289 = arith.mulf %get3A_286, %mul3A_288 : vector<128x128xf32>
    %dot_general3A_290 = arith.constant dense<0.000000e+00> : vector<128x256xf32>
    %dot_general3A_291 = tpu.matmul %mul3A_283, %get3A_3, %dot_general3A_290 {dimension_numbers = #tpu.dot_dimension_numbers<[1], [0], [0], [1], [0, 0, 1, 1], [], []>, transpose_lhs_hint = false} : vector<128x128xf32>, vector<128x256xf32>, vector<128x256xf32> -> vector<128x256xf32>
    %dot_general3A_292 = arith.constant dense<0.000000e+00> : vector<128x256xf32>
    %dot_general3A_293 = tpu.matmul %mul3A_289, %get3A_8, %dot_general3A_292 {dimension_numbers = #tpu.dot_dimension_numbers<[1], [0], [0], [1], [0, 0, 1, 1], [], []>, transpose_lhs_hint = false} : vector<128x128xf32>, vector<128x256xf32>, vector<128x256xf32> -> vector<128x256xf32>
    %add3A_294 = arith.addf %dot_general3A_291, %dot_general3A_293 : vector<128x256xf32>
    %swap3A_295 = arith.constant 768 : index
    %swap3A_296 = arith.constant 0 : index
    %swap3A_297 = vector.load %arg9[%swap3A_295, %swap3A_296] : memref<2560x256xf32, #tpu.memory_space<vmem>>, vector<128x256xf32>
    tpu.vector_store %arg9[%swap3A_295, %swap3A_296], %add3A_294 {strides = array<i32>} : memref<2560x256xf32, #tpu.memory_space<vmem>>, vector<128x256xf32>,
    %get3A_298 = arith.constant 0 : index
    %get3A_299 = arith.constant 7 : index
    %get3A_300 = arith.constant 0 : index
    %get3A_301 = vector.load %arg3[%get3A_298, %get3A_299, %get3A_300] : memref<1x20x128xf32, #tpu.memory_space<vmem>>, vector<1x1x128xf32>
    %get3A_302 = vector.shape_cast %get3A_301 : vector<1x1x128xf32> to vector<128xf32>
    %get3A_303 = arith.constant 0 : index
    %get3A_304 = arith.constant 7 : index
    %get3A_305 = arith.constant 0 : index
    %get3A_306 = vector.load %arg4[%get3A_303, %get3A_304, %get3A_305] : memref<1x20x128xf32, #tpu.memory_space<vmem>>, vector<1x1x128xf32>
    %get3A_307 = vector.shape_cast %get3A_306 : vector<1x1x128xf32> to vector<128xf32>
    %add3A_308 = arith.addf %get3A_302, %get3A_307 : vector<128xf32>
    %get3A_309 = arith.constant 0 : index
    %get3A_310 = arith.constant 7 : index
    %get3A_311 = arith.constant 0 : index
    %get3A_312 = vector.load %arg5[%get3A_309, %get3A_310, %get3A_311] : memref<1x20x128xf32, #tpu.memory_space<vmem>>, vector<1x1x128xf32>
    %get3A_313 = vector.shape_cast %get3A_312 : vector<1x1x128xf32> to vector<128xf32>
    %get3A_314 = arith.constant 0 : index
    %get3A_315 = arith.constant 7 : index
    %get3A_316 = arith.constant 0 : index
    %get3A_317 = vector.load %arg6[%get3A_314, %get3A_315, %get3A_316] : memref<1x20x128xf32, #tpu.memory_space<vmem>>, vector<1x1x128xf32>
    %get3A_318 = vector.shape_cast %get3A_317 : vector<1x1x128xf32> to vector<128xf32>
    %add3A_319 = arith.addf %get3A_313, %get3A_318 : vector<128xf32>
    %get3A_320 = arith.constant 896 : index
    %get3A_321 = arith.constant 0 : index
    %get3A_322 = vector.load %arg7[%get3A_320, %get3A_321] : memref<2560x128xf32, #tpu.memory_space<vmem>>, vector<128x128xf32>
    %broadcast_in_dim3A_323 = vector.shape_cast %add3A_308 : vector<128xf32> to vector<128x1xf32>
    %mul3A_324 = vector.broadcast %broadcast_in_dim3A_323 : vector<128x1xf32> to vector<128x128xf32>
    %mul3A_325 = arith.mulf %get3A_322, %mul3A_324 : vector<128x128xf32>
    %get3A_326 = arith.constant 896 : index
    %get3A_327 = arith.constant 0 : index
    %get3A_328 = vector.load %arg8[%get3A_326, %get3A_327] : memref<2560x128xf32, #tpu.memory_space<vmem>>, vector<128x128xf32>
    %broadcast_in_dim3A_329 = vector.shape_cast %add3A_319 : vector<128xf32> to vector<128x1xf32>
    %mul3A_330 = vector.broadcast %broadcast_in_dim3A_329 : vector<128x1xf32> to vector<128x128xf32>
    %mul3A_331 = arith.mulf %get3A_328, %mul3A_330 : vector<128x128xf32>
    %dot_general3A_332 = arith.constant dense<0.000000e+00> : vector<128x256xf32>
    %dot_general3A_333 = tpu.matmul %mul3A_325, %get3A_3, %dot_general3A_332 {dimension_numbers = #tpu.dot_dimension_numbers<[1], [0], [0], [1], [0, 0, 1, 1], [], []>, transpose_lhs_hint = false} : vector<128x128xf32>, vector<128x256xf32>, vector<128x256xf32> -> vector<128x256xf32>
    %dot_general3A_334 = arith.constant dense<0.000000e+00> : vector<128x256xf32>
    %dot_general3A_335 = tpu.matmul %mul3A_331, %get3A_8, %dot_general3A_334 {dimension_numbers = #tpu.dot_dimension_numbers<[1], [0], [0], [1], [0, 0, 1, 1], [], []>, transpose_lhs_hint = false} : vector<128x128xf32>, vector<128x256xf32>, vector<128x256xf32> -> vector<128x256xf32>
    %add3A_336 = arith.addf %dot_general3A_333, %dot_general3A_335 : vector<128x256xf32>
    %swap3A_337 = arith.constant 896 : index
    %swap3A_338 = arith.constant 0 : index
    %swap3A_339 = vector.load %arg9[%swap3A_337, %swap3A_338] : memref<2560x256xf32, #tpu.memory_space<vmem>>, vector<128x256xf32>
    tpu.vector_store %arg9[%swap3A_337, %swap3A_338], %add3A_336 {strides = array<i32>} : memref<2560x256xf32, #tpu.memory_space<vmem>>, vector<128x256xf32>,
    %get3A_340 = arith.constant 0 : index
    %get3A_341 = arith.constant 8 : index
    %get3A_342 = arith.constant 0 : index
    %get3A_343 = vector.load %arg3[%get3A_340, %get3A_341, %get3A_342] : memref<1x20x128xf32, #tpu.memory_space<vmem>>, vector<1x1x128xf32>
    %get3A_344 = vector.shape_cast %get3A_343 : vector<1x1x128xf32> to vector<128xf32>
    %get3A_345 = arith.constant 0 : index
    %get3A_346 = arith.constant 8 : index
    %get3A_347 = arith.constant 0 : index
    %get3A_348 = vector.load %arg4[%get3A_345, %get3A_346, %get3A_347] : memref<1x20x128xf32, #tpu.memory_space<vmem>>, vector<1x1x128xf32>
    %get3A_349 = vector.shape_cast %get3A_348 : vector<1x1x128xf32> to vector<128xf32>
    %add3A_350 = arith.addf %get3A_344, %get3A_349 : vector<128xf32>
    %get3A_351 = arith.constant 0 : index
    %get3A_352 = arith.constant 8 : index
    %get3A_353 = arith.constant 0 : index
    %get3A_354 = vector.load %arg5[%get3A_351, %get3A_352, %get3A_353] : memref<1x20x128xf32, #tpu.memory_space<vmem>>, vector<1x1x128xf32>
    %get3A_355 = vector.shape_cast %get3A_354 : vector<1x1x128xf32> to vector<128xf32>
    %get3A_356 = arith.constant 0 : index
    %get3A_357 = arith.constant 8 : index
    %get3A_358 = arith.constant 0 : index
    %get3A_359 = vector.load %arg6[%get3A_356, %get3A_357, %get3A_358] : memref<1x20x128xf32, #tpu.memory_space<vmem>>, vector<1x1x128xf32>
    %get3A_360 = vector.shape_cast %get3A_359 : vector<1x1x128xf32> to vector<128xf32>
    %add3A_361 = arith.addf %get3A_355, %get3A_360 : vector<128xf32>
    %get3A_362 = arith.constant 1024 : index
    %get3A_363 = arith.constant 0 : index
    %get3A_364 = vector.load %arg7[%get3A_362, %get3A_363] : memref<2560x128xf32, #tpu.memory_space<vmem>>, vector<128x128xf32>
    %broadcast_in_dim3A_365 = vector.shape_cast %add3A_350 : vector<128xf32> to vector<128x1xf32>
    %mul3A_366 = vector.broadcast %broadcast_in_dim3A_365 : vector<128x1xf32> to vector<128x128xf32>
    %mul3A_367 = arith.mulf %get3A_364, %mul3A_366 : vector<128x128xf32>
    %get3A_368 = arith.constant 1024 : index
    %get3A_369 = arith.constant 0 : index
    %get3A_370 = vector.load %arg8[%get3A_368, %get3A_369] : memref<2560x128xf32, #tpu.memory_space<vmem>>, vector<128x128xf32>
    %broadcast_in_dim3A_371 = vector.shape_cast %add3A_361 : vector<128xf32> to vector<128x1xf32>
    %mul3A_372 = vector.broadcast %broadcast_in_dim3A_371 : vector<128x1xf32> to vector<128x128xf32>
    %mul3A_373 = arith.mulf %get3A_370, %mul3A_372 : vector<128x128xf32>
    %dot_general3A_374 = arith.constant dense<0.000000e+00> : vector<128x256xf32>
    %dot_general3A_375 = tpu.matmul %mul3A_367, %get3A_3, %dot_general3A_374 {dimension_numbers = #tpu.dot_dimension_numbers<[1], [0], [0], [1], [0, 0, 1, 1], [], []>, transpose_lhs_hint = false} : vector<128x128xf32>, vector<128x256xf32>, vector<128x256xf32> -> vector<128x256xf32>
    %dot_general3A_376 = arith.constant dense<0.000000e+00> : vector<128x256xf32>
    %dot_general3A_377 = tpu.matmul %mul3A_373, %get3A_8, %dot_general3A_376 {dimension_numbers = #tpu.dot_dimension_numbers<[1], [0], [0], [1], [0, 0, 1, 1], [], []>, transpose_lhs_hint = false} : vector<128x128xf32>, vector<128x256xf32>, vector<128x256xf32> -> vector<128x256xf32>
    %add3A_378 = arith.addf %dot_general3A_375, %dot_general3A_377 : vector<128x256xf32>
    %swap3A_379 = arith.constant 1024 : index
    %swap3A_380 = arith.constant 0 : index
    %swap3A_381 = vector.load %arg9[%swap3A_379, %swap3A_380] : memref<2560x256xf32, #tpu.memory_space<vmem>>, vector<128x256xf32>
    tpu.vector_store %arg9[%swap3A_379, %swap3A_380], %add3A_378 {strides = array<i32>} : memref<2560x256xf32, #tpu.memory_space<vmem>>, vector<128x256xf32>,
    %get3A_382 = arith.constant 0 : index
    %get3A_383 = arith.constant 9 : index
    %get3A_384 = arith.constant 0 : index
    %get3A_385 = vector.load %arg3[%get3A_382, %get3A_383, %get3A_384] : memref<1x20x128xf32, #tpu.memory_space<vmem>>, vector<1x1x128xf32>
    %get3A_386 = vector.shape_cast %get3A_385 : vector<1x1x128xf32> to vector<128xf32>
    %get3A_387 = arith.constant 0 : index
    %get3A_388 = arith.constant 9 : index
    %get3A_389 = arith.constant 0 : index
    %get3A_390 = vector.load %arg4[%get3A_387, %get3A_388, %get3A_389] : memref<1x20x128xf32, #tpu.memory_space<vmem>>, vector<1x1x128xf32>
    %get3A_391 = vector.shape_cast %get3A_390 : vector<1x1x128xf32> to vector<128xf32>
    %add3A_392 = arith.addf %get3A_386, %get3A_391 : vector<128xf32>
    %get3A_393 = arith.constant 0 : index
    %get3A_394 = arith.constant 9 : index
    %get3A_395 = arith.constant 0 : index
    %get3A_396 = vector.load %arg5[%get3A_393, %get3A_394, %get3A_395] : memref<1x20x128xf32, #tpu.memory_space<vmem>>, vector<1x1x128xf32>
    %get3A_397 = vector.shape_cast %get3A_396 : vector<1x1x128xf32> to vector<128xf32>
    %get3A_398 = arith.constant 0 : index
    %get3A_399 = arith.constant 9 : index
    %get3A_400 = arith.constant 0 : index
    %get3A_401 = vector.load %arg6[%get3A_398, %get3A_399, %get3A_400] : memref<1x20x128xf32, #tpu.memory_space<vmem>>, vector<1x1x128xf32>
    %get3A_402 = vector.shape_cast %get3A_401 : vector<1x1x128xf32> to vector<128xf32>
    %add3A_403 = arith.addf %get3A_397, %get3A_402 : vector<128xf32>
    %get3A_404 = arith.constant 1152 : index
    %get3A_405 = arith.constant 0 : index
    %get3A_406 = vector.load %arg7[%get3A_404, %get3A_405] : memref<2560x128xf32, #tpu.memory_space<vmem>>, vector<128x128xf32>
    %broadcast_in_dim3A_407 = vector.shape_cast %add3A_392 : vector<128xf32> to vector<128x1xf32>
    %mul3A_408 = vector.broadcast %broadcast_in_dim3A_407 : vector<128x1xf32> to vector<128x128xf32>
    %mul3A_409 = arith.mulf %get3A_406, %mul3A_408 : vector<128x128xf32>
    %get3A_410 = arith.constant 1152 : index
    %get3A_411 = arith.constant 0 : index
    %get3A_412 = vector.load %arg8[%get3A_410, %get3A_411] : memref<2560x128xf32, #tpu.memory_space<vmem>>, vector<128x128xf32>
    %broadcast_in_dim3A_413 = vector.shape_cast %add3A_403 : vector<128xf32> to vector<128x1xf32>
    %mul3A_414 = vector.broadcast %broadcast_in_dim3A_413 : vector<128x1xf32> to vector<128x128xf32>
    %mul3A_415 = arith.mulf %get3A_412, %mul3A_414 : vector<128x128xf32>
    %dot_general3A_416 = arith.constant dense<0.000000e+00> : vector<128x256xf32>
    %dot_general3A_417 = tpu.matmul %mul3A_409, %get3A_3, %dot_general3A_416 {dimension_numbers = #tpu.dot_dimension_numbers<[1], [0], [0], [1], [0, 0, 1, 1], [], []>, transpose_lhs_hint = false} : vector<128x128xf32>, vector<128x256xf32>, vector<128x256xf32> -> vector<128x256xf32>
    %dot_general3A_418 = arith.constant dense<0.000000e+00> : vector<128x256xf32>
    %dot_general3A_419 = tpu.matmul %mul3A_415, %get3A_8, %dot_general3A_418 {dimension_numbers = #tpu.dot_dimension_numbers<[1], [0], [0], [1], [0, 0, 1, 1], [], []>, transpose_lhs_hint = false} : vector<128x128xf32>, vector<128x256xf32>, vector<128x256xf32> -> vector<128x256xf32>
    %add3A_420 = arith.addf %dot_general3A_417, %dot_general3A_419 : vector<128x256xf32>
    %swap3A_421 = arith.constant 1152 : index
    %swap3A_422 = arith.constant 0 : index
    %swap3A_423 = vector.load %arg9[%swap3A_421, %swap3A_422] : memref<2560x256xf32, #tpu.memory_space<vmem>>, vector<128x256xf32>
    tpu.vector_store %arg9[%swap3A_421, %swap3A_422], %add3A_420 {strides = array<i32>} : memref<2560x256xf32, #tpu.memory_space<vmem>>, vector<128x256xf32>,
    %get3A_424 = arith.constant 0 : index
    %get3A_425 = arith.constant 10 : index
    %get3A_426 = arith.constant 0 : index
    %get3A_427 = vector.load %arg3[%get3A_424, %get3A_425, %get3A_426] : memref<1x20x128xf32, #tpu.memory_space<vmem>>, vector<1x1x128xf32>
    %get3A_428 = vector.shape_cast %get3A_427 : vector<1x1x128xf32> to vector<128xf32>
    %get3A_429 = arith.constant 0 : index
    %get3A_430 = arith.constant 10 : index
    %get3A_431 = arith.constant 0 : index
    %get3A_432 = vector.load %arg4[%get3A_429, %get3A_430, %get3A_431] : memref<1x20x128xf32, #tpu.memory_space<vmem>>, vector<1x1x128xf32>
    %get3A_433 = vector.shape_cast %get3A_432 : vector<1x1x128xf32> to vector<128xf32>
    %add3A_434 = arith.addf %get3A_428, %get3A_433 : vector<128xf32>
    %get3A_435 = arith.constant 0 : index
    %get3A_436 = arith.constant 10 : index
    %get3A_437 = arith.constant 0 : index
    %get3A_438 = vector.load %arg5[%get3A_435, %get3A_436, %get3A_437] : memref<1x20x128xf32, #tpu.memory_space<vmem>>, vector<1x1x128xf32>
    %get3A_439 = vector.shape_cast %get3A_438 : vector<1x1x128xf32> to vector<128xf32>
    %get3A_440 = arith.constant 0 : index
    %get3A_441 = arith.constant 10 : index
    %get3A_442 = arith.constant 0 : index
    %get3A_443 = vector.load %arg6[%get3A_440, %get3A_441, %get3A_442] : memref<1x20x128xf32, #tpu.memory_space<vmem>>, vector<1x1x128xf32>
    %get3A_444 = vector.shape_cast %get3A_443 : vector<1x1x128xf32> to vector<128xf32>
    %add3A_445 = arith.addf %get3A_439, %get3A_444 : vector<128xf32>
    %get3A_446 = arith.constant 1280 : index
    %get3A_447 = arith.constant 0 : index
    %get3A_448 = vector.load %arg7[%get3A_446, %get3A_447] : memref<2560x128xf32, #tpu.memory_space<vmem>>, vector<128x128xf32>
    %broadcast_in_dim3A_449 = vector.shape_cast %add3A_434 : vector<128xf32> to vector<128x1xf32>
    %mul3A_450 = vector.broadcast %broadcast_in_dim3A_449 : vector<128x1xf32> to vector<128x128xf32>
    %mul3A_451 = arith.mulf %get3A_448, %mul3A_450 : vector<128x128xf32>
    %get3A_452 = arith.constant 1280 : index
    %get3A_453 = arith.constant 0 : index
    %get3A_454 = vector.load %arg8[%get3A_452, %get3A_453] : memref<2560x128xf32, #tpu.memory_space<vmem>>, vector<128x128xf32>
    %broadcast_in_dim3A_455 = vector.shape_cast %add3A_445 : vector<128xf32> to vector<128x1xf32>
    %mul3A_456 = vector.broadcast %broadcast_in_dim3A_455 : vector<128x1xf32> to vector<128x128xf32>
    %mul3A_457 = arith.mulf %get3A_454, %mul3A_456 : vector<128x128xf32>
    %dot_general3A_458 = arith.constant dense<0.000000e+00> : vector<128x256xf32>
    %dot_general3A_459 = tpu.matmul %mul3A_451, %get3A_3, %dot_general3A_458 {dimension_numbers = #tpu.dot_dimension_numbers<[1], [0], [0], [1], [0, 0, 1, 1], [], []>, transpose_lhs_hint = false} : vector<128x128xf32>, vector<128x256xf32>, vector<128x256xf32> -> vector<128x256xf32>
    %dot_general3A_460 = arith.constant dense<0.000000e+00> : vector<128x256xf32>
    %dot_general3A_461 = tpu.matmul %mul3A_457, %get3A_8, %dot_general3A_460 {dimension_numbers = #tpu.dot_dimension_numbers<[1], [0], [0], [1], [0, 0, 1, 1], [], []>, transpose_lhs_hint = false} : vector<128x128xf32>, vector<128x256xf32>, vector<128x256xf32> -> vector<128x256xf32>
    %add3A_462 = arith.addf %dot_general3A_459, %dot_general3A_461 : vector<128x256xf32>
    %swap3A_463 = arith.constant 1280 : index
    %swap3A_464 = arith.constant 0 : index
    %swap3A_465 = vector.load %arg9[%swap3A_463, %swap3A_464] : memref<2560x256xf32, #tpu.memory_space<vmem>>, vector<128x256xf32>
    tpu.vector_store %arg9[%swap3A_463, %swap3A_464], %add3A_462 {strides = array<i32>} : memref<2560x256xf32, #tpu.memory_space<vmem>>, vector<128x256xf32>,
    %get3A_466 = arith.constant 0 : index
    %get3A_467 = arith.constant 11 : index
    %get3A_468 = arith.constant 0 : index
    %get3A_469 = vector.load %arg3[%get3A_466, %get3A_467, %get3A_468] : memref<1x20x128xf32, #tpu.memory_space<vmem>>, vector<1x1x128xf32>
    %get3A_470 = vector.shape_cast %get3A_469 : vector<1x1x128xf32> to vector<128xf32>
    %get3A_471 = arith.constant 0 : index
    %get3A_472 = arith.constant 11 : index
    %get3A_473 = arith.constant 0 : index
    %get3A_474 = vector.load %arg4[%get3A_471, %get3A_472, %get3A_473] : memref<1x20x128xf32, #tpu.memory_space<vmem>>, vector<1x1x128xf32>
    %get3A_475 = vector.shape_cast %get3A_474 : vector<1x1x128xf32> to vector<128xf32>
    %add3A_476 = arith.addf %get3A_470, %get3A_475 : vector<128xf32>
    %get3A_477 = arith.constant 0 : index
    %get3A_478 = arith.constant 11 : index
    %get3A_479 = arith.constant 0 : index
    %get3A_480 = vector.load %arg5[%get3A_477, %get3A_478, %get3A_479] : memref<1x20x128xf32, #tpu.memory_space<vmem>>, vector<1x1x128xf32>
    %get3A_481 = vector.shape_cast %get3A_480 : vector<1x1x128xf32> to vector<128xf32>
    %get3A_482 = arith.constant 0 : index
    %get3A_483 = arith.constant 11 : index
    %get3A_484 = arith.constant 0 : index
    %get3A_485 = vector.load %arg6[%get3A_482, %get3A_483, %get3A_484] : memref<1x20x128xf32, #tpu.memory_space<vmem>>, vector<1x1x128xf32>
    %get3A_486 = vector.shape_cast %get3A_485 : vector<1x1x128xf32> to vector<128xf32>
    %add3A_487 = arith.addf %get3A_481, %get3A_486 : vector<128xf32>
    %get3A_488 = arith.constant 1408 : index
    %get3A_489 = arith.constant 0 : index
    %get3A_490 = vector.load %arg7[%get3A_488, %get3A_489] : memref<2560x128xf32, #tpu.memory_space<vmem>>, vector<128x128xf32>
    %broadcast_in_dim3A_491 = vector.shape_cast %add3A_476 : vector<128xf32> to vector<128x1xf32>
    %mul3A_492 = vector.broadcast %broadcast_in_dim3A_491 : vector<128x1xf32> to vector<128x128xf32>
    %mul3A_493 = arith.mulf %get3A_490, %mul3A_492 : vector<128x128xf32>
    %get3A_494 = arith.constant 1408 : index
    %get3A_495 = arith.constant 0 : index
    %get3A_496 = vector.load %arg8[%get3A_494, %get3A_495] : memref<2560x128xf32, #tpu.memory_space<vmem>>, vector<128x128xf32>
    %broadcast_in_dim3A_497 = vector.shape_cast %add3A_487 : vector<128xf32> to vector<128x1xf32>
    %mul3A_498 = vector.broadcast %broadcast_in_dim3A_497 : vector<128x1xf32> to vector<128x128xf32>
    %mul3A_499 = arith.mulf %get3A_496, %mul3A_498 : vector<128x128xf32>
    %dot_general3A_500 = arith.constant dense<0.000000e+00> : vector<128x256xf32>
    %dot_general3A_501 = tpu.matmul %mul3A_493, %get3A_3, %dot_general3A_500 {dimension_numbers = #tpu.dot_dimension_numbers<[1], [0], [0], [1], [0, 0, 1, 1], [], []>, transpose_lhs_hint = false} : vector<128x128xf32>, vector<128x256xf32>, vector<128x256xf32> -> vector<128x256xf32>
    %dot_general3A_502 = arith.constant dense<0.000000e+00> : vector<128x256xf32>
    %dot_general3A_503 = tpu.matmul %mul3A_499, %get3A_8, %dot_general3A_502 {dimension_numbers = #tpu.dot_dimension_numbers<[1], [0], [0], [1], [0, 0, 1, 1], [], []>, transpose_lhs_hint = false} : vector<128x128xf32>, vector<128x256xf32>, vector<128x256xf32> -> vector<128x256xf32>
    %add3A_504 = arith.addf %dot_general3A_501, %dot_general3A_503 : vector<128x256xf32>
    %swap3A_505 = arith.constant 1408 : index
    %swap3A_506 = arith.constant 0 : index
    %swap3A_507 = vector.load %arg9[%swap3A_505, %swap3A_506] : memref<2560x256xf32, #tpu.memory_space<vmem>>, vector<128x256xf32>
    tpu.vector_store %arg9[%swap3A_505, %swap3A_506], %add3A_504 {strides = array<i32>} : memref<2560x256xf32, #tpu.memory_space<vmem>>, vector<128x256xf32>,
    %get3A_508 = arith.constant 0 : index
    %get3A_509 = arith.constant 12 : index
    %get3A_510 = arith.constant 0 : index
    %get3A_511 = vector.load %arg3[%get3A_508, %get3A_509, %get3A_510] : memref<1x20x128xf32, #tpu.memory_space<vmem>>, vector<1x1x128xf32>
    %get3A_512 = vector.shape_cast %get3A_511 : vector<1x1x128xf32> to vector<128xf32>
    %get3A_513 = arith.constant 0 : index
    %get3A_514 = arith.constant 12 : index
    %get3A_515 = arith.constant 0 : index
    %get3A_516 = vector.load %arg4[%get3A_513, %get3A_514, %get3A_515] : memref<1x20x128xf32, #tpu.memory_space<vmem>>, vector<1x1x128xf32>
    %get3A_517 = vector.shape_cast %get3A_516 : vector<1x1x128xf32> to vector<128xf32>
    %add3A_518 = arith.addf %get3A_512, %get3A_517 : vector<128xf32>
    %get3A_519 = arith.constant 0 : index
    %get3A_520 = arith.constant 12 : index
    %get3A_521 = arith.constant 0 : index
    %get3A_522 = vector.load %arg5[%get3A_519, %get3A_520, %get3A_521] : memref<1x20x128xf32, #tpu.memory_space<vmem>>, vector<1x1x128xf32>
    %get3A_523 = vector.shape_cast %get3A_522 : vector<1x1x128xf32> to vector<128xf32>
    %get3A_524 = arith.constant 0 : index
    %get3A_525 = arith.constant 12 : index
    %get3A_526 = arith.constant 0 : index
    %get3A_527 = vector.load %arg6[%get3A_524, %get3A_525, %get3A_526] : memref<1x20x128xf32, #tpu.memory_space<vmem>>, vector<1x1x128xf32>
    %get3A_528 = vector.shape_cast %get3A_527 : vector<1x1x128xf32> to vector<128xf32>
    %add3A_529 = arith.addf %get3A_523, %get3A_528 : vector<128xf32>
    %get3A_530 = arith.constant 1536 : index
    %get3A_531 = arith.constant 0 : index
    %get3A_532 = vector.load %arg7[%get3A_530, %get3A_531] : memref<2560x128xf32, #tpu.memory_space<vmem>>, vector<128x128xf32>
    %broadcast_in_dim3A_533 = vector.shape_cast %add3A_518 : vector<128xf32> to vector<128x1xf32>
    %mul3A_534 = vector.broadcast %broadcast_in_dim3A_533 : vector<128x1xf32> to vector<128x128xf32>
    %mul3A_535 = arith.mulf %get3A_532, %mul3A_534 : vector<128x128xf32>
    %get3A_536 = arith.constant 1536 : index
    %get3A_537 = arith.constant 0 : index
    %get3A_538 = vector.load %arg8[%get3A_536, %get3A_537] : memref<2560x128xf32, #tpu.memory_space<vmem>>, vector<128x128xf32>
    %broadcast_in_dim3A_539 = vector.shape_cast %add3A_529 : vector<128xf32> to vector<128x1xf32>
    %mul3A_540 = vector.broadcast %broadcast_in_dim3A_539 : vector<128x1xf32> to vector<128x128xf32>
    %mul3A_541 = arith.mulf %get3A_538, %mul3A_540 : vector<128x128xf32>
    %dot_general3A_542 = arith.constant dense<0.000000e+00> : vector<128x256xf32>
    %dot_general3A_543 = tpu.matmul %mul3A_535, %get3A_3, %dot_general3A_542 {dimension_numbers = #tpu.dot_dimension_numbers<[1], [0], [0], [1], [0, 0, 1, 1], [], []>, transpose_lhs_hint = false} : vector<128x128xf32>, vector<128x256xf32>, vector<128x256xf32> -> vector<128x256xf32>
    %dot_general3A_544 = arith.constant dense<0.000000e+00> : vector<128x256xf32>
    %dot_general3A_545 = tpu.matmul %mul3A_541, %get3A_8, %dot_general3A_544 {dimension_numbers = #tpu.dot_dimension_numbers<[1], [0], [0], [1], [0, 0, 1, 1], [], []>, transpose_lhs_hint = false} : vector<128x128xf32>, vector<128x256xf32>, vector<128x256xf32> -> vector<128x256xf32>
    %add3A_546 = arith.addf %dot_general3A_543, %dot_general3A_545 : vector<128x256xf32>
    %swap3A_547 = arith.constant 1536 : index
    %swap3A_548 = arith.constant 0 : index
    %swap3A_549 = vector.load %arg9[%swap3A_547, %swap3A_548] : memref<2560x256xf32, #tpu.memory_space<vmem>>, vector<128x256xf32>
    tpu.vector_store %arg9[%swap3A_547, %swap3A_548], %add3A_546 {strides = array<i32>} : memref<2560x256xf32, #tpu.memory_space<vmem>>, vector<128x256xf32>,
    %get3A_550 = arith.constant 0 : index
    %get3A_551 = arith.constant 13 : index
    %get3A_552 = arith.constant 0 : index
    %get3A_553 = vector.load %arg3[%get3A_550, %get3A_551, %get3A_552] : memref<1x20x128xf32, #tpu.memory_space<vmem>>, vector<1x1x128xf32>
    %get3A_554 = vector.shape_cast %get3A_553 : vector<1x1x128xf32> to vector<128xf32>
    %get3A_555 = arith.constant 0 : index
    %get3A_556 = arith.constant 13 : index
    %get3A_557 = arith.constant 0 : index
    %get3A_558 = vector.load %arg4[%get3A_555, %get3A_556, %get3A_557] : memref<1x20x128xf32, #tpu.memory_space<vmem>>, vector<1x1x128xf32>
    %get3A_559 = vector.shape_cast %get3A_558 : vector<1x1x128xf32> to vector<128xf32>
    %add3A_560 = arith.addf %get3A_554, %get3A_559 : vector<128xf32>
    %get3A_561 = arith.constant 0 : index
    %get3A_562 = arith.constant 13 : index
    %get3A_563 = arith.constant 0 : index
    %get3A_564 = vector.load %arg5[%get3A_561, %get3A_562, %get3A_563] : memref<1x20x128xf32, #tpu.memory_space<vmem>>, vector<1x1x128xf32>
    %get3A_565 = vector.shape_cast %get3A_564 : vector<1x1x128xf32> to vector<128xf32>
    %get3A_566 = arith.constant 0 : index
    %get3A_567 = arith.constant 13 : index
    %get3A_568 = arith.constant 0 : index
    %get3A_569 = vector.load %arg6[%get3A_566, %get3A_567, %get3A_568] : memref<1x20x128xf32, #tpu.memory_space<vmem>>, vector<1x1x128xf32>
    %get3A_570 = vector.shape_cast %get3A_569 : vector<1x1x128xf32> to vector<128xf32>
    %add3A_571 = arith.addf %get3A_565, %get3A_570 : vector<128xf32>
    %get3A_572 = arith.constant 1664 : index
    %get3A_573 = arith.constant 0 : index
    %get3A_574 = vector.load %arg7[%get3A_572, %get3A_573] : memref<2560x128xf32, #tpu.memory_space<vmem>>, vector<128x128xf32>
    %broadcast_in_dim3A_575 = vector.shape_cast %add3A_560 : vector<128xf32> to vector<128x1xf32>
    %mul3A_576 = vector.broadcast %broadcast_in_dim3A_575 : vector<128x1xf32> to vector<128x128xf32>
    %mul3A_577 = arith.mulf %get3A_574, %mul3A_576 : vector<128x128xf32>
    %get3A_578 = arith.constant 1664 : index
    %get3A_579 = arith.constant 0 : index
    %get3A_580 = vector.load %arg8[%get3A_578, %get3A_579] : memref<2560x128xf32, #tpu.memory_space<vmem>>, vector<128x128xf32>
    %broadcast_in_dim3A_581 = vector.shape_cast %add3A_571 : vector<128xf32> to vector<128x1xf32>
    %mul3A_582 = vector.broadcast %broadcast_in_dim3A_581 : vector<128x1xf32> to vector<128x128xf32>
    %mul3A_583 = arith.mulf %get3A_580, %mul3A_582 : vector<128x128xf32>
    %dot_general3A_584 = arith.constant dense<0.000000e+00> : vector<128x256xf32>
    %dot_general3A_585 = tpu.matmul %mul3A_577, %get3A_3, %dot_general3A_584 {dimension_numbers = #tpu.dot_dimension_numbers<[1], [0], [0], [1], [0, 0, 1, 1], [], []>, transpose_lhs_hint = false} : vector<128x128xf32>, vector<128x256xf32>, vector<128x256xf32> -> vector<128x256xf32>
    %dot_general3A_586 = arith.constant dense<0.000000e+00> : vector<128x256xf32>
    %dot_general3A_587 = tpu.matmul %mul3A_583, %get3A_8, %dot_general3A_586 {dimension_numbers = #tpu.dot_dimension_numbers<[1], [0], [0], [1], [0, 0, 1, 1], [], []>, transpose_lhs_hint = false} : vector<128x128xf32>, vector<128x256xf32>, vector<128x256xf32> -> vector<128x256xf32>
    %add3A_588 = arith.addf %dot_general3A_585, %dot_general3A_587 : vector<128x256xf32>
    %swap3A_589 = arith.constant 1664 : index
    %swap3A_590 = arith.constant 0 : index
    %swap3A_591 = vector.load %arg9[%swap3A_589, %swap3A_590] : memref<2560x256xf32, #tpu.memory_space<vmem>>, vector<128x256xf32>
    tpu.vector_store %arg9[%swap3A_589, %swap3A_590], %add3A_588 {strides = array<i32>} : memref<2560x256xf32, #tpu.memory_space<vmem>>, vector<128x256xf32>,
    %get3A_592 = arith.constant 0 : index
    %get3A_593 = arith.constant 14 : index
    %get3A_594 = arith.constant 0 : index
    %get3A_595 = vector.load %arg3[%get3A_592, %get3A_593, %get3A_594] : memref<1x20x128xf32, #tpu.memory_space<vmem>>, vector<1x1x128xf32>
    %get3A_596 = vector.shape_cast %get3A_595 : vector<1x1x128xf32> to vector<128xf32>
    %get3A_597 = arith.constant 0 : index
    %get3A_598 = arith.constant 14 : index
    %get3A_599 = arith.constant 0 : index
    %get3A_600 = vector.load %arg4[%get3A_597, %get3A_598, %get3A_599] : memref<1x20x128xf32, #tpu.memory_space<vmem>>, vector<1x1x128xf32>
    %get3A_601 = vector.shape_cast %get3A_600 : vector<1x1x128xf32> to vector<128xf32>
    %add3A_602 = arith.addf %get3A_596, %get3A_601 : vector<128xf32>
    %get3A_603 = arith.constant 0 : index
    %get3A_604 = arith.constant 14 : index
    %get3A_605 = arith.constant 0 : index
    %get3A_606 = vector.load %arg5[%get3A_603, %get3A_604, %get3A_605] : memref<1x20x128xf32, #tpu.memory_space<vmem>>, vector<1x1x128xf32>
    %get3A_607 = vector.shape_cast %get3A_606 : vector<1x1x128xf32> to vector<128xf32>
    %get3A_608 = arith.constant 0 : index
    %get3A_609 = arith.constant 14 : index
    %get3A_610 = arith.constant 0 : index
    %get3A_611 = vector.load %arg6[%get3A_608, %get3A_609, %get3A_610] : memref<1x20x128xf32, #tpu.memory_space<vmem>>, vector<1x1x128xf32>
    %get3A_612 = vector.shape_cast %get3A_611 : vector<1x1x128xf32> to vector<128xf32>
    %add3A_613 = arith.addf %get3A_607, %get3A_612 : vector<128xf32>
    %get3A_614 = arith.constant 1792 : index
    %get3A_615 = arith.constant 0 : index
    %get3A_616 = vector.load %arg7[%get3A_614, %get3A_615] : memref<2560x128xf32, #tpu.memory_space<vmem>>, vector<128x128xf32>
    %broadcast_in_dim3A_617 = vector.shape_cast %add3A_602 : vector<128xf32> to vector<128x1xf32>
    %mul3A_618 = vector.broadcast %broadcast_in_dim3A_617 : vector<128x1xf32> to vector<128x128xf32>
    %mul3A_619 = arith.mulf %get3A_616, %mul3A_618 : vector<128x128xf32>
    %get3A_620 = arith.constant 1792 : index
    %get3A_621 = arith.constant 0 : index
    %get3A_622 = vector.load %arg8[%get3A_620, %get3A_621] : memref<2560x128xf32, #tpu.memory_space<vmem>>, vector<128x128xf32>
    %broadcast_in_dim3A_623 = vector.shape_cast %add3A_613 : vector<128xf32> to vector<128x1xf32>
    %mul3A_624 = vector.broadcast %broadcast_in_dim3A_623 : vector<128x1xf32> to vector<128x128xf32>
    %mul3A_625 = arith.mulf %get3A_622, %mul3A_624 : vector<128x128xf32>
    %dot_general3A_626 = arith.constant dense<0.000000e+00> : vector<128x256xf32>
    %dot_general3A_627 = tpu.matmul %mul3A_619, %get3A_3, %dot_general3A_626 {dimension_numbers = #tpu.dot_dimension_numbers<[1], [0], [0], [1], [0, 0, 1, 1], [], []>, transpose_lhs_hint = false} : vector<128x128xf32>, vector<128x256xf32>, vector<128x256xf32> -> vector<128x256xf32>
    %dot_general3A_628 = arith.constant dense<0.000000e+00> : vector<128x256xf32>
    %dot_general3A_629 = tpu.matmul %mul3A_625, %get3A_8, %dot_general3A_628 {dimension_numbers = #tpu.dot_dimension_numbers<[1], [0], [0], [1], [0, 0, 1, 1], [], []>, transpose_lhs_hint = false} : vector<128x128xf32>, vector<128x256xf32>, vector<128x256xf32> -> vector<128x256xf32>
    %add3A_630 = arith.addf %dot_general3A_627, %dot_general3A_629 : vector<128x256xf32>
    %swap3A_631 = arith.constant 1792 : index
    %swap3A_632 = arith.constant 0 : index
    %swap3A_633 = vector.load %arg9[%swap3A_631, %swap3A_632] : memref<2560x256xf32, #tpu.memory_space<vmem>>, vector<128x256xf32>
    tpu.vector_store %arg9[%swap3A_631, %swap3A_632], %add3A_630 {strides = array<i32>} : memref<2560x256xf32, #tpu.memory_space<vmem>>, vector<128x256xf32>,
    %get3A_634 = arith.constant 0 : index
    %get3A_635 = arith.constant 15 : index
    %get3A_636 = arith.constant 0 : index
    %get3A_637 = vector.load %arg3[%get3A_634, %get3A_635, %get3A_636] : memref<1x20x128xf32, #tpu.memory_space<vmem>>, vector<1x1x128xf32>
    %get3A_638 = vector.shape_cast %get3A_637 : vector<1x1x128xf32> to vector<128xf32>
    %get3A_639 = arith.constant 0 : index
    %get3A_640 = arith.constant 15 : index
    %get3A_641 = arith.constant 0 : index
    %get3A_642 = vector.load %arg4[%get3A_639, %get3A_640, %get3A_641] : memref<1x20x128xf32, #tpu.memory_space<vmem>>, vector<1x1x128xf32>
    %get3A_643 = vector.shape_cast %get3A_642 : vector<1x1x128xf32> to vector<128xf32>
    %add3A_644 = arith.addf %get3A_638, %get3A_643 : vector<128xf32>
    %get3A_645 = arith.constant 0 : index
    %get3A_646 = arith.constant 15 : index
    %get3A_647 = arith.constant 0 : index
    %get3A_648 = vector.load %arg5[%get3A_645, %get3A_646, %get3A_647] : memref<1x20x128xf32, #tpu.memory_space<vmem>>, vector<1x1x128xf32>
    %get3A_649 = vector.shape_cast %get3A_648 : vector<1x1x128xf32> to vector<128xf32>
    %get3A_650 = arith.constant 0 : index
    %get3A_651 = arith.constant 15 : index
    %get3A_652 = arith.constant 0 : index
    %get3A_653 = vector.load %arg6[%get3A_650, %get3A_651, %get3A_652] : memref<1x20x128xf32, #tpu.memory_space<vmem>>, vector<1x1x128xf32>
    %get3A_654 = vector.shape_cast %get3A_653 : vector<1x1x128xf32> to vector<128xf32>
    %add3A_655 = arith.addf %get3A_649, %get3A_654 : vector<128xf32>
    %get3A_656 = arith.constant 1920 : index
    %get3A_657 = arith.constant 0 : index
    %get3A_658 = vector.load %arg7[%get3A_656, %get3A_657] : memref<2560x128xf32, #tpu.memory_space<vmem>>, vector<128x128xf32>
    %broadcast_in_dim3A_659 = vector.shape_cast %add3A_644 : vector<128xf32> to vector<128x1xf32>
    %mul3A_660 = vector.broadcast %broadcast_in_dim3A_659 : vector<128x1xf32> to vector<128x128xf32>
    %mul3A_661 = arith.mulf %get3A_658, %mul3A_660 : vector<128x128xf32>
    %get3A_662 = arith.constant 1920 : index
    %get3A_663 = arith.constant 0 : index
    %get3A_664 = vector.load %arg8[%get3A_662, %get3A_663] : memref<2560x128xf32, #tpu.memory_space<vmem>>, vector<128x128xf32>
    %broadcast_in_dim3A_665 = vector.shape_cast %add3A_655 : vector<128xf32> to vector<128x1xf32>
    %mul3A_666 = vector.broadcast %broadcast_in_dim3A_665 : vector<128x1xf32> to vector<128x128xf32>
    %mul3A_667 = arith.mulf %get3A_664, %mul3A_666 : vector<128x128xf32>
    %dot_general3A_668 = arith.constant dense<0.000000e+00> : vector<128x256xf32>
    %dot_general3A_669 = tpu.matmul %mul3A_661, %get3A_3, %dot_general3A_668 {dimension_numbers = #tpu.dot_dimension_numbers<[1], [0], [0], [1], [0, 0, 1, 1], [], []>, transpose_lhs_hint = false} : vector<128x128xf32>, vector<128x256xf32>, vector<128x256xf32> -> vector<128x256xf32>
    %dot_general3A_670 = arith.constant dense<0.000000e+00> : vector<128x256xf32>
    %dot_general3A_671 = tpu.matmul %mul3A_667, %get3A_8, %dot_general3A_670 {dimension_numbers = #tpu.dot_dimension_numbers<[1], [0], [0], [1], [0, 0, 1, 1], [], []>, transpose_lhs_hint = false} : vector<128x128xf32>, vector<128x256xf32>, vector<128x256xf32> -> vector<128x256xf32>
    %add3A_672 = arith.addf %dot_general3A_669, %dot_general3A_671 : vector<128x256xf32>
    %swap3A_673 = arith.constant 1920 : index
    %swap3A_674 = arith.constant 0 : index
    %swap3A_675 = vector.load %arg9[%swap3A_673, %swap3A_674] : memref<2560x256xf32, #tpu.memory_space<vmem>>, vector<128x256xf32>
    tpu.vector_store %arg9[%swap3A_673, %swap3A_674], %add3A_672 {strides = array<i32>} : memref<2560x256xf32, #tpu.memory_space<vmem>>, vector<128x256xf32>,
    %get3A_676 = arith.constant 0 : index
    %get3A_677 = arith.constant 16 : index
    %get3A_678 = arith.constant 0 : index
    %get3A_679 = vector.load %arg3[%get3A_676, %get3A_677, %get3A_678] : memref<1x20x128xf32, #tpu.memory_space<vmem>>, vector<1x1x128xf32>
    %get3A_680 = vector.shape_cast %get3A_679 : vector<1x1x128xf32> to vector<128xf32>
    %get3A_681 = arith.constant 0 : index
    %get3A_682 = arith.constant 16 : index
    %get3A_683 = arith.constant 0 : index
    %get3A_684 = vector.load %arg4[%get3A_681, %get3A_682, %get3A_683] : memref<1x20x128xf32, #tpu.memory_space<vmem>>, vector<1x1x128xf32>
    %get3A_685 = vector.shape_cast %get3A_684 : vector<1x1x128xf32> to vector<128xf32>
    %add3A_686 = arith.addf %get3A_680, %get3A_685 : vector<128xf32>
    %get3A_687 = arith.constant 0 : index
    %get3A_688 = arith.constant 16 : index
    %get3A_689 = arith.constant 0 : index
    %get3A_690 = vector.load %arg5[%get3A_687, %get3A_688, %get3A_689] : memref<1x20x128xf32, #tpu.memory_space<vmem>>, vector<1x1x128xf32>
    %get3A_691 = vector.shape_cast %get3A_690 : vector<1x1x128xf32> to vector<128xf32>
    %get3A_692 = arith.constant 0 : index
    %get3A_693 = arith.constant 16 : index
    %get3A_694 = arith.constant 0 : index
    %get3A_695 = vector.load %arg6[%get3A_692, %get3A_693, %get3A_694] : memref<1x20x128xf32, #tpu.memory_space<vmem>>, vector<1x1x128xf32>
    %get3A_696 = vector.shape_cast %get3A_695 : vector<1x1x128xf32> to vector<128xf32>
    %add3A_697 = arith.addf %get3A_691, %get3A_696 : vector<128xf32>
    %get3A_698 = arith.constant 2048 : index
    %get3A_699 = arith.constant 0 : index
    %get3A_700 = vector.load %arg7[%get3A_698, %get3A_699] : memref<2560x128xf32, #tpu.memory_space<vmem>>, vector<128x128xf32>
    %broadcast_in_dim3A_701 = vector.shape_cast %add3A_686 : vector<128xf32> to vector<128x1xf32>
    %mul3A_702 = vector.broadcast %broadcast_in_dim3A_701 : vector<128x1xf32> to vector<128x128xf32>
    %mul3A_703 = arith.mulf %get3A_700, %mul3A_702 : vector<128x128xf32>
    %get3A_704 = arith.constant 2048 : index
    %get3A_705 = arith.constant 0 : index
    %get3A_706 = vector.load %arg8[%get3A_704, %get3A_705] : memref<2560x128xf32, #tpu.memory_space<vmem>>, vector<128x128xf32>
    %broadcast_in_dim3A_707 = vector.shape_cast %add3A_697 : vector<128xf32> to vector<128x1xf32>
    %mul3A_708 = vector.broadcast %broadcast_in_dim3A_707 : vector<128x1xf32> to vector<128x128xf32>
    %mul3A_709 = arith.mulf %get3A_706, %mul3A_708 : vector<128x128xf32>
    %dot_general3A_710 = arith.constant dense<0.000000e+00> : vector<128x256xf32>
    %dot_general3A_711 = tpu.matmul %mul3A_703, %get3A_3, %dot_general3A_710 {dimension_numbers = #tpu.dot_dimension_numbers<[1], [0], [0], [1], [0, 0, 1, 1], [], []>, transpose_lhs_hint = false} : vector<128x128xf32>, vector<128x256xf32>, vector<128x256xf32> -> vector<128x256xf32>
    %dot_general3A_712 = arith.constant dense<0.000000e+00> : vector<128x256xf32>
    %dot_general3A_713 = tpu.matmul %mul3A_709, %get3A_8, %dot_general3A_712 {dimension_numbers = #tpu.dot_dimension_numbers<[1], [0], [0], [1], [0, 0, 1, 1], [], []>, transpose_lhs_hint = false} : vector<128x128xf32>, vector<128x256xf32>, vector<128x256xf32> -> vector<128x256xf32>
    %add3A_714 = arith.addf %dot_general3A_711, %dot_general3A_713 : vector<128x256xf32>
    %swap3A_715 = arith.constant 2048 : index
    %swap3A_716 = arith.constant 0 : index
    %swap3A_717 = vector.load %arg9[%swap3A_715, %swap3A_716] : memref<2560x256xf32, #tpu.memory_space<vmem>>, vector<128x256xf32>
    tpu.vector_store %arg9[%swap3A_715, %swap3A_716], %add3A_714 {strides = array<i32>} : memref<2560x256xf32, #tpu.memory_space<vmem>>, vector<128x256xf32>,
    %get3A_718 = arith.constant 0 : index
    %get3A_719 = arith.constant 17 : index
    %get3A_720 = arith.constant 0 : index
    %get3A_721 = vector.load %arg3[%get3A_718, %get3A_719, %get3A_720] : memref<1x20x128xf32, #tpu.memory_space<vmem>>, vector<1x1x128xf32>
    %get3A_722 = vector.shape_cast %get3A_721 : vector<1x1x128xf32> to vector<128xf32>
    %get3A_723 = arith.constant 0 : index
    %get3A_724 = arith.constant 17 : index
    %get3A_725 = arith.constant 0 : index
    %get3A_726 = vector.load %arg4[%get3A_723, %get3A_724, %get3A_725] : memref<1x20x128xf32, #tpu.memory_space<vmem>>, vector<1x1x128xf32>
    %get3A_727 = vector.shape_cast %get3A_726 : vector<1x1x128xf32> to vector<128xf32>
    %add3A_728 = arith.addf %get3A_722, %get3A_727 : vector<128xf32>
    %get3A_729 = arith.constant 0 : index
    %get3A_730 = arith.constant 17 : index
    %get3A_731 = arith.constant 0 : index
    %get3A_732 = vector.load %arg5[%get3A_729, %get3A_730, %get3A_731] : memref<1x20x128xf32, #tpu.memory_space<vmem>>, vector<1x1x128xf32>
    %get3A_733 = vector.shape_cast %get3A_732 : vector<1x1x128xf32> to vector<128xf32>
    %get3A_734 = arith.constant 0 : index
    %get3A_735 = arith.constant 17 : index
    %get3A_736 = arith.constant 0 : index
    %get3A_737 = vector.load %arg6[%get3A_734, %get3A_735, %get3A_736] : memref<1x20x128xf32, #tpu.memory_space<vmem>>, vector<1x1x128xf32>
    %get3A_738 = vector.shape_cast %get3A_737 : vector<1x1x128xf32> to vector<128xf32>
    %add3A_739 = arith.addf %get3A_733, %get3A_738 : vector<128xf32>
    %get3A_740 = arith.constant 2176 : index
    %get3A_741 = arith.constant 0 : index
    %get3A_742 = vector.load %arg7[%get3A_740, %get3A_741] : memref<2560x128xf32, #tpu.memory_space<vmem>>, vector<128x128xf32>
    %broadcast_in_dim3A_743 = vector.shape_cast %add3A_728 : vector<128xf32> to vector<128x1xf32>
    %mul3A_744 = vector.broadcast %broadcast_in_dim3A_743 : vector<128x1xf32> to vector<128x128xf32>
    %mul3A_745 = arith.mulf %get3A_742, %mul3A_744 : vector<128x128xf32>
    %get3A_746 = arith.constant 2176 : index
    %get3A_747 = arith.constant 0 : index
    %get3A_748 = vector.load %arg8[%get3A_746, %get3A_747] : memref<2560x128xf32, #tpu.memory_space<vmem>>, vector<128x128xf32>
    %broadcast_in_dim3A_749 = vector.shape_cast %add3A_739 : vector<128xf32> to vector<128x1xf32>
    %mul3A_750 = vector.broadcast %broadcast_in_dim3A_749 : vector<128x1xf32> to vector<128x128xf32>
    %mul3A_751 = arith.mulf %get3A_748, %mul3A_750 : vector<128x128xf32>
    %dot_general3A_752 = arith.constant dense<0.000000e+00> : vector<128x256xf32>
    %dot_general3A_753 = tpu.matmul %mul3A_745, %get3A_3, %dot_general3A_752 {dimension_numbers = #tpu.dot_dimension_numbers<[1], [0], [0], [1], [0, 0, 1, 1], [], []>, transpose_lhs_hint = false} : vector<128x128xf32>, vector<128x256xf32>, vector<128x256xf32> -> vector<128x256xf32>
    %dot_general3A_754 = arith.constant dense<0.000000e+00> : vector<128x256xf32>
    %dot_general3A_755 = tpu.matmul %mul3A_751, %get3A_8, %dot_general3A_754 {dimension_numbers = #tpu.dot_dimension_numbers<[1], [0], [0], [1], [0, 0, 1, 1], [], []>, transpose_lhs_hint = false} : vector<128x128xf32>, vector<128x256xf32>, vector<128x256xf32> -> vector<128x256xf32>
    %add3A_756 = arith.addf %dot_general3A_753, %dot_general3A_755 : vector<128x256xf32>
    %swap3A_757 = arith.constant 2176 : index
    %swap3A_758 = arith.constant 0 : index
    %swap3A_759 = vector.load %arg9[%swap3A_757, %swap3A_758] : memref<2560x256xf32, #tpu.memory_space<vmem>>, vector<128x256xf32>
    tpu.vector_store %arg9[%swap3A_757, %swap3A_758], %add3A_756 {strides = array<i32>} : memref<2560x256xf32, #tpu.memory_space<vmem>>, vector<128x256xf32>,
    %get3A_760 = arith.constant 0 : index
    %get3A_761 = arith.constant 18 : index
    %get3A_762 = arith.constant 0 : index
    %get3A_763 = vector.load %arg3[%get3A_760, %get3A_761, %get3A_762] : memref<1x20x128xf32, #tpu.memory_space<vmem>>, vector<1x1x128xf32>
    %get3A_764 = vector.shape_cast %get3A_763 : vector<1x1x128xf32> to vector<128xf32>
    %get3A_765 = arith.constant 0 : index
    %get3A_766 = arith.constant 18 : index
    %get3A_767 = arith.constant 0 : index
    %get3A_768 = vector.load %arg4[%get3A_765, %get3A_766, %get3A_767] : memref<1x20x128xf32, #tpu.memory_space<vmem>>, vector<1x1x128xf32>
    %get3A_769 = vector.shape_cast %get3A_768 : vector<1x1x128xf32> to vector<128xf32>
    %add3A_770 = arith.addf %get3A_764, %get3A_769 : vector<128xf32>
    %get3A_771 = arith.constant 0 : index
    %get3A_772 = arith.constant 18 : index
    %get3A_773 = arith.constant 0 : index
    %get3A_774 = vector.load %arg5[%get3A_771, %get3A_772, %get3A_773] : memref<1x20x128xf32, #tpu.memory_space<vmem>>, vector<1x1x128xf32>
    %get3A_775 = vector.shape_cast %get3A_774 : vector<1x1x128xf32> to vector<128xf32>
    %get3A_776 = arith.constant 0 : index
    %get3A_777 = arith.constant 18 : index
    %get3A_778 = arith.constant 0 : index
    %get3A_779 = vector.load %arg6[%get3A_776, %get3A_777, %get3A_778] : memref<1x20x128xf32, #tpu.memory_space<vmem>>, vector<1x1x128xf32>
    %get3A_780 = vector.shape_cast %get3A_779 : vector<1x1x128xf32> to vector<128xf32>
    %add3A_781 = arith.addf %get3A_775, %get3A_780 : vector<128xf32>
    %get3A_782 = arith.constant 2304 : index
    %get3A_783 = arith.constant 0 : index
    %get3A_784 = vector.load %arg7[%get3A_782, %get3A_783] : memref<2560x128xf32, #tpu.memory_space<vmem>>, vector<128x128xf32>
    %broadcast_in_dim3A_785 = vector.shape_cast %add3A_770 : vector<128xf32> to vector<128x1xf32>
    %mul3A_786 = vector.broadcast %broadcast_in_dim3A_785 : vector<128x1xf32> to vector<128x128xf32>
    %mul3A_787 = arith.mulf %get3A_784, %mul3A_786 : vector<128x128xf32>
    %get3A_788 = arith.constant 2304 : index
    %get3A_789 = arith.constant 0 : index
    %get3A_790 = vector.load %arg8[%get3A_788, %get3A_789] : memref<2560x128xf32, #tpu.memory_space<vmem>>, vector<128x128xf32>
    %broadcast_in_dim3A_791 = vector.shape_cast %add3A_781 : vector<128xf32> to vector<128x1xf32>
    %mul3A_792 = vector.broadcast %broadcast_in_dim3A_791 : vector<128x1xf32> to vector<128x128xf32>
    %mul3A_793 = arith.mulf %get3A_790, %mul3A_792 : vector<128x128xf32>
    %dot_general3A_794 = arith.constant dense<0.000000e+00> : vector<128x256xf32>
    %dot_general3A_795 = tpu.matmul %mul3A_787, %get3A_3, %dot_general3A_794 {dimension_numbers = #tpu.dot_dimension_numbers<[1], [0], [0], [1], [0, 0, 1, 1], [], []>, transpose_lhs_hint = false} : vector<128x128xf32>, vector<128x256xf32>, vector<128x256xf32> -> vector<128x256xf32>
    %dot_general3A_796 = arith.constant dense<0.000000e+00> : vector<128x256xf32>
    %dot_general3A_797 = tpu.matmul %mul3A_793, %get3A_8, %dot_general3A_796 {dimension_numbers = #tpu.dot_dimension_numbers<[1], [0], [0], [1], [0, 0, 1, 1], [], []>, transpose_lhs_hint = false} : vector<128x128xf32>, vector<128x256xf32>, vector<128x256xf32> -> vector<128x256xf32>
    %add3A_798 = arith.addf %dot_general3A_795, %dot_general3A_797 : vector<128x256xf32>
    %swap3A_799 = arith.constant 2304 : index
    %swap3A_800 = arith.constant 0 : index
    %swap3A_801 = vector.load %arg9[%swap3A_799, %swap3A_800] : memref<2560x256xf32, #tpu.memory_space<vmem>>, vector<128x256xf32>
    tpu.vector_store %arg9[%swap3A_799, %swap3A_800], %add3A_798 {strides = array<i32>} : memref<2560x256xf32, #tpu.memory_space<vmem>>, vector<128x256xf32>,
    %get3A_802 = arith.constant 0 : index
    %get3A_803 = arith.constant 19 : index
    %get3A_804 = arith.constant 0 : index
    %get3A_805 = vector.load %arg3[%get3A_802, %get3A_803, %get3A_804] : memref<1x20x128xf32, #tpu.memory_space<vmem>>, vector<1x1x128xf32>
    %get3A_806 = vector.shape_cast %get3A_805 : vector<1x1x128xf32> to vector<128xf32>
    %get3A_807 = arith.constant 0 : index
    %get3A_808 = arith.constant 19 : index
    %get3A_809 = arith.constant 0 : index
    %get3A_810 = vector.load %arg4[%get3A_807, %get3A_808, %get3A_809] : memref<1x20x128xf32, #tpu.memory_space<vmem>>, vector<1x1x128xf32>
    %get3A_811 = vector.shape_cast %get3A_810 : vector<1x1x128xf32> to vector<128xf32>
    %add3A_812 = arith.addf %get3A_806, %get3A_811 : vector<128xf32>
    %get3A_813 = arith.constant 0 : index
    %get3A_814 = arith.constant 19 : index
    %get3A_815 = arith.constant 0 : index
    %get3A_816 = vector.load %arg5[%get3A_813, %get3A_814, %get3A_815] : memref<1x20x128xf32, #tpu.memory_space<vmem>>, vector<1x1x128xf32>
    %get3A_817 = vector.shape_cast %get3A_816 : vector<1x1x128xf32> to vector<128xf32>
    %get3A_818 = arith.constant 0 : index
    %get3A_819 = arith.constant 19 : index
    %get3A_820 = arith.constant 0 : index
    %get3A_821 = vector.load %arg6[%get3A_818, %get3A_819, %get3A_820] : memref<1x20x128xf32, #tpu.memory_space<vmem>>, vector<1x1x128xf32>
    %get3A_822 = vector.shape_cast %get3A_821 : vector<1x1x128xf32> to vector<128xf32>
    %add3A_823 = arith.addf %get3A_817, %get3A_822 : vector<128xf32>
    %get3A_824 = arith.constant 2432 : index
    %get3A_825 = arith.constant 0 : index
    %get3A_826 = vector.load %arg7[%get3A_824, %get3A_825] : memref<2560x128xf32, #tpu.memory_space<vmem>>, vector<128x128xf32>
    %broadcast_in_dim3A_827 = vector.shape_cast %add3A_812 : vector<128xf32> to vector<128x1xf32>
    %mul3A_828 = vector.broadcast %broadcast_in_dim3A_827 : vector<128x1xf32> to vector<128x128xf32>
    %mul3A_829 = arith.mulf %get3A_826, %mul3A_828 : vector<128x128xf32>
    %get3A_830 = arith.constant 2432 : index
    %get3A_831 = arith.constant 0 : index
    %get3A_832 = vector.load %arg8[%get3A_830, %get3A_831] : memref<2560x128xf32, #tpu.memory_space<vmem>>, vector<128x128xf32>
    %broadcast_in_dim3A_833 = vector.shape_cast %add3A_823 : vector<128xf32> to vector<128x1xf32>
    %mul3A_834 = vector.broadcast %broadcast_in_dim3A_833 : vector<128x1xf32> to vector<128x128xf32>
    %mul3A_835 = arith.mulf %get3A_832, %mul3A_834 : vector<128x128xf32>
    %dot_general3A_836 = arith.constant dense<0.000000e+00> : vector<128x256xf32>
    %dot_general3A_837 = tpu.matmul %mul3A_829, %get3A_3, %dot_general3A_836 {dimension_numbers = #tpu.dot_dimension_numbers<[1], [0], [0], [1], [0, 0, 1, 1], [], []>, transpose_lhs_hint = false} : vector<128x128xf32>, vector<128x256xf32>, vector<128x256xf32> -> vector<128x256xf32>
    %dot_general3A_838 = arith.constant dense<0.000000e+00> : vector<128x256xf32>
    %dot_general3A_839 = tpu.matmul %mul3A_835, %get3A_8, %dot_general3A_838 {dimension_numbers = #tpu.dot_dimension_numbers<[1], [0], [0], [1], [0, 0, 1, 1], [], []>, transpose_lhs_hint = false} : vector<128x128xf32>, vector<128x256xf32>, vector<128x256xf32> -> vector<128x256xf32>
    %add3A_840 = arith.addf %dot_general3A_837, %dot_general3A_839 : vector<128x256xf32>
    %swap3A_841 = arith.constant 2432 : index
    %swap3A_842 = arith.constant 0 : index
    %swap3A_843 = vector.load %arg9[%swap3A_841, %swap3A_842] : memref<2560x256xf32, #tpu.memory_space<vmem>>, vector<128x256xf32>
    tpu.vector_store %arg9[%swap3A_841, %swap3A_842], %add3A_840 {strides = array<i32>} : memref<2560x256xf32, #tpu.memory_space<vmem>>, vector<128x256xf32>,
    return
  }
  func.func @transform_0(%arg0: i32) -> (i32, i32, i32) {
    %c0_i32 = arith.constant 0 : i32
    %c0_i32_0 = arith.constant 0 : i32
    %c0_i32_1 = arith.constant 0 : i32
    %c0_i32_2 = arith.constant 0 : i32
    return %c0_i32, %c0_i32_0, %c0_i32_1 : i32, i32, i32
  }
  func.func @transform_1(%arg0: i32) -> (i32, i32, i32) {
    %c1_i32 = arith.constant 1 : i32
    %c0_i32 = arith.constant 0 : i32
    %c0_i32_0 = arith.constant 0 : i32
    %c0_i32_1 = arith.constant 0 : i32
    return %c1_i32, %c0_i32, %c0_i32_0 : i32, i32, i32
  }
  func.func @transform_2(%arg0: i32) -> (i32, i32, i32) {
    %c0_i32 = arith.constant 0 : i32
    %c0_i32_0 = arith.constant 0 : i32
    %c0_i32_1 = arith.constant 0 : i32
    return %arg0, %c0_i32, %c0_i32_0 : i32, i32, i32
  }
  func.func @transform_3(%arg0: i32) -> (i32, i32, i32) {
    %add3A = arith.constant 112 : i32
    %add3A_0 = arith.addi %add3A, %arg0 : i32
    %c0_i32 = arith.constant 0 : i32
    %c0_i32_1 = arith.constant 0 : i32
    %c0_i32_2 = arith.constant 0 : i32
    return %add3A_0, %c0_i32, %c0_i32_1 : i32, i32, i32
  }
  func.func @transform_4(%arg0: i32) -> (i32, i32, i32) {
    %add3A = arith.constant 55 : i32
    %add3A_0 = arith.addi %add3A, %arg0 : i32
    %c0_i32 = arith.constant 0 : i32
    %c0_i32_1 = arith.constant 0 : i32
    %c0_i32_2 = arith.constant 0 : i32
    return %add3A_0, %c0_i32, %c0_i32_1 : i32, i32, i32
  }
  func.func @transform_5(%arg0: i32) -> (i32, i32, i32) {
    %add3A = arith.constant 167 : i32
    %add3A_0 = arith.addi %add3A, %arg0 : i32
    %c0_i32 = arith.constant 0 : i32
    %c0_i32_1 = arith.constant 0 : i32
    %c0_i32_2 = arith.constant 0 : i32
    return %add3A_0, %c0_i32, %c0_i32_1 : i32, i32, i32
  }
  func.func @transform_6(%arg0: i32) -> (i32, i32) {
    %c0_i32 = arith.constant 0 : i32
    %c0_i32_0 = arith.constant 0 : i32
    return %arg0, %c0_i32 : i32, i32
  }
  func.func @transform_7(%arg0: i32) -> (i32, i32) {
    %add3A = arith.constant 55 : i32
    %add3A_0 = arith.addi %add3A, %arg0 : i32
    %c0_i32 = arith.constant 0 : i32
    %c0_i32_1 = arith.constant 0 : i32
    return %add3A_0, %c0_i32 : i32, i32
  }
  func.func @transform_8(%arg0: i32) -> (i32, i32) {
    %c0_i32 = arith.constant 0 : i32
    %c0_i32_0 = arith.constant 0 : i32
    return %arg0, %c0_i32 : i32, i32
  }
}

</mosaic_0001>

<sc_bundles>
// kernel: kernel.4.cloned.1.call-start
scs
__scs_entry_jumppad:
0x0: {  	(pc) =	sbr.rel $0x88, $3  }
0x1: {  	(tag) =	ssettag $0x0;
	lr =	simm.s32 $0x1  }
0x2: {  	[smem:$0x3F9F] =	sst lr;
	_ =	strace $0xD0000000  }
0x3: {  	_ = 	snop  }
0x4: {  	_ = 	snop  }
0x5: {  	_ = 	snop  }
0x6: {  	_ = 	snop  }
0x7: {  	_ = 	snop  }
__scs_overlays_trampoline_lowered:
0x8: {  	[smem:$0x3FAE] =	sst s0  }
0x9: {  	[smem:$0x3FAF] =	sst s1  }
0xa: {  	[smem:$0x3FB0] =	sst s2  }
0xb: {  	[smem:$0x3FB1] =	sst s3  }
0xc: {  	[smem:$0x3FB2] =	sst s4  }
0xd: {  	[smem:$0x3FB3] =	sst s5  }
0xe: {  	[smem:$0x3FB4] =	sst s6  }
0xf: {  	[smem:$0x3FB5] =	sst s7  }
0x10: {  	[smem:$0x3FB6] =	sst s8  }
0x11: {  	[smem:$0x3FB7] =	sst s9;
	s0 =	simm.s32 @!p0 $0x0  }
0x12: {  	s1 =	sld [smem:$0x3F9D];
	s0 =	simm.s32 @p0 $0x1  }
0x13: {  	[smem:$0x3FB8] =	sst s0;
	s0 =	simm.s32 @!p1 $0x0  }
0x14: {  	s2 =	sld [smem:$0x3F9C];
	s0 =	simm.s32 @p1 $0x1  }
0x15: {  	[smem:$0x3FB9] =	sst s0;
	s0 =	simm.s32 @!p2 $0x0  }
0x16: {  	s3 =	sld [smem:$0x3FDB];
	s0 =	simm.s32 @p2 $0x1  }
0x17: {  	s4 =	simm.s32 $0x1BF5;
	[smem:$0x3FBB] =	sst s0  }
0x18: {  	s0 =	sld [smem:$0x3F9E];
	_ =	swait.ge [sflag:s4], $0x0  }
0x19: {  	s7 =	sld [smem:$0x3F9F]  }
0x1a: {  	s8 =	sadd.s32 $0xFFFFE003, lr  }
0x1b: {  	s9 =	sadd.s32 $0xFFFFFEF7, lr;
	s5 =	simm.s32 $0xFFFFFFFF;
	p2 =	slt.u32 s8, $0xFFFFF086  }
0x1c: {  	p1 =	slt.u32 s9, $0xF7A;
	s5 =	simm.s32 @!p2 $0x0  }
0x1d: {  	s5 =	simm.s32 @p1 $0x1;
	p0 =	seq.s32 s7, s2  }
0x1e: {  	s7 =	smul.u32 @!p0 $0xF7A, s2;
	p2 =	seq.s32 @!p0 s5, $0x0  }
0x1f: {  	s9 =	smul.u32 $0xF7A, s1;
	s8 =	simm.s32 @!p0 $0x1BF5;
	p2 =	por !p2, p0  }
0x20: {  	[sflag:s8] =	ssyncset.s32 @!p0 $0xFFFFF086;
	s6 =	sadd.s32 @!p0 s3, s7;
	s7 =	simm.s32 @!p0 $0x108  }
0x21: {  	s3 =	sadd.s32 s3, s9;
	s6 =	sadd.s32 @!p0 $0x88, s6;
	s7 =	simm.s32 @p2 $0x1082  }
0x22: {  	[simem:s7], [sflag:s8] =	dma.local @!p0 [hbm:s6], $0xF7A  }
0x23: {  	s9 =	sor.u32 $0xD0000000, s2;
	s6 =	simm.s32 $0x108;
	_ =	swait.ge @!p0 [sflag:s8], $0x0  }
0x24: {  	s3 =	sadd.s32 $0x88, s3;
	s6 =	simm.s32 @!p1 $0x1082;
	[sflag:s4] =	ssyncset.s32 $0xFFFFF086  }
0x25: {  	[simem:s6], [sflag:s4] =	dma.local [hbm:s3], $0xF7A  }
0x26: {  	[smem:$0x3F9F] =	sst s1;
	(tag) =	ssettag s2;
	_ =	strace s9  }
0x27: {  	s1 =	sld [smem:$0x3FAF]  }
0x28: {  	s2 =	sld [smem:$0x3FB0]  }
0x29: {  	s4 =	sld [smem:$0x3FB2]  }
0x2a: {  	p0 =	seq.s32 s5, $0x0;
	s5 =	sld [smem:$0x3FB3]  }
0x2b: {  	s6 =	sld [smem:$0x3FB4]  }
0x2c: {  	s7 =	sld [smem:$0x3FB5]  }
0x2d: {  	s3 =	simm.s32 $0x108;
	s8 =	sld [smem:$0x3FB6]  }
0x2e: {  	s3 =	simm.s32 @!p0 $0x1082;
	s9 =	sld [smem:$0x3FB7]  }
0x2f: {  	lr =	sadd.s32 s0, s3;
	s0 =	sld [smem:$0x3FAE]  }
0x30: {  	s3 =	sld [smem:$0x3FB1]  }
0x31: {  	[smem:$0x3FBA] =	sst s10  }
0x32: {  	s10 =	sld [smem:$0x3FB8];
	_ =	sdelay $0x3  }
0x33: {  	p0 =	seq.s32 s10, $0x1;
	s10 =	sld [smem:$0x3FBA];
	_ =	sdelay $0x3  }
0x34: {  	[smem:$0x3FBA] =	sst s10  }
0x35: {  	s10 =	sld [smem:$0x3FB9];
	_ =	sdelay $0x3  }
0x36: {  	p1 =	seq.s32 s10, $0x1;
	s10 =	sld [smem:$0x3FBA];
	_ =	sdelay $0x3  }
0x37: {  	[smem:$0x3FBA] =	sst s10  }
0x38: {  	s10 =	sld [smem:$0x3FBB]  }
0x39: {  	_ = 	snop;
	(pc) =	sbr.ind lr, $3  }
0x3a: {  	_ = 	snop  }
0x3b: {  	_ = 	snop  }
0x3c: {  	p2 =	seq.s32 s10, $0x1;
	s10 =	sld [smem:$0x3FBA]  }
0x3d: {  	_ =	shalt  }
0x3e: {  	_ =	shalt  }
0x3f: {  	_ =	shalt  }
0x40: {  	_ =	shalt  }
0x41: {  	_ =	shalt  }
0x42: {  	_ =	shalt  }
0x43: {  	_ =	shalt  }
0x44: {  	_ =	shalt  }
0x45: {  	_ =	shalt  }
0x46: {  	_ =	shalt  }
0x47: {  	_ =	shalt  }
0x48: {  	_ =	shalt  }
0x49: {  	_ =	shalt  }
0x4a: {  	_ =	shalt  }
0x4b: {  	_ =	shalt  }
0x4c: {  	_ =	shalt  }
0x4d: {  	_ =	shalt  }
0x4e: {  	_ =	shalt  }
0x4f: {  	_ =	shalt  }
0x50: {  	_ =	shalt  }
0x51: {  	_ =	shalt  }
0x52: {  	_ =	shalt  }
0x53: {  	_ =	shalt  }
0x54: {  	_ =	shalt  }
0x55: {  	_ =	shalt  }
0x56: {  	_ =	shalt  }
0x57: {  	_ =	shalt  }
0x58: {  	_ =	shalt  }
0x59: {  	_ =	shalt  }
0x5a: {  	_ =	shalt  }
0x5b: {  	_ =	shalt  }
0x5c: {  	_ =	shalt  }
0x5d: {  	_ =	shalt  }
0x5e: {  	_ =	shalt  }
0x5f: {  	_ =	shalt  }
0x60: {  	_ =	shalt  }
0x61: {  	_ =	shalt  }
0x62: {  	_ =	shalt  }
0x63: {  	_ =	shalt  }
0x64: {  	_ =	shalt  }
0x65: {  	_ =	shalt  }
0x66: {  	_ =	shalt  }
0x67: {  	_ =	shalt  }
0x68: {  	_ =	shalt  }
0x69: {  	_ =	shalt  }
0x6a: {  	_ =	shalt  }
0x6b: {  	_ =	shalt  }
0x6c: {  	_ =	shalt  }
0x6d: {  	_ =	shalt  }
0x6e: {  	_ =	shalt  }
0x6f: {  	_ =	shalt  }
0x70: {  	_ =	shalt  }
0x71: {  	_ =	shalt  }
0x72: {  	_ =	shalt  }
0x73: {  	_ =	shalt  }
0x74: {  	_ =	shalt  }
0x75: {  	_ =	shalt  }
0x76: {  	_ =	shalt  }
0x77: {  	_ =	shalt  }
0x78: {  	_ =	shalt  }
0x79: {  	_ =	shalt  }
0x7a: {  	_ =	shalt  }
0x7b: {  	_ =	shalt  }
0x7c: {  	_ =	shalt  }
0x7d: {  	_ =	shalt  }
0x7e: {  	_ =	shalt  }
0x7f: {  	_ =	shalt  }
0x80: {  	_ =	shalt  }
0x81: {  	_ =	shalt  }
0x82: {  	_ =	shalt  }
0x83: {  	_ =	shalt  }
0x84: {  	_ =	shalt  }
0x85: {  	_ =	shalt  }
0x86: {  	_ =	shalt  }
0x87: {  	_ =	shalt  }
.Lfunc_end0:
.L_simem_size_0:
called_computation_lowered:
.L_overlay_start_0:
0x88: {  	s2 =	sld [smem:$0x3FD9]  }
0x89: {  	s3 =	sld [smem:$0x3FFE];
	_ =	sdelay $0x1  }
0x8a: {  	s1 =	srdreg.scid  }
0x8b: {  	s0 =	sand.u32 $0x1, s1  }
0x8c: {  	s17 =	sshll.u32 s0, $0xA;
	s2 =	sadd.s32 s3, s2  }
0x8d: {  	s2 =	sadd.s32 s2, s17  }
0x8e: {  	[smem:$0x3FC6] =	sst s2  }
0x8f: {  	_ = 	snop  }
0x90: {  	s2 =	sld [smem:$0x3FC9]  }
0x91: {  	s18 =	sld [smem:$0x3FD0];
	(tm) =	ssettm $0x1  }
0x92: {  	s4 =	sld [smem:$0x3FFB];
	_ =	sdelay $0x3  }
0x93: {  	_ =	strace s4  }
0x94: {  	s4 =	sld [smem:$0x3FFC];
	_ =	sdelay $0x3  }
0x95: {  	_ =	strace s4  }
0x96: {  	s4 =	sld [smem:$0x3FFD];
	_ =	sdelay $0x3  }
0x97: {  	_ =	strace s4  }
0x98: {  	_ =	strace $0x8FFFFFFF  }
0x99: {  	s19 =	sld [smem:$0x3FDB];
	_ =	sdelay $0x1  }
0x9a: {  	s5 =	simm.s32 $_scs_section_size  }
0x9b: {  	s6 =	simm.s32 $_size__tile_overlayer_lowered;
	s7 =	simm.s32 $_tile_overlayer_lowered  }
0x9c: {  	s22 =	simm.s32 $0x1BFF;
	s21 =	sshll.u32 s7, $0x1;
	s4 =	sadd.s32 s5, s19  }
0x9d: {  	s8 =	simm.s32 $0x0;
	s20 =	sshll.u32 s6, $0x1;
	s6 =	sadd.s32 s21, s4  }
0x9e: {  	[timem:s8], [sflag:s22] =	dma.local [hbm:s6], s20  }
0x9f: {  	_ =	swait.ge [sflag:s22], s20  }
0xa0: {  	s5 =	ssub.s32 $0x0, s20;
	[sflag:s22] =	ssyncset.done $0x0  }
0xa1: {  	[sflag:s22] =	ssyncadd.s32 s5;
	_ =	sdelay $0x1  }
0xa2: {  	s23 =	simm.s32 $0x1B8B  }
0xa3: {  	_ =	swait.ge [sflag:s23], $0x1  }
0xa4: {  	[sflag:s23] =	ssyncset.done $0x0  }
0xa5: {  	s25 =	simm.s32 $0x1B8E;
	s24 =	sld [smem:$0x3FFE];
	[sflag:s23] =	ssyncadd.s32 $0xFFFFFFFF  }
0xa6: {  	s26 =	simm.s32 $execute0_lowered;
	[smem:$0x3FD2] =	sst s25  }
0xa7: {  	s6 =	sshll.u32 s26, $0x1;
	_ =	strace $0x80000046;
	[dreg:$0x1] =	wrdreg $0xFFFFFFFF  }
0xa8: {  	s28 =	simm.s32 $_size_execute0_lowered;
	s4 =	sadd.s32 s4, s6;
	[dreg:$0x0] =	wrdreg $0x0  }
0xa9: {  	s6 =	sshll.u32 s28, $0x1;
	[dreg:$0x2] =	wrdreg s4  }
0xaa: {  	[dreg:$0x3] =	wrdreg s6  }
0xab: {  	[dreg:$0x4] =	wrdreg $0xC0  }
0xac: {  	_ =	task [dreg:s8], $0x5FFFF  }
0xad: {  	[dreg:$0x1] =	wrdreg $0xFFFFFFFF  }
0xae: {  	[dreg:$0x0] =	wrdreg $0x60  }
0xaf: {  	[dreg:$0x2] =	wrdreg s2  }
0xb0: {  	[dreg:$0x3] =	wrdreg s24  }
0xb1: {  	[dreg:$0x4] =	wrdreg s18  }
0xb2: {  	[dreg:$0x5] =	wrdreg $0x9  }
0xb3: {  	_ =	task.clear_ibuf [dreg:s8], $0x6FFFF;
	_ =	strace $0x90000046  }
0xb4: {  	s29 =	simm.s32 $0x9;
	_ =	strace $0x80000048  }
0xb5: {  	_ =	swait.ge [sflag:s29], $0x1  }
0xb6: {  	[sflag:s29] =	ssyncadd.s32 $0xFFFFFFFF  }
0xb7: {  	_ =	strace $0x90000048  }
0xb8: {  	_ =	sfence  }
0xb9: {  	s30 =	sld [smem:$0x0];
	_ =	sdelay $0x2  }
0xba: {  	s31 =	sshll.u32 s1, $0xD;
	s1 =	sshrl.u32 s1, $0x2  }
0xbb: {  	s3 =	sand.u32 $0x4000, s31;
	s1 =	sadd.s32 s1, s30  }
0xbc: {  	s0 =	sor.u32 s3, s0;
	s1 =	sshll.u32 s1, $0x11  }
0xbd: {  	s0 =	sor.u32 s1, s0  }
0xbe: {  	s0 =	sadd.s32 $0x8F2B, s0  }
0xbf: {  	[sflag:s0] =	ssyncadd.remote.s32 $0x1  }
0xc0: {  	_ =	sfence.sel $0xFFFF  }
0xc1: {  	[dreg:$0x0] =	wrdreg $0xFFFFFFFF;
	(pc) =	sbr.abs _section_cstart, $3  }
0xc2: {  	[dreg:$0x1] =	wrdreg $0xFFFFFFFF  }
0xc3: {  	_ =	task.clear_ibuf [dreg:s8], $0x2FFFF;
	_ =	strace $0x9FFFFFFF  }
0xc4: {  	(tm) =	ssettm $0x7FFFFFFF  }
0xc5: {  	_ =	shalt  }
tec
execute0_lowered:
.L_overlay_start_1:
0x0: {  	(tag) =	ssettag $0x1  }
0x1: {  	s0 =	srdreg.scid;
	s9 =	stileid.u32  }
0x2: {  	s1 =	sand.u32 $0x1, s0;
	s17 =	sshll.u32 s9, $0x1  }
0x3: {  	s2 =	rddreg [dreg:$0x0];
	s4 =	sor.u32 s1, s17  }
0x4: {  	s5 =	rddreg [dreg:$0x1];
	s0 =	smul.u32 $0xF, s4  }
0x5: {  	s10 =	rddreg [dreg:$0x2];
	s18 =	simm.s32 $0x0;
	s3 =	smax.u32 s4, $0x15  }
0x6: {  	[smem:$0x7FF] =	sst s18;
	s9 =	smul.u32 $0x4600, s9;
	s0 =	ssub.s32 s0, s3  }
0x7: {  	_ =	strace $0x80000047;
	s8 =	ssub.s32 $0x2, s1;
	s3 =	sadd.s32 $0x15, s0  }
0x8: {  	s0 =	smul.u32 $0x46000, s1;
	p0 =	slt.s32 s3, $0x1C6;
	s7 =	smov.u32 s3  }
0x9: {  	s19 =	sshrl.u32 s8, $0x1;
	s22 =	sshll.u32 s3, $0xB;
	s7 =	simm.s32 @!p0 $0x1C6  }
0xa: {  	p0 =	slt.u32 s4, $0x15;
	s20 =	sadd.s32 s9, s0;
	s4 =	sshll.u32 s3, $0x7  }
0xb: {  	s6 =	sshll.u32 s7, $0x6;
	s7 =	sshll.u32 s7, $0x7;
	s11 =	smov.u32 s4  }
0xc: {  	s12 =	smov.u32 s4;
	s15 =	smov.u32 s4;
	s16 =	smov.u32 s4  }
0xd: {  	s6 =	sand.u32 $0x1FFFFFC0, s6;
	[dreg:$0x4] =	wrdreg s7;
	s7 =	simm.s32 $0xE  }
0xe: {  	s1 =	sadd.s32 s6, s5;
	s6 =	ssub.s32 s8, s19;
	s8 =	sshrl.u32 s20, $0x3  }
0xf: {  	s7 =	simm.s32 @!p0 $0xD;
	p0 =	slt.s32 s4, $0xE860;
	s20 =	sadd.s32 s10, s8  }
0x10: {  	s21 =	sadd.s32 $0x800, s1;
	s8 =	smov.u32 s4;
	s10 =	smov.u32 s4  }
0x11: {  	s18 =	sadd.s32 s3, s7;
	[dreg:$0x6] =	wrdreg s21;
	s8 =	simm.s32 @!p0 $0xE860  }
0x12: {  	p0 =	slt.s32 s4, $0xE7E0;
	s21 =	sadd.s32 s2, s22;
	s18 =	sshll.u32 s18, $0x7  }
0x13: {  	s22 =	smax.u32 s6, $0x1;
	s6 =	sadd.s32 $0x980, s1;
	[dreg:$0x5] =	wrdreg s20  }
0x14: {  	s8 =	sshll.u32 s8, $0x4;
	s10 =	simm.s32 @!p0 $0xE7E0;
	[dreg:$0x14] =	wrdreg s22  }
0x15: {  	p0 =	slt.s32 s4, $0xE760;
	s18 =	smin.u32 s18, $0xE9E0;
	[dreg:$0x1a] =	wrdreg s6  }
0x16: {  	s22 =	sadd.s32 $0x578, s20;
	[dreg:$0x7] =	wrdreg s21;
	s8 =	sadd.s32 s2, s8  }
0x17: {  	s23 =	sshll.u32 s10, $0x4;
	s10 =	smov.u32 s4;
	s26 =	sshll.u32 s18, $0x4  }
0x18: {  	[smem:$0x7F9] =	sst s22;
	s9 =	sadd.s32 s2, s23;
	s10 =	simm.s32 @!p0 $0xE760  }
0x19: {  	p0 =	slt.s32 s4, $0xE6E0;
	s28 =	sadd.s32 $0x1800, s8;
	s23 =	sadd.s32 $0x840, s1  }
0x1a: {  	s10 =	sshll.u32 s10, $0x4;
	s11 =	simm.s32 @!p0 $0xE6E0;
	[dreg:$0x9] =	wrdreg s28  }
0x1b: {  	p0 =	slt.s32 s4, $0xE660;
	s29 =	sadd.s32 $0x2000, s9;
	[dreg:$0x15] =	wrdreg s23  }
0x1c: {  	s28 =	sadd.s32 $0x8C0, s1;
	s23 =	sadd.s32 $0x690, s20;
	s10 =	sadd.s32 s2, s10  }
0x1d: {  	s11 =	sshll.u32 s11, $0x4;
	s12 =	simm.s32 @!p0 $0xE660;
	[dreg:$0xa] =	wrdreg s29  }
0x1e: {  	p0 =	slt.s32 s4, $0xE5E0;
	[dreg:$0x17] =	wrdreg s28;
	s29 =	sadd.s32 $0x900, s1  }
0x1f: {  	[smem:$0x7FA] =	sst s23;
	s28 =	sadd.s32 $0x800, s21;
	s13 =	sadd.s32 s2, s11  }
0x20: {  	s24 =	sshll.u32 s12, $0x4;
	s12 =	smov.u32 s4;
	[dreg:$0x18] =	wrdreg s29  }
0x21: {  	s11 =	smov.u32 s4;
	s8 =	sadd.s32 $0x2800, s10;
	[smem:$0x7FC] =	sst s28  }
0x22: {  	s29 =	sadd.s32 $0x1000, s21;
	s14 =	sadd.s32 s2, s24;
	s12 =	simm.s32 @!p0 $0xE5E0  }
0x23: {  	p0 =	slt.s32 s4, $0xE560;
	[dreg:$0xb] =	wrdreg s8;
	s9 =	sadd.s32 $0x3000, s13  }
0x24: {  	s8 =	sadd.s32 $0x9C0, s1;
	[smem:$0x7FD] =	sst s29;
	s12 =	sshll.u32 s12, $0x4  }
0x25: {  	s11 =	simm.s32 @!p0 $0xE560;
	p0 =	slt.s32 s4, $0xE4E0;
	[dreg:$0xc] =	wrdreg s9  }
0x26: {  	s10 =	sadd.s32 $0x3800, s14;
	[dreg:$0x1b] =	wrdreg s8;
	s9 =	sadd.s32 $0xA00, s1  }
0x27: {  	s12 =	sadd.s32 s2, s12;
	s15 =	simm.s32 @!p0 $0xE4E0;
	[dreg:$0xd] =	wrdreg s10  }
0x28: {  	p0 =	slt.s32 s4, $0xE460;
	s11 =	sshll.u32 s11, $0x4;
	[dreg:$0x1c] =	wrdreg s9  }
0x29: {  	s10 =	sadd.s32 $0xA40, s1;
	s15 =	sshll.u32 s15, $0x4;
	s16 =	simm.s32 @!p0 $0xE460  }
0x2a: {  	s17 =	sadd.s32 s2, s11;
	p0 =	slt.s32 s4, $0xE3E0;
	s11 =	smov.u32 s4  }
0x2b: {  	s13 =	sadd.s32 $0x4000, s12;
	[dreg:$0x1d] =	wrdreg s10;
	s12 =	sadd.s32 $0xA80, s1  }
0x2c: {  	s15 =	sadd.s32 s2, s15;
	s25 =	sshll.u32 s16, $0x4;
	[dreg:$0xe] =	wrdreg s13  }
0x2d: {  	s11 =	simm.s32 @!p0 $0xE3E0;
	s14 =	sadd.s32 $0x4800, s17;
	[dreg:$0x1e] =	wrdreg s12  }
0x2e: {  	p0 =	slt.s32 s4, $0xE360;
	s13 =	sadd.s32 $0xAC0, s1;
	[dreg:$0xf] =	wrdreg s14  }
0x2f: {  	s16 =	sadd.s32 s2, s25;
	s15 =	sadd.s32 $0x5000, s15;
	[dreg:$0x1f] =	wrdreg s13  }
0x30: {  	s11 =	sshll.u32 s11, $0x4;
	s14 =	sadd.s32 $0xB00, s1;
	[dreg:$0x10] =	wrdreg s15  }
0x31: {  	s4 =	simm.s32 @!p0 $0xE360;
	s17 =	sadd.s32 $0x5800, s16;
	[smem:$0x7F2] =	sst s14  }
0x32: {  	s19 =	sadd.s32 s2, s11;
	s15 =	sadd.s32 $0xB40, s1;
	[dreg:$0x11] =	wrdreg s17  }
0x33: {  	s4 =	sshll.u32 s4, $0x4;
	s16 =	sadd.s32 $0x118, s20;
	[smem:$0x7F3] =	sst s15  }
0x34: {  	s4 =	sadd.s32 s2, s4;
	s2 =	sadd.s32 s2, s26;
	[smem:$0x7F5] =	sst s16  }
0x35: {  	s18 =	sadd.s32 $0x6000, s19;
	[dreg:$0x8] =	wrdreg s2  }
0x36: {  	s26 =	sadd.s32 $0x880, s1;
	[dreg:$0x12] =	wrdreg s18  }
0x37: {  	s17 =	sadd.s32 $0x230, s20;
	[dreg:$0x16] =	wrdreg s26  }
0x38: {  	s24 =	sadd.s32 $0x820, s1;
	s19 =	sadd.s32 $0x6800, s4;
	[smem:$0x7F6] =	sst s17  }
0x39: {  	s25 =	sadd.s32 $0x830, s1;
	s4 =	sadd.s32 $0x940, s1;
	[dreg:$0x13] =	wrdreg s19  }
0x3a: {  	s11 =	sadd.s32 $0x810, s1;
	s1 =	sadd.s32 $0xB80, s1;
	[dreg:$0x19] =	wrdreg s4  }
0x3b: {  	s30 =	simm.s32 $0x80;
	s18 =	sadd.s32 $0x348, s20;
	[smem:$0x7F4] =	sst s1  }
0x3c: {  	s31 =	simm.s32 $0x1;
	s26 =	sadd.s32 $0x7A8, s20;
	[smem:$0x7F7] =	sst s18  }
0x3d: {  	s5 =	sadd.s32 $0x7E00, s5;
	s19 =	sadd.s32 $0x460, s20;
	[smem:$0x7FB] =	sst s26  }
0x3e: {  	v1 =	vimm.f32 $0.0e+00;
	v2 =	vimm.f32 $1.000000000e+00;
	v0 =	vmov s0;
	s23 =	simm.s32 $0x2;
	s1 =	simm.s32 $0x0;
	[smem:$0x7F8] =	sst s19  }
.LBB2_1:
0x3f: {  	[smem:$0x7F1] =	sst s1;
	s0 =	simm.s32 $0x40;
	s2 =	simm.s32 $0x0  }
.LBB2_2:
0x40: {  	p0 =	sne.s32 s0, $0x22C0;
	[tilespmem:s2+$0x16E80] =	vst v1;
	s2 =	smov.u32 s0;
	s0 =	sadd.s32 $0x40, s0  }
.Ltmp0:
0x41: {  	(pc) =	sbr.rel @p0 .LBB2_2-.Ltmp0, $2  }
0x42: {  	_ =	sdelay $0x2  }
0x43: {  	s2 =	sshra.s32 s2, $0x2  }
0x44: {  	[tilespmem:s2+$0x16E80] =	vst v1  }
0x45: {  	[tilespmem:$0x16E00] =	vst v2  }
0x46: {  	[tilespmem:$0x16E10] =	vst v2  }
0x47: {  	[tilespmem:$0x16E20] =	vst v2  }
0x48: {  	[tilespmem:$0x16E30] =	vst v2  }
0x49: {  	[tilespmem:$0x16E40] =	vst v2  }
0x4a: {  	[tilespmem:$0x16E50] =	vst v2  }
0x4b: {  	s1 =	rddreg [dreg:$0x5];
	[tilespmem:$0x16E60] =	vst v2  }
0x4c: {  	s0 =	simm.s32 $0x0;
	s18 =	simm.s32 $0x16E80;
	s19 =	sld [smem:$0x7F5];
	[tilespmem:$0x16E70] =	vst v2  }
0x4d: {  	[hbm4b:s1+s0] =	stream.linear.scatter [tilespmem:s18], [sflag:$0x1], $0x8C0, $0x38;
	[tilespmem:$0x17780] =	vst v63  }
0x4e: {  	s20 =	sld [smem:$0x7F6]  }
0x4f: {  	[hbm4b:s19+s0] =	stream.linear.scatter [tilespmem:s18], [sflag:$0x1], $0x8C0, $0x38;
	[tilespmem:$0x17780] =	vst v63  }
0x50: {  	s21 =	sld [smem:$0x7F7]  }
0x51: {  	[hbm4b:s20+s0] =	stream.linear.scatter [tilespmem:s18], [sflag:$0x1], $0x8C0, $0x38;
	[tilespmem:$0x17780] =	vst v63  }
0x52: {  	s22 =	sld [smem:$0x7F8]  }
0x53: {  	[hbm4b:s21+s0] =	stream.linear.scatter [tilespmem:s18], [sflag:$0x1], $0x8C0, $0x38;
	[tilespmem:$0x17780] =	vst v63  }
0x54: {  	s26 =	sld [smem:$0x7F9]  }
0x55: {  	[hbm4b:s22+s0] =	stream.linear.scatter [tilespmem:s18], [sflag:$0x1], $0x8C0, $0x38;
	[tilespmem:$0x17780] =	vst v63  }
0x56: {  	s28 =	sld [smem:$0x7FA]  }
0x57: {  	[hbm4b:s26+s0] =	stream.linear.scatter [tilespmem:s18], [sflag:$0x1], $0x8C0, $0x38;
	[tilespmem:$0x17780] =	vst v63  }
0x58: {  	s29 =	sld [smem:$0x7FB]  }
0x59: {  	[hbm4b:s28+s0] =	stream.linear.scatter [tilespmem:s18], [sflag:$0x1], $0x8C0, $0x38;
	[tilespmem:$0x17780] =	vst v63  }
0x5a: {  	s4 =	rddreg [dreg:$0x6]  }
0x5b: {  	[hbm4b:s29+s0] =	stream.linear.scatter [tilespmem:s18], [sflag:$0x1], $0x8C0, $0x38;
	[tilespmem:$0x17780] =	vst v63  }
0x5c: {  	s6 =	rddreg [dreg:$0x15]  }
0x5d: {  	[tilespmem:s0], [sflag:$0xD] =	stream.linear.gather [hbm4b:s4+s0], $0x80, $0x38;
	[tilespmem:$0x17780] =	vst v63  }
0x5e: {  	s8 =	simm.s32 $0x200;
	s9 =	rddreg [dreg:$0x16]  }
0x5f: {  	[tilespmem:s8], [sflag:$0xD] =	stream.linear.gather [hbm4b:s6+s0], $0x80, $0x38;
	[tilespmem:$0x17780] =	vst v63  }
0x60: {  	s10 =	simm.s32 $0x400;
	s12 =	rddreg [dreg:$0x17]  }
0x61: {  	[tilespmem:s10], [sflag:$0xD] =	stream.linear.gather [hbm4b:s9+s0], $0x80, $0x38;
	[tilespmem:$0x17780] =	vst v63  }
0x62: {  	s13 =	simm.s32 $0x600;
	s14 =	rddreg [dreg:$0x18]  }
0x63: {  	[tilespmem:s13], [sflag:$0xD] =	stream.linear.gather [hbm4b:s12+s0], $0x80, $0x38;
	[tilespmem:$0x17780] =	vst v63  }
0x64: {  	s15 =	simm.s32 $0x800;
	s16 =	rddreg [dreg:$0x19]  }
0x65: {  	[tilespmem:s15], [sflag:$0xD] =	stream.linear.gather [hbm4b:s14+s0], $0x80, $0x38;
	[tilespmem:$0x17780] =	vst v63  }
0x66: {  	s17 =	simm.s32 $0xA00;
	s20 =	rddreg [dreg:$0x1b]  }
0x67: {  	[tilespmem:s17], [sflag:$0xD] =	stream.linear.gather [hbm4b:s16+s0], $0x80, $0x38;
	[tilespmem:$0x17780] =	vst v63  }
0x68: {  	s19 =	simm.s32 $0xC00;
	s18 =	rddreg [dreg:$0x1a]  }
0x69: {  	[tilespmem:s19], [sflag:$0xD] =	stream.linear.gather [hbm4b:s18+s0], $0x80, $0x38;
	[tilespmem:$0x17780] =	vst v63  }
0x6a: {  	s21 =	simm.s32 $0xE00;
	s22 =	rddreg [dreg:$0x1c]  }
0x6b: {  	[tilespmem:s21], [sflag:$0xD] =	stream.linear.gather [hbm4b:s20+s0], $0x80, $0x38;
	[tilespmem:$0x17780] =	vst v63  }
0x6c: {  	s26 =	simm.s32 $0x1000;
	s28 =	rddreg [dreg:$0x1d]  }
0x6d: {  	[tilespmem:s26], [sflag:$0xD] =	stream.linear.gather [hbm4b:s22+s0], $0x80, $0x38;
	[tilespmem:$0x17780] =	vst v63  }
0x6e: {  	s29 =	simm.s32 $0x1200;
	s4 =	rddreg [dreg:$0x1e]  }
0x6f: {  	[tilespmem:s29], [sflag:$0xD] =	stream.linear.gather [hbm4b:s28+s0], $0x80, $0x38;
	[tilespmem:$0x17780] =	vst v63  }
0x70: {  	s6 =	simm.s32 $0x1400;
	s8 =	rddreg [dreg:$0x1f]  }
0x71: {  	[tilespmem:s6], [sflag:$0xD] =	stream.linear.gather [hbm4b:s4+s0], $0x80, $0x38;
	[tilespmem:$0x17780] =	vst v63  }
0x72: {  	s9 =	simm.s32 $0x1600;
	s10 =	sld [smem:$0x7F2]  }
0x73: {  	[tilespmem:s9], [sflag:$0xD] =	stream.linear.gather [hbm4b:s8+s0], $0x80, $0x38;
	[tilespmem:$0x17780] =	vst v63  }
0x74: {  	s12 =	simm.s32 $0x1800;
	s13 =	sld [smem:$0x7F3]  }
0x75: {  	[tilespmem:s12], [sflag:$0xD] =	stream.linear.gather [hbm4b:s10+s0], $0x80, $0x38;
	[tilespmem:$0x17780] =	vst v63  }
0x76: {  	s14 =	simm.s32 $0x1A00;
	s15 =	sld [smem:$0x7F4]  }
0x77: {  	[tilespmem:s14], [sflag:$0xD] =	stream.linear.gather [hbm4b:s13+s0], $0x80, $0x38;
	[tilespmem:$0x17780] =	vst v63  }
0x78: {  	s1 =	simm.s32 $0xD;
	s16 =	simm.s32 $0x1C00  }
0x79: {  	[tilespmem:s16], [sflag:$0xD] =	stream.linear.gather [hbm4b:s15+s0], $0x80, $0x38;
	[tilespmem:$0x17780] =	vst v63  }
0x7a: {  	_ =	swait.ge [sflag:s1], $0x780  }
0x7b: {  	[sflag:s1] =	ssyncset.done $0x0  }
0x7c: {  	[sflag:s1] =	ssyncadd.s32 $0xFFFFF880  }
0x7d: {  	[tilespmem:s30], [sflag:$0xD] =	stream.linear.gather [hbm4b:s11+s0], $0x80, $0x38;
	[tilespmem:$0x17780] =	vst v63  }
0x7e: {  	s17 =	sadd.s32 $0x40, s11;
	s4 =	simm.s32 $0x280  }
0x7f: {  	[tilespmem:s4], [sflag:$0xD] =	stream.linear.gather [hbm4b:s17+s0], $0x80, $0x38;
	[tilespmem:$0x17780] =	vst v63  }
0x80: {  	s18 =	sadd.s32 $0x80, s11;
	s19 =	simm.s32 $0x480  }
0x81: {  	[tilespmem:s19], [sflag:$0xD] =	stream.linear.gather [hbm4b:s18+s0], $0x80, $0x38;
	[tilespmem:$0x17780] =	vst v63  }
0x82: {  	s20 =	sadd.s32 $0xC0, s11;
	s21 =	simm.s32 $0x680  }
0x83: {  	[tilespmem:s21], [sflag:$0xD] =	stream.linear.gather [hbm4b:s20+s0], $0x80, $0x38;
	[tilespmem:$0x17780] =	vst v63  }
0x84: {  	s22 =	sadd.s32 $0x100, s11;
	s26 =	simm.s32 $0x880  }
0x85: {  	[tilespmem:s26], [sflag:$0xD] =	stream.linear.gather [hbm4b:s22+s0], $0x80, $0x38;
	[tilespmem:$0x17780] =	vst v63  }
0x86: {  	s28 =	sadd.s32 $0x140, s11;
	s29 =	simm.s32 $0xA80  }
0x87: {  	[tilespmem:s29], [sflag:$0xD] =	stream.linear.gather [hbm4b:s28+s0], $0x80, $0x38;
	[tilespmem:$0x17780] =	vst v63  }
0x88: {  	s6 =	sadd.s32 $0x180, s11;
	s8 =	simm.s32 $0xC80  }
0x89: {  	[tilespmem:s8], [sflag:$0xD] =	stream.linear.gather [hbm4b:s6+s0], $0x80, $0x38;
	[tilespmem:$0x17780] =	vst v63  }
0x8a: {  	s9 =	sadd.s32 $0x1C0, s11;
	s10 =	simm.s32 $0xE80  }
0x8b: {  	[tilespmem:s10], [sflag:$0xD] =	stream.linear.gather [hbm4b:s9+s0], $0x80, $0x38;
	[tilespmem:$0x17780] =	vst v63  }
0x8c: {  	s12 =	sadd.s32 $0x200, s11;
	s13 =	simm.s32 $0x1080  }
0x8d: {  	[tilespmem:s13], [sflag:$0xD] =	stream.linear.gather [hbm4b:s12+s0], $0x80, $0x38;
	[tilespmem:$0x17780] =	vst v63  }
0x8e: {  	s14 =	sadd.s32 $0x240, s11;
	s15 =	simm.s32 $0x1280  }
0x8f: {  	[tilespmem:s15], [sflag:$0xD] =	stream.linear.gather [hbm4b:s14+s0], $0x80, $0x38;
	[tilespmem:$0x17780] =	vst v63  }
0x90: {  	s16 =	sadd.s32 $0x280, s11;
	s17 =	simm.s32 $0x1480  }
0x91: {  	[tilespmem:s17], [sflag:$0xD] =	stream.linear.gather [hbm4b:s16+s0], $0x80, $0x38;
	[tilespmem:$0x17780] =	vst v63  }
0x92: {  	s18 =	sadd.s32 $0x2C0, s11;
	s19 =	simm.s32 $0x1680  }
0x93: {  	[tilespmem:s19], [sflag:$0xD] =	stream.linear.gather [hbm4b:s18+s0], $0x80, $0x38;
	[tilespmem:$0x17780] =	vst v63  }
0x94: {  	s20 =	sadd.s32 $0x300, s11;
	s21 =	simm.s32 $0x1880  }
0x95: {  	[tilespmem:s21], [sflag:$0xD] =	stream.linear.gather [hbm4b:s20+s0], $0x80, $0x38;
	[tilespmem:$0x17780] =	vst v63  }
0x96: {  	s22 =	sadd.s32 $0x340, s11;
	s26 =	simm.s32 $0x1A80  }
0x97: {  	[tilespmem:s26], [sflag:$0xD] =	stream.linear.gather [hbm4b:s22+s0], $0x80, $0x38;
	[tilespmem:$0x17780] =	vst v63  }
0x98: {  	s28 =	sadd.s32 $0x380, s11;
	s29 =	simm.s32 $0x1C80  }
0x99: {  	[tilespmem:s29], [sflag:$0xD] =	stream.linear.gather [hbm4b:s28+s0], $0x80, $0x38;
	[tilespmem:$0x17780] =	vst v63  }
0x9a: {  	_ =	swait.ge [sflag:s1], $0x780  }
0x9b: {  	[sflag:s1] =	ssyncset.done $0x0  }
0x9c: {  	s4 =	simm.s32 $0x100;
	[sflag:s1] =	ssyncadd.s32 $0xFFFFF880  }
0x9d: {  	[tilespmem:s4], [sflag:$0xD] =	stream.linear.gather [hbm4b:s24+s0], $0x80, $0x38;
	[tilespmem:$0x17780] =	vst v63  }
0x9e: {  	s6 =	sadd.s32 $0x40, s24;
	s8 =	simm.s32 $0x300  }
0x9f: {  	[tilespmem:s8], [sflag:$0xD] =	stream.linear.gather [hbm4b:s6+s0], $0x80, $0x38;
	[tilespmem:$0x17780] =	vst v63  }
0xa0: {  	s9 =	sadd.s32 $0x80, s24;
	s10 =	simm.s32 $0x500  }
0xa1: {  	[tilespmem:s10], [sflag:$0xD] =	stream.linear.gather [hbm4b:s9+s0], $0x80, $0x38;
	[tilespmem:$0x17780] =	vst v63  }
0xa2: {  	s12 =	sadd.s32 $0xC0, s24;
	s13 =	simm.s32 $0x700  }
0xa3: {  	[tilespmem:s13], [sflag:$0xD] =	stream.linear.gather [hbm4b:s12+s0], $0x80, $0x38;
	[tilespmem:$0x17780] =	vst v63  }
0xa4: {  	s14 =	sadd.s32 $0x100, s24;
	s15 =	simm.s32 $0x900  }
0xa5: {  	[tilespmem:s15], [sflag:$0xD] =	stream.linear.gather [hbm4b:s14+s0], $0x80, $0x38;
	[tilespmem:$0x17780] =	vst v63  }
0xa6: {  	s16 =	sadd.s32 $0x140, s24;
	s17 =	simm.s32 $0xB00  }
0xa7: {  	[tilespmem:s17], [sflag:$0xD] =	stream.linear.gather [hbm4b:s16+s0], $0x80, $0x38;
	[tilespmem:$0x17780] =	vst v63  }
0xa8: {  	s18 =	sadd.s32 $0x180, s24;
	s19 =	simm.s32 $0xD00  }
0xa9: {  	[tilespmem:s19], [sflag:$0xD] =	stream.linear.gather [hbm4b:s18+s0], $0x80, $0x38;
	[tilespmem:$0x17780] =	vst v63  }
0xaa: {  	s20 =	sadd.s32 $0x1C0, s24;
	s21 =	simm.s32 $0xF00  }
0xab: {  	[tilespmem:s21], [sflag:$0xD] =	stream.linear.gather [hbm4b:s20+s0], $0x80, $0x38;
	[tilespmem:$0x17780] =	vst v63  }
0xac: {  	s22 =	sadd.s32 $0x200, s24;
	s26 =	simm.s32 $0x1100  }
0xad: {  	[tilespmem:s26], [sflag:$0xD] =	stream.linear.gather [hbm4b:s22+s0], $0x80, $0x38;
	[tilespmem:$0x17780] =	vst v63  }
0xae: {  	s28 =	sadd.s32 $0x240, s24;
	s29 =	simm.s32 $0x1300  }
0xaf: {  	[tilespmem:s29], [sflag:$0xD] =	stream.linear.gather [hbm4b:s28+s0], $0x80, $0x38;
	[tilespmem:$0x17780] =	vst v63  }
0xb0: {  	s4 =	sadd.s32 $0x280, s24;
	s6 =	simm.s32 $0x1500  }
0xb1: {  	[tilespmem:s6], [sflag:$0xD] =	stream.linear.gather [hbm4b:s4+s0], $0x80, $0x38;
	[tilespmem:$0x17780] =	vst v63  }
0xb2: {  	s8 =	sadd.s32 $0x2C0, s24;
	s9 =	simm.s32 $0x1700  }
0xb3: {  	[tilespmem:s9], [sflag:$0xD] =	stream.linear.gather [hbm4b:s8+s0], $0x80, $0x38;
	[tilespmem:$0x17780] =	vst v63  }
0xb4: {  	s10 =	sadd.s32 $0x300, s24;
	s12 =	simm.s32 $0x1900  }
0xb5: {  	[tilespmem:s12], [sflag:$0xD] =	stream.linear.gather [hbm4b:s10+s0], $0x80, $0x38;
	[tilespmem:$0x17780] =	vst v63  }
0xb6: {  	s13 =	sadd.s32 $0x340, s24;
	s14 =	simm.s32 $0x1B00  }
0xb7: {  	[tilespmem:s14], [sflag:$0xD] =	stream.linear.gather [hbm4b:s13+s0], $0x80, $0x38;
	[tilespmem:$0x17780] =	vst v63  }
0xb8: {  	s15 =	sadd.s32 $0x380, s24;
	s16 =	simm.s32 $0x1D00  }
0xb9: {  	[tilespmem:s16], [sflag:$0xD] =	stream.linear.gather [hbm4b:s15+s0], $0x80, $0x38;
	[tilespmem:$0x17780] =	vst v63  }
0xba: {  	_ =	swait.ge [sflag:s1], $0x780  }
0xbb: {  	[sflag:s1] =	ssyncset.done $0x0  }
0xbc: {  	s17 =	simm.s32 $0x180;
	[sflag:s1] =	ssyncadd.s32 $0xFFFFF880  }
0xbd: {  	[tilespmem:s17], [sflag:$0xD] =	stream.linear.gather [hbm4b:s25+s0], $0x80, $0x38;
	[tilespmem:$0x17780] =	vst v63  }
0xbe: {  	s18 =	sadd.s32 $0x40, s25;
	s19 =	simm.s32 $0x380  }
0xbf: {  	[tilespmem:s19], [sflag:$0xD] =	stream.linear.gather [hbm4b:s18+s0], $0x80, $0x38;
	[tilespmem:$0x17780] =	vst v63  }
0xc0: {  	s20 =	sadd.s32 $0x80, s25;
	s21 =	simm.s32 $0x580  }
0xc1: {  	[tilespmem:s21], [sflag:$0xD] =	stream.linear.gather [hbm4b:s20+s0], $0x80, $0x38;
	[tilespmem:$0x17780] =	vst v63  }
0xc2: {  	s22 =	sadd.s32 $0xC0, s25;
	s26 =	simm.s32 $0x780  }
0xc3: {  	[tilespmem:s26], [sflag:$0xD] =	stream.linear.gather [hbm4b:s22+s0], $0x80, $0x38;
	[tilespmem:$0x17780] =	vst v63  }
0xc4: {  	s28 =	sadd.s32 $0x100, s25;
	s29 =	simm.s32 $0x980  }
0xc5: {  	[tilespmem:s29], [sflag:$0xD] =	stream.linear.gather [hbm4b:s28+s0], $0x80, $0x38;
	[tilespmem:$0x17780] =	vst v63  }
0xc6: {  	s6 =	sadd.s32 $0x140, s25;
	s8 =	simm.s32 $0xB80  }
0xc7: {  	[tilespmem:s8], [sflag:$0xD] =	stream.linear.gather [hbm4b:s6+s0], $0x80, $0x38;
	[tilespmem:$0x17780] =	vst v63  }
0xc8: {  	s9 =	sadd.s32 $0x180, s25;
	s10 =	simm.s32 $0xD80  }
0xc9: {  	[tilespmem:s10], [sflag:$0xD] =	stream.linear.gather [hbm4b:s9+s0], $0x80, $0x38;
	[tilespmem:$0x17780] =	vst v63  }
0xca: {  	s12 =	sadd.s32 $0x1C0, s25;
	s13 =	simm.s32 $0xF80  }
0xcb: {  	[tilespmem:s13], [sflag:$0xD] =	stream.linear.gather [hbm4b:s12+s0], $0x80, $0x38;
	[tilespmem:$0x17780] =	vst v63  }
0xcc: {  	s14 =	sadd.s32 $0x200, s25;
	s15 =	simm.s32 $0x1180  }
0xcd: {  	[tilespmem:s15], [sflag:$0xD] =	stream.linear.gather [hbm4b:s14+s0], $0x80, $0x38;
	[tilespmem:$0x17780] =	vst v63  }
0xce: {  	s16 =	sadd.s32 $0x240, s25;
	s17 =	simm.s32 $0x1380  }
0xcf: {  	[tilespmem:s17], [sflag:$0xD] =	stream.linear.gather [hbm4b:s16+s0], $0x80, $0x38;
	[tilespmem:$0x17780] =	vst v63  }
0xd0: {  	s18 =	sadd.s32 $0x280, s25;
	s19 =	simm.s32 $0x1580  }
0xd1: {  	[tilespmem:s19], [sflag:$0xD] =	stream.linear.gather [hbm4b:s18+s0], $0x80, $0x38;
	[tilespmem:$0x17780] =	vst v63  }
0xd2: {  	s20 =	sadd.s32 $0x2C0, s25;
	s21 =	simm.s32 $0x1780  }
0xd3: {  	[tilespmem:s21], [sflag:$0xD] =	stream.linear.gather [hbm4b:s20+s0], $0x80, $0x38;
	[tilespmem:$0x17780] =	vst v63  }
0xd4: {  	p0 =	sgt.s32 s7, $0x0;
	s22 =	sadd.s32 $0x300, s25;
	s26 =	simm.s32 $0x1980  }
0xd5: {  	[tilespmem:s26], [sflag:$0xD] =	stream.linear.gather [hbm4b:s22+s0], $0x80, $0x38;
	[tilespmem:$0x17780] =	vst v63  }
0xd6: {  	s2 =	smov.u32 s7;
	s28 =	sadd.s32 $0x340, s25;
	s29 =	simm.s32 $0x1B80  }
0xd7: {  	[tilespmem:s29], [sflag:$0xD] =	stream.linear.gather [hbm4b:s28+s0], $0x80, $0x38;
	[tilespmem:$0x17780] =	vst v63  }
0xd8: {  	s2 =	smov.u32 @p0 s0;
	s6 =	sadd.s32 $0x380, s25;
	s8 =	simm.s32 $0x1D80  }
0xd9: {  	[tilespmem:s8], [sflag:$0xD] =	stream.linear.gather [hbm4b:s6+s0], $0x80, $0x38;
	[tilespmem:$0x17780] =	vst v63  }
0xda: {  	s0 =	sadd.s32 s3, s2  }
0xdb: {  	s2 =	sshll.u32 s0, $0x7  }
0xdc: {  	_ =	swait.ge [sflag:s1], $0x780;
	p0 =	slt.s32 s2, $0xE9E0  }
0xdd: {  	s9 =	rddreg [dreg:$0x4];
	s2 =	simm.s32 @!p0 $0xE9E0  }
0xde: {  	s0 =	ssub.s32 s2, s9  }
0xdf: {  	s10 =	sshll.u32 s0, $0x2  }
0xe0: {  	[sflag:s1] =	ssyncset.done $0x0;
	s2 =	sand.u32 $0x60, s2;
	s6 =	sand.u32 $0xFFFFFE00, s10  }
0xe1: {  	[sflag:s1] =	ssyncadd.s32 $0xFFFFF880;
	s8 =	sor.u32 s2, s6  }
0xe2: {  	v3 =	vld [tilespmem:s8+$0x0]  }
0xe3: {  	v4 =	vld [tilespmem:s8+$0x100]  }
0xe4: {  	s12 =	sor.u32 s2, s10;
	v5 =	vld [tilespmem:s8+$0x80]  }
0xe5: {  	s8 =	sor.u32 $0x180, s12  }
0xe6: {  	v6 =	vld [tilespmem:s8+$0x0]  }
0xe7: {  	v3 =	vmul.u32 $0xC8, v3;
	_ =	sdelay $0x1  }
0xe8: {  	v5 =	vmul.u32 $0x22600, v5;
	v3 =	vadd.s32 v3, v4  }
0xe9: {  	v3 =	vmul.u32 $0xB0, v3  }
0xea: {  	v4 =	vadd.s32 v5, v6  }
0xeb: {  	s12 =	simm.s32 $0x15E40;
	v3 =	vadd.s32 v3, v4  }
0xec: {  	s2 =	sor.u32 $0x10, s2;
	s8 =	simm.s32 $0x16640;
	[tilespmem:s12+$0xFFFFFFC0] =	vst v3;
	v3 =	vadd.s32 v0, v3  }
0xed: {  	s6 =	sor.u32 s2, s6;
	[tilespmem:s8+$0xFFFFFFC0] =	vst v3  }
0xee: {  	v3 =	vld [tilespmem:s6+$0x0]  }
0xef: {  	v4 =	vld [tilespmem:s6+$0x100]  }
0xf0: {  	s2 =	sor.u32 s2, s10;
	v5 =	vld [tilespmem:s6+$0x80]  }
0xf1: {  	s2 =	sor.u32 $0x180, s2  }
0xf2: {  	v57 =	vld [tilespmem:s2+$0x0]  }
0xf3: {  	v3 =	vmul.u32 $0xC8, v3;
	_ =	sdelay $0x1  }
0xf4: {  	v5 =	vmul.u32 $0x22600, v5;
	v3 =	vadd.s32 v3, v4  }
0xf5: {  	v3 =	vmul.u32 $0xB0, v3  }
0xf6: {  	s13 =	sadd.s32 $0x20, s0;
	v4 =	vadd.s32 v5, v57  }
0xf7: {  	s14 =	sshll.u32 s13, $0x2;
	v3 =	vadd.s32 v3, v4  }
0xf8: {  	s4 =	sand.u32 $0xFFFFFE00, s14;
	s2 =	sand.u32 $0x60, s13;
	[tilespmem:s12+$0xFFFFFFD0] =	vst v3;
	v3 =	vadd.s32 v0, v3  }
0xf9: {  	s2 =	sor.u32 s2, s4;
	[tilespmem:s8+$0xFFFFFFD0] =	vst v3  }
0xfa: {  	v3 =	vld [tilespmem:s2+$0x0]  }
0xfb: {  	v4 =	vld [tilespmem:s2+$0x100]  }
0xfc: {  	v5 =	vld [tilespmem:s2+$0x80];
	_ =	sdelay $0x1  }
0xfd: {  	v58 =	vld [tilespmem:s2+$0x180]  }
0xfe: {  	v3 =	vmul.u32 $0xC8, v3;
	_ =	sdelay $0x1  }
0xff: {  	v5 =	vmul.u32 $0x22600, v5;
	v3 =	vadd.s32 v3, v4  }
0x100: {  	v3 =	vmul.u32 $0xB0, v3  }
0x101: {  	s15 =	sadd.s32 $0x30, s0;
	v4 =	vadd.s32 v5, v58  }
0x102: {  	s16 =	sshll.u32 s15, $0x2;
	v3 =	vadd.s32 v3, v4  }
0x103: {  	s4 =	sand.u32 $0xFFFFFE00, s16;
	s2 =	sand.u32 $0x70, s15;
	[tilespmem:s12+$0xFFFFFFE0] =	vst v3;
	v3 =	vadd.s32 v0, v3  }
0x104: {  	s2 =	sor.u32 s2, s4;
	[tilespmem:s8+$0xFFFFFFE0] =	vst v3  }
0x105: {  	v3 =	vld [tilespmem:s2+$0x0]  }
0x106: {  	v4 =	vld [tilespmem:s2+$0x100]  }
0x107: {  	v5 =	vld [tilespmem:s2+$0x80];
	_ =	sdelay $0x1  }
0x108: {  	v59 =	vld [tilespmem:s2+$0x180]  }
0x109: {  	v3 =	vmul.u32 $0xC8, v3;
	_ =	sdelay $0x1  }
0x10a: {  	v5 =	vmul.u32 $0x22600, v5;
	v3 =	vadd.s32 v3, v4  }
0x10b: {  	v3 =	vmul.u32 $0xB0, v3  }
0x10c: {  	s17 =	sadd.s32 $0x40, s0;
	v4 =	vadd.s32 v5, v59  }
0x10d: {  	s18 =	sshll.u32 s17, $0x2;
	v3 =	vadd.s32 v3, v4  }
0x10e: {  	s4 =	sand.u32 $0xFFFFFE00, s18;
	s2 =	sand.u32 $0x60, s17;
	[tilespmem:s12+$0xFFFFFFF0] =	vst v3;
	v3 =	vadd.s32 v0, v3  }
0x10f: {  	s2 =	sor.u32 s2, s4;
	[tilespmem:s8+$0xFFFFFFF0] =	vst v3  }
0x110: {  	v3 =	vld [tilespmem:s2+$0x0]  }
0x111: {  	v4 =	vld [tilespmem:s2+$0x100]  }
0x112: {  	v5 =	vld [tilespmem:s2+$0x80];
	_ =	sdelay $0x1  }
0x113: {  	v60 =	vld [tilespmem:s2+$0x180]  }
0x114: {  	v3 =	vmul.u32 $0xC8, v3;
	_ =	sdelay $0x1  }
0x115: {  	v5 =	vmul.u32 $0x22600, v5;
	v3 =	vadd.s32 v3, v4  }
0x116: {  	v3 =	vmul.u32 $0xB0, v3  }
0x117: {  	s19 =	sadd.s32 $0x50, s0;
	v4 =	vadd.s32 v5, v60  }
0x118: {  	s20 =	sshll.u32 s19, $0x2;
	v3 =	vadd.s32 v3, v4  }
0x119: {  	s4 =	sand.u32 $0xFFFFFE00, s20;
	s2 =	sand.u32 $0x70, s19;
	[tilespmem:s12+$0x0] =	vst v3;
	v3 =	vadd.s32 v0, v3  }
0x11a: {  	s2 =	sor.u32 s2, s4;
	[tilespmem:s8+$0x0] =	vst v3  }
0x11b: {  	v3 =	vld [tilespmem:s2+$0x0]  }
0x11c: {  	v4 =	vld [tilespmem:s2+$0x80]  }
0x11d: {  	v5 =	vld [tilespmem:s2+$0x100];
	_ =	sdelay $0x1  }
0x11e: {  	v61 =	vld [tilespmem:s2+$0x180]  }
0x11f: {  	v3 =	vmul.u32 $0xC8, v3;
	_ =	sdelay $0x1  }
0x120: {  	v4 =	vmul.u32 $0x22600, v4;
	v3 =	vadd.s32 v3, v5  }
0x121: {  	v3 =	vmul.u32 $0xB0, v3  }
0x122: {  	s21 =	sadd.s32 $0x60, s0;
	v4 =	vadd.s32 v4, v61  }
0x123: {  	s22 =	sshll.u32 s21, $0x2;
	v3 =	vadd.s32 v3, v4  }
0x124: {  	s4 =	sand.u32 $0xFFFFFE00, s22;
	s2 =	sand.u32 $0x60, s21;
	[tilespmem:s12+$0x10] =	vst v3;
	v3 =	vadd.s32 v0, v3  }
0x125: {  	s2 =	sor.u32 s2, s4;
	[tilespmem:s8+$0x10] =	vst v3  }
0x126: {  	v3 =	vld [tilespmem:s2+$0x0]  }
0x127: {  	v4 =	vld [tilespmem:s2+$0x80]  }
0x128: {  	v5 =	vld [tilespmem:s2+$0x100];
	_ =	sdelay $0x1  }
0x129: {  	v62 =	vld [tilespmem:s2+$0x180]  }
0x12a: {  	v3 =	vmul.u32 $0xC8, v3;
	_ =	sdelay $0x1  }
0x12b: {  	v4 =	vmul.u32 $0x22600, v4;
	v3 =	vadd.s32 v3, v5  }
0x12c: {  	v3 =	vmul.u32 $0xB0, v3  }
0x12d: {  	s0 =	sadd.s32 $0x70, s0;
	v4 =	vadd.s32 v4, v62  }
0x12e: {  	s26 =	sshll.u32 s0, $0x2;
	v3 =	vadd.s32 v3, v4  }
0x12f: {  	s0 =	sand.u32 $0x70, s0;
	s2 =	sand.u32 $0xFFFFFE00, s26;
	[tilespmem:s12+$0x20] =	vst v3;
	v3 =	vadd.s32 v0, v3  }
0x130: {  	s0 =	sor.u32 s0, s2;
	[tilespmem:s8+$0x20] =	vst v3  }
0x131: {  	v3 =	vld [tilespmem:s0+$0x0]  }
0x132: {  	v4 =	vld [tilespmem:s0+$0x80]  }
0x133: {  	v5 =	vld [tilespmem:s0+$0x100]  }
0x134: {  	p0 =	sgt.s32 s7, $0x1;
	s4 =	smov.u32 s7;
	s2 =	simm.s32 $0x1  }
0x135: {  	s4 =	smov.u32 @p0 s2;
	v63 =	vld [tilespmem:s0+$0x180]  }
0x136: {  	s28 =	sadd.s32 s3, s4;
	v3 =	vmul.u32 $0xC8, v3  }
0x137: {  	s4 =	sshll.u32 s28, $0x7  }
0x138: {  	p0 =	slt.s32 s4, $0xE9E0;
	v4 =	vmul.u32 $0x22600, v4;
	v3 =	vadd.s32 v3, v5  }
0x139: {  	s29 =	rddreg [dreg:$0x4];
	s10 =	simm.s32 $0x2;
	s4 =	simm.s32 @!p0 $0xE9E0;
	v3 =	vmul.u32 $0xB0, v3  }
0x13a: {  	s6 =	simm.s32 $0x166C0;
	s13 =	ssub.s32 s4, s29;
	s26 =	sand.u32 $0x60, s4;
	v4 =	vadd.s32 v4, v63  }
0x13b: {  	s2 =	sshll.u32 s13, $0x2;
	s21 =	sadd.s32 $0x20, s13;
	s15 =	sadd.s32 $0x30, s13;
	v3 =	vadd.s32 v3, v4  }
0x13c: {  	s4 =	sand.u32 $0xFFFFFE00, s2;
	s9 =	sshll.u32 s21, $0x2;
	s0 =	simm.s32 $0x15EC0;
	[tilespmem:s12+$0x30] =	vst v3;
	v3 =	vadd.s32 v0, v3  }
.LBB2_4:
0x13d: {  	s17 =	sor.u32 s26, s4;
	[tilespmem:s8+$0x30] =	vst v3  }
0x13e: {  	v3 =	vld [tilespmem:s17+$0x0]  }
0x13f: {  	v4 =	vld [tilespmem:s17+$0x100]  }
0x140: {  	s1 =	sor.u32 s26, s2;
	v5 =	vld [tilespmem:s17+$0x80]  }
0x141: {  	s1 =	sor.u32 $0x180, s1  }
0x142: {  	v6 =	vld [tilespmem:s1+$0x0]  }
0x143: {  	v3 =	vmul.u32 $0xC8, v3;
	_ =	sdelay $0x1  }
0x144: {  	v5 =	vmul.u32 $0x22600, v5;
	v3 =	vadd.s32 v3, v4  }
0x145: {  	v3 =	vmul.u32 $0xB0, v3  }
0x146: {  	v4 =	vadd.s32 v5, v6  }
0x147: {  	v3 =	vadd.s32 v3, v4  }
0x148: {  	s1 =	sor.u32 $0x10, s26;
	[tilespmem:s0+$0xFFFFFFC0] =	vst v3;
	v3 =	vadd.s32 v0, v3  }
0x149: {  	s26 =	sor.u32 s1, s4;
	[tilespmem:s6+$0xFFFFFFC0] =	vst v3  }
0x14a: {  	v3 =	vld [tilespmem:s26+$0x0]  }
0x14b: {  	v4 =	vld [tilespmem:s26+$0x100]  }
0x14c: {  	s1 =	sor.u32 s1, s2;
	v5 =	vld [tilespmem:s26+$0x80]  }
0x14d: {  	s1 =	sor.u32 $0x180, s1  }
0x14e: {  	v57 =	vld [tilespmem:s1+$0x0]  }
0x14f: {  	v3 =	vmul.u32 $0xC8, v3;
	_ =	sdelay $0x1  }
0x150: {  	v5 =	vmul.u32 $0x22600, v5;
	v3 =	vadd.s32 v3, v4  }
0x151: {  	v3 =	vmul.u32 $0xB0, v3  }
0x152: {  	v4 =	vadd.s32 v5, v57  }
0x153: {  	v3 =	vadd.s32 v3, v4  }
0x154: {  	s9 =	sand.u32 $0xFFFFFE00, s9;
	s4 =	sand.u32 $0x60, s21;
	[tilespmem:s0+$0xFFFFFFD0] =	vst v3;
	v3 =	vadd.s32 v0, v3  }
0x155: {  	s1 =	sor.u32 s4, s9;
	[tilespmem:s6+$0xFFFFFFD0] =	vst v3  }
0x156: {  	v3 =	vld [tilespmem:s1+$0x0]  }
0x157: {  	v4 =	vld [tilespmem:s1+$0x100]  }
0x158: {  	v5 =	vld [tilespmem:s1+$0x80];
	_ =	sdelay $0x1  }
0x159: {  	v58 =	vld [tilespmem:s1+$0x180]  }
0x15a: {  	v3 =	vmul.u32 $0xC8, v3;
	_ =	sdelay $0x1  }
0x15b: {  	v5 =	vmul.u32 $0x22600, v5;
	v3 =	vadd.s32 v3, v4  }
0x15c: {  	v3 =	vmul.u32 $0xB0, v3  }
0x15d: {  	v4 =	vadd.s32 v5, v58  }
0x15e: {  	s16 =	sshll.u32 s15, $0x2;
	v3 =	vadd.s32 v3, v4  }
0x15f: {  	s15 =	sand.u32 $0x70, s15;
	s29 =	sand.u32 $0xFFFFFE00, s16;
	[tilespmem:s0+$0xFFFFFFE0] =	vst v3;
	v3 =	vadd.s32 v0, v3  }
0x160: {  	s1 =	sor.u32 s15, s29;
	[tilespmem:s6+$0xFFFFFFE0] =	vst v3  }
0x161: {  	v3 =	vld [tilespmem:s1+$0x0]  }
0x162: {  	v4 =	vld [tilespmem:s1+$0x100]  }
0x163: {  	v5 =	vld [tilespmem:s1+$0x80];
	_ =	sdelay $0x1  }
0x164: {  	v59 =	vld [tilespmem:s1+$0x180]  }
0x165: {  	v3 =	vmul.u32 $0xC8, v3;
	_ =	sdelay $0x1  }
0x166: {  	v5 =	vmul.u32 $0x22600, v5;
	v3 =	vadd.s32 v3, v4  }
0x167: {  	v3 =	vmul.u32 $0xB0, v3  }
0x168: {  	s20 =	sadd.s32 $0x40, s13;
	v4 =	vadd.s32 v5, v59  }
0x169: {  	s28 =	sshll.u32 s20, $0x2;
	v3 =	vadd.s32 v3, v4  }
0x16a: {  	s22 =	sand.u32 $0xFFFFFE00, s28;
	s21 =	sand.u32 $0x60, s20;
	[tilespmem:s0+$0xFFFFFFF0] =	vst v3;
	v3 =	vadd.s32 v0, v3  }
0x16b: {  	s1 =	sor.u32 s21, s22;
	[tilespmem:s6+$0xFFFFFFF0] =	vst v3  }
0x16c: {  	v3 =	vld [tilespmem:s1+$0x0]  }
0x16d: {  	v4 =	vld [tilespmem:s1+$0x100]  }
0x16e: {  	v5 =	vld [tilespmem:s1+$0x80];
	_ =	sdelay $0x1  }
0x16f: {  	v60 =	vld [tilespmem:s1+$0x180]  }
0x170: {  	v3 =	vmul.u32 $0xC8, v3;
	_ =	sdelay $0x1  }
0x171: {  	v5 =	vmul.u32 $0x22600, v5;
	v3 =	vadd.s32 v3, v4  }
0x172: {  	v3 =	vmul.u32 $0xB0, v3  }
0x173: {  	s18 =	sadd.s32 $0x50, s13;
	v4 =	vadd.s32 v5, v60  }
0x174: {  	s19 =	sshll.u32 s18, $0x2;
	v3 =	vadd.s32 v3, v4  }
0x175: {  	s19 =	sand.u32 $0xFFFFFE00, s19;
	s22 =	sand.u32 $0x70, s18;
	[tilespmem:s0+$0x0] =	vst v3;
	v3 =	vadd.s32 v0, v3  }
0x176: {  	s1 =	sor.u32 s22, s19;
	[tilespmem:s6+$0x0] =	vst v3  }
0x177: {  	v3 =	vld [tilespmem:s1+$0x0]  }
0x178: {  	v4 =	vld [tilespmem:s1+$0x80]  }
0x179: {  	v5 =	vld [tilespmem:s1+$0x100];
	_ =	sdelay $0x1  }
0x17a: {  	v61 =	vld [tilespmem:s1+$0x180]  }
0x17b: {  	v3 =	vmul.u32 $0xC8, v3;
	_ =	sdelay $0x1  }
0x17c: {  	v4 =	vmul.u32 $0x22600, v4;
	v3 =	vadd.s32 v3, v5  }
0x17d: {  	v3 =	vmul.u32 $0xB0, v3  }
0x17e: {  	s16 =	sadd.s32 $0x60, s13;
	v4 =	vadd.s32 v4, v61  }
0x17f: {  	s28 =	sshll.u32 s16, $0x2;
	v3 =	vadd.s32 v3, v4  }
0x180: {  	s17 =	sand.u32 $0xFFFFFE00, s28;
	s26 =	sand.u32 $0x60, s16;
	[tilespmem:s0+$0x10] =	vst v3;
	v3 =	vadd.s32 v0, v3  }
0x181: {  	s1 =	sor.u32 s26, s17;
	[tilespmem:s6+$0x10] =	vst v3  }
0x182: {  	v3 =	vld [tilespmem:s1+$0x0]  }
0x183: {  	v4 =	vld [tilespmem:s1+$0x80]  }
0x184: {  	v5 =	vld [tilespmem:s1+$0x100];
	_ =	sdelay $0x1  }
0x185: {  	v62 =	vld [tilespmem:s1+$0x180]  }
0x186: {  	v3 =	vmul.u32 $0xC8, v3;
	_ =	sdelay $0x1  }
0x187: {  	v4 =	vmul.u32 $0x22600, v4;
	v3 =	vadd.s32 v3, v5  }
0x188: {  	v3 =	vmul.u32 $0xB0, v3  }
0x189: {  	s28 =	sadd.s32 $0x70, s13;
	v4 =	vadd.s32 v4, v62  }
0x18a: {  	s13 =	sshll.u32 s28, $0x2;
	v3 =	vadd.s32 v3, v4  }
0x18b: {  	s28 =	sand.u32 $0x70, s28;
	s13 =	sand.u32 $0xFFFFFE00, s13;
	[tilespmem:s0+$0x20] =	vst v3;
	v3 =	vadd.s32 v0, v3  }
0x18c: {  	s1 =	sor.u32 s28, s13;
	[tilespmem:s6+$0x20] =	vst v3  }
0x18d: {  	v3 =	vld [tilespmem:s1+$0x0]  }
0x18e: {  	v4 =	vld [tilespmem:s1+$0x80]  }
0x18f: {  	s14 =	smov.u32 s10;
	v5 =	vld [tilespmem:s1+$0x100]  }
0x190: {  	p1 =	slt.s32 s14, s7;
	v63 =	vld [tilespmem:s1+$0x180];
	s1 =	smov.u32 s7  }
0x191: {  	s1 =	smov.u32 @p1 s14  }
0x192: {  	s1 =	sadd.s32 s3, s1;
	v3 =	vmul.u32 $0xC8, v3  }
0x193: {  	s8 =	smov.u32 s6;
	p0 =	sne.s32 s10, $0xE;
	s1 =	sshll.u32 s1, $0x7  }
.Ltmp1:
0x194: {  	s12 =	smov.u32 s0;
	p1 =	slt.s32 s1, $0xE9E0;
	v4 =	vmul.u32 $0x22600, v4;
	v3 =	vadd.s32 v3, v5;
	(pc) =	sbr.rel @p0 .LBB2_4-.Ltmp1, $4  }
0x195: {  	s10 =	sadd.s32 $0x1, s10;
	s29 =	rddreg [dreg:$0x4];
	s1 =	simm.s32 @!p1 $0xE9E0;
	v3 =	vmul.u32 $0xB0, v3  }
0x196: {  	s0 =	sadd.s32 $0x80, s0;
	s6 =	sadd.s32 $0x80, s6;
	s13 =	ssub.s32 s1, s29;
	v4 =	vadd.s32 v4, v63  }
0x197: {  	s26 =	sand.u32 $0x60, s1;
	s2 =	sshll.u32 s13, $0x2;
	s21 =	sadd.s32 $0x20, s13;
	v3 =	vadd.s32 v3, v4  }
0x198: {  	s15 =	sadd.s32 $0x30, s13;
	s4 =	sand.u32 $0xFFFFFE00, s2;
	s9 =	sshll.u32 s21, $0x2;
	[tilespmem:s12+$0x30] =	vst v3;
	v3 =	vadd.s32 v0, v3  }
0x199: {  	[tilespmem:s8+$0x30] =	vst v3;
	s1 =	sor.u32 s26, s4  }
0x19a: {  	v3 =	vld [tilespmem:s1+$0x0]  }
0x19b: {  	v4 =	vld [tilespmem:s1+$0x100]  }
0x19c: {  	s17 =	sor.u32 s26, s2;
	v5 =	vld [tilespmem:s1+$0x80]  }
0x19d: {  	s1 =	sor.u32 $0x180, s17  }
0x19e: {  	v6 =	vld [tilespmem:s1+$0x0]  }
0x19f: {  	v3 =	vmul.u32 $0xC8, v3;
	_ =	sdelay $0x1  }
0x1a0: {  	v5 =	vmul.u32 $0x22600, v5;
	v3 =	vadd.s32 v3, v4  }
0x1a1: {  	v3 =	vmul.u32 $0xB0, v3  }
0x1a2: {  	v38 =	vadd.s32 v5, v6  }
0x1a3: {  	v3 =	vadd.s32 v3, v38  }
0x1a4: {  	s18 =	sor.u32 $0x10, s26;
	[tilespmem:s0+$0xFFFFFFC0] =	vst v3;
	v3 =	vadd.s32 v0, v3  }
0x1a5: {  	s19 =	sor.u32 s18, s4;
	[tilespmem:s6+$0xFFFFFFC0] =	vst v3  }
0x1a6: {  	v3 =	vld [tilespmem:s19+$0x0]  }
0x1a7: {  	v39 =	vld [tilespmem:s19+$0x100]  }
0x1a8: {  	s1 =	sor.u32 s18, s2;
	v40 =	vld [tilespmem:s19+$0x80]  }
0x1a9: {  	s1 =	sor.u32 $0x180, s1  }
0x1aa: {  	v41 =	vld [tilespmem:s1+$0x0]  }
0x1ab: {  	v3 =	vmul.u32 $0xC8, v3;
	_ =	sdelay $0x1  }
0x1ac: {  	v5 =	vmul.u32 $0x22600, v40;
	v3 =	vadd.s32 v3, v39  }
0x1ad: {  	v3 =	vmul.u32 $0xB0, v3  }
0x1ae: {  	v42 =	vadd.s32 v5, v41  }
0x1af: {  	v3 =	vadd.s32 v3, v42  }
0x1b0: {  	s20 =	sand.u32 $0x60, s21;
	s21 =	sand.u32 $0xFFFFFE00, s9;
	[tilespmem:s0+$0xFFFFFFD0] =	vst v3;
	v3 =	vadd.s32 v0, v3  }
0x1b1: {  	s1 =	sor.u32 s20, s21;
	[tilespmem:s6+$0xFFFFFFD0] =	vst v3  }
0x1b2: {  	v3 =	vld [tilespmem:s1+$0x0]  }
0x1b3: {  	v43 =	vld [tilespmem:s1+$0x100]  }
0x1b4: {  	v44 =	vld [tilespmem:s1+$0x80];
	_ =	sdelay $0x1  }
0x1b5: {  	v45 =	vld [tilespmem:s1+$0x180]  }
0x1b6: {  	v3 =	vmul.u32 $0xC8, v3;
	_ =	sdelay $0x1  }
0x1b7: {  	v5 =	vmul.u32 $0x22600, v44;
	v3 =	vadd.s32 v3, v43  }
0x1b8: {  	v3 =	vmul.u32 $0xB0, v3  }
0x1b9: {  	v46 =	vadd.s32 v5, v45  }
0x1ba: {  	s22 =	sshll.u32 s15, $0x2;
	v3 =	vadd.s32 v3, v46  }
0x1bb: {  	s26 =	sand.u32 $0x70, s15;
	s1 =	sand.u32 $0xFFFFFE00, s22;
	[tilespmem:s0+$0xFFFFFFE0] =	vst v3;
	v3 =	vadd.s32 v0, v3  }
0x1bc: {  	s1 =	sor.u32 s26, s1;
	[tilespmem:s6+$0xFFFFFFE0] =	vst v3  }
0x1bd: {  	v3 =	vld [tilespmem:s1+$0x0]  }
0x1be: {  	v47 =	vld [tilespmem:s1+$0x100]  }
0x1bf: {  	v48 =	vld [tilespmem:s1+$0x80];
	_ =	sdelay $0x1  }
0x1c0: {  	v49 =	vld [tilespmem:s1+$0x180]  }
0x1c1: {  	v3 =	vmul.u32 $0xC8, v3;
	_ =	sdelay $0x1  }
0x1c2: {  	v5 =	vmul.u32 $0x22600, v48;
	v3 =	vadd.s32 v3, v47  }
0x1c3: {  	v3 =	vmul.u32 $0xB0, v3  }
0x1c4: {  	s28 =	sadd.s32 $0x40, s13;
	v50 =	vadd.s32 v5, v49  }
0x1c5: {  	s29 =	sshll.u32 s28, $0x2;
	v3 =	vadd.s32 v3, v50  }
0x1c6: {  	s2 =	sand.u32 $0xFFFFFE00, s29;
	s1 =	sand.u32 $0x60, s28;
	[tilespmem:s0+$0xFFFFFFF0] =	vst v3;
	v3 =	vadd.s32 v0, v3  }
0x1c7: {  	s1 =	sor.u32 s1, s2;
	[tilespmem:s6+$0xFFFFFFF0] =	vst v3  }
0x1c8: {  	v3 =	vld [tilespmem:s1+$0x0]  }
0x1c9: {  	v51 =	vld [tilespmem:s1+$0x100]  }
0x1ca: {  	v52 =	vld [tilespmem:s1+$0x80];
	_ =	sdelay $0x1  }
0x1cb: {  	v53 =	vld [tilespmem:s1+$0x180]  }
0x1cc: {  	v3 =	vmul.u32 $0xC8, v3;
	_ =	sdelay $0x1  }
0x1cd: {  	v5 =	vmul.u32 $0x22600, v52;
	v3 =	vadd.s32 v3, v51  }
0x1ce: {  	v3 =	vmul.u32 $0xB0, v3  }
0x1cf: {  	s4 =	sadd.s32 $0x50, s13;
	v54 =	vadd.s32 v5, v53  }
0x1d0: {  	s8 =	sshll.u32 s4, $0x2;
	v3 =	vadd.s32 v3, v54  }
0x1d1: {  	s2 =	sand.u32 $0xFFFFFE00, s8;
	s1 =	sand.u32 $0x70, s4;
	[tilespmem:s0+$0x0] =	vst v3;
	v3 =	vadd.s32 v0, v3  }
0x1d2: {  	s1 =	sor.u32 s1, s2;
	[tilespmem:s6+$0x0] =	vst v3  }
0x1d3: {  	v3 =	vld [tilespmem:s1+$0x0]  }
0x1d4: {  	v55 =	vld [tilespmem:s1+$0x80]  }
0x1d5: {  	v56 =	vld [tilespmem:s1+$0x100];
	_ =	sdelay $0x1  }
0x1d6: {  	v57 =	vld [tilespmem:s1+$0x180]  }
0x1d7: {  	v3 =	vmul.u32 $0xC8, v3;
	_ =	sdelay $0x1  }
0x1d8: {  	v4 =	vmul.u32 $0x22600, v55;
	v3 =	vadd.s32 v3, v56  }
0x1d9: {  	v3 =	vmul.u32 $0xB0, v3  }
0x1da: {  	s9 =	sadd.s32 $0x60, s13;
	v4 =	vadd.s32 v4, v57  }
0x1db: {  	s10 =	sshll.u32 s9, $0x2;
	v3 =	vadd.s32 v3, v4  }
0x1dc: {  	s2 =	sand.u32 $0xFFFFFE00, s10;
	s1 =	sand.u32 $0x60, s9;
	[tilespmem:s0+$0x10] =	vst v3;
	v3 =	vadd.s32 v0, v3  }
0x1dd: {  	s1 =	sor.u32 s1, s2;
	[tilespmem:s6+$0x10] =	vst v3  }
0x1de: {  	v3 =	vld [tilespmem:s1+$0x0]  }
0x1df: {  	v58 =	vld [tilespmem:s1+$0x80]  }
0x1e0: {  	v59 =	vld [tilespmem:s1+$0x100];
	_ =	sdelay $0x1  }
0x1e1: {  	v60 =	vld [tilespmem:s1+$0x180]  }
0x1e2: {  	v3 =	vmul.u32 $0xC8, v3;
	_ =	sdelay $0x1  }
0x1e3: {  	v4 =	vmul.u32 $0x22600, v58;
	v3 =	vadd.s32 v3, v59  }
0x1e4: {  	v3 =	vmul.u32 $0xB0, v3  }
0x1e5: {  	s12 =	sadd.s32 $0x70, s13;
	v4 =	vadd.s32 v4, v60  }
0x1e6: {  	s13 =	sshll.u32 s12, $0x2;
	v3 =	vadd.s32 v3, v4  }
0x1e7: {  	s2 =	sand.u32 $0xFFFFFE00, s13;
	s1 =	sand.u32 $0x70, s12;
	[tilespmem:s0+$0x20] =	vst v3;
	v3 =	vadd.s32 v0, v3  }
0x1e8: {  	s1 =	sor.u32 s1, s2;
	[tilespmem:s6+$0x20] =	vst v3  }
0x1e9: {  	v3 =	vld [tilespmem:s1+$0x0]  }
0x1ea: {  	v61 =	vld [tilespmem:s1+$0x80]  }
0x1eb: {  	v62 =	vld [tilespmem:s1+$0x100];
	_ =	sdelay $0x1  }
0x1ec: {  	v63 =	vld [tilespmem:s1+$0x180]  }
0x1ed: {  	v3 =	vmul.u32 $0xC8, v3;
	_ =	sdelay $0x1  }
0x1ee: {  	v4 =	vmul.u32 $0x22600, v61;
	v3 =	vadd.s32 v3, v62  }
0x1ef: {  	v3 =	vmul.u32 $0xB0, v3  }
0x1f0: {  	v4 =	vadd.s32 v4, v63  }
0x1f1: {  	v3 =	vadd.s32 v3, v4  }
0x1f2: {  	[tilespmem:s0+$0x30] =	vst v3;
	v3 =	vadd.s32 v0, v3  }
0x1f3: {  	[tilespmem:s6+$0x30] =	vst v3  }
0x1f4: {  	_ =	swait.ge [sflag:s31], $0x8C0  }
0x1f5: {  	[sflag:s31] =	ssyncset.done $0x0  }
0x1f6: {  	[sflag:s31] =	ssyncadd.s32 $0xFFFFF740  }
0x1f7: {  	_ =	swait.ge [sflag:s31], $0x8C0  }
0x1f8: {  	[sflag:s31] =	ssyncset.done $0x0  }
0x1f9: {  	[sflag:s31] =	ssyncadd.s32 $0xFFFFF740  }
0x1fa: {  	_ =	swait.ge [sflag:s31], $0x8C0  }
0x1fb: {  	[sflag:s31] =	ssyncset.done $0x0  }
0x1fc: {  	[sflag:s31] =	ssyncadd.s32 $0xFFFFF740  }
0x1fd: {  	_ =	swait.ge [sflag:s31], $0x8C0  }
0x1fe: {  	[sflag:s31] =	ssyncset.done $0x0  }
0x1ff: {  	[sflag:s31] =	ssyncadd.s32 $0xFFFFF740  }
0x200: {  	_ =	swait.ge [sflag:s31], $0x8C0  }
0x201: {  	[sflag:s31] =	ssyncset.done $0x0  }
0x202: {  	[sflag:s31] =	ssyncadd.s32 $0xFFFFF740  }
0x203: {  	_ =	swait.ge [sflag:s31], $0x8C0  }
0x204: {  	[sflag:s31] =	ssyncset.done $0x0  }
0x205: {  	[sflag:s31] =	ssyncadd.s32 $0xFFFFF740  }
0x206: {  	_ =	swait.ge [sflag:s31], $0x8C0  }
0x207: {  	[sflag:s31] =	ssyncset.done $0x0  }
0x208: {  	[sflag:s31] =	ssyncadd.s32 $0xFFFFF740  }
0x209: {  	_ =	swait.ge [sflag:s31], $0x8C0  }
0x20a: {  	[sflag:s31] =	ssyncset.done $0x0  }
0x20b: {  	[sflag:s31] =	ssyncadd.s32 $0xFFFFF740  }
0x20c: {  	[bflag:$0x0] =	sbarrier.arrive $0xFFFF  }
0x20d: {  	s15 =	simm.s32 $0x16600;
	s16 =	simm.s32 $0x16E00;
	s14 =	rddreg [dreg:$0x2]  }
0x20e: {  	[hbm4b:s14+s30] =	stream.indirect.scatter [tilespmem:s16], [sflag:$0x2], $0x1, s15, s30, $0xb8;
	[tilespmem:$0x17780] =	vst v63  }
0x20f: {  	s17 =	simm.s32 $0x16680  }
0x210: {  	[hbm4b:s14+s30] =	stream.indirect.scatter [tilespmem:s16], [sflag:$0x2], $0x1, s17, s30, $0xb8;
	[tilespmem:$0x17780] =	vst v63  }
0x211: {  	s18 =	simm.s32 $0x16700  }
0x212: {  	[hbm4b:s14+s30] =	stream.indirect.scatter [tilespmem:s16], [sflag:$0x2], $0x1, s18, s30, $0xb8;
	[tilespmem:$0x17780] =	vst v63  }
0x213: {  	s19 =	simm.s32 $0x16780  }
0x214: {  	[hbm4b:s14+s30] =	stream.indirect.scatter [tilespmem:s16], [sflag:$0x2], $0x1, s19, s30, $0xb8;
	[tilespmem:$0x17780] =	vst v63  }
0x215: {  	s20 =	simm.s32 $0x16800  }
0x216: {  	[hbm4b:s14+s30] =	stream.indirect.scatter [tilespmem:s16], [sflag:$0x2], $0x1, s20, s30, $0xb8;
	[tilespmem:$0x17780] =	vst v63  }
0x217: {  	s21 =	simm.s32 $0x16880  }
0x218: {  	[hbm4b:s14+s30] =	stream.indirect.scatter [tilespmem:s16], [sflag:$0x2], $0x1, s21, s30, $0xb8;
	[tilespmem:$0x17780] =	vst v63  }
0x219: {  	s22 =	simm.s32 $0x16900  }
0x21a: {  	[hbm4b:s14+s30] =	stream.indirect.scatter [tilespmem:s16], [sflag:$0x2], $0x1, s22, s30, $0xb8;
	[tilespmem:$0x17780] =	vst v63  }
0x21b: {  	s26 =	simm.s32 $0x16980  }
0x21c: {  	[hbm4b:s14+s30] =	stream.indirect.scatter [tilespmem:s16], [sflag:$0x2], $0x1, s26, s30, $0xb8;
	[tilespmem:$0x17780] =	vst v63  }
0x21d: {  	s28 =	simm.s32 $0x16A00  }
0x21e: {  	[hbm4b:s14+s30] =	stream.indirect.scatter [tilespmem:s16], [sflag:$0x2], $0x1, s28, s30, $0xb8;
	[tilespmem:$0x17780] =	vst v63  }
0x21f: {  	s29 =	simm.s32 $0x16A80  }
0x220: {  	[hbm4b:s14+s30] =	stream.indirect.scatter [tilespmem:s16], [sflag:$0x2], $0x1, s29, s30, $0xb8;
	[tilespmem:$0x17780] =	vst v63  }
0x221: {  	s4 =	simm.s32 $0x16B00  }
0x222: {  	[hbm4b:s14+s30] =	stream.indirect.scatter [tilespmem:s16], [sflag:$0x2], $0x1, s4, s30, $0xb8;
	[tilespmem:$0x17780] =	vst v63  }
0x223: {  	s6 =	simm.s32 $0x16B80  }
0x224: {  	[hbm4b:s14+s30] =	stream.indirect.scatter [tilespmem:s16], [sflag:$0x2], $0x1, s6, s30, $0xb8;
	[tilespmem:$0x17780] =	vst v63  }
0x225: {  	s8 =	simm.s32 $0x16C00  }
0x226: {  	[hbm4b:s14+s30] =	stream.indirect.scatter [tilespmem:s16], [sflag:$0x2], $0x1, s8, s30, $0xb8;
	[tilespmem:$0x17780] =	vst v63  }
0x227: {  	s9 =	simm.s32 $0x16C80  }
0x228: {  	[hbm4b:s14+s30] =	stream.indirect.scatter [tilespmem:s16], [sflag:$0x2], $0x1, s9, s30, $0xb8;
	[tilespmem:$0x17780] =	vst v63  }
0x229: {  	s10 =	simm.s32 $0x16D00;
	s12 =	rddreg [dreg:$0x7]  }
0x22a: {  	[hbm4b:s14+s30] =	stream.indirect.scatter [tilespmem:s16], [sflag:$0x2], $0x1, s10, s30, $0xb8;
	[tilespmem:$0x17780] =	vst v63  }
0x22b: {  	s2 =	simm.s32 $0x1E00;
	s0 =	simm.s32 $0x0;
	s13 =	sld [smem:$0x7FC]  }
0x22c: {  	[tilespmem:s2], [sflag:$0x3] =	stream.linear.gather [hbm4b:s12+s0], $0x4000, $0x38;
	[tilespmem:$0x17780] =	vst v63  }
0x22d: {  	s4 =	simm.s32 $0x5E00;
	s14 =	sld [smem:$0x7FD]  }
0x22e: {  	[tilespmem:s4], [sflag:$0x4] =	stream.linear.gather [hbm4b:s13+s0], $0x4000, $0x38;
	[tilespmem:$0x17780] =	vst v63  }
0x22f: {  	s6 =	simm.s32 $0x9E00  }
0x230: {  	[tilespmem:s6], [sflag:$0x5] =	stream.linear.gather [hbm4b:s14+s0], $0x4000, $0x38;
	[tilespmem:$0x17780] =	vst v63  }
0x231: {  	s15 =	rddreg [dreg:$0x9];
	s8 =	simm.s32 $0xDE00;
	s9 =	simm.s32 $0x3  }
0x232: {  	[tilespmem:s8], [sflag:$0x6] =	stream.linear.gather [hbm4b:s15+s0], $0x4000, $0x38;
	[tilespmem:$0x17780] =	vst v63  }
0x233: {  	_ =	swait.ge [sflag:s9], $0x4000  }
0x234: {  	[sflag:s9] =	ssyncset.done $0x0  }
0x235: {  	s16 =	simm.s32 $0x15E00;
	[sflag:s9] =	ssyncadd.s32 $0xFFFFC000  }
0x236: {  	[hbm4b:s5+s30] =	stream.indirect.scatter [tilespmem:s2], [sflag:$0x8], $0x80, s16, s30, $0xb8;
	[tilespmem:$0x17780] =	vst v63  }
0x237: {  	s10 =	simm.s32 $0x11E00;
	s12 =	simm.s32 $0x4;
	s17 =	rddreg [dreg:$0xa]  }
0x238: {  	[tilespmem:s10], [sflag:$0x7] =	stream.linear.gather [hbm4b:s17+s0], $0x4000, $0x38;
	[tilespmem:$0x17780] =	vst v63  }
0x239: {  	_ =	swait.ge [sflag:s12], $0x4000  }
0x23a: {  	[sflag:s12] =	ssyncset.done $0x0  }
0x23b: {  	s18 =	simm.s32 $0x15E80;
	s13 =	simm.s32 $0x8;
	[sflag:s12] =	ssyncadd.s32 $0xFFFFC000  }
0x23c: {  	[hbm4b:s5+s30] =	stream.indirect.scatter [tilespmem:s4], [sflag:$0x9], $0x80, s18, s30, $0xb8;
	[tilespmem:$0x17780] =	vst v63  }
0x23d: {  	_ =	swait.ge [sflag:s13], $0x4000  }
0x23e: {  	[sflag:s13] =	ssyncset.done $0x0  }
0x23f: {  	s14 =	simm.s32 $0x5;
	s19 =	rddreg [dreg:$0xb];
	[sflag:s13] =	ssyncadd.s32 $0xFFFFC000  }
0x240: {  	[tilespmem:s2], [sflag:$0x3] =	stream.linear.gather [hbm4b:s19+s0], $0x4000, $0x38;
	[tilespmem:$0x17780] =	vst v63  }
0x241: {  	_ =	swait.ge [sflag:s14], $0x4000  }
0x242: {  	[sflag:s14] =	ssyncset.done $0x0  }
0x243: {  	s20 =	simm.s32 $0x15F00;
	s15 =	simm.s32 $0x9;
	[sflag:s14] =	ssyncadd.s32 $0xFFFFC000  }
0x244: {  	[hbm4b:s5+s30] =	stream.indirect.scatter [tilespmem:s6], [sflag:$0xA], $0x80, s20, s30, $0xb8;
	[tilespmem:$0x17780] =	vst v63  }
0x245: {  	_ =	swait.ge [sflag:s15], $0x4000  }
0x246: {  	[sflag:s15] =	ssyncset.done $0x0  }
0x247: {  	s16 =	simm.s32 $0x6;
	s21 =	rddreg [dreg:$0xc];
	[sflag:s15] =	ssyncadd.s32 $0xFFFFC000  }
0x248: {  	[tilespmem:s4], [sflag:$0x4] =	stream.linear.gather [hbm4b:s21+s0], $0x4000, $0x38;
	[tilespmem:$0x17780] =	vst v63  }
0x249: {  	_ =	swait.ge [sflag:s16], $0x4000  }
0x24a: {  	[sflag:s16] =	ssyncset.done $0x0  }
0x24b: {  	s22 =	simm.s32 $0x15F80;
	s17 =	simm.s32 $0xA;
	[sflag:s16] =	ssyncadd.s32 $0xFFFFC000  }
0x24c: {  	[hbm4b:s5+s30] =	stream.indirect.scatter [tilespmem:s8], [sflag:$0xB], $0x80, s22, s30, $0xb8;
	[tilespmem:$0x17780] =	vst v63  }
0x24d: {  	_ =	swait.ge [sflag:s17], $0x4000  }
0x24e: {  	[sflag:s17] =	ssyncset.done $0x0  }
0x24f: {  	s18 =	simm.s32 $0x7;
	s26 =	rddreg [dreg:$0xd];
	[sflag:s17] =	ssyncadd.s32 $0xFFFFC000  }
0x250: {  	[tilespmem:s6], [sflag:$0x5] =	stream.linear.gather [hbm4b:s26+s0], $0x4000, $0x38;
	[tilespmem:$0x17780] =	vst v63  }
0x251: {  	_ =	swait.ge [sflag:s18], $0x4000  }
0x252: {  	[sflag:s18] =	ssyncset.done $0x0  }
0x253: {  	s28 =	simm.s32 $0x16000;
	s19 =	simm.s32 $0xB;
	[sflag:s18] =	ssyncadd.s32 $0xFFFFC000  }
0x254: {  	[hbm4b:s5+s30] =	stream.indirect.scatter [tilespmem:s10], [sflag:$0xC], $0x80, s28, s30, $0xb8;
	[tilespmem:$0x17780] =	vst v63  }
0x255: {  	_ =	swait.ge [sflag:s19], $0x4000  }
0x256: {  	[sflag:s19] =	ssyncset.done $0x0  }
0x257: {  	s29 =	rddreg [dreg:$0xe];
	[sflag:s19] =	ssyncadd.s32 $0xFFFFC000  }
0x258: {  	[tilespmem:s8], [sflag:$0x6] =	stream.linear.gather [hbm4b:s29+s0], $0x4000, $0x38;
	[tilespmem:$0x17780] =	vst v63  }
0x259: {  	_ =	swait.ge [sflag:s9], $0x4000  }
0x25a: {  	[sflag:s9] =	ssyncset.done $0x0  }
0x25b: {  	s20 =	simm.s32 $0x16080;
	[sflag:s9] =	ssyncadd.s32 $0xFFFFC000  }
0x25c: {  	[hbm4b:s5+s30] =	stream.indirect.scatter [tilespmem:s2], [sflag:$0x8], $0x80, s20, s30, $0xb8;
	[tilespmem:$0x17780] =	vst v63  }
0x25d: {  	s20 =	simm.s32 $0xC  }
0x25e: {  	_ =	swait.ge [sflag:s20], $0x4000  }
0x25f: {  	[sflag:s20] =	ssyncset.done $0x0  }
0x260: {  	s21 =	rddreg [dreg:$0xf];
	[sflag:s20] =	ssyncadd.s32 $0xFFFFC000  }
0x261: {  	[tilespmem:s10], [sflag:$0x7] =	stream.linear.gather [hbm4b:s21+s0], $0x4000, $0x38;
	[tilespmem:$0x17780] =	vst v63  }
0x262: {  	_ =	swait.ge [sflag:s12], $0x4000  }
0x263: {  	[sflag:s12] =	ssyncset.done $0x0  }
0x264: {  	s22 =	simm.s32 $0x16100;
	[sflag:s12] =	ssyncadd.s32 $0xFFFFC000  }
0x265: {  	[hbm4b:s5+s30] =	stream.indirect.scatter [tilespmem:s4], [sflag:$0x9], $0x80, s22, s30, $0xb8;
	[tilespmem:$0x17780] =	vst v63  }
0x266: {  	_ =	swait.ge [sflag:s13], $0x4000  }
0x267: {  	[sflag:s13] =	ssyncset.done $0x0  }
0x268: {  	s26 =	rddreg [dreg:$0x10];
	[sflag:s13] =	ssyncadd.s32 $0xFFFFC000  }
0x269: {  	[tilespmem:s2], [sflag:$0x3] =	stream.linear.gather [hbm4b:s26+s0], $0x4000, $0x38;
	[tilespmem:$0x17780] =	vst v63  }
0x26a: {  	_ =	swait.ge [sflag:s14], $0x4000  }
0x26b: {  	[sflag:s14] =	ssyncset.done $0x0  }
0x26c: {  	s28 =	simm.s32 $0x16180;
	[sflag:s14] =	ssyncadd.s32 $0xFFFFC000  }
0x26d: {  	[hbm4b:s5+s30] =	stream.indirect.scatter [tilespmem:s6], [sflag:$0xA], $0x80, s28, s30, $0xb8;
	[tilespmem:$0x17780] =	vst v63  }
0x26e: {  	_ =	swait.ge [sflag:s15], $0x4000  }
0x26f: {  	[sflag:s15] =	ssyncset.done $0x0  }
0x270: {  	s29 =	rddreg [dreg:$0x11];
	[sflag:s15] =	ssyncadd.s32 $0xFFFFC000  }
0x271: {  	[tilespmem:s4], [sflag:$0x4] =	stream.linear.gather [hbm4b:s29+s0], $0x4000, $0x38;
	[tilespmem:$0x17780] =	vst v63  }
0x272: {  	_ =	swait.ge [sflag:s16], $0x4000  }
0x273: {  	[sflag:s16] =	ssyncset.done $0x0  }
0x274: {  	s21 =	simm.s32 $0x16200;
	[sflag:s16] =	ssyncadd.s32 $0xFFFFC000  }
0x275: {  	[hbm4b:s5+s30] =	stream.indirect.scatter [tilespmem:s8], [sflag:$0xB], $0x80, s21, s30, $0xb8;
	[tilespmem:$0x17780] =	vst v63  }
0x276: {  	_ =	swait.ge [sflag:s17], $0x4000  }
0x277: {  	[sflag:s17] =	ssyncset.done $0x0  }
0x278: {  	s22 =	rddreg [dreg:$0x12];
	[sflag:s17] =	ssyncadd.s32 $0xFFFFC000  }
0x279: {  	[tilespmem:s6], [sflag:$0x5] =	stream.linear.gather [hbm4b:s22+s0], $0x4000, $0x38;
	[tilespmem:$0x17780] =	vst v63  }
0x27a: {  	_ =	swait.ge [sflag:s18], $0x4000  }
0x27b: {  	[sflag:s18] =	ssyncset.done $0x0  }
0x27c: {  	s26 =	simm.s32 $0x16280;
	[sflag:s18] =	ssyncadd.s32 $0xFFFFC000  }
0x27d: {  	[hbm4b:s5+s30] =	stream.indirect.scatter [tilespmem:s10], [sflag:$0xC], $0x80, s26, s30, $0xb8;
	[tilespmem:$0x17780] =	vst v63  }
0x27e: {  	_ =	swait.ge [sflag:s19], $0x4000  }
0x27f: {  	[sflag:s19] =	ssyncset.done $0x0  }
0x280: {  	s28 =	rddreg [dreg:$0x13];
	[sflag:s19] =	ssyncadd.s32 $0xFFFFC000  }
0x281: {  	[tilespmem:s8], [sflag:$0x6] =	stream.linear.gather [hbm4b:s28+s0], $0x4000, $0x38;
	[tilespmem:$0x17780] =	vst v63  }
0x282: {  	_ =	swait.ge [sflag:s9], $0x4000  }
0x283: {  	[sflag:s9] =	ssyncset.done $0x0  }
0x284: {  	s29 =	simm.s32 $0x16300;
	[sflag:s9] =	ssyncadd.s32 $0xFFFFC000  }
0x285: {  	[hbm4b:s5+s30] =	stream.indirect.scatter [tilespmem:s2], [sflag:$0x8], $0x80, s29, s30, $0xb8;
	[tilespmem:$0x17780] =	vst v63  }
0x286: {  	_ =	swait.ge [sflag:s20], $0x4000  }
0x287: {  	[sflag:s20] =	ssyncset.done $0x0  }
0x288: {  	s9 =	rddreg [dreg:$0x8];
	[sflag:s20] =	ssyncadd.s32 $0xFFFFC000  }
0x289: {  	[tilespmem:s10], [sflag:$0x7] =	stream.linear.gather [hbm4b:s9+s0], $0x4000, $0x38;
	[tilespmem:$0x17780] =	vst v63  }
0x28a: {  	_ =	swait.ge [sflag:s12], $0x4000  }
0x28b: {  	[sflag:s12] =	ssyncset.done $0x0  }
0x28c: {  	[sflag:s12] =	ssyncadd.s32 $0xFFFFC000;
	s12 =	simm.s32 $0x16380  }
0x28d: {  	[hbm4b:s5+s30] =	stream.indirect.scatter [tilespmem:s4], [sflag:$0x9], $0x80, s12, s30, $0xb8;
	[tilespmem:$0x17780] =	vst v63  }
0x28e: {  	_ =	swait.ge [sflag:s14], $0x4000  }
0x28f: {  	[sflag:s14] =	ssyncset.done $0x0  }
0x290: {  	s21 =	simm.s32 $0x16400;
	[sflag:s14] =	ssyncadd.s32 $0xFFFFC000  }
0x291: {  	[hbm4b:s5+s30] =	stream.indirect.scatter [tilespmem:s6], [sflag:$0xA], $0x80, s21, s30, $0xb8;
	[tilespmem:$0x17780] =	vst v63  }
0x292: {  	_ =	swait.ge [sflag:s16], $0x4000  }
0x293: {  	[sflag:s16] =	ssyncset.done $0x0  }
0x294: {  	s22 =	simm.s32 $0x16480;
	[sflag:s16] =	ssyncadd.s32 $0xFFFFC000  }
0x295: {  	[hbm4b:s5+s30] =	stream.indirect.scatter [tilespmem:s8], [sflag:$0xB], $0x80, s22, s30, $0xb8;
	[tilespmem:$0x17780] =	vst v63  }
0x296: {  	_ =	swait.ge [sflag:s18], $0x4000  }
0x297: {  	[sflag:s18] =	ssyncset.done $0x0  }
0x298: {  	s26 =	simm.s32 $0x16500;
	[sflag:s18] =	ssyncadd.s32 $0xFFFFC000  }
0x299: {  	[hbm4b:s5+s30] =	stream.indirect.scatter [tilespmem:s10], [sflag:$0xC], $0x80, s26, s30, $0xb8;
	[tilespmem:$0x17780] =	vst v63  }
0x29a: {  	_ =	swait.ge [sflag:s13], $0x4000  }
0x29b: {  	[sflag:s13] =	ssyncset.done $0x0  }
0x29c: {  	[sflag:s13] =	ssyncadd.s32 $0xFFFFC000  }
0x29d: {  	_ =	swait.ge [sflag:s15], $0x4000  }
0x29e: {  	[sflag:s15] =	ssyncset.done $0x0  }
0x29f: {  	[sflag:s15] =	ssyncadd.s32 $0xFFFFC000  }
0x2a0: {  	_ =	swait.ge [sflag:s17], $0x4000  }
0x2a1: {  	[sflag:s17] =	ssyncset.done $0x0  }
0x2a2: {  	[sflag:s17] =	ssyncadd.s32 $0xFFFFC000  }
0x2a3: {  	_ =	swait.ge [sflag:s19], $0x4000  }
0x2a4: {  	[sflag:s19] =	ssyncset.done $0x0  }
0x2a5: {  	[sflag:s19] =	ssyncadd.s32 $0xFFFFC000  }
0x2a6: {  	_ =	swait.ge [sflag:s20], $0x4000  }
0x2a7: {  	[sflag:s20] =	ssyncset.done $0x0  }
0x2a8: {  	[sflag:s20] =	ssyncadd.s32 $0xFFFFC000  }
0x2a9: {  	_ =	swait.ge [sflag:s23], $0x80  }
0x2aa: {  	[sflag:s23] =	ssyncset.done $0x0  }
0x2ab: {  	[sflag:s23] =	ssyncadd.s32 $0xFFFFFF80  }
0x2ac: {  	_ =	swait.ge [sflag:s23], $0x80  }
0x2ad: {  	[sflag:s23] =	ssyncset.done $0x0  }
0x2ae: {  	[sflag:s23] =	ssyncadd.s32 $0xFFFFFF80  }
0x2af: {  	_ =	swait.ge [sflag:s23], $0x80  }
0x2b0: {  	[sflag:s23] =	ssyncset.done $0x0  }
0x2b1: {  	[sflag:s23] =	ssyncadd.s32 $0xFFFFFF80  }
0x2b2: {  	_ =	swait.ge [sflag:s23], $0x80  }
0x2b3: {  	[sflag:s23] =	ssyncset.done $0x0  }
0x2b4: {  	[sflag:s23] =	ssyncadd.s32 $0xFFFFFF80  }
0x2b5: {  	_ =	swait.ge [sflag:s23], $0x80  }
0x2b6: {  	[sflag:s23] =	ssyncset.done $0x0  }
0x2b7: {  	[sflag:s23] =	ssyncadd.s32 $0xFFFFFF80  }
0x2b8: {  	_ =	swait.ge [sflag:s23], $0x80  }
0x2b9: {  	[sflag:s23] =	ssyncset.done $0x0  }
0x2ba: {  	[sflag:s23] =	ssyncadd.s32 $0xFFFFFF80  }
0x2bb: {  	_ =	swait.ge [sflag:s23], $0x80  }
0x2bc: {  	[sflag:s23] =	ssyncset.done $0x0  }
0x2bd: {  	[sflag:s23] =	ssyncadd.s32 $0xFFFFFF80  }
0x2be: {  	_ =	swait.ge [sflag:s23], $0x80  }
0x2bf: {  	[sflag:s23] =	ssyncset.done $0x0  }
0x2c0: {  	[sflag:s23] =	ssyncadd.s32 $0xFFFFFF80  }
0x2c1: {  	_ =	swait.ge [sflag:s23], $0x80  }
0x2c2: {  	[sflag:s23] =	ssyncset.done $0x0  }
0x2c3: {  	[sflag:s23] =	ssyncadd.s32 $0xFFFFFF80  }
0x2c4: {  	_ =	swait.ge [sflag:s23], $0x80  }
0x2c5: {  	[sflag:s23] =	ssyncset.done $0x0  }
0x2c6: {  	[sflag:s23] =	ssyncadd.s32 $0xFFFFFF80  }
0x2c7: {  	_ =	swait.ge [sflag:s23], $0x80  }
0x2c8: {  	[sflag:s23] =	ssyncset.done $0x0  }
0x2c9: {  	[sflag:s23] =	ssyncadd.s32 $0xFFFFFF80  }
0x2ca: {  	_ =	swait.ge [sflag:s23], $0x80  }
0x2cb: {  	[sflag:s23] =	ssyncset.done $0x0  }
0x2cc: {  	[sflag:s23] =	ssyncadd.s32 $0xFFFFFF80  }
0x2cd: {  	_ =	swait.ge [sflag:s23], $0x80  }
0x2ce: {  	[sflag:s23] =	ssyncset.done $0x0  }
0x2cf: {  	[sflag:s23] =	ssyncadd.s32 $0xFFFFFF80  }
0x2d0: {  	_ =	swait.ge [sflag:s23], $0x80  }
0x2d1: {  	[sflag:s23] =	ssyncset.done $0x0  }
0x2d2: {  	[sflag:s23] =	ssyncadd.s32 $0xFFFFFF80  }
0x2d3: {  	_ =	swait.ge [sflag:s23], $0x80  }
0x2d4: {  	s28 =	sld [smem:$0x7F1];
	_ =	sdelay $0x2  }
0x2d5: {  	s29 =	rddreg [dreg:$0x14];
	s1 =	sadd.s32 $0x1, s28  }
0x2d6: {  	p0 =	sne.s32 s1, s29  }
.Ltmp2:
0x2d7: {  	_ = 	snop;
	(pc) =	sbr.rel @p0 .LBB2_1-.Ltmp2, $3  }
0x2d8: {  	_ =	sdelay $0x1  }
0x2d9: {  	[sflag:s23] =	ssyncset.done $0x0  }
0x2da: {  	[sflag:s23] =	ssyncadd.s32 $0xFFFFFF80  }
0x2db: {  	_ =	sfence.sel $0x180000  }
0x2dc: {  	[bflag:$0x0] =	sbarrier.arrive $0xFFFF  }
0x2dd: {  	_ =	strace $0x90000047  }
0x2de: {  	s0 =	stileid.u32;
	[bflag:$0x2] =	sbarrier.arrive $0xFFFF  }
0x2df: {  	p0 =	sne.s32 s0, $0x0;
	s0 =	rddreg [dreg:$0x3]  }
0x2e0: {  	s0 =	sadd.s32 @!p0 $0x100000, s0  }
0x2e1: {  	[sflag:s0] =	ssyncadd.tile.s32 @!p0 $0x1;
	_ =	shalt  }
.Lfunc_end2:
_tile_overlayer_lowered:
.L_overlay_start_2:
0x2e2: {  	(tag) =	ssettag $0x2  }
0x2e3: {  	s0 =	rddreg [dreg:$0x0];
	s2 =	stileid.u32  }
0x2e4: {  	s1 =	rddreg [dreg:$0x1];
	p0 =	sne.s32 s2, $0x0  }
0x2e5: {  	s3 =	rddreg [dreg:$0x2];
	[bflag:$0x3] =	sbarrier.arrive $0xFFFF;
	s2 =	simm.s32 @!p0 $0x1C0D  }
0x2e6: {  	[timem:s3], [sflag:s2] =	dma.local @!p0 [hbm:s0], s1  }
0x2e7: {  	s0 =	simm.s32 @!p0 $0xD  }
0x2e8: {  	_ =	swait.ge @!p0 [sflag:s0], s1  }
0x2e9: {  	s1 =	ssub.s32 @!p0 $0x0, s1;
	[sflag:s0] =	ssyncset.done @!p0 $0x0  }
0x2ea: {  	[sflag:s0] =	ssyncadd.s32 @!p0 s1  }
0x2eb: {  	[bflag:$0x3] =	sbarrier.arrive $0xFFFF  }
0x2ec: {  	_ =	shalt  }

</sc_bundles>
